<compile_context>
chip_gen: v7x
topology: tpu7x:2x2x1
jax: 0.10.2.dev20260603
libtpu: 0.0.44.dev20260713+nightly
codegen_flags: <defaults>
</compile_context>

<pallas_src>
import functools

import jax
import jax.numpy as jnp
from jax import lax
from jax.experimental import pallas as pl
from jax.experimental.pallas import tpu as pltpu
from jax.experimental.pallas import tpu_sc as plsc

ALPHA = 0.1
K_STEPS = 10

NC = 2
NS = 16
NW = NC * NS
CH = 128


def _ceil_div(a, b):
    return -(-a // b)



def _pick_block(n):
    for b in (2000, 2500, 1250, 1000, 500, 200, 100, 50, 25, 10, 8):
        if n % b == 0:
            return b
    return n


def _mlp_body(x_ref, w1_ref, b1_ref, w2_ref, b2_ref, h_ref):
    h1 = jnp.maximum(
        jnp.dot(x_ref[...], w1_ref[...], preferred_element_type=jnp.float32)
        + b1_ref[...], 0.0)
    h_ref[...] = (
        jnp.dot(h1, w2_ref[...], preferred_element_type=jnp.float32)
        + b2_ref[...])


def _mlp(x, W1, b1, W2, b2):
    n, d_in = x.shape
    d_h = W1.shape[1]
    d_out = W2.shape[1]
    bn = _pick_block(n)
    return pl.pallas_call(
        _mlp_body,
        grid=(n // bn,),
        in_specs=[
            pl.BlockSpec((bn, d_in), lambda i: (i, 0)),
            pl.BlockSpec((d_in, d_h), lambda i: (0, 0)),
            pl.BlockSpec((1, d_h), lambda i: (0, 0)),
            pl.BlockSpec((d_h, d_out), lambda i: (0, 0)),
            pl.BlockSpec((1, d_out), lambda i: (0, 0)),
        ],
        out_specs=pl.BlockSpec((bn, d_out), lambda i: (i, 0)),
        out_shape=jax.ShapeDtypeStruct((n, d_out), jnp.float32),
    )(x, W1, b1.reshape(1, -1), W2, b2.reshape(1, -1))


def _dinv_g0_body(degp_ref, h_ref, dinv_ref, g_ref):
    deg = degp_ref[0] + degp_ref[1] + 1.0
    dinv = lax.rsqrt(deg)
    dinv_ref[...] = dinv
    g_ref[...] = dinv * h_ref[...]


def _dinv_g0(degp, h):
    n, d = h.shape
    bn = _pick_block(n)
    return pl.pallas_call(
        _dinv_g0_body,
        grid=(n // bn,),
        in_specs=[
            pl.BlockSpec((2, bn, d), lambda i: (0, i, 0)),
            pl.BlockSpec((bn, d), lambda i: (i, 0)),
        ],
        out_specs=[
            pl.BlockSpec((bn, d), lambda i: (i, 0)),
            pl.BlockSpec((bn, d), lambda i: (i, 0)),
        ],
        out_shape=[
            jax.ShapeDtypeStruct((n, d), jnp.float32),
            jax.ShapeDtypeStruct((n, d), jnp.float32),
        ],
    )(degp, h)


def _combine_body(sp_ref, g_ref, dinv_ref, x0_ref, h_ref, gn_ref):
    s = sp_ref[0] + sp_ref[1] + g_ref[...]
    h = (1.0 - ALPHA) * (dinv_ref[...] * s) + ALPHA * x0_ref[...]
    h_ref[...] = h
    gn_ref[...] = dinv_ref[...] * h


def _combine(sp, g, dinv, x0):
    n, d = g.shape
    bn = _pick_block(n)
    return pl.pallas_call(
        _combine_body,
        grid=(n // bn,),
        in_specs=[
            pl.BlockSpec((2, bn, d), lambda i: (0, i, 0)),
            pl.BlockSpec((bn, d), lambda i: (i, 0)),
            pl.BlockSpec((bn, d), lambda i: (i, 0)),
            pl.BlockSpec((bn, d), lambda i: (i, 0)),
        ],
        out_specs=[
            pl.BlockSpec((bn, d), lambda i: (i, 0)),
            pl.BlockSpec((bn, d), lambda i: (i, 0)),
        ],
        out_shape=[
            jax.ShapeDtypeStruct((n, d), jnp.float32),
            jax.ShapeDtypeStruct((n, d), jnp.float32),
        ],
    )(sp, g, dinv, x0)



def _zero_shared(zbuf, shared, sid, rows_per_tile):
    @pl.loop(0, 128)
    def _(i):
        zbuf[i, :] = jnp.zeros((16,), jnp.float32)
    base = sid * rows_per_tile
    full = rows_per_tile // 128
    rem = rows_per_tile - full * 128

    @pl.loop(0, full)
    def _(j):
        pltpu.sync_copy(zbuf, shared.at[pl.ds(base + j * 128, 128)])
    if rem:
        pltpu.sync_copy(zbuf.at[pl.ds(0, rem)],
                        shared.at[pl.ds(base + full * 128, rem)])


def _writeout(shared, out_hbm, cid, sid, rows_per_tile):
    base = sid * rows_per_tile
    pltpu.sync_copy(shared.at[pl.ds(base, rows_per_tile)],
                    out_hbm.at[cid, pl.ds(base, rows_per_tile)])


def _make_deg_kernel(n_pad, per_w, d):
    rows_per_tile = n_pad // NS
    mesh = plsc.VectorSubcoreMesh(core_axis_name="c", subcore_axis_name="s")

    @functools.partial(
        pl.kernel,
        mesh=mesh,
        out_type=jax.ShapeDtypeStruct((NC, n_pad, d), jnp.float32),
        compiler_params=pltpu.CompilerParams(use_tc_tiling_on_sc=False),
        scratch_types=[
            pltpu.VMEM((per_w, CH), jnp.int32),
            pltpu.VMEM((CH, d), jnp.float32),
            pltpu.VMEM((128, d), jnp.float32),
            pltpu.VMEM_SHARED((n_pad, d), jnp.float32),
        ],
    )
    def deg_kernel(col_hbm, out_hbm, cidx, ones, zbuf, shared):
        cid = lax.axis_index("c")
        sid = lax.axis_index("s")
        w = sid * NC + cid

        _zero_shared(zbuf, shared, sid, rows_per_tile)

        @pl.loop(0, CH)
        def _(i):
            ones[i, :] = jnp.ones((16,), jnp.float32)

        pltpu.sync_copy(col_hbm.at[w], cidx)
        plsc.subcore_barrier()

        @pl.loop(0, per_w)
        def _(j):
            pltpu.sync_copy(ones, shared.at[cidx.at[j]], add=True)

        plsc.subcore_barrier()
        _writeout(shared, out_hbm, cid, sid, rows_per_tile)

    return deg_kernel


def _make_scatter_kernel(n_pad, per_w, d):
    rows_per_tile = n_pad // NS
    mesh = plsc.VectorSubcoreMesh(core_axis_name="c", subcore_axis_name="s")

    @functools.partial(
        pl.kernel,
        mesh=mesh,
        out_type=jax.ShapeDtypeStruct((NC, n_pad, d), jnp.float32),
        compiler_params=pltpu.CompilerParams(use_tc_tiling_on_sc=False),
        scratch_types=[
            pltpu.VMEM((per_w, CH), jnp.int32),
            pltpu.VMEM((per_w, CH), jnp.int32),
            pltpu.VMEM((CH, d), jnp.float32),
            pltpu.VMEM((128, d), jnp.float32),
            pltpu.VMEM_SHARED((n_pad, d), jnp.float32),
            pltpu.SemaphoreType.DMA,
        ],
    )
    def scatter_kernel(g_hbm, row_hbm, col_hbm, out_hbm,
                       ridx, cidx, rows, zbuf, shared, sem):
        cid = lax.axis_index("c")
        sid = lax.axis_index("s")
        w = sid * NC + cid

        _zero_shared(zbuf, shared, sid, rows_per_tile)

        pltpu.sync_copy(row_hbm.at[w], ridx)
        pltpu.sync_copy(col_hbm.at[w], cidx)
        plsc.subcore_barrier()

        @pl.loop(0, per_w)
        def _(j):
            pltpu.async_copy(g_hbm.at[ridx.at[j]], rows, sem).wait()
            pltpu.sync_copy(rows, shared.at[cidx.at[j]], add=True)

        plsc.subcore_barrier()
        _writeout(shared, out_hbm, cid, sid, rows_per_tile)

    return scatter_kernel



def kernel(x, edge_index, W1, b1, W2, b2):
    n = x.shape[0]
    e = edge_index.shape[1]
    d = W2.shape[1]

    row = edge_index[0].astype(jnp.int32)
    col = edge_index[1].astype(jnp.int32)

    per_w = _ceil_div(e, NW * CH)
    e_pad = NW * per_w * CH
    n_pad = _ceil_div(n + 1, NS * 8) * NS * 8

    row_p = jnp.concatenate(
        [row, jnp.zeros((e_pad - e,), jnp.int32)]).reshape(NW, per_w, CH)
    col_p = jnp.concatenate(
        [col, jnp.full((e_pad - e,), n, jnp.int32)]).reshape(NW, per_w, CH)

    deg_k = _make_deg_kernel(n_pad, per_w, d)
    scat_k = _make_scatter_kernel(n_pad, per_w, d)

    h = _mlp(x, W1, b1, W2, b2)
    degp = deg_k(col_p)
    dinv, g = _dinv_g0(degp[:, :n], h)
    x0 = h

    for _ in range(K_STEPS):
        sp = scat_k(g, row_p, col_p)
        h, g = _combine(sp[:, :n], g, dinv, x0)
    return h

# --- scband reference (transcript-rebuilt; emitter-appended) ---
"""Pipeline reference for scband-appnp-net-47107201303142 (READ-ONLY COPY).

The authoritative reference and input builder live on the scoring server;
editing this copy changes nothing except your own understanding.
"""

import jax, jax.numpy as jnp
import numpy as np

N = 50000
E = 800000
D_IN = 128
D_H = 64
D_OUT = 16
K = 10
ALPHA = 0.1


def setup_inputs(seed: int = 0) -> dict:
    key = jax.random.key(seed)
    k1, k2, k3, k4 = jax.random.split(key, 4)
    x = jax.random.normal(k1, (N, D_IN), dtype=jnp.float32)
    edge_index = jax.random.randint(k2, (2, E), 0, N)
    W1 = jax.random.normal(k3, (D_IN, D_H), dtype=jnp.float32) * 0.05
    b1 = jnp.zeros((D_H,), dtype=jnp.float32)
    W2 = jax.random.normal(k4, (D_H, D_OUT), dtype=jnp.float32) * 0.05
    b2 = jnp.zeros((D_OUT,), dtype=jnp.float32)
    return {"x": x, "edge_index": edge_index, "W1": W1, "b1": b1, "W2": W2, "b2": b2}


def reference(x, edge_index, W1, b1, W2, b2):
    # MLP part (dropout p=0.0 -> identity)
    h = jax.nn.relu(x @ W1 + b1)
    h = h @ W2 + b2

    # APPNP propagation with GCN normalization + self-loops
    row = edge_index[0]
    col = edge_index[1]
    loop = jnp.arange(N, dtype=row.dtype)
    row = jnp.concatenate([row, loop])
    col = jnp.concatenate([col, loop])

    ones = jnp.ones(row.shape[0], dtype=jnp.float32)
    deg = jax.ops.segment_sum(ones, col, num_segments=N)
    deg_inv_sqrt = jnp.where(deg > 0, jax.lax.rsqrt(jnp.maximum(deg, 1e-12)), 0.0)
    norm = deg_inv_sqrt[row] * deg_inv_sqrt[col]

    x0 = h
    for _ in range(K):
        msg = h[row] * norm[:, None]
        agg = jax.ops.segment_sum(msg, col, num_segments=N)
        h = (1.0 - ALPHA) * agg + ALPHA * x0
    return h

if __name__ == "__main__":
    import jax
    _d = setup_inputs()
    print(jax.jit(kernel)(*tuple(_d.values())))

</pallas_src>

<mosaic_0001>
#map = affine_map<(d0, d1) -> (0, 0)>
#map1 = affine_map<(d0, d1) -> (0, 0, 0)>
module attributes {stable_mosaic.version = 14 : i64} {
  func.func @scatter_kernel(%arg0: i32, %arg1: i32, %arg2: memref<50000x16xf32, #tpu.memory_space<hbm>>, %arg3: memref<32x196x128xi32, #tpu.memory_space<hbm>>, %arg4: memref<32x196x128xi32, #tpu.memory_space<hbm>>, %arg5: memref<2x50048x16xf32, #tpu.memory_space<hbm>>, %arg6: memref<196x128xi32, #tpu.memory_space<vmem>>, %arg7: memref<196x128xi32, #tpu.memory_space<vmem>>, %arg8: memref<128x16xf32, #tpu.memory_space<vmem>>, %arg9: memref<128x16xf32, #tpu.memory_space<vmem>>, %arg10: memref<50048x16xf32, #tpu.memory_space<vmem_shared>>, %arg11: memref<!tpu.dma_semaphore, #tpu.memory_space<semaphore_mem>>) attributes {dimension_semantics = [#tpu.dimension_semantics<core_parallel>, #tpu.dimension_semantics<subcore_parallel>], iteration_bounds = array<i64: 2, 16>, scalar_prefetch = 0 : i64, scratch_operands = 6 : i64, tpu.core_type = #tpu.core_type<sc_vector_subcore>, window_params = [{transform_indices = #map}, {transform_indices = #map1}, {transform_indices = #map1}, {transform_indices = #map1}]} {
    %mul3A = arith.constant 2 : i32
    %mul3A_0 = arith.muli %arg1, %mul3A : i32
    %add3A = arith.addi %mul3A_0, %arg0 : i32
    %scan3A = arith.constant 0 : i32
    %scan3A_1 = arith.constant 128 : i32
    %scan3A_2 = arith.addi %scan3A, %scan3A_1 : i32
    %scan3A_3 = arith.constant 1 : i32
    scf.for %scan3A_22 = %scan3A to %scan3A_2 step %scan3A_3  : i32 {
      %mul3A_23 = arith.constant 1 : i32
      %mul3A_24 = arith.muli %scan3A_22, %mul3A_23 : i32
      %add3A_25 = arith.constant 0 : i32
      %add3A_26 = arith.addi %add3A_25, %mul3A_24 : i32
      %broadcast_in_dim3A = arith.constant 0.000000e+00 : f32
      %broadcast_in_dim3A_27 = vector.broadcast %broadcast_in_dim3A : f32 to vector<16xf32>
      %swap3A = arith.index_cast %add3A_26 : i32 to index
      %swap3A_28 = arith.constant 0 : index
      %swap3A_29 = tpu.vector_load %arg9[%swap3A, %swap3A_28] {strides = array<i32>} : memref<128x16xf32, #tpu.memory_space<vmem>>, vector<1x16xf32>,
      %swap3A_30 = vector.shape_cast %swap3A_29 : vector<1x16xf32> to vector<16xf32>
      %swap3A_31 = vector.shape_cast %broadcast_in_dim3A_27 : vector<16xf32> to vector<1x16xf32>
      tpu.vector_store %arg9[%swap3A, %swap3A_28], %swap3A_31 {strides = array<i32>} : memref<128x16xf32, #tpu.memory_space<vmem>>, vector<1x16xf32>,
    }
    %scan3A_4 = arith.constant 128 : i32
    %mul3A_5 = arith.constant 3128 : i32
    %mul3A_6 = arith.muli %arg1, %mul3A_5 : i32
    %scan3A_7 = arith.constant 0 : i32
    %scan3A_8 = arith.constant 24 : i32
    %scan3A_9 = arith.addi %scan3A_7, %scan3A_8 : i32
    %scan3A_10 = arith.constant 1 : i32
    scf.for %scan3A_22 = %scan3A_7 to %scan3A_9 step %scan3A_10  : i32 {
      %mul3A_23 = arith.constant 1 : i32
      %mul3A_24 = arith.muli %scan3A_22, %mul3A_23 : i32
      %add3A_25 = arith.constant 0 : i32
      %add3A_26 = arith.addi %add3A_25, %mul3A_24 : i32
      %mul3A_27 = arith.constant 128 : i32
      %mul3A_28 = arith.muli %add3A_26, %mul3A_27 : i32
      %add3A_29 = arith.addi %mul3A_6, %mul3A_28 : i32
      "tpu.region"() ({
        %run_scoped3A = tpu.sem_alloc : memref<!tpu.dma_semaphore, #tpu.memory_space<semaphore_mem>>
        %dma_start3A = arith.constant 0 : i32
        %dma_start3A_30 = tpu.memref_slice %arg10[%add3A_29, %dma_start3A] : memref<50048x16xf32, #tpu.memory_space<vmem_shared>> -> memref<128x16xf32, #tpu.memory_space<vmem_shared>>
        %dma_start3A_31 = arith.constant 0 : i32
        %dma_start3A_32 = tpu.memref_slice %arg10[%add3A_29, %dma_start3A_31] : memref<50048x16xf32, #tpu.memory_space<vmem_shared>> -> memref<128x16xf32, #tpu.memory_space<vmem_shared>>
        tpu.enqueue_dma source(%arg9 : memref<128x16xf32, #tpu.memory_space<vmem>>) target(%dma_start3A_32 : memref<128x16xf32, #tpu.memory_space<vmem_shared>>) target_semaphore(%run_scoped3A : memref<!tpu.dma_semaphore, #tpu.memory_space<semaphore_mem>>)
        %dma_wait3A = arith.constant 0 : i32
        %dma_wait3A_33 = tpu.memref_slice %arg10[%add3A_29, %dma_wait3A] : memref<50048x16xf32, #tpu.memory_space<vmem_shared>> -> memref<128x16xf32, #tpu.memory_space<vmem_shared>>
        %dma_wait3A_34 = arith.constant 0 : i32
        %dma_wait3A_35 = tpu.memref_slice %arg10[%add3A_29, %dma_wait3A_34] : memref<50048x16xf32, #tpu.memory_space<vmem_shared>> -> memref<128x16xf32, #tpu.memory_space<vmem_shared>>
        tpu.wait_dma2 semaphore(%run_scoped3A : memref<!tpu.dma_semaphore, #tpu.memory_space<semaphore_mem>>) src(%arg9 : memref<128x16xf32, #tpu.memory_space<vmem>>) dst(%dma_wait3A_35 : memref<128x16xf32, #tpu.memory_space<vmem_shared>>)
        tpu.yield
      }) : () -> ()
    }
    %scan3A_11 = arith.constant 24 : i32
    %add3A_12 = arith.constant 3072 : i32
    %add3A_13 = arith.addi %mul3A_6, %add3A_12 : i32
    "tpu.region"() ({
      %run_scoped3A = tpu.sem_alloc : memref<!tpu.dma_semaphore, #tpu.memory_space<semaphore_mem>>
      %dma_start3A = arith.constant 0 : i32
      %dma_start3A_22 = arith.constant 0 : i32
      %dma_start3A_23 = tpu.memref_slice %arg9[%dma_start3A, %dma_start3A_22] : memref<128x16xf32, #tpu.memory_space<vmem>> -> memref<56x16xf32, #tpu.memory_space<vmem>>
      %dma_start3A_24 = arith.constant 0 : i32
      %dma_start3A_25 = tpu.memref_slice %arg10[%add3A_13, %dma_start3A_24] : memref<50048x16xf32, #tpu.memory_space<vmem_shared>> -> memref<56x16xf32, #tpu.memory_space<vmem_shared>>
      %dma_start3A_26 = arith.constant 0 : i32
      %dma_start3A_27 = tpu.memref_slice %arg10[%add3A_13, %dma_start3A_26] : memref<50048x16xf32, #tpu.memory_space<vmem_shared>> -> memref<56x16xf32, #tpu.memory_space<vmem_shared>>
      %dma_start3A_28 = arith.constant 0 : i32
      %dma_start3A_29 = arith.constant 0 : i32
      %dma_start3A_30 = tpu.memref_slice %arg9[%dma_start3A_28, %dma_start3A_29] : memref<128x16xf32, #tpu.memory_space<vmem>> -> memref<56x16xf32, #tpu.memory_space<vmem>>
      tpu.enqueue_dma source(%dma_start3A_30 : memref<56x16xf32, #tpu.memory_space<vmem>>) target(%dma_start3A_27 : memref<56x16xf32, #tpu.memory_space<vmem_shared>>) target_semaphore(%run_scoped3A : memref<!tpu.dma_semaphore, #tpu.memory_space<semaphore_mem>>)
      %dma_wait3A = arith.constant 0 : i32
      %dma_wait3A_31 = arith.constant 0 : i32
      %dma_wait3A_32 = tpu.memref_slice %arg9[%dma_wait3A, %dma_wait3A_31] : memref<128x16xf32, #tpu.memory_space<vmem>> -> memref<56x16xf32, #tpu.memory_space<vmem>>
      %dma_wait3A_33 = arith.constant 0 : i32
      %dma_wait3A_34 = tpu.memref_slice %arg10[%add3A_13, %dma_wait3A_33] : memref<50048x16xf32, #tpu.memory_space<vmem_shared>> -> memref<56x16xf32, #tpu.memory_space<vmem_shared>>
      %dma_wait3A_35 = arith.constant 0 : i32
      %dma_wait3A_36 = tpu.memref_slice %arg10[%add3A_13, %dma_wait3A_35] : memref<50048x16xf32, #tpu.memory_space<vmem_shared>> -> memref<56x16xf32, #tpu.memory_space<vmem_shared>>
      %dma_wait3A_37 = arith.constant 0 : i32
      %dma_wait3A_38 = arith.constant 0 : i32
      %dma_wait3A_39 = tpu.memref_slice %arg9[%dma_wait3A_37, %dma_wait3A_38] : memref<128x16xf32, #tpu.memory_space<vmem>> -> memref<56x16xf32, #tpu.memory_space<vmem>>
      tpu.wait_dma2 semaphore(%run_scoped3A : memref<!tpu.dma_semaphore, #tpu.memory_space<semaphore_mem>>) src(%dma_wait3A_39 : memref<56x16xf32, #tpu.memory_space<vmem>>) dst(%dma_wait3A_36 : memref<56x16xf32, #tpu.memory_space<vmem_shared>>)
      tpu.yield
    }) : () -> ()
    "tpu.region"() ({
      %run_scoped3A = tpu.sem_alloc : memref<!tpu.dma_semaphore, #tpu.memory_space<semaphore_mem>>
      %dma_start3A = arith.constant 0 : i32
      %dma_start3A_22 = arith.constant 0 : i32
      %dma_start3A_23 = tpu.memref_slice %arg3[%add3A, %dma_start3A, %dma_start3A_22] : memref<32x196x128xi32, #tpu.memory_space<hbm>> -> memref<1x196x128xi32, #tpu.memory_space<hbm>>
      %dma_start3A_24 = tpu.memref_squeeze %dma_start3A_23 : memref<1x196x128xi32, #tpu.memory_space<hbm>> -> memref<196x128xi32, #tpu.memory_space<hbm>>
      %dma_start3A_25 = arith.constant 0 : i32
      %dma_start3A_26 = arith.constant 0 : i32
      %dma_start3A_27 = tpu.memref_slice %arg3[%add3A, %dma_start3A_25, %dma_start3A_26] : memref<32x196x128xi32, #tpu.memory_space<hbm>> -> memref<1x196x128xi32, #tpu.memory_space<hbm>>
      %dma_start3A_28 = tpu.memref_squeeze %dma_start3A_27 : memref<1x196x128xi32, #tpu.memory_space<hbm>> -> memref<196x128xi32, #tpu.memory_space<hbm>>
      tpu.enqueue_dma source(%dma_start3A_28 : memref<196x128xi32, #tpu.memory_space<hbm>>) target(%arg6 : memref<196x128xi32, #tpu.memory_space<vmem>>) target_semaphore(%run_scoped3A : memref<!tpu.dma_semaphore, #tpu.memory_space<semaphore_mem>>)
      %dma_wait3A = arith.constant 0 : i32
      %dma_wait3A_29 = arith.constant 0 : i32
      %dma_wait3A_30 = tpu.memref_slice %arg3[%add3A, %dma_wait3A, %dma_wait3A_29] : memref<32x196x128xi32, #tpu.memory_space<hbm>> -> memref<1x196x128xi32, #tpu.memory_space<hbm>>
      %dma_wait3A_31 = tpu.memref_squeeze %dma_wait3A_30 : memref<1x196x128xi32, #tpu.memory_space<hbm>> -> memref<196x128xi32, #tpu.memory_space<hbm>>
      %dma_wait3A_32 = arith.constant 0 : i32
      %dma_wait3A_33 = arith.constant 0 : i32
      %dma_wait3A_34 = tpu.memref_slice %arg3[%add3A, %dma_wait3A_32, %dma_wait3A_33] : memref<32x196x128xi32, #tpu.memory_space<hbm>> -> memref<1x196x128xi32, #tpu.memory_space<hbm>>
      %dma_wait3A_35 = tpu.memref_squeeze %dma_wait3A_34 : memref<1x196x128xi32, #tpu.memory_space<hbm>> -> memref<196x128xi32, #tpu.memory_space<hbm>>
      tpu.wait_dma2 semaphore(%run_scoped3A : memref<!tpu.dma_semaphore, #tpu.memory_space<semaphore_mem>>) src(%dma_wait3A_35 : memref<196x128xi32, #tpu.memory_space<hbm>>) dst(%arg6 : memref<196x128xi32, #tpu.memory_space<vmem>>)
      tpu.yield
    }) : () -> ()
    "tpu.region"() ({
      %run_scoped3A = tpu.sem_alloc : memref<!tpu.dma_semaphore, #tpu.memory_space<semaphore_mem>>
      %dma_start3A = arith.constant 0 : i32
      %dma_start3A_22 = arith.constant 0 : i32
      %dma_start3A_23 = tpu.memref_slice %arg4[%add3A, %dma_start3A, %dma_start3A_22] : memref<32x196x128xi32, #tpu.memory_space<hbm>> -> memref<1x196x128xi32, #tpu.memory_space<hbm>>
      %dma_start3A_24 = tpu.memref_squeeze %dma_start3A_23 : memref<1x196x128xi32, #tpu.memory_space<hbm>> -> memref<196x128xi32, #tpu.memory_space<hbm>>
      %dma_start3A_25 = arith.constant 0 : i32
      %dma_start3A_26 = arith.constant 0 : i32
      %dma_start3A_27 = tpu.memref_slice %arg4[%add3A, %dma_start3A_25, %dma_start3A_26] : memref<32x196x128xi32, #tpu.memory_space<hbm>> -> memref<1x196x128xi32, #tpu.memory_space<hbm>>
      %dma_start3A_28 = tpu.memref_squeeze %dma_start3A_27 : memref<1x196x128xi32, #tpu.memory_space<hbm>> -> memref<196x128xi32, #tpu.memory_space<hbm>>
      tpu.enqueue_dma source(%dma_start3A_28 : memref<196x128xi32, #tpu.memory_space<hbm>>) target(%arg7 : memref<196x128xi32, #tpu.memory_space<vmem>>) target_semaphore(%run_scoped3A : memref<!tpu.dma_semaphore, #tpu.memory_space<semaphore_mem>>)
      %dma_wait3A = arith.constant 0 : i32
      %dma_wait3A_29 = arith.constant 0 : i32
      %dma_wait3A_30 = tpu.memref_slice %arg4[%add3A, %dma_wait3A, %dma_wait3A_29] : memref<32x196x128xi32, #tpu.memory_space<hbm>> -> memref<1x196x128xi32, #tpu.memory_space<hbm>>
      %dma_wait3A_31 = tpu.memref_squeeze %dma_wait3A_30 : memref<1x196x128xi32, #tpu.memory_space<hbm>> -> memref<196x128xi32, #tpu.memory_space<hbm>>
      %dma_wait3A_32 = arith.constant 0 : i32
      %dma_wait3A_33 = arith.constant 0 : i32
      %dma_wait3A_34 = tpu.memref_slice %arg4[%add3A, %dma_wait3A_32, %dma_wait3A_33] : memref<32x196x128xi32, #tpu.memory_space<hbm>> -> memref<1x196x128xi32, #tpu.memory_space<hbm>>
      %dma_wait3A_35 = tpu.memref_squeeze %dma_wait3A_34 : memref<1x196x128xi32, #tpu.memory_space<hbm>> -> memref<196x128xi32, #tpu.memory_space<hbm>>
      tpu.wait_dma2 semaphore(%run_scoped3A : memref<!tpu.dma_semaphore, #tpu.memory_space<semaphore_mem>>) src(%dma_wait3A_35 : memref<196x128xi32, #tpu.memory_space<hbm>>) dst(%arg7 : memref<196x128xi32, #tpu.memory_space<vmem>>)
      tpu.yield
    }) : () -> ()
    %barrier3A = arith.constant 0 : index
    tpu.barrier barrier_id(%barrier3A)
    %scan3A_14 = arith.constant 0 : i32
    %scan3A_15 = arith.constant 196 : i32
    %scan3A_16 = arith.addi %scan3A_14, %scan3A_15 : i32
    %scan3A_17 = arith.constant 1 : i32
    scf.for %scan3A_22 = %scan3A_14 to %scan3A_16 step %scan3A_17  : i32 {
      %mul3A_23 = arith.constant 1 : i32
      %mul3A_24 = arith.muli %scan3A_22, %mul3A_23 : i32
      %add3A_25 = arith.constant 0 : i32
      %add3A_26 = arith.addi %add3A_25, %mul3A_24 : i32
      %dma_start3A = arith.constant 0 : i32
      %dma_start3A_27 = tpu.memref_slice %arg6[%add3A_26, %dma_start3A] : memref<196x128xi32, #tpu.memory_space<vmem>> -> memref<1x128xi32, #tpu.memory_space<vmem>>
      %dma_start3A_28 = tpu.memref_squeeze %dma_start3A_27 : memref<1x128xi32, #tpu.memory_space<vmem>> -> memref<128xi32, #tpu.memory_space<vmem>>
      %dma_start3A_29 = arith.constant 0 : i32
      %dma_start3A_30 = arith.constant 0 : i32
      %dma_start3A_31 = tpu.memref_slice %arg2[%dma_start3A_29, %dma_start3A_30] : memref<50000x16xf32, #tpu.memory_space<hbm>> -> memref<50000x16xf32, #tpu.memory_space<hbm>>
      tpu.enqueue_indirect_dma source(%dma_start3A_31 : memref<50000x16xf32, #tpu.memory_space<hbm>>) target(%arg8 : memref<128x16xf32, #tpu.memory_space<vmem>>) offsets(%dma_start3A_28 : memref<128xi32, #tpu.memory_space<vmem>>) semaphore(%arg11 : memref<!tpu.dma_semaphore, #tpu.memory_space<semaphore_mem>>)
      %dma_wait3A = arith.constant 0 : i32
      %dma_wait3A_32 = tpu.memref_slice %arg6[%add3A_26, %dma_wait3A] : memref<196x128xi32, #tpu.memory_space<vmem>> -> memref<1x128xi32, #tpu.memory_space<vmem>>
      %dma_wait3A_33 = tpu.memref_squeeze %dma_wait3A_32 : memref<1x128xi32, #tpu.memory_space<vmem>> -> memref<128xi32, #tpu.memory_space<vmem>>
      %dma_wait3A_34 = arith.constant 0 : i32
      %dma_wait3A_35 = arith.constant 0 : i32
      %dma_wait3A_36 = tpu.memref_slice %arg2[%dma_wait3A_34, %dma_wait3A_35] : memref<50000x16xf32, #tpu.memory_space<hbm>> -> memref<50000x16xf32, #tpu.memory_space<hbm>>
      tpu.wait_indirect_dma semaphore(%arg11 : memref<!tpu.dma_semaphore, #tpu.memory_space<semaphore_mem>>) src(%dma_wait3A_36 : memref<50000x16xf32, #tpu.memory_space<hbm>>) dst(%arg8 : memref<128x16xf32, #tpu.memory_space<vmem>>)
      "tpu.region"() ({
        %run_scoped3A = tpu.sem_alloc : memref<!tpu.dma_semaphore, #tpu.memory_space<semaphore_mem>>
        %dma_start3A_37 = arith.constant 0 : i32
        %dma_start3A_38 = tpu.memref_slice %arg7[%add3A_26, %dma_start3A_37] : memref<196x128xi32, #tpu.memory_space<vmem>> -> memref<1x128xi32, #tpu.memory_space<vmem>>
        %dma_start3A_39 = tpu.memref_squeeze %dma_start3A_38 : memref<1x128xi32, #tpu.memory_space<vmem>> -> memref<128xi32, #tpu.memory_space<vmem>>
        %dma_start3A_40 = arith.constant 0 : i32
        %dma_start3A_41 = arith.constant 0 : i32
        %dma_start3A_42 = tpu.memref_slice %arg10[%dma_start3A_40, %dma_start3A_41] : memref<50048x16xf32, #tpu.memory_space<vmem_shared>> -> memref<50048x16xf32, #tpu.memory_space<vmem_shared>>
        tpu.enqueue_indirect_dma source(%arg8 : memref<128x16xf32, #tpu.memory_space<vmem>>) target(%dma_start3A_42 : memref<50048x16xf32, #tpu.memory_space<vmem_shared>>) offsets(%dma_start3A_39 : memref<128xi32, #tpu.memory_space<vmem>>) semaphore(%run_scoped3A : memref<!tpu.dma_semaphore, #tpu.memory_space<semaphore_mem>>) {add = true}
        %dma_wait3A_43 = arith.constant 0 : i32
        %dma_wait3A_44 = tpu.memref_slice %arg7[%add3A_26, %dma_wait3A_43] : memref<196x128xi32, #tpu.memory_space<vmem>> -> memref<1x128xi32, #tpu.memory_space<vmem>>
        %dma_wait3A_45 = tpu.memref_squeeze %dma_wait3A_44 : memref<1x128xi32, #tpu.memory_space<vmem>> -> memref<128xi32, #tpu.memory_space<vmem>>
        %dma_wait3A_46 = arith.constant 0 : i32
        %dma_wait3A_47 = arith.constant 0 : i32
        %dma_wait3A_48 = tpu.memref_slice %arg10[%dma_wait3A_46, %dma_wait3A_47] : memref<50048x16xf32, #tpu.memory_space<vmem_shared>> -> memref<50048x16xf32, #tpu.memory_space<vmem_shared>>
        tpu.wait_indirect_dma semaphore(%run_scoped3A : memref<!tpu.dma_semaphore, #tpu.memory_space<semaphore_mem>>) src(%arg8 : memref<128x16xf32, #tpu.memory_space<vmem>>) dst(%dma_wait3A_48 : memref<50048x16xf32, #tpu.memory_space<vmem_shared>>)
        tpu.yield
      }) : () -> ()
    }
    %scan3A_18 = arith.constant 196 : i32
    %barrier3A_19 = arith.constant 0 : index
    tpu.barrier barrier_id(%barrier3A_19)
    %mul3A_20 = arith.constant 3128 : i32
    %mul3A_21 = arith.muli %arg1, %mul3A_20 : i32
    "tpu.region"() ({
      %run_scoped3A = tpu.sem_alloc : memref<!tpu.dma_semaphore, #tpu.memory_space<semaphore_mem>>
      %dma_start3A = arith.constant 0 : i32
      %dma_start3A_22 = tpu.memref_slice %arg5[%arg0, %mul3A_21, %dma_start3A] : memref<2x50048x16xf32, #tpu.memory_space<hbm>> -> memref<1x3128x16xf32, #tpu.memory_space<hbm>>
      %dma_start3A_23 = tpu.memref_squeeze %dma_start3A_22 : memref<1x3128x16xf32, #tpu.memory_space<hbm>> -> memref<3128x16xf32, #tpu.memory_space<hbm>>
      %dma_start3A_24 = arith.constant 0 : i32
      %dma_start3A_25 = tpu.memref_slice %arg10[%mul3A_21, %dma_start3A_24] : memref<50048x16xf32, #tpu.memory_space<vmem_shared>> -> memref<3128x16xf32, #tpu.memory_space<vmem_shared>>
      tpu.enqueue_dma source(%dma_start3A_25 : memref<3128x16xf32, #tpu.memory_space<vmem_shared>>) target(%dma_start3A_23 : memref<3128x16xf32, #tpu.memory_space<hbm>>) target_semaphore(%run_scoped3A : memref<!tpu.dma_semaphore, #tpu.memory_space<semaphore_mem>>)
      %dma_wait3A = arith.constant 0 : i32
      %dma_wait3A_26 = tpu.memref_slice %arg5[%arg0, %mul3A_21, %dma_wait3A] : memref<2x50048x16xf32, #tpu.memory_space<hbm>> -> memref<1x3128x16xf32, #tpu.memory_space<hbm>>
      %dma_wait3A_27 = tpu.memref_squeeze %dma_wait3A_26 : memref<1x3128x16xf32, #tpu.memory_space<hbm>> -> memref<3128x16xf32, #tpu.memory_space<hbm>>
      %dma_wait3A_28 = arith.constant 0 : i32
      %dma_wait3A_29 = tpu.memref_slice %arg10[%mul3A_21, %dma_wait3A_28] : memref<50048x16xf32, #tpu.memory_space<vmem_shared>> -> memref<3128x16xf32, #tpu.memory_space<vmem_shared>>
      tpu.wait_dma2 semaphore(%run_scoped3A : memref<!tpu.dma_semaphore, #tpu.memory_space<semaphore_mem>>) src(%dma_wait3A_29 : memref<3128x16xf32, #tpu.memory_space<vmem_shared>>) dst(%dma_wait3A_27 : memref<3128x16xf32, #tpu.memory_space<hbm>>)
      tpu.yield
    }) : () -> ()
    return
  }
}

#map = affine_map<(d0, d1) -> (0, 0)>
#map1 = affine_map<(d0, d1) -> (0, 0, 0)>
module attributes {stable_mosaic.version = 14 : i64} {
  func.func @scatter_kernel(%arg0: i32, %arg1: i32, %arg2: memref<50000x16xf32, #tpu.memory_space<hbm>>, %arg3: memref<32x196x128xi32, #tpu.memory_space<hbm>>, %arg4: memref<32x196x128xi32, #tpu.memory_space<hbm>>, %arg5: memref<2x50048x16xf32, #tpu.memory_space<hbm>>, %arg6: memref<196x128xi32, #tpu.memory_space<vmem>>, %arg7: memref<196x128xi32, #tpu.memory_space<vmem>>, %arg8: memref<128x16xf32, #tpu.memory_space<vmem>>, %arg9: memref<128x16xf32, #tpu.memory_space<vmem>>, %arg10: memref<50048x16xf32, #tpu.memory_space<vmem_shared>>, %arg11: memref<!tpu.dma_semaphore, #tpu.memory_space<semaphore_mem>>) attributes {dimension_semantics = [#tpu.dimension_semantics<core_parallel>, #tpu.dimension_semantics<subcore_parallel>], iteration_bounds = array<i64: 2, 16>, scalar_prefetch = 0 : i64, scratch_operands = 6 : i64, tpu.core_type = #tpu.core_type<sc_vector_subcore>, window_params = [{transform_indices = #map}, {transform_indices = #map1}, {transform_indices = #map1}, {transform_indices = #map1}]} {
    %mul3A = arith.constant 2 : i32
    %mul3A_0 = arith.muli %arg1, %mul3A : i32
    %add3A = arith.addi %mul3A_0, %arg0 : i32
    %scan3A = arith.constant 0 : i32
    %scan3A_1 = arith.constant 128 : i32
    %scan3A_2 = arith.addi %scan3A, %scan3A_1 : i32
    %scan3A_3 = arith.constant 1 : i32
    scf.for %scan3A_22 = %scan3A to %scan3A_2 step %scan3A_3  : i32 {
      %mul3A_23 = arith.constant 1 : i32
      %mul3A_24 = arith.muli %scan3A_22, %mul3A_23 : i32
      %add3A_25 = arith.constant 0 : i32
      %add3A_26 = arith.addi %add3A_25, %mul3A_24 : i32
      %broadcast_in_dim3A = arith.constant 0.000000e+00 : f32
      %broadcast_in_dim3A_27 = vector.broadcast %broadcast_in_dim3A : f32 to vector<16xf32>
      %swap3A = arith.index_cast %add3A_26 : i32 to index
      %swap3A_28 = arith.constant 0 : index
      %swap3A_29 = tpu.vector_load %arg9[%swap3A, %swap3A_28] {strides = array<i32>} : memref<128x16xf32, #tpu.memory_space<vmem>>, vector<1x16xf32>,
      %swap3A_30 = vector.shape_cast %swap3A_29 : vector<1x16xf32> to vector<16xf32>
      %swap3A_31 = vector.shape_cast %broadcast_in_dim3A_27 : vector<16xf32> to vector<1x16xf32>
      tpu.vector_store %arg9[%swap3A, %swap3A_28], %swap3A_31 {strides = array<i32>} : memref<128x16xf32, #tpu.memory_space<vmem>>, vector<1x16xf32>,
    }
    %scan3A_4 = arith.constant 128 : i32
    %mul3A_5 = arith.constant 3128 : i32
    %mul3A_6 = arith.muli %arg1, %mul3A_5 : i32
    %scan3A_7 = arith.constant 0 : i32
    %scan3A_8 = arith.constant 24 : i32
    %scan3A_9 = arith.addi %scan3A_7, %scan3A_8 : i32
    %scan3A_10 = arith.constant 1 : i32
    scf.for %scan3A_22 = %scan3A_7 to %scan3A_9 step %scan3A_10  : i32 {
      %mul3A_23 = arith.constant 1 : i32
      %mul3A_24 = arith.muli %scan3A_22, %mul3A_23 : i32
      %add3A_25 = arith.constant 0 : i32
      %add3A_26 = arith.addi %add3A_25, %mul3A_24 : i32
      %mul3A_27 = arith.constant 128 : i32
      %mul3A_28 = arith.muli %add3A_26, %mul3A_27 : i32
      %add3A_29 = arith.addi %mul3A_6, %mul3A_28 : i32
      "tpu.region"() ({
        %run_scoped3A = tpu.sem_alloc : memref<!tpu.dma_semaphore, #tpu.memory_space<semaphore_mem>>
        %dma_start3A = arith.constant 0 : i32
        %dma_start3A_30 = tpu.memref_slice %arg10[%add3A_29, %dma_start3A] : memref<50048x16xf32, #tpu.memory_space<vmem_shared>> -> memref<128x16xf32, #tpu.memory_space<vmem_shared>>
        %dma_start3A_31 = arith.constant 0 : i32
        %dma_start3A_32 = tpu.memref_slice %arg10[%add3A_29, %dma_start3A_31] : memref<50048x16xf32, #tpu.memory_space<vmem_shared>> -> memref<128x16xf32, #tpu.memory_space<vmem_shared>>
        tpu.enqueue_dma source(%arg9 : memref<128x16xf32, #tpu.memory_space<vmem>>) target(%dma_start3A_32 : memref<128x16xf32, #tpu.memory_space<vmem_shared>>) target_semaphore(%run_scoped3A : memref<!tpu.dma_semaphore, #tpu.memory_space<semaphore_mem>>)
        %dma_wait3A = arith.constant 0 : i32
        %dma_wait3A_33 = tpu.memref_slice %arg10[%add3A_29, %dma_wait3A] : memref<50048x16xf32, #tpu.memory_space<vmem_shared>> -> memref<128x16xf32, #tpu.memory_space<vmem_shared>>
        %dma_wait3A_34 = arith.constant 0 : i32
        %dma_wait3A_35 = tpu.memref_slice %arg10[%add3A_29, %dma_wait3A_34] : memref<50048x16xf32, #tpu.memory_space<vmem_shared>> -> memref<128x16xf32, #tpu.memory_space<vmem_shared>>
        tpu.wait_dma2 semaphore(%run_scoped3A : memref<!tpu.dma_semaphore, #tpu.memory_space<semaphore_mem>>) src(%arg9 : memref<128x16xf32, #tpu.memory_space<vmem>>) dst(%dma_wait3A_35 : memref<128x16xf32, #tpu.memory_space<vmem_shared>>)
        tpu.yield
      }) : () -> ()
    }
    %scan3A_11 = arith.constant 24 : i32
    %add3A_12 = arith.constant 3072 : i32
    %add3A_13 = arith.addi %mul3A_6, %add3A_12 : i32
    "tpu.region"() ({
      %run_scoped3A = tpu.sem_alloc : memref<!tpu.dma_semaphore, #tpu.memory_space<semaphore_mem>>
      %dma_start3A = arith.constant 0 : i32
      %dma_start3A_22 = arith.constant 0 : i32
      %dma_start3A_23 = tpu.memref_slice %arg9[%dma_start3A, %dma_start3A_22] : memref<128x16xf32, #tpu.memory_space<vmem>> -> memref<56x16xf32, #tpu.memory_space<vmem>>
      %dma_start3A_24 = arith.constant 0 : i32
      %dma_start3A_25 = tpu.memref_slice %arg10[%add3A_13, %dma_start3A_24] : memref<50048x16xf32, #tpu.memory_space<vmem_shared>> -> memref<56x16xf32, #tpu.memory_space<vmem_shared>>
      %dma_start3A_26 = arith.constant 0 : i32
      %dma_start3A_27 = tpu.memref_slice %arg10[%add3A_13, %dma_start3A_26] : memref<50048x16xf32, #tpu.memory_space<vmem_shared>> -> memref<56x16xf32, #tpu.memory_space<vmem_shared>>
      %dma_start3A_28 = arith.constant 0 : i32
      %dma_start3A_29 = arith.constant 0 : i32
      %dma_start3A_30 = tpu.memref_slice %arg9[%dma_start3A_28, %dma_start3A_29] : memref<128x16xf32, #tpu.memory_space<vmem>> -> memref<56x16xf32, #tpu.memory_space<vmem>>
      tpu.enqueue_dma source(%dma_start3A_30 : memref<56x16xf32, #tpu.memory_space<vmem>>) target(%dma_start3A_27 : memref<56x16xf32, #tpu.memory_space<vmem_shared>>) target_semaphore(%run_scoped3A : memref<!tpu.dma_semaphore, #tpu.memory_space<semaphore_mem>>)
      %dma_wait3A = arith.constant 0 : i32
      %dma_wait3A_31 = arith.constant 0 : i32
      %dma_wait3A_32 = tpu.memref_slice %arg9[%dma_wait3A, %dma_wait3A_31] : memref<128x16xf32, #tpu.memory_space<vmem>> -> memref<56x16xf32, #tpu.memory_space<vmem>>
      %dma_wait3A_33 = arith.constant 0 : i32
      %dma_wait3A_34 = tpu.memref_slice %arg10[%add3A_13, %dma_wait3A_33] : memref<50048x16xf32, #tpu.memory_space<vmem_shared>> -> memref<56x16xf32, #tpu.memory_space<vmem_shared>>
      %dma_wait3A_35 = arith.constant 0 : i32
      %dma_wait3A_36 = tpu.memref_slice %arg10[%add3A_13, %dma_wait3A_35] : memref<50048x16xf32, #tpu.memory_space<vmem_shared>> -> memref<56x16xf32, #tpu.memory_space<vmem_shared>>
      %dma_wait3A_37 = arith.constant 0 : i32
      %dma_wait3A_38 = arith.constant 0 : i32
      %dma_wait3A_39 = tpu.memref_slice %arg9[%dma_wait3A_37, %dma_wait3A_38] : memref<128x16xf32, #tpu.memory_space<vmem>> -> memref<56x16xf32, #tpu.memory_space<vmem>>
      tpu.wait_dma2 semaphore(%run_scoped3A : memref<!tpu.dma_semaphore, #tpu.memory_space<semaphore_mem>>) src(%dma_wait3A_39 : memref<56x16xf32, #tpu.memory_space<vmem>>) dst(%dma_wait3A_36 : memref<56x16xf32, #tpu.memory_space<vmem_shared>>)
      tpu.yield
    }) : () -> ()
    "tpu.region"() ({
      %run_scoped3A = tpu.sem_alloc : memref<!tpu.dma_semaphore, #tpu.memory_space<semaphore_mem>>
      %dma_start3A = arith.constant 0 : i32
      %dma_start3A_22 = arith.constant 0 : i32
      %dma_start3A_23 = tpu.memref_slice %arg3[%add3A, %dma_start3A, %dma_start3A_22] : memref<32x196x128xi32, #tpu.memory_space<hbm>> -> memref<1x196x128xi32, #tpu.memory_space<hbm>>
      %dma_start3A_24 = tpu.memref_squeeze %dma_start3A_23 : memref<1x196x128xi32, #tpu.memory_space<hbm>> -> memref<196x128xi32, #tpu.memory_space<hbm>>
      %dma_start3A_25 = arith.constant 0 : i32
      %dma_start3A_26 = arith.constant 0 : i32
      %dma_start3A_27 = tpu.memref_slice %arg3[%add3A, %dma_start3A_25, %dma_start3A_26] : memref<32x196x128xi32, #tpu.memory_space<hbm>> -> memref<1x196x128xi32, #tpu.memory_space<hbm>>
      %dma_start3A_28 = tpu.memref_squeeze %dma_start3A_27 : memref<1x196x128xi32, #tpu.memory_space<hbm>> -> memref<196x128xi32, #tpu.memory_space<hbm>>
      tpu.enqueue_dma source(%dma_start3A_28 : memref<196x128xi32, #tpu.memory_space<hbm>>) target(%arg6 : memref<196x128xi32, #tpu.memory_space<vmem>>) target_semaphore(%run_scoped3A : memref<!tpu.dma_semaphore, #tpu.memory_space<semaphore_mem>>)
      %dma_wait3A = arith.constant 0 : i32
      %dma_wait3A_29 = arith.constant 0 : i32
      %dma_wait3A_30 = tpu.memref_slice %arg3[%add3A, %dma_wait3A, %dma_wait3A_29] : memref<32x196x128xi32, #tpu.memory_space<hbm>> -> memref<1x196x128xi32, #tpu.memory_space<hbm>>
      %dma_wait3A_31 = tpu.memref_squeeze %dma_wait3A_30 : memref<1x196x128xi32, #tpu.memory_space<hbm>> -> memref<196x128xi32, #tpu.memory_space<hbm>>
      %dma_wait3A_32 = arith.constant 0 : i32
      %dma_wait3A_33 = arith.constant 0 : i32
      %dma_wait3A_34 = tpu.memref_slice %arg3[%add3A, %dma_wait3A_32, %dma_wait3A_33] : memref<32x196x128xi32, #tpu.memory_space<hbm>> -> memref<1x196x128xi32, #tpu.memory_space<hbm>>
      %dma_wait3A_35 = tpu.memref_squeeze %dma_wait3A_34 : memref<1x196x128xi32, #tpu.memory_space<hbm>> -> memref<196x128xi32, #tpu.memory_space<hbm>>
      tpu.wait_dma2 semaphore(%run_scoped3A : memref<!tpu.dma_semaphore, #tpu.memory_space<semaphore_mem>>) src(%dma_wait3A_35 : memref<196x128xi32, #tpu.memory_space<hbm>>) dst(%arg6 : memref<196x128xi32, #tpu.memory_space<vmem>>)
      tpu.yield
    }) : () -> ()
    "tpu.region"() ({
      %run_scoped3A = tpu.sem_alloc : memref<!tpu.dma_semaphore, #tpu.memory_space<semaphore_mem>>
      %dma_start3A = arith.constant 0 : i32
      %dma_start3A_22 = arith.constant 0 : i32
      %dma_start3A_23 = tpu.memref_slice %arg4[%add3A, %dma_start3A, %dma_start3A_22] : memref<32x196x128xi32, #tpu.memory_space<hbm>> -> memref<1x196x128xi32, #tpu.memory_space<hbm>>
      %dma_start3A_24 = tpu.memref_squeeze %dma_start3A_23 : memref<1x196x128xi32, #tpu.memory_space<hbm>> -> memref<196x128xi32, #tpu.memory_space<hbm>>
      %dma_start3A_25 = arith.constant 0 : i32
      %dma_start3A_26 = arith.constant 0 : i32
      %dma_start3A_27 = tpu.memref_slice %arg4[%add3A, %dma_start3A_25, %dma_start3A_26] : memref<32x196x128xi32, #tpu.memory_space<hbm>> -> memref<1x196x128xi32, #tpu.memory_space<hbm>>
      %dma_start3A_28 = tpu.memref_squeeze %dma_start3A_27 : memref<1x196x128xi32, #tpu.memory_space<hbm>> -> memref<196x128xi32, #tpu.memory_space<hbm>>
      tpu.enqueue_dma source(%dma_start3A_28 : memref<196x128xi32, #tpu.memory_space<hbm>>) target(%arg7 : memref<196x128xi32, #tpu.memory_space<vmem>>) target_semaphore(%run_scoped3A : memref<!tpu.dma_semaphore, #tpu.memory_space<semaphore_mem>>)
      %dma_wait3A = arith.constant 0 : i32
      %dma_wait3A_29 = arith.constant 0 : i32
      %dma_wait3A_30 = tpu.memref_slice %arg4[%add3A, %dma_wait3A, %dma_wait3A_29] : memref<32x196x128xi32, #tpu.memory_space<hbm>> -> memref<1x196x128xi32, #tpu.memory_space<hbm>>
      %dma_wait3A_31 = tpu.memref_squeeze %dma_wait3A_30 : memref<1x196x128xi32, #tpu.memory_space<hbm>> -> memref<196x128xi32, #tpu.memory_space<hbm>>
      %dma_wait3A_32 = arith.constant 0 : i32
      %dma_wait3A_33 = arith.constant 0 : i32
      %dma_wait3A_34 = tpu.memref_slice %arg4[%add3A, %dma_wait3A_32, %dma_wait3A_33] : memref<32x196x128xi32, #tpu.memory_space<hbm>> -> memref<1x196x128xi32, #tpu.memory_space<hbm>>
      %dma_wait3A_35 = tpu.memref_squeeze %dma_wait3A_34 : memref<1x196x128xi32, #tpu.memory_space<hbm>> -> memref<196x128xi32, #tpu.memory_space<hbm>>
      tpu.wait_dma2 semaphore(%run_scoped3A : memref<!tpu.dma_semaphore, #tpu.memory_space<semaphore_mem>>) src(%dma_wait3A_35 : memref<196x128xi32, #tpu.memory_space<hbm>>) dst(%arg7 : memref<196x128xi32, #tpu.memory_space<vmem>>)
      tpu.yield
    }) : () -> ()
    %barrier3A = arith.constant 0 : index
    tpu.barrier barrier_id(%barrier3A)
    %scan3A_14 = arith.constant 0 : i32
    %scan3A_15 = arith.constant 196 : i32
    %scan3A_16 = arith.addi %scan3A_14, %scan3A_15 : i32
    %scan3A_17 = arith.constant 1 : i32
    scf.for %scan3A_22 = %scan3A_14 to %scan3A_16 step %scan3A_17  : i32 {
      %mul3A_23 = arith.constant 1 : i32
      %mul3A_24 = arith.muli %scan3A_22, %mul3A_23 : i32
      %add3A_25 = arith.constant 0 : i32
      %add3A_26 = arith.addi %add3A_25, %mul3A_24 : i32
      %dma_start3A = arith.constant 0 : i32
      %dma_start3A_27 = tpu.memref_slice %arg6[%add3A_26, %dma_start3A] : memref<196x128xi32, #tpu.memory_space<vmem>> -> memref<1x128xi32, #tpu.memory_space<vmem>>
      %dma_start3A_28 = tpu.memref_squeeze %dma_start3A_27 : memref<1x128xi32, #tpu.memory_space<vmem>> -> memref<128xi32, #tpu.memory_space<vmem>>
      %dma_start3A_29 = arith.constant 0 : i32
      %dma_start3A_30 = arith.constant 0 : i32
      %dma_start3A_31 = tpu.memref_slice %arg2[%dma_start3A_29, %dma_start3A_30] : memref<50000x16xf32, #tpu.memory_space<hbm>> -> memref<50000x16xf32, #tpu.memory_space<hbm>>
      tpu.enqueue_indirect_dma source(%dma_start3A_31 : memref<50000x16xf32, #tpu.memory_space<hbm>>) target(%arg8 : memref<128x16xf32, #tpu.memory_space<vmem>>) offsets(%dma_start3A_28 : memref<128xi32, #tpu.memory_space<vmem>>) semaphore(%arg11 : memref<!tpu.dma_semaphore, #tpu.memory_space<semaphore_mem>>)
      %dma_wait3A = arith.constant 0 : i32
      %dma_wait3A_32 = tpu.memref_slice %arg6[%add3A_26, %dma_wait3A] : memref<196x128xi32, #tpu.memory_space<vmem>> -> memref<1x128xi32, #tpu.memory_space<vmem>>
      %dma_wait3A_33 = tpu.memref_squeeze %dma_wait3A_32 : memref<1x128xi32, #tpu.memory_space<vmem>> -> memref<128xi32, #tpu.memory_space<vmem>>
      %dma_wait3A_34 = arith.constant 0 : i32
      %dma_wait3A_35 = arith.constant 0 : i32
      %dma_wait3A_36 = tpu.memref_slice %arg2[%dma_wait3A_34, %dma_wait3A_35] : memref<50000x16xf32, #tpu.memory_space<hbm>> -> memref<50000x16xf32, #tpu.memory_space<hbm>>
      tpu.wait_indirect_dma semaphore(%arg11 : memref<!tpu.dma_semaphore, #tpu.memory_space<semaphore_mem>>) src(%dma_wait3A_36 : memref<50000x16xf32, #tpu.memory_space<hbm>>) dst(%arg8 : memref<128x16xf32, #tpu.memory_space<vmem>>)
      "tpu.region"() ({
        %run_scoped3A = tpu.sem_alloc : memref<!tpu.dma_semaphore, #tpu.memory_space<semaphore_mem>>
        %dma_start3A_37 = arith.constant 0 : i32
        %dma_start3A_38 = tpu.memref_slice %arg7[%add3A_26, %dma_start3A_37] : memref<196x128xi32, #tpu.memory_space<vmem>> -> memref<1x128xi32, #tpu.memory_space<vmem>>
        %dma_start3A_39 = tpu.memref_squeeze %dma_start3A_38 : memref<1x128xi32, #tpu.memory_space<vmem>> -> memref<128xi32, #tpu.memory_space<vmem>>
        %dma_start3A_40 = arith.constant 0 : i32
        %dma_start3A_41 = arith.constant 0 : i32
        %dma_start3A_42 = tpu.memref_slice %arg10[%dma_start3A_40, %dma_start3A_41] : memref<50048x16xf32, #tpu.memory_space<vmem_shared>> -> memref<50048x16xf32, #tpu.memory_space<vmem_shared>>
        tpu.enqueue_indirect_dma source(%arg8 : memref<128x16xf32, #tpu.memory_space<vmem>>) target(%dma_start3A_42 : memref<50048x16xf32, #tpu.memory_space<vmem_shared>>) offsets(%dma_start3A_39 : memref<128xi32, #tpu.memory_space<vmem>>) semaphore(%run_scoped3A : memref<!tpu.dma_semaphore, #tpu.memory_space<semaphore_mem>>) {add = true}
        %dma_wait3A_43 = arith.constant 0 : i32
        %dma_wait3A_44 = tpu.memref_slice %arg7[%add3A_26, %dma_wait3A_43] : memref<196x128xi32, #tpu.memory_space<vmem>> -> memref<1x128xi32, #tpu.memory_space<vmem>>
        %dma_wait3A_45 = tpu.memref_squeeze %dma_wait3A_44 : memref<1x128xi32, #tpu.memory_space<vmem>> -> memref<128xi32, #tpu.memory_space<vmem>>
        %dma_wait3A_46 = arith.constant 0 : i32
        %dma_wait3A_47 = arith.constant 0 : i32
        %dma_wait3A_48 = tpu.memref_slice %arg10[%dma_wait3A_46, %dma_wait3A_47] : memref<50048x16xf32, #tpu.memory_space<vmem_shared>> -> memref<50048x16xf32, #tpu.memory_space<vmem_shared>>
        tpu.wait_indirect_dma semaphore(%run_scoped3A : memref<!tpu.dma_semaphore, #tpu.memory_space<semaphore_mem>>) src(%arg8 : memref<128x16xf32, #tpu.memory_space<vmem>>) dst(%dma_wait3A_48 : memref<50048x16xf32, #tpu.memory_space<vmem_shared>>)
        tpu.yield
      }) : () -> ()
    }
    %scan3A_18 = arith.constant 196 : i32
    %barrier3A_19 = arith.constant 0 : index
    tpu.barrier barrier_id(%barrier3A_19)
    %mul3A_20 = arith.constant 3128 : i32
    %mul3A_21 = arith.muli %arg1, %mul3A_20 : i32
    "tpu.region"() ({
      %run_scoped3A = tpu.sem_alloc : memref<!tpu.dma_semaphore, #tpu.memory_space<semaphore_mem>>
      %dma_start3A = arith.constant 0 : i32
      %dma_start3A_22 = tpu.memref_slice %arg5[%arg0, %mul3A_21, %dma_start3A] : memref<2x50048x16xf32, #tpu.memory_space<hbm>> -> memref<1x3128x16xf32, #tpu.memory_space<hbm>>
      %dma_start3A_23 = tpu.memref_squeeze %dma_start3A_22 : memref<1x3128x16xf32, #tpu.memory_space<hbm>> -> memref<3128x16xf32, #tpu.memory_space<hbm>>
      %dma_start3A_24 = arith.constant 0 : i32
      %dma_start3A_25 = tpu.memref_slice %arg10[%mul3A_21, %dma_start3A_24] : memref<50048x16xf32, #tpu.memory_space<vmem_shared>> -> memref<3128x16xf32, #tpu.memory_space<vmem_shared>>
      tpu.enqueue_dma source(%dma_start3A_25 : memref<3128x16xf32, #tpu.memory_space<vmem_shared>>) target(%dma_start3A_23 : memref<3128x16xf32, #tpu.memory_space<hbm>>) target_semaphore(%run_scoped3A : memref<!tpu.dma_semaphore, #tpu.memory_space<semaphore_mem>>)
      %dma_wait3A = arith.constant 0 : i32
      %dma_wait3A_26 = tpu.memref_slice %arg5[%arg0, %mul3A_21, %dma_wait3A] : memref<2x50048x16xf32, #tpu.memory_space<hbm>> -> memref<1x3128x16xf32, #tpu.memory_space<hbm>>
      %dma_wait3A_27 = tpu.memref_squeeze %dma_wait3A_26 : memref<1x3128x16xf32, #tpu.memory_space<hbm>> -> memref<3128x16xf32, #tpu.memory_space<hbm>>
      %dma_wait3A_28 = arith.constant 0 : i32
      %dma_wait3A_29 = tpu.memref_slice %arg10[%mul3A_21, %dma_wait3A_28] : memref<50048x16xf32, #tpu.memory_space<vmem_shared>> -> memref<3128x16xf32, #tpu.memory_space<vmem_shared>>
      tpu.wait_dma2 semaphore(%run_scoped3A : memref<!tpu.dma_semaphore, #tpu.memory_space<semaphore_mem>>) src(%dma_wait3A_29 : memref<3128x16xf32, #tpu.memory_space<vmem_shared>>) dst(%dma_wait3A_27 : memref<3128x16xf32, #tpu.memory_space<hbm>>)
      tpu.yield
    }) : () -> ()
    return
  }
}

#map = affine_map<(d0, d1) -> (0, 0, 0)>
module attributes {stable_mosaic.version = 14 : i64} {
  func.func @deg_kernel(%arg0: i32, %arg1: i32, %arg2: memref<32x196x128xi32, #tpu.memory_space<hbm>>, %arg3: memref<2x50048x16xf32, #tpu.memory_space<hbm>>, %arg4: memref<196x128xi32, #tpu.memory_space<vmem>>, %arg5: memref<128x16xf32, #tpu.memory_space<vmem>>, %arg6: memref<128x16xf32, #tpu.memory_space<vmem>>, %arg7: memref<50048x16xf32, #tpu.memory_space<vmem_shared>>) attributes {dimension_semantics = [#tpu.dimension_semantics<core_parallel>, #tpu.dimension_semantics<subcore_parallel>], iteration_bounds = array<i64: 2, 16>, scalar_prefetch = 0 : i64, scratch_operands = 4 : i64, tpu.core_type = #tpu.core_type<sc_vector_subcore>, window_params = [{transform_indices = #map}, {transform_indices = #map}]} {
    %mul3A = arith.constant 2 : i32
    %mul3A_0 = arith.muli %arg1, %mul3A : i32
    %add3A = arith.addi %mul3A_0, %arg0 : i32
    %scan3A = arith.constant 0 : i32
    %scan3A_1 = arith.constant 128 : i32
    %scan3A_2 = arith.addi %scan3A, %scan3A_1 : i32
    %scan3A_3 = arith.constant 1 : i32
    scf.for %scan3A_27 = %scan3A to %scan3A_2 step %scan3A_3  : i32 {
      %mul3A_28 = arith.constant 1 : i32
      %mul3A_29 = arith.muli %scan3A_27, %mul3A_28 : i32
      %add3A_30 = arith.constant 0 : i32
      %add3A_31 = arith.addi %add3A_30, %mul3A_29 : i32
      %broadcast_in_dim3A = arith.constant 0.000000e+00 : f32
      %broadcast_in_dim3A_32 = vector.broadcast %broadcast_in_dim3A : f32 to vector<16xf32>
      %swap3A = arith.index_cast %add3A_31 : i32 to index
      %swap3A_33 = arith.constant 0 : index
      %swap3A_34 = tpu.vector_load %arg6[%swap3A, %swap3A_33] {strides = array<i32>} : memref<128x16xf32, #tpu.memory_space<vmem>>, vector<1x16xf32>,
      %swap3A_35 = vector.shape_cast %swap3A_34 : vector<1x16xf32> to vector<16xf32>
      %swap3A_36 = vector.shape_cast %broadcast_in_dim3A_32 : vector<16xf32> to vector<1x16xf32>
      tpu.vector_store %arg6[%swap3A, %swap3A_33], %swap3A_36 {strides = array<i32>} : memref<128x16xf32, #tpu.memory_space<vmem>>, vector<1x16xf32>,
    }
    %scan3A_4 = arith.constant 128 : i32
    %mul3A_5 = arith.constant 3128 : i32
    %mul3A_6 = arith.muli %arg1, %mul3A_5 : i32
    %scan3A_7 = arith.constant 0 : i32
    %scan3A_8 = arith.constant 24 : i32
    %scan3A_9 = arith.addi %scan3A_7, %scan3A_8 : i32
    %scan3A_10 = arith.constant 1 : i32
    scf.for %scan3A_27 = %scan3A_7 to %scan3A_9 step %scan3A_10  : i32 {
      %mul3A_28 = arith.constant 1 : i32
      %mul3A_29 = arith.muli %scan3A_27, %mul3A_28 : i32
      %add3A_30 = arith.constant 0 : i32
      %add3A_31 = arith.addi %add3A_30, %mul3A_29 : i32
      %mul3A_32 = arith.constant 128 : i32
      %mul3A_33 = arith.muli %add3A_31, %mul3A_32 : i32
      %add3A_34 = arith.addi %mul3A_6, %mul3A_33 : i32
      "tpu.region"() ({
        %run_scoped3A = tpu.sem_alloc : memref<!tpu.dma_semaphore, #tpu.memory_space<semaphore_mem>>
        %dma_start3A = arith.constant 0 : i32
        %dma_start3A_35 = tpu.memref_slice %arg7[%add3A_34, %dma_start3A] : memref<50048x16xf32, #tpu.memory_space<vmem_shared>> -> memref<128x16xf32, #tpu.memory_space<vmem_shared>>
        %dma_start3A_36 = arith.constant 0 : i32
        %dma_start3A_37 = tpu.memref_slice %arg7[%add3A_34, %dma_start3A_36] : memref<50048x16xf32, #tpu.memory_space<vmem_shared>> -> memref<128x16xf32, #tpu.memory_space<vmem_shared>>
        tpu.enqueue_dma source(%arg6 : memref<128x16xf32, #tpu.memory_space<vmem>>) target(%dma_start3A_37 : memref<128x16xf32, #tpu.memory_space<vmem_shared>>) target_semaphore(%run_scoped3A : memref<!tpu.dma_semaphore, #tpu.memory_space<semaphore_mem>>)
        %dma_wait3A = arith.constant 0 : i32
        %dma_wait3A_38 = tpu.memref_slice %arg7[%add3A_34, %dma_wait3A] : memref<50048x16xf32, #tpu.memory_space<vmem_shared>> -> memref<128x16xf32, #tpu.memory_space<vmem_shared>>
        %dma_wait3A_39 = arith.constant 0 : i32
        %dma_wait3A_40 = tpu.memref_slice %arg7[%add3A_34, %dma_wait3A_39] : memref<50048x16xf32, #tpu.memory_space<vmem_shared>> -> memref<128x16xf32, #tpu.memory_space<vmem_shared>>
        tpu.wait_dma2 semaphore(%run_scoped3A : memref<!tpu.dma_semaphore, #tpu.memory_space<semaphore_mem>>) src(%arg6 : memref<128x16xf32, #tpu.memory_space<vmem>>) dst(%dma_wait3A_40 : memref<128x16xf32, #tpu.memory_space<vmem_shared>>)
        tpu.yield
      }) : () -> ()
    }
    %scan3A_11 = arith.constant 24 : i32
    %add3A_12 = arith.constant 3072 : i32
    %add3A_13 = arith.addi %mul3A_6, %add3A_12 : i32
    "tpu.region"() ({
      %run_scoped3A = tpu.sem_alloc : memref<!tpu.dma_semaphore, #tpu.memory_space<semaphore_mem>>
      %dma_start3A = arith.constant 0 : i32
      %dma_start3A_27 = arith.constant 0 : i32
      %dma_start3A_28 = tpu.memref_slice %arg6[%dma_start3A, %dma_start3A_27] : memref<128x16xf32, #tpu.memory_space<vmem>> -> memref<56x16xf32, #tpu.memory_space<vmem>>
      %dma_start3A_29 = arith.constant 0 : i32
      %dma_start3A_30 = tpu.memref_slice %arg7[%add3A_13, %dma_start3A_29] : memref<50048x16xf32, #tpu.memory_space<vmem_shared>> -> memref<56x16xf32, #tpu.memory_space<vmem_shared>>
      %dma_start3A_31 = arith.constant 0 : i32
      %dma_start3A_32 = tpu.memref_slice %arg7[%add3A_13, %dma_start3A_31] : memref<50048x16xf32, #tpu.memory_space<vmem_shared>> -> memref<56x16xf32, #tpu.memory_space<vmem_shared>>
      %dma_start3A_33 = arith.constant 0 : i32
      %dma_start3A_34 = arith.constant 0 : i32
      %dma_start3A_35 = tpu.memref_slice %arg6[%dma_start3A_33, %dma_start3A_34] : memref<128x16xf32, #tpu.memory_space<vmem>> -> memref<56x16xf32, #tpu.memory_space<vmem>>
      tpu.enqueue_dma source(%dma_start3A_35 : memref<56x16xf32, #tpu.memory_space<vmem>>) target(%dma_start3A_32 : memref<56x16xf32, #tpu.memory_space<vmem_shared>>) target_semaphore(%run_scoped3A : memref<!tpu.dma_semaphore, #tpu.memory_space<semaphore_mem>>)
      %dma_wait3A = arith.constant 0 : i32
      %dma_wait3A_36 = arith.constant 0 : i32
      %dma_wait3A_37 = tpu.memref_slice %arg6[%dma_wait3A, %dma_wait3A_36] : memref<128x16xf32, #tpu.memory_space<vmem>> -> memref<56x16xf32, #tpu.memory_space<vmem>>
      %dma_wait3A_38 = arith.constant 0 : i32
      %dma_wait3A_39 = tpu.memref_slice %arg7[%add3A_13, %dma_wait3A_38] : memref<50048x16xf32, #tpu.memory_space<vmem_shared>> -> memref<56x16xf32, #tpu.memory_space<vmem_shared>>
      %dma_wait3A_40 = arith.constant 0 : i32
      %dma_wait3A_41 = tpu.memref_slice %arg7[%add3A_13, %dma_wait3A_40] : memref<50048x16xf32, #tpu.memory_space<vmem_shared>> -> memref<56x16xf32, #tpu.memory_space<vmem_shared>>
      %dma_wait3A_42 = arith.constant 0 : i32
      %dma_wait3A_43 = arith.constant 0 : i32
      %dma_wait3A_44 = tpu.memref_slice %arg6[%dma_wait3A_42, %dma_wait3A_43] : memref<128x16xf32, #tpu.memory_space<vmem>> -> memref<56x16xf32, #tpu.memory_space<vmem>>
      tpu.wait_dma2 semaphore(%run_scoped3A : memref<!tpu.dma_semaphore, #tpu.memory_space<semaphore_mem>>) src(%dma_wait3A_44 : memref<56x16xf32, #tpu.memory_space<vmem>>) dst(%dma_wait3A_41 : memref<56x16xf32, #tpu.memory_space<vmem_shared>>)
      tpu.yield
    }) : () -> ()
    %scan3A_14 = arith.constant 0 : i32
    %scan3A_15 = arith.constant 128 : i32
    %scan3A_16 = arith.addi %scan3A_14, %scan3A_15 : i32
    %scan3A_17 = arith.constant 1 : i32
    scf.for %scan3A_27 = %scan3A_14 to %scan3A_16 step %scan3A_17  : i32 {
      %mul3A_28 = arith.constant 1 : i32
      %mul3A_29 = arith.muli %scan3A_27, %mul3A_28 : i32
      %add3A_30 = arith.constant 0 : i32
      %add3A_31 = arith.addi %add3A_30, %mul3A_29 : i32
      %broadcast_in_dim3A = arith.constant 1.000000e+00 : f32
      %broadcast_in_dim3A_32 = vector.broadcast %broadcast_in_dim3A : f32 to vector<16xf32>
      %swap3A = arith.index_cast %add3A_31 : i32 to index
      %swap3A_33 = arith.constant 0 : index
      %swap3A_34 = tpu.vector_load %arg5[%swap3A, %swap3A_33] {strides = array<i32>} : memref<128x16xf32, #tpu.memory_space<vmem>>, vector<1x16xf32>,
      %swap3A_35 = vector.shape_cast %swap3A_34 : vector<1x16xf32> to vector<16xf32>
      %swap3A_36 = vector.shape_cast %broadcast_in_dim3A_32 : vector<16xf32> to vector<1x16xf32>
      tpu.vector_store %arg5[%swap3A, %swap3A_33], %swap3A_36 {strides = array<i32>} : memref<128x16xf32, #tpu.memory_space<vmem>>, vector<1x16xf32>,
    }
    %scan3A_18 = arith.constant 128 : i32
    "tpu.region"() ({
      %run_scoped3A = tpu.sem_alloc : memref<!tpu.dma_semaphore, #tpu.memory_space<semaphore_mem>>
      %dma_start3A = arith.constant 0 : i32
      %dma_start3A_27 = arith.constant 0 : i32
      %dma_start3A_28 = tpu.memref_slice %arg2[%add3A, %dma_start3A, %dma_start3A_27] : memref<32x196x128xi32, #tpu.memory_space<hbm>> -> memref<1x196x128xi32, #tpu.memory_space<hbm>>
      %dma_start3A_29 = tpu.memref_squeeze %dma_start3A_28 : memref<1x196x128xi32, #tpu.memory_space<hbm>> -> memref<196x128xi32, #tpu.memory_space<hbm>>
      %dma_start3A_30 = arith.constant 0 : i32
      %dma_start3A_31 = arith.constant 0 : i32
      %dma_start3A_32 = tpu.memref_slice %arg2[%add3A, %dma_start3A_30, %dma_start3A_31] : memref<32x196x128xi32, #tpu.memory_space<hbm>> -> memref<1x196x128xi32, #tpu.memory_space<hbm>>
      %dma_start3A_33 = tpu.memref_squeeze %dma_start3A_32 : memref<1x196x128xi32, #tpu.memory_space<hbm>> -> memref<196x128xi32, #tpu.memory_space<hbm>>
      tpu.enqueue_dma source(%dma_start3A_33 : memref<196x128xi32, #tpu.memory_space<hbm>>) target(%arg4 : memref<196x128xi32, #tpu.memory_space<vmem>>) target_semaphore(%run_scoped3A : memref<!tpu.dma_semaphore, #tpu.memory_space<semaphore_mem>>)
      %dma_wait3A = arith.constant 0 : i32
      %dma_wait3A_34 = arith.constant 0 : i32
      %dma_wait3A_35 = tpu.memref_slice %arg2[%add3A, %dma_wait3A, %dma_wait3A_34] : memref<32x196x128xi32, #tpu.memory_space<hbm>> -> memref<1x196x128xi32, #tpu.memory_space<hbm>>
      %dma_wait3A_36 = tpu.memref_squeeze %dma_wait3A_35 : memref<1x196x128xi32, #tpu.memory_space<hbm>> -> memref<196x128xi32, #tpu.memory_space<hbm>>
      %dma_wait3A_37 = arith.constant 0 : i32
      %dma_wait3A_38 = arith.constant 0 : i32
      %dma_wait3A_39 = tpu.memref_slice %arg2[%add3A, %dma_wait3A_37, %dma_wait3A_38] : memref<32x196x128xi32, #tpu.memory_space<hbm>> -> memref<1x196x128xi32, #tpu.memory_space<hbm>>
      %dma_wait3A_40 = tpu.memref_squeeze %dma_wait3A_39 : memref<1x196x128xi32, #tpu.memory_space<hbm>> -> memref<196x128xi32, #tpu.memory_space<hbm>>
      tpu.wait_dma2 semaphore(%run_scoped3A : memref<!tpu.dma_semaphore, #tpu.memory_space<semaphore_mem>>) src(%dma_wait3A_40 : memref<196x128xi32, #tpu.memory_space<hbm>>) dst(%arg4 : memref<196x128xi32, #tpu.memory_space<vmem>>)
      tpu.yield
    }) : () -> ()
    %barrier3A = arith.constant 0 : index
    tpu.barrier barrier_id(%barrier3A)
    %scan3A_19 = arith.constant 0 : i32
    %scan3A_20 = arith.constant 196 : i32
    %scan3A_21 = arith.addi %scan3A_19, %scan3A_20 : i32
    %scan3A_22 = arith.constant 1 : i32
    scf.for %scan3A_27 = %scan3A_19 to %scan3A_21 step %scan3A_22  : i32 {
      %mul3A_28 = arith.constant 1 : i32
      %mul3A_29 = arith.muli %scan3A_27, %mul3A_28 : i32
      %add3A_30 = arith.constant 0 : i32
      %add3A_31 = arith.addi %add3A_30, %mul3A_29 : i32
      "tpu.region"() ({
        %run_scoped3A = tpu.sem_alloc : memref<!tpu.dma_semaphore, #tpu.memory_space<semaphore_mem>>
        %dma_start3A = arith.constant 0 : i32
        %dma_start3A_32 = tpu.memref_slice %arg4[%add3A_31, %dma_start3A] : memref<196x128xi32, #tpu.memory_space<vmem>> -> memref<1x128xi32, #tpu.memory_space<vmem>>
        %dma_start3A_33 = tpu.memref_squeeze %dma_start3A_32 : memref<1x128xi32, #tpu.memory_space<vmem>> -> memref<128xi32, #tpu.memory_space<vmem>>
        %dma_start3A_34 = arith.constant 0 : i32
        %dma_start3A_35 = arith.constant 0 : i32
        %dma_start3A_36 = tpu.memref_slice %arg7[%dma_start3A_34, %dma_start3A_35] : memref<50048x16xf32, #tpu.memory_space<vmem_shared>> -> memref<50048x16xf32, #tpu.memory_space<vmem_shared>>
        tpu.enqueue_indirect_dma source(%arg5 : memref<128x16xf32, #tpu.memory_space<vmem>>) target(%dma_start3A_36 : memref<50048x16xf32, #tpu.memory_space<vmem_shared>>) offsets(%dma_start3A_33 : memref<128xi32, #tpu.memory_space<vmem>>) semaphore(%run_scoped3A : memref<!tpu.dma_semaphore, #tpu.memory_space<semaphore_mem>>) {add = true}
        %dma_wait3A = arith.constant 0 : i32
        %dma_wait3A_37 = tpu.memref_slice %arg4[%add3A_31, %dma_wait3A] : memref<196x128xi32, #tpu.memory_space<vmem>> -> memref<1x128xi32, #tpu.memory_space<vmem>>
        %dma_wait3A_38 = tpu.memref_squeeze %dma_wait3A_37 : memref<1x128xi32, #tpu.memory_space<vmem>> -> memref<128xi32, #tpu.memory_space<vmem>>
        %dma_wait3A_39 = arith.constant 0 : i32
        %dma_wait3A_40 = arith.constant 0 : i32
        %dma_wait3A_41 = tpu.memref_slice %arg7[%dma_wait3A_39, %dma_wait3A_40] : memref<50048x16xf32, #tpu.memory_space<vmem_shared>> -> memref<50048x16xf32, #tpu.memory_space<vmem_shared>>
        tpu.wait_indirect_dma semaphore(%run_scoped3A : memref<!tpu.dma_semaphore, #tpu.memory_space<semaphore_mem>>) src(%arg5 : memref<128x16xf32, #tpu.memory_space<vmem>>) dst(%dma_wait3A_41 : memref<50048x16xf32, #tpu.memory_space<vmem_shared>>)
        tpu.yield
      }) : () -> ()
    }
    %scan3A_23 = arith.constant 196 : i32
    %barrier3A_24 = arith.constant 0 : index
    tpu.barrier barrier_id(%barrier3A_24)
    %mul3A_25 = arith.constant 3128 : i32
    %mul3A_26 = arith.muli %arg1, %mul3A_25 : i32
    "tpu.region"() ({
      %run_scoped3A = tpu.sem_alloc : memref<!tpu.dma_semaphore, #tpu.memory_space<semaphore_mem>>
      %dma_start3A = arith.constant 0 : i32
      %dma_start3A_27 = tpu.memref_slice %arg3[%arg0, %mul3A_26, %dma_start3A] : memref<2x50048x16xf32, #tpu.memory_space<hbm>> -> memref<1x3128x16xf32, #tpu.memory_space<hbm>>
      %dma_start3A_28 = tpu.memref_squeeze %dma_start3A_27 : memref<1x3128x16xf32, #tpu.memory_space<hbm>> -> memref<3128x16xf32, #tpu.memory_space<hbm>>
      %dma_start3A_29 = arith.constant 0 : i32
      %dma_start3A_30 = tpu.memref_slice %arg7[%mul3A_26, %dma_start3A_29] : memref<50048x16xf32, #tpu.memory_space<vmem_shared>> -> memref<3128x16xf32, #tpu.memory_space<vmem_shared>>
      tpu.enqueue_dma source(%dma_start3A_30 : memref<3128x16xf32, #tpu.memory_space<vmem_shared>>) target(%dma_start3A_28 : memref<3128x16xf32, #tpu.memory_space<hbm>>) target_semaphore(%run_scoped3A : memref<!tpu.dma_semaphore, #tpu.memory_space<semaphore_mem>>)
      %dma_wait3A = arith.constant 0 : i32
      %dma_wait3A_31 = tpu.memref_slice %arg3[%arg0, %mul3A_26, %dma_wait3A] : memref<2x50048x16xf32, #tpu.memory_space<hbm>> -> memref<1x3128x16xf32, #tpu.memory_space<hbm>>
      %dma_wait3A_32 = tpu.memref_squeeze %dma_wait3A_31 : memref<1x3128x16xf32, #tpu.memory_space<hbm>> -> memref<3128x16xf32, #tpu.memory_space<hbm>>
      %dma_wait3A_33 = arith.constant 0 : i32
      %dma_wait3A_34 = tpu.memref_slice %arg7[%mul3A_26, %dma_wait3A_33] : memref<50048x16xf32, #tpu.memory_space<vmem_shared>> -> memref<3128x16xf32, #tpu.memory_space<vmem_shared>>
      tpu.wait_dma2 semaphore(%run_scoped3A : memref<!tpu.dma_semaphore, #tpu.memory_space<semaphore_mem>>) src(%dma_wait3A_34 : memref<3128x16xf32, #tpu.memory_space<vmem_shared>>) dst(%dma_wait3A_32 : memref<3128x16xf32, #tpu.memory_space<hbm>>)
      tpu.yield
    }) : () -> ()
    return
  }
}

#map = affine_map<(d0, d1) -> (0, 0)>
#map1 = affine_map<(d0, d1) -> (0, 0, 0)>
module attributes {stable_mosaic.version = 14 : i64} {
  func.func @scatter_kernel(%arg0: i32, %arg1: i32, %arg2: memref<50000x16xf32, #tpu.memory_space<hbm>>, %arg3: memref<32x196x128xi32, #tpu.memory_space<hbm>>, %arg4: memref<32x196x128xi32, #tpu.memory_space<hbm>>, %arg5: memref<2x50048x16xf32, #tpu.memory_space<hbm>>, %arg6: memref<196x128xi32, #tpu.memory_space<vmem>>, %arg7: memref<196x128xi32, #tpu.memory_space<vmem>>, %arg8: memref<128x16xf32, #tpu.memory_space<vmem>>, %arg9: memref<128x16xf32, #tpu.memory_space<vmem>>, %arg10: memref<50048x16xf32, #tpu.memory_space<vmem_shared>>, %arg11: memref<!tpu.dma_semaphore, #tpu.memory_space<semaphore_mem>>) attributes {dimension_semantics = [#tpu.dimension_semantics<core_parallel>, #tpu.dimension_semantics<subcore_parallel>], iteration_bounds = array<i64: 2, 16>, scalar_prefetch = 0 : i64, scratch_operands = 6 : i64, tpu.core_type = #tpu.core_type<sc_vector_subcore>, window_params = [{transform_indices = #map}, {transform_indices = #map1}, {transform_indices = #map1}, {transform_indices = #map1}]} {
    %mul3A = arith.constant 2 : i32
    %mul3A_0 = arith.muli %arg1, %mul3A : i32
    %add3A = arith.addi %mul3A_0, %arg0 : i32
    %scan3A = arith.constant 0 : i32
    %scan3A_1 = arith.constant 128 : i32
    %scan3A_2 = arith.addi %scan3A, %scan3A_1 : i32
    %scan3A_3 = arith.constant 1 : i32
    scf.for %scan3A_22 = %scan3A to %scan3A_2 step %scan3A_3  : i32 {
      %mul3A_23 = arith.constant 1 : i32
      %mul3A_24 = arith.muli %scan3A_22, %mul3A_23 : i32
      %add3A_25 = arith.constant 0 : i32
      %add3A_26 = arith.addi %add3A_25, %mul3A_24 : i32
      %broadcast_in_dim3A = arith.constant 0.000000e+00 : f32
      %broadcast_in_dim3A_27 = vector.broadcast %broadcast_in_dim3A : f32 to vector<16xf32>
      %swap3A = arith.index_cast %add3A_26 : i32 to index
      %swap3A_28 = arith.constant 0 : index
      %swap3A_29 = tpu.vector_load %arg9[%swap3A, %swap3A_28] {strides = array<i32>} : memref<128x16xf32, #tpu.memory_space<vmem>>, vector<1x16xf32>,
      %swap3A_30 = vector.shape_cast %swap3A_29 : vector<1x16xf32> to vector<16xf32>
      %swap3A_31 = vector.shape_cast %broadcast_in_dim3A_27 : vector<16xf32> to vector<1x16xf32>
      tpu.vector_store %arg9[%swap3A, %swap3A_28], %swap3A_31 {strides = array<i32>} : memref<128x16xf32, #tpu.memory_space<vmem>>, vector<1x16xf32>,
    }
    %scan3A_4 = arith.constant 128 : i32
    %mul3A_5 = arith.constant 3128 : i32
    %mul3A_6 = arith.muli %arg1, %mul3A_5 : i32
    %scan3A_7 = arith.constant 0 : i32
    %scan3A_8 = arith.constant 24 : i32
    %scan3A_9 = arith.addi %scan3A_7, %scan3A_8 : i32
    %scan3A_10 = arith.constant 1 : i32
    scf.for %scan3A_22 = %scan3A_7 to %scan3A_9 step %scan3A_10  : i32 {
      %mul3A_23 = arith.constant 1 : i32
      %mul3A_24 = arith.muli %scan3A_22, %mul3A_23 : i32
      %add3A_25 = arith.constant 0 : i32
      %add3A_26 = arith.addi %add3A_25, %mul3A_24 : i32
      %mul3A_27 = arith.constant 128 : i32
      %mul3A_28 = arith.muli %add3A_26, %mul3A_27 : i32
      %add3A_29 = arith.addi %mul3A_6, %mul3A_28 : i32
      "tpu.region"() ({
        %run_scoped3A = tpu.sem_alloc : memref<!tpu.dma_semaphore, #tpu.memory_space<semaphore_mem>>
        %dma_start3A = arith.constant 0 : i32
        %dma_start3A_30 = tpu.memref_slice %arg10[%add3A_29, %dma_start3A] : memref<50048x16xf32, #tpu.memory_space<vmem_shared>> -> memref<128x16xf32, #tpu.memory_space<vmem_shared>>
        %dma_start3A_31 = arith.constant 0 : i32
        %dma_start3A_32 = tpu.memref_slice %arg10[%add3A_29, %dma_start3A_31] : memref<50048x16xf32, #tpu.memory_space<vmem_shared>> -> memref<128x16xf32, #tpu.memory_space<vmem_shared>>
        tpu.enqueue_dma source(%arg9 : memref<128x16xf32, #tpu.memory_space<vmem>>) target(%dma_start3A_32 : memref<128x16xf32, #tpu.memory_space<vmem_shared>>) target_semaphore(%run_scoped3A : memref<!tpu.dma_semaphore, #tpu.memory_space<semaphore_mem>>)
        %dma_wait3A = arith.constant 0 : i32
        %dma_wait3A_33 = tpu.memref_slice %arg10[%add3A_29, %dma_wait3A] : memref<50048x16xf32, #tpu.memory_space<vmem_shared>> -> memref<128x16xf32, #tpu.memory_space<vmem_shared>>
        %dma_wait3A_34 = arith.constant 0 : i32
        %dma_wait3A_35 = tpu.memref_slice %arg10[%add3A_29, %dma_wait3A_34] : memref<50048x16xf32, #tpu.memory_space<vmem_shared>> -> memref<128x16xf32, #tpu.memory_space<vmem_shared>>
        tpu.wait_dma2 semaphore(%run_scoped3A : memref<!tpu.dma_semaphore, #tpu.memory_space<semaphore_mem>>) src(%arg9 : memref<128x16xf32, #tpu.memory_space<vmem>>) dst(%dma_wait3A_35 : memref<128x16xf32, #tpu.memory_space<vmem_shared>>)
        tpu.yield
      }) : () -> ()
    }
    %scan3A_11 = arith.constant 24 : i32
    %add3A_12 = arith.constant 3072 : i32
    %add3A_13 = arith.addi %mul3A_6, %add3A_12 : i32
    "tpu.region"() ({
      %run_scoped3A = tpu.sem_alloc : memref<!tpu.dma_semaphore, #tpu.memory_space<semaphore_mem>>
      %dma_start3A = arith.constant 0 : i32
      %dma_start3A_22 = arith.constant 0 : i32
      %dma_start3A_23 = tpu.memref_slice %arg9[%dma_start3A, %dma_start3A_22] : memref<128x16xf32, #tpu.memory_space<vmem>> -> memref<56x16xf32, #tpu.memory_space<vmem>>
      %dma_start3A_24 = arith.constant 0 : i32
      %dma_start3A_25 = tpu.memref_slice %arg10[%add3A_13, %dma_start3A_24] : memref<50048x16xf32, #tpu.memory_space<vmem_shared>> -> memref<56x16xf32, #tpu.memory_space<vmem_shared>>
      %dma_start3A_26 = arith.constant 0 : i32
      %dma_start3A_27 = tpu.memref_slice %arg10[%add3A_13, %dma_start3A_26] : memref<50048x16xf32, #tpu.memory_space<vmem_shared>> -> memref<56x16xf32, #tpu.memory_space<vmem_shared>>
      %dma_start3A_28 = arith.constant 0 : i32
      %dma_start3A_29 = arith.constant 0 : i32
      %dma_start3A_30 = tpu.memref_slice %arg9[%dma_start3A_28, %dma_start3A_29] : memref<128x16xf32, #tpu.memory_space<vmem>> -> memref<56x16xf32, #tpu.memory_space<vmem>>
      tpu.enqueue_dma source(%dma_start3A_30 : memref<56x16xf32, #tpu.memory_space<vmem>>) target(%dma_start3A_27 : memref<56x16xf32, #tpu.memory_space<vmem_shared>>) target_semaphore(%run_scoped3A : memref<!tpu.dma_semaphore, #tpu.memory_space<semaphore_mem>>)
      %dma_wait3A = arith.constant 0 : i32
      %dma_wait3A_31 = arith.constant 0 : i32
      %dma_wait3A_32 = tpu.memref_slice %arg9[%dma_wait3A, %dma_wait3A_31] : memref<128x16xf32, #tpu.memory_space<vmem>> -> memref<56x16xf32, #tpu.memory_space<vmem>>
      %dma_wait3A_33 = arith.constant 0 : i32
      %dma_wait3A_34 = tpu.memref_slice %arg10[%add3A_13, %dma_wait3A_33] : memref<50048x16xf32, #tpu.memory_space<vmem_shared>> -> memref<56x16xf32, #tpu.memory_space<vmem_shared>>
      %dma_wait3A_35 = arith.constant 0 : i32
      %dma_wait3A_36 = tpu.memref_slice %arg10[%add3A_13, %dma_wait3A_35] : memref<50048x16xf32, #tpu.memory_space<vmem_shared>> -> memref<56x16xf32, #tpu.memory_space<vmem_shared>>
      %dma_wait3A_37 = arith.constant 0 : i32
      %dma_wait3A_38 = arith.constant 0 : i32
      %dma_wait3A_39 = tpu.memref_slice %arg9[%dma_wait3A_37, %dma_wait3A_38] : memref<128x16xf32, #tpu.memory_space<vmem>> -> memref<56x16xf32, #tpu.memory_space<vmem>>
      tpu.wait_dma2 semaphore(%run_scoped3A : memref<!tpu.dma_semaphore, #tpu.memory_space<semaphore_mem>>) src(%dma_wait3A_39 : memref<56x16xf32, #tpu.memory_space<vmem>>) dst(%dma_wait3A_36 : memref<56x16xf32, #tpu.memory_space<vmem_shared>>)
      tpu.yield
    }) : () -> ()
    "tpu.region"() ({
      %run_scoped3A = tpu.sem_alloc : memref<!tpu.dma_semaphore, #tpu.memory_space<semaphore_mem>>
      %dma_start3A = arith.constant 0 : i32
      %dma_start3A_22 = arith.constant 0 : i32
      %dma_start3A_23 = tpu.memref_slice %arg3[%add3A, %dma_start3A, %dma_start3A_22] : memref<32x196x128xi32, #tpu.memory_space<hbm>> -> memref<1x196x128xi32, #tpu.memory_space<hbm>>
      %dma_start3A_24 = tpu.memref_squeeze %dma_start3A_23 : memref<1x196x128xi32, #tpu.memory_space<hbm>> -> memref<196x128xi32, #tpu.memory_space<hbm>>
      %dma_start3A_25 = arith.constant 0 : i32
      %dma_start3A_26 = arith.constant 0 : i32
      %dma_start3A_27 = tpu.memref_slice %arg3[%add3A, %dma_start3A_25, %dma_start3A_26] : memref<32x196x128xi32, #tpu.memory_space<hbm>> -> memref<1x196x128xi32, #tpu.memory_space<hbm>>
      %dma_start3A_28 = tpu.memref_squeeze %dma_start3A_27 : memref<1x196x128xi32, #tpu.memory_space<hbm>> -> memref<196x128xi32, #tpu.memory_space<hbm>>
      tpu.enqueue_dma source(%dma_start3A_28 : memref<196x128xi32, #tpu.memory_space<hbm>>) target(%arg6 : memref<196x128xi32, #tpu.memory_space<vmem>>) target_semaphore(%run_scoped3A : memref<!tpu.dma_semaphore, #tpu.memory_space<semaphore_mem>>)
      %dma_wait3A = arith.constant 0 : i32
      %dma_wait3A_29 = arith.constant 0 : i32
      %dma_wait3A_30 = tpu.memref_slice %arg3[%add3A, %dma_wait3A, %dma_wait3A_29] : memref<32x196x128xi32, #tpu.memory_space<hbm>> -> memref<1x196x128xi32, #tpu.memory_space<hbm>>
      %dma_wait3A_31 = tpu.memref_squeeze %dma_wait3A_30 : memref<1x196x128xi32, #tpu.memory_space<hbm>> -> memref<196x128xi32, #tpu.memory_space<hbm>>
      %dma_wait3A_32 = arith.constant 0 : i32
      %dma_wait3A_33 = arith.constant 0 : i32
      %dma_wait3A_34 = tpu.memref_slice %arg3[%add3A, %dma_wait3A_32, %dma_wait3A_33] : memref<32x196x128xi32, #tpu.memory_space<hbm>> -> memref<1x196x128xi32, #tpu.memory_space<hbm>>
      %dma_wait3A_35 = tpu.memref_squeeze %dma_wait3A_34 : memref<1x196x128xi32, #tpu.memory_space<hbm>> -> memref<196x128xi32, #tpu.memory_space<hbm>>
      tpu.wait_dma2 semaphore(%run_scoped3A : memref<!tpu.dma_semaphore, #tpu.memory_space<semaphore_mem>>) src(%dma_wait3A_35 : memref<196x128xi32, #tpu.memory_space<hbm>>) dst(%arg6 : memref<196x128xi32, #tpu.memory_space<vmem>>)
      tpu.yield
    }) : () -> ()
    "tpu.region"() ({
      %run_scoped3A = tpu.sem_alloc : memref<!tpu.dma_semaphore, #tpu.memory_space<semaphore_mem>>
      %dma_start3A = arith.constant 0 : i32
      %dma_start3A_22 = arith.constant 0 : i32
      %dma_start3A_23 = tpu.memref_slice %arg4[%add3A, %dma_start3A, %dma_start3A_22] : memref<32x196x128xi32, #tpu.memory_space<hbm>> -> memref<1x196x128xi32, #tpu.memory_space<hbm>>
      %dma_start3A_24 = tpu.memref_squeeze %dma_start3A_23 : memref<1x196x128xi32, #tpu.memory_space<hbm>> -> memref<196x128xi32, #tpu.memory_space<hbm>>
      %dma_start3A_25 = arith.constant 0 : i32
      %dma_start3A_26 = arith.constant 0 : i32
      %dma_start3A_27 = tpu.memref_slice %arg4[%add3A, %dma_start3A_25, %dma_start3A_26] : memref<32x196x128xi32, #tpu.memory_space<hbm>> -> memref<1x196x128xi32, #tpu.memory_space<hbm>>
      %dma_start3A_28 = tpu.memref_squeeze %dma_start3A_27 : memref<1x196x128xi32, #tpu.memory_space<hbm>> -> memref<196x128xi32, #tpu.memory_space<hbm>>
      tpu.enqueue_dma source(%dma_start3A_28 : memref<196x128xi32, #tpu.memory_space<hbm>>) target(%arg7 : memref<196x128xi32, #tpu.memory_space<vmem>>) target_semaphore(%run_scoped3A : memref<!tpu.dma_semaphore, #tpu.memory_space<semaphore_mem>>)
      %dma_wait3A = arith.constant 0 : i32
      %dma_wait3A_29 = arith.constant 0 : i32
      %dma_wait3A_30 = tpu.memref_slice %arg4[%add3A, %dma_wait3A, %dma_wait3A_29] : memref<32x196x128xi32, #tpu.memory_space<hbm>> -> memref<1x196x128xi32, #tpu.memory_space<hbm>>
      %dma_wait3A_31 = tpu.memref_squeeze %dma_wait3A_30 : memref<1x196x128xi32, #tpu.memory_space<hbm>> -> memref<196x128xi32, #tpu.memory_space<hbm>>
      %dma_wait3A_32 = arith.constant 0 : i32
      %dma_wait3A_33 = arith.constant 0 : i32
      %dma_wait3A_34 = tpu.memref_slice %arg4[%add3A, %dma_wait3A_32, %dma_wait3A_33] : memref<32x196x128xi32, #tpu.memory_space<hbm>> -> memref<1x196x128xi32, #tpu.memory_space<hbm>>
      %dma_wait3A_35 = tpu.memref_squeeze %dma_wait3A_34 : memref<1x196x128xi32, #tpu.memory_space<hbm>> -> memref<196x128xi32, #tpu.memory_space<hbm>>
      tpu.wait_dma2 semaphore(%run_scoped3A : memref<!tpu.dma_semaphore, #tpu.memory_space<semaphore_mem>>) src(%dma_wait3A_35 : memref<196x128xi32, #tpu.memory_space<hbm>>) dst(%arg7 : memref<196x128xi32, #tpu.memory_space<vmem>>)
      tpu.yield
    }) : () -> ()
    %barrier3A = arith.constant 0 : index
    tpu.barrier barrier_id(%barrier3A)
    %scan3A_14 = arith.constant 0 : i32
    %scan3A_15 = arith.constant 196 : i32
    %scan3A_16 = arith.addi %scan3A_14, %scan3A_15 : i32
    %scan3A_17 = arith.constant 1 : i32
    scf.for %scan3A_22 = %scan3A_14 to %scan3A_16 step %scan3A_17  : i32 {
      %mul3A_23 = arith.constant 1 : i32
      %mul3A_24 = arith.muli %scan3A_22, %mul3A_23 : i32
      %add3A_25 = arith.constant 0 : i32
      %add3A_26 = arith.addi %add3A_25, %mul3A_24 : i32
      %dma_start3A = arith.constant 0 : i32
      %dma_start3A_27 = tpu.memref_slice %arg6[%add3A_26, %dma_start3A] : memref<196x128xi32, #tpu.memory_space<vmem>> -> memref<1x128xi32, #tpu.memory_space<vmem>>
      %dma_start3A_28 = tpu.memref_squeeze %dma_start3A_27 : memref<1x128xi32, #tpu.memory_space<vmem>> -> memref<128xi32, #tpu.memory_space<vmem>>
      %dma_start3A_29 = arith.constant 0 : i32
      %dma_start3A_30 = arith.constant 0 : i32
      %dma_start3A_31 = tpu.memref_slice %arg2[%dma_start3A_29, %dma_start3A_30] : memref<50000x16xf32, #tpu.memory_space<hbm>> -> memref<50000x16xf32, #tpu.memory_space<hbm>>
      tpu.enqueue_indirect_dma source(%dma_start3A_31 : memref<50000x16xf32, #tpu.memory_space<hbm>>) target(%arg8 : memref<128x16xf32, #tpu.memory_space<vmem>>) offsets(%dma_start3A_28 : memref<128xi32, #tpu.memory_space<vmem>>) semaphore(%arg11 : memref<!tpu.dma_semaphore, #tpu.memory_space<semaphore_mem>>)
      %dma_wait3A = arith.constant 0 : i32
      %dma_wait3A_32 = tpu.memref_slice %arg6[%add3A_26, %dma_wait3A] : memref<196x128xi32, #tpu.memory_space<vmem>> -> memref<1x128xi32, #tpu.memory_space<vmem>>
      %dma_wait3A_33 = tpu.memref_squeeze %dma_wait3A_32 : memref<1x128xi32, #tpu.memory_space<vmem>> -> memref<128xi32, #tpu.memory_space<vmem>>
      %dma_wait3A_34 = arith.constant 0 : i32
      %dma_wait3A_35 = arith.constant 0 : i32
      %dma_wait3A_36 = tpu.memref_slice %arg2[%dma_wait3A_34, %dma_wait3A_35] : memref<50000x16xf32, #tpu.memory_space<hbm>> -> memref<50000x16xf32, #tpu.memory_space<hbm>>
      tpu.wait_indirect_dma semaphore(%arg11 : memref<!tpu.dma_semaphore, #tpu.memory_space<semaphore_mem>>) src(%dma_wait3A_36 : memref<50000x16xf32, #tpu.memory_space<hbm>>) dst(%arg8 : memref<128x16xf32, #tpu.memory_space<vmem>>)
      "tpu.region"() ({
        %run_scoped3A = tpu.sem_alloc : memref<!tpu.dma_semaphore, #tpu.memory_space<semaphore_mem>>
        %dma_start3A_37 = arith.constant 0 : i32
        %dma_start3A_38 = tpu.memref_slice %arg7[%add3A_26, %dma_start3A_37] : memref<196x128xi32, #tpu.memory_space<vmem>> -> memref<1x128xi32, #tpu.memory_space<vmem>>
        %dma_start3A_39 = tpu.memref_squeeze %dma_start3A_38 : memref<1x128xi32, #tpu.memory_space<vmem>> -> memref<128xi32, #tpu.memory_space<vmem>>
        %dma_start3A_40 = arith.constant 0 : i32
        %dma_start3A_41 = arith.constant 0 : i32
        %dma_start3A_42 = tpu.memref_slice %arg10[%dma_start3A_40, %dma_start3A_41] : memref<50048x16xf32, #tpu.memory_space<vmem_shared>> -> memref<50048x16xf32, #tpu.memory_space<vmem_shared>>
        tpu.enqueue_indirect_dma source(%arg8 : memref<128x16xf32, #tpu.memory_space<vmem>>) target(%dma_start3A_42 : memref<50048x16xf32, #tpu.memory_space<vmem_shared>>) offsets(%dma_start3A_39 : memref<128xi32, #tpu.memory_space<vmem>>) semaphore(%run_scoped3A : memref<!tpu.dma_semaphore, #tpu.memory_space<semaphore_mem>>) {add = true}
        %dma_wait3A_43 = arith.constant 0 : i32
        %dma_wait3A_44 = tpu.memref_slice %arg7[%add3A_26, %dma_wait3A_43] : memref<196x128xi32, #tpu.memory_space<vmem>> -> memref<1x128xi32, #tpu.memory_space<vmem>>
        %dma_wait3A_45 = tpu.memref_squeeze %dma_wait3A_44 : memref<1x128xi32, #tpu.memory_space<vmem>> -> memref<128xi32, #tpu.memory_space<vmem>>
        %dma_wait3A_46 = arith.constant 0 : i32
        %dma_wait3A_47 = arith.constant 0 : i32
        %dma_wait3A_48 = tpu.memref_slice %arg10[%dma_wait3A_46, %dma_wait3A_47] : memref<50048x16xf32, #tpu.memory_space<vmem_shared>> -> memref<50048x16xf32, #tpu.memory_space<vmem_shared>>
        tpu.wait_indirect_dma semaphore(%run_scoped3A : memref<!tpu.dma_semaphore, #tpu.memory_space<semaphore_mem>>) src(%arg8 : memref<128x16xf32, #tpu.memory_space<vmem>>) dst(%dma_wait3A_48 : memref<50048x16xf32, #tpu.memory_space<vmem_shared>>)
        tpu.yield
      }) : () -> ()
    }
    %scan3A_18 = arith.constant 196 : i32
    %barrier3A_19 = arith.constant 0 : index
    tpu.barrier barrier_id(%barrier3A_19)
    %mul3A_20 = arith.constant 3128 : i32
    %mul3A_21 = arith.muli %arg1, %mul3A_20 : i32
    "tpu.region"() ({
      %run_scoped3A = tpu.sem_alloc : memref<!tpu.dma_semaphore, #tpu.memory_space<semaphore_mem>>
      %dma_start3A = arith.constant 0 : i32
      %dma_start3A_22 = tpu.memref_slice %arg5[%arg0, %mul3A_21, %dma_start3A] : memref<2x50048x16xf32, #tpu.memory_space<hbm>> -> memref<1x3128x16xf32, #tpu.memory_space<hbm>>
      %dma_start3A_23 = tpu.memref_squeeze %dma_start3A_22 : memref<1x3128x16xf32, #tpu.memory_space<hbm>> -> memref<3128x16xf32, #tpu.memory_space<hbm>>
      %dma_start3A_24 = arith.constant 0 : i32
      %dma_start3A_25 = tpu.memref_slice %arg10[%mul3A_21, %dma_start3A_24] : memref<50048x16xf32, #tpu.memory_space<vmem_shared>> -> memref<3128x16xf32, #tpu.memory_space<vmem_shared>>
      tpu.enqueue_dma source(%dma_start3A_25 : memref<3128x16xf32, #tpu.memory_space<vmem_shared>>) target(%dma_start3A_23 : memref<3128x16xf32, #tpu.memory_space<hbm>>) target_semaphore(%run_scoped3A : memref<!tpu.dma_semaphore, #tpu.memory_space<semaphore_mem>>)
      %dma_wait3A = arith.constant 0 : i32
      %dma_wait3A_26 = tpu.memref_slice %arg5[%arg0, %mul3A_21, %dma_wait3A] : memref<2x50048x16xf32, #tpu.memory_space<hbm>> -> memref<1x3128x16xf32, #tpu.memory_space<hbm>>
      %dma_wait3A_27 = tpu.memref_squeeze %dma_wait3A_26 : memref<1x3128x16xf32, #tpu.memory_space<hbm>> -> memref<3128x16xf32, #tpu.memory_space<hbm>>
      %dma_wait3A_28 = arith.constant 0 : i32
      %dma_wait3A_29 = tpu.memref_slice %arg10[%mul3A_21, %dma_wait3A_28] : memref<50048x16xf32, #tpu.memory_space<vmem_shared>> -> memref<3128x16xf32, #tpu.memory_space<vmem_shared>>
      tpu.wait_dma2 semaphore(%run_scoped3A : memref<!tpu.dma_semaphore, #tpu.memory_space<semaphore_mem>>) src(%dma_wait3A_29 : memref<3128x16xf32, #tpu.memory_space<vmem_shared>>) dst(%dma_wait3A_27 : memref<3128x16xf32, #tpu.memory_space<hbm>>)
      tpu.yield
    }) : () -> ()
    return
  }
}

#map = affine_map<(d0, d1) -> (0, 0)>
#map1 = affine_map<(d0, d1) -> (0, 0, 0)>
module attributes {stable_mosaic.version = 14 : i64} {
  func.func @scatter_kernel(%arg0: i32, %arg1: i32, %arg2: memref<50000x16xf32, #tpu.memory_space<hbm>>, %arg3: memref<32x196x128xi32, #tpu.memory_space<hbm>>, %arg4: memref<32x196x128xi32, #tpu.memory_space<hbm>>, %arg5: memref<2x50048x16xf32, #tpu.memory_space<hbm>>, %arg6: memref<196x128xi32, #tpu.memory_space<vmem>>, %arg7: memref<196x128xi32, #tpu.memory_space<vmem>>, %arg8: memref<128x16xf32, #tpu.memory_space<vmem>>, %arg9: memref<128x16xf32, #tpu.memory_space<vmem>>, %arg10: memref<50048x16xf32, #tpu.memory_space<vmem_shared>>, %arg11: memref<!tpu.dma_semaphore, #tpu.memory_space<semaphore_mem>>) attributes {dimension_semantics = [#tpu.dimension_semantics<core_parallel>, #tpu.dimension_semantics<subcore_parallel>], iteration_bounds = array<i64: 2, 16>, scalar_prefetch = 0 : i64, scratch_operands = 6 : i64, tpu.core_type = #tpu.core_type<sc_vector_subcore>, window_params = [{transform_indices = #map}, {transform_indices = #map1}, {transform_indices = #map1}, {transform_indices = #map1}]} {
    %mul3A = arith.constant 2 : i32
    %mul3A_0 = arith.muli %arg1, %mul3A : i32
    %add3A = arith.addi %mul3A_0, %arg0 : i32
    %scan3A = arith.constant 0 : i32
    %scan3A_1 = arith.constant 128 : i32
    %scan3A_2 = arith.addi %scan3A, %scan3A_1 : i32
    %scan3A_3 = arith.constant 1 : i32
    scf.for %scan3A_22 = %scan3A to %scan3A_2 step %scan3A_3  : i32 {
      %mul3A_23 = arith.constant 1 : i32
      %mul3A_24 = arith.muli %scan3A_22, %mul3A_23 : i32
      %add3A_25 = arith.constant 0 : i32
      %add3A_26 = arith.addi %add3A_25, %mul3A_24 : i32
      %broadcast_in_dim3A = arith.constant 0.000000e+00 : f32
      %broadcast_in_dim3A_27 = vector.broadcast %broadcast_in_dim3A : f32 to vector<16xf32>
      %swap3A = arith.index_cast %add3A_26 : i32 to index
      %swap3A_28 = arith.constant 0 : index
      %swap3A_29 = tpu.vector_load %arg9[%swap3A, %swap3A_28] {strides = array<i32>} : memref<128x16xf32, #tpu.memory_space<vmem>>, vector<1x16xf32>,
      %swap3A_30 = vector.shape_cast %swap3A_29 : vector<1x16xf32> to vector<16xf32>
      %swap3A_31 = vector.shape_cast %broadcast_in_dim3A_27 : vector<16xf32> to vector<1x16xf32>
      tpu.vector_store %arg9[%swap3A, %swap3A_28], %swap3A_31 {strides = array<i32>} : memref<128x16xf32, #tpu.memory_space<vmem>>, vector<1x16xf32>,
    }
    %scan3A_4 = arith.constant 128 : i32
    %mul3A_5 = arith.constant 3128 : i32
    %mul3A_6 = arith.muli %arg1, %mul3A_5 : i32
    %scan3A_7 = arith.constant 0 : i32
    %scan3A_8 = arith.constant 24 : i32
    %scan3A_9 = arith.addi %scan3A_7, %scan3A_8 : i32
    %scan3A_10 = arith.constant 1 : i32
    scf.for %scan3A_22 = %scan3A_7 to %scan3A_9 step %scan3A_10  : i32 {
      %mul3A_23 = arith.constant 1 : i32
      %mul3A_24 = arith.muli %scan3A_22, %mul3A_23 : i32
      %add3A_25 = arith.constant 0 : i32
      %add3A_26 = arith.addi %add3A_25, %mul3A_24 : i32
      %mul3A_27 = arith.constant 128 : i32
      %mul3A_28 = arith.muli %add3A_26, %mul3A_27 : i32
      %add3A_29 = arith.addi %mul3A_6, %mul3A_28 : i32
      "tpu.region"() ({
        %run_scoped3A = tpu.sem_alloc : memref<!tpu.dma_semaphore, #tpu.memory_space<semaphore_mem>>
        %dma_start3A = arith.constant 0 : i32
        %dma_start3A_30 = tpu.memref_slice %arg10[%add3A_29, %dma_start3A] : memref<50048x16xf32, #tpu.memory_space<vmem_shared>> -> memref<128x16xf32, #tpu.memory_space<vmem_shared>>
        %dma_start3A_31 = arith.constant 0 : i32
        %dma_start3A_32 = tpu.memref_slice %arg10[%add3A_29, %dma_start3A_31] : memref<50048x16xf32, #tpu.memory_space<vmem_shared>> -> memref<128x16xf32, #tpu.memory_space<vmem_shared>>
        tpu.enqueue_dma source(%arg9 : memref<128x16xf32, #tpu.memory_space<vmem>>) target(%dma_start3A_32 : memref<128x16xf32, #tpu.memory_space<vmem_shared>>) target_semaphore(%run_scoped3A : memref<!tpu.dma_semaphore, #tpu.memory_space<semaphore_mem>>)
        %dma_wait3A = arith.constant 0 : i32
        %dma_wait3A_33 = tpu.memref_slice %arg10[%add3A_29, %dma_wait3A] : memref<50048x16xf32, #tpu.memory_space<vmem_shared>> -> memref<128x16xf32, #tpu.memory_space<vmem_shared>>
        %dma_wait3A_34 = arith.constant 0 : i32
        %dma_wait3A_35 = tpu.memref_slice %arg10[%add3A_29, %dma_wait3A_34] : memref<50048x16xf32, #tpu.memory_space<vmem_shared>> -> memref<128x16xf32, #tpu.memory_space<vmem_shared>>
        tpu.wait_dma2 semaphore(%run_scoped3A : memref<!tpu.dma_semaphore, #tpu.memory_space<semaphore_mem>>) src(%arg9 : memref<128x16xf32, #tpu.memory_space<vmem>>) dst(%dma_wait3A_35 : memref<128x16xf32, #tpu.memory_space<vmem_shared>>)
        tpu.yield
      }) : () -> ()
    }
    %scan3A_11 = arith.constant 24 : i32
    %add3A_12 = arith.constant 3072 : i32
    %add3A_13 = arith.addi %mul3A_6, %add3A_12 : i32
    "tpu.region"() ({
      %run_scoped3A = tpu.sem_alloc : memref<!tpu.dma_semaphore, #tpu.memory_space<semaphore_mem>>
      %dma_start3A = arith.constant 0 : i32
      %dma_start3A_22 = arith.constant 0 : i32
      %dma_start3A_23 = tpu.memref_slice %arg9[%dma_start3A, %dma_start3A_22] : memref<128x16xf32, #tpu.memory_space<vmem>> -> memref<56x16xf32, #tpu.memory_space<vmem>>
      %dma_start3A_24 = arith.constant 0 : i32
      %dma_start3A_25 = tpu.memref_slice %arg10[%add3A_13, %dma_start3A_24] : memref<50048x16xf32, #tpu.memory_space<vmem_shared>> -> memref<56x16xf32, #tpu.memory_space<vmem_shared>>
      %dma_start3A_26 = arith.constant 0 : i32
      %dma_start3A_27 = tpu.memref_slice %arg10[%add3A_13, %dma_start3A_26] : memref<50048x16xf32, #tpu.memory_space<vmem_shared>> -> memref<56x16xf32, #tpu.memory_space<vmem_shared>>
      %dma_start3A_28 = arith.constant 0 : i32
      %dma_start3A_29 = arith.constant 0 : i32
      %dma_start3A_30 = tpu.memref_slice %arg9[%dma_start3A_28, %dma_start3A_29] : memref<128x16xf32, #tpu.memory_space<vmem>> -> memref<56x16xf32, #tpu.memory_space<vmem>>
      tpu.enqueue_dma source(%dma_start3A_30 : memref<56x16xf32, #tpu.memory_space<vmem>>) target(%dma_start3A_27 : memref<56x16xf32, #tpu.memory_space<vmem_shared>>) target_semaphore(%run_scoped3A : memref<!tpu.dma_semaphore, #tpu.memory_space<semaphore_mem>>)
      %dma_wait3A = arith.constant 0 : i32
      %dma_wait3A_31 = arith.constant 0 : i32
      %dma_wait3A_32 = tpu.memref_slice %arg9[%dma_wait3A, %dma_wait3A_31] : memref<128x16xf32, #tpu.memory_space<vmem>> -> memref<56x16xf32, #tpu.memory_space<vmem>>
      %dma_wait3A_33 = arith.constant 0 : i32
      %dma_wait3A_34 = tpu.memref_slice %arg10[%add3A_13, %dma_wait3A_33] : memref<50048x16xf32, #tpu.memory_space<vmem_shared>> -> memref<56x16xf32, #tpu.memory_space<vmem_shared>>
      %dma_wait3A_35 = arith.constant 0 : i32
      %dma_wait3A_36 = tpu.memref_slice %arg10[%add3A_13, %dma_wait3A_35] : memref<50048x16xf32, #tpu.memory_space<vmem_shared>> -> memref<56x16xf32, #tpu.memory_space<vmem_shared>>
      %dma_wait3A_37 = arith.constant 0 : i32
      %dma_wait3A_38 = arith.constant 0 : i32
      %dma_wait3A_39 = tpu.memref_slice %arg9[%dma_wait3A_37, %dma_wait3A_38] : memref<128x16xf32, #tpu.memory_space<vmem>> -> memref<56x16xf32, #tpu.memory_space<vmem>>
      tpu.wait_dma2 semaphore(%run_scoped3A : memref<!tpu.dma_semaphore, #tpu.memory_space<semaphore_mem>>) src(%dma_wait3A_39 : memref<56x16xf32, #tpu.memory_space<vmem>>) dst(%dma_wait3A_36 : memref<56x16xf32, #tpu.memory_space<vmem_shared>>)
      tpu.yield
    }) : () -> ()
    "tpu.region"() ({
      %run_scoped3A = tpu.sem_alloc : memref<!tpu.dma_semaphore, #tpu.memory_space<semaphore_mem>>
      %dma_start3A = arith.constant 0 : i32
      %dma_start3A_22 = arith.constant 0 : i32
      %dma_start3A_23 = tpu.memref_slice %arg3[%add3A, %dma_start3A, %dma_start3A_22] : memref<32x196x128xi32, #tpu.memory_space<hbm>> -> memref<1x196x128xi32, #tpu.memory_space<hbm>>
      %dma_start3A_24 = tpu.memref_squeeze %dma_start3A_23 : memref<1x196x128xi32, #tpu.memory_space<hbm>> -> memref<196x128xi32, #tpu.memory_space<hbm>>
      %dma_start3A_25 = arith.constant 0 : i32
      %dma_start3A_26 = arith.constant 0 : i32
      %dma_start3A_27 = tpu.memref_slice %arg3[%add3A, %dma_start3A_25, %dma_start3A_26] : memref<32x196x128xi32, #tpu.memory_space<hbm>> -> memref<1x196x128xi32, #tpu.memory_space<hbm>>
      %dma_start3A_28 = tpu.memref_squeeze %dma_start3A_27 : memref<1x196x128xi32, #tpu.memory_space<hbm>> -> memref<196x128xi32, #tpu.memory_space<hbm>>
      tpu.enqueue_dma source(%dma_start3A_28 : memref<196x128xi32, #tpu.memory_space<hbm>>) target(%arg6 : memref<196x128xi32, #tpu.memory_space<vmem>>) target_semaphore(%run_scoped3A : memref<!tpu.dma_semaphore, #tpu.memory_space<semaphore_mem>>)
      %dma_wait3A = arith.constant 0 : i32
      %dma_wait3A_29 = arith.constant 0 : i32
      %dma_wait3A_30 = tpu.memref_slice %arg3[%add3A, %dma_wait3A, %dma_wait3A_29] : memref<32x196x128xi32, #tpu.memory_space<hbm>> -> memref<1x196x128xi32, #tpu.memory_space<hbm>>
      %dma_wait3A_31 = tpu.memref_squeeze %dma_wait3A_30 : memref<1x196x128xi32, #tpu.memory_space<hbm>> -> memref<196x128xi32, #tpu.memory_space<hbm>>
      %dma_wait3A_32 = arith.constant 0 : i32
      %dma_wait3A_33 = arith.constant 0 : i32
      %dma_wait3A_34 = tpu.memref_slice %arg3[%add3A, %dma_wait3A_32, %dma_wait3A_33] : memref<32x196x128xi32, #tpu.memory_space<hbm>> -> memref<1x196x128xi32, #tpu.memory_space<hbm>>
      %dma_wait3A_35 = tpu.memref_squeeze %dma_wait3A_34 : memref<1x196x128xi32, #tpu.memory_space<hbm>> -> memref<196x128xi32, #tpu.memory_space<hbm>>
      tpu.wait_dma2 semaphore(%run_scoped3A : memref<!tpu.dma_semaphore, #tpu.memory_space<semaphore_mem>>) src(%dma_wait3A_35 : memref<196x128xi32, #tpu.memory_space<hbm>>) dst(%arg6 : memref<196x128xi32, #tpu.memory_space<vmem>>)
      tpu.yield
    }) : () -> ()
    "tpu.region"() ({
      %run_scoped3A = tpu.sem_alloc : memref<!tpu.dma_semaphore, #tpu.memory_space<semaphore_mem>>
      %dma_start3A = arith.constant 0 : i32
      %dma_start3A_22 = arith.constant 0 : i32
      %dma_start3A_23 = tpu.memref_slice %arg4[%add3A, %dma_start3A, %dma_start3A_22] : memref<32x196x128xi32, #tpu.memory_space<hbm>> -> memref<1x196x128xi32, #tpu.memory_space<hbm>>
      %dma_start3A_24 = tpu.memref_squeeze %dma_start3A_23 : memref<1x196x128xi32, #tpu.memory_space<hbm>> -> memref<196x128xi32, #tpu.memory_space<hbm>>
      %dma_start3A_25 = arith.constant 0 : i32
      %dma_start3A_26 = arith.constant 0 : i32
      %dma_start3A_27 = tpu.memref_slice %arg4[%add3A, %dma_start3A_25, %dma_start3A_26] : memref<32x196x128xi32, #tpu.memory_space<hbm>> -> memref<1x196x128xi32, #tpu.memory_space<hbm>>
      %dma_start3A_28 = tpu.memref_squeeze %dma_start3A_27 : memref<1x196x128xi32, #tpu.memory_space<hbm>> -> memref<196x128xi32, #tpu.memory_space<hbm>>
      tpu.enqueue_dma source(%dma_start3A_28 : memref<196x128xi32, #tpu.memory_space<hbm>>) target(%arg7 : memref<196x128xi32, #tpu.memory_space<vmem>>) target_semaphore(%run_scoped3A : memref<!tpu.dma_semaphore, #tpu.memory_space<semaphore_mem>>)
      %dma_wait3A = arith.constant 0 : i32
      %dma_wait3A_29 = arith.constant 0 : i32
      %dma_wait3A_30 = tpu.memref_slice %arg4[%add3A, %dma_wait3A, %dma_wait3A_29] : memref<32x196x128xi32, #tpu.memory_space<hbm>> -> memref<1x196x128xi32, #tpu.memory_space<hbm>>
      %dma_wait3A_31 = tpu.memref_squeeze %dma_wait3A_30 : memref<1x196x128xi32, #tpu.memory_space<hbm>> -> memref<196x128xi32, #tpu.memory_space<hbm>>
      %dma_wait3A_32 = arith.constant 0 : i32
      %dma_wait3A_33 = arith.constant 0 : i32
      %dma_wait3A_34 = tpu.memref_slice %arg4[%add3A, %dma_wait3A_32, %dma_wait3A_33] : memref<32x196x128xi32, #tpu.memory_space<hbm>> -> memref<1x196x128xi32, #tpu.memory_space<hbm>>
      %dma_wait3A_35 = tpu.memref_squeeze %dma_wait3A_34 : memref<1x196x128xi32, #tpu.memory_space<hbm>> -> memref<196x128xi32, #tpu.memory_space<hbm>>
      tpu.wait_dma2 semaphore(%run_scoped3A : memref<!tpu.dma_semaphore, #tpu.memory_space<semaphore_mem>>) src(%dma_wait3A_35 : memref<196x128xi32, #tpu.memory_space<hbm>>) dst(%arg7 : memref<196x128xi32, #tpu.memory_space<vmem>>)
      tpu.yield
    }) : () -> ()
    %barrier3A = arith.constant 0 : index
    tpu.barrier barrier_id(%barrier3A)
    %scan3A_14 = arith.constant 0 : i32
    %scan3A_15 = arith.constant 196 : i32
    %scan3A_16 = arith.addi %scan3A_14, %scan3A_15 : i32
    %scan3A_17 = arith.constant 1 : i32
    scf.for %scan3A_22 = %scan3A_14 to %scan3A_16 step %scan3A_17  : i32 {
      %mul3A_23 = arith.constant 1 : i32
      %mul3A_24 = arith.muli %scan3A_22, %mul3A_23 : i32
      %add3A_25 = arith.constant 0 : i32
      %add3A_26 = arith.addi %add3A_25, %mul3A_24 : i32
      %dma_start3A = arith.constant 0 : i32
      %dma_start3A_27 = tpu.memref_slice %arg6[%add3A_26, %dma_start3A] : memref<196x128xi32, #tpu.memory_space<vmem>> -> memref<1x128xi32, #tpu.memory_space<vmem>>
      %dma_start3A_28 = tpu.memref_squeeze %dma_start3A_27 : memref<1x128xi32, #tpu.memory_space<vmem>> -> memref<128xi32, #tpu.memory_space<vmem>>
      %dma_start3A_29 = arith.constant 0 : i32
      %dma_start3A_30 = arith.constant 0 : i32
      %dma_start3A_31 = tpu.memref_slice %arg2[%dma_start3A_29, %dma_start3A_30] : memref<50000x16xf32, #tpu.memory_space<hbm>> -> memref<50000x16xf32, #tpu.memory_space<hbm>>
      tpu.enqueue_indirect_dma source(%dma_start3A_31 : memref<50000x16xf32, #tpu.memory_space<hbm>>) target(%arg8 : memref<128x16xf32, #tpu.memory_space<vmem>>) offsets(%dma_start3A_28 : memref<128xi32, #tpu.memory_space<vmem>>) semaphore(%arg11 : memref<!tpu.dma_semaphore, #tpu.memory_space<semaphore_mem>>)
      %dma_wait3A = arith.constant 0 : i32
      %dma_wait3A_32 = tpu.memref_slice %arg6[%add3A_26, %dma_wait3A] : memref<196x128xi32, #tpu.memory_space<vmem>> -> memref<1x128xi32, #tpu.memory_space<vmem>>
      %dma_wait3A_33 = tpu.memref_squeeze %dma_wait3A_32 : memref<1x128xi32, #tpu.memory_space<vmem>> -> memref<128xi32, #tpu.memory_space<vmem>>
      %dma_wait3A_34 = arith.constant 0 : i32
      %dma_wait3A_35 = arith.constant 0 : i32
      %dma_wait3A_36 = tpu.memref_slice %arg2[%dma_wait3A_34, %dma_wait3A_35] : memref<50000x16xf32, #tpu.memory_space<hbm>> -> memref<50000x16xf32, #tpu.memory_space<hbm>>
      tpu.wait_indirect_dma semaphore(%arg11 : memref<!tpu.dma_semaphore, #tpu.memory_space<semaphore_mem>>) src(%dma_wait3A_36 : memref<50000x16xf32, #tpu.memory_space<hbm>>) dst(%arg8 : memref<128x16xf32, #tpu.memory_space<vmem>>)
      "tpu.region"() ({
        %run_scoped3A = tpu.sem_alloc : memref<!tpu.dma_semaphore, #tpu.memory_space<semaphore_mem>>
        %dma_start3A_37 = arith.constant 0 : i32
        %dma_start3A_38 = tpu.memref_slice %arg7[%add3A_26, %dma_start3A_37] : memref<196x128xi32, #tpu.memory_space<vmem>> -> memref<1x128xi32, #tpu.memory_space<vmem>>
        %dma_start3A_39 = tpu.memref_squeeze %dma_start3A_38 : memref<1x128xi32, #tpu.memory_space<vmem>> -> memref<128xi32, #tpu.memory_space<vmem>>
        %dma_start3A_40 = arith.constant 0 : i32
        %dma_start3A_41 = arith.constant 0 : i32
        %dma_start3A_42 = tpu.memref_slice %arg10[%dma_start3A_40, %dma_start3A_41] : memref<50048x16xf32, #tpu.memory_space<vmem_shared>> -> memref<50048x16xf32, #tpu.memory_space<vmem_shared>>
        tpu.enqueue_indirect_dma source(%arg8 : memref<128x16xf32, #tpu.memory_space<vmem>>) target(%dma_start3A_42 : memref<50048x16xf32, #tpu.memory_space<vmem_shared>>) offsets(%dma_start3A_39 : memref<128xi32, #tpu.memory_space<vmem>>) semaphore(%run_scoped3A : memref<!tpu.dma_semaphore, #tpu.memory_space<semaphore_mem>>) {add = true}
        %dma_wait3A_43 = arith.constant 0 : i32
        %dma_wait3A_44 = tpu.memref_slice %arg7[%add3A_26, %dma_wait3A_43] : memref<196x128xi32, #tpu.memory_space<vmem>> -> memref<1x128xi32, #tpu.memory_space<vmem>>
        %dma_wait3A_45 = tpu.memref_squeeze %dma_wait3A_44 : memref<1x128xi32, #tpu.memory_space<vmem>> -> memref<128xi32, #tpu.memory_space<vmem>>
        %dma_wait3A_46 = arith.constant 0 : i32
        %dma_wait3A_47 = arith.constant 0 : i32
        %dma_wait3A_48 = tpu.memref_slice %arg10[%dma_wait3A_46, %dma_wait3A_47] : memref<50048x16xf32, #tpu.memory_space<vmem_shared>> -> memref<50048x16xf32, #tpu.memory_space<vmem_shared>>
        tpu.wait_indirect_dma semaphore(%run_scoped3A : memref<!tpu.dma_semaphore, #tpu.memory_space<semaphore_mem>>) src(%arg8 : memref<128x16xf32, #tpu.memory_space<vmem>>) dst(%dma_wait3A_48 : memref<50048x16xf32, #tpu.memory_space<vmem_shared>>)
        tpu.yield
      }) : () -> ()
    }
    %scan3A_18 = arith.constant 196 : i32
    %barrier3A_19 = arith.constant 0 : index
    tpu.barrier barrier_id(%barrier3A_19)
    %mul3A_20 = arith.constant 3128 : i32
    %mul3A_21 = arith.muli %arg1, %mul3A_20 : i32
    "tpu.region"() ({
      %run_scoped3A = tpu.sem_alloc : memref<!tpu.dma_semaphore, #tpu.memory_space<semaphore_mem>>
      %dma_start3A = arith.constant 0 : i32
      %dma_start3A_22 = tpu.memref_slice %arg5[%arg0, %mul3A_21, %dma_start3A] : memref<2x50048x16xf32, #tpu.memory_space<hbm>> -> memref<1x3128x16xf32, #tpu.memory_space<hbm>>
      %dma_start3A_23 = tpu.memref_squeeze %dma_start3A_22 : memref<1x3128x16xf32, #tpu.memory_space<hbm>> -> memref<3128x16xf32, #tpu.memory_space<hbm>>
      %dma_start3A_24 = arith.constant 0 : i32
      %dma_start3A_25 = tpu.memref_slice %arg10[%mul3A_21, %dma_start3A_24] : memref<50048x16xf32, #tpu.memory_space<vmem_shared>> -> memref<3128x16xf32, #tpu.memory_space<vmem_shared>>
      tpu.enqueue_dma source(%dma_start3A_25 : memref<3128x16xf32, #tpu.memory_space<vmem_shared>>) target(%dma_start3A_23 : memref<3128x16xf32, #tpu.memory_space<hbm>>) target_semaphore(%run_scoped3A : memref<!tpu.dma_semaphore, #tpu.memory_space<semaphore_mem>>)
      %dma_wait3A = arith.constant 0 : i32
      %dma_wait3A_26 = tpu.memref_slice %arg5[%arg0, %mul3A_21, %dma_wait3A] : memref<2x50048x16xf32, #tpu.memory_space<hbm>> -> memref<1x3128x16xf32, #tpu.memory_space<hbm>>
      %dma_wait3A_27 = tpu.memref_squeeze %dma_wait3A_26 : memref<1x3128x16xf32, #tpu.memory_space<hbm>> -> memref<3128x16xf32, #tpu.memory_space<hbm>>
      %dma_wait3A_28 = arith.constant 0 : i32
      %dma_wait3A_29 = tpu.memref_slice %arg10[%mul3A_21, %dma_wait3A_28] : memref<50048x16xf32, #tpu.memory_space<vmem_shared>> -> memref<3128x16xf32, #tpu.memory_space<vmem_shared>>
      tpu.wait_dma2 semaphore(%run_scoped3A : memref<!tpu.dma_semaphore, #tpu.memory_space<semaphore_mem>>) src(%dma_wait3A_29 : memref<3128x16xf32, #tpu.memory_space<vmem_shared>>) dst(%dma_wait3A_27 : memref<3128x16xf32, #tpu.memory_space<hbm>>)
      tpu.yield
    }) : () -> ()
    return
  }
}

#map = affine_map<(d0, d1) -> (0, 0)>
#map1 = affine_map<(d0, d1) -> (0, 0, 0)>
module attributes {stable_mosaic.version = 14 : i64} {
  func.func @scatter_kernel(%arg0: i32, %arg1: i32, %arg2: memref<50000x16xf32, #tpu.memory_space<hbm>>, %arg3: memref<32x196x128xi32, #tpu.memory_space<hbm>>, %arg4: memref<32x196x128xi32, #tpu.memory_space<hbm>>, %arg5: memref<2x50048x16xf32, #tpu.memory_space<hbm>>, %arg6: memref<196x128xi32, #tpu.memory_space<vmem>>, %arg7: memref<196x128xi32, #tpu.memory_space<vmem>>, %arg8: memref<128x16xf32, #tpu.memory_space<vmem>>, %arg9: memref<128x16xf32, #tpu.memory_space<vmem>>, %arg10: memref<50048x16xf32, #tpu.memory_space<vmem_shared>>, %arg11: memref<!tpu.dma_semaphore, #tpu.memory_space<semaphore_mem>>) attributes {dimension_semantics = [#tpu.dimension_semantics<core_parallel>, #tpu.dimension_semantics<subcore_parallel>], iteration_bounds = array<i64: 2, 16>, scalar_prefetch = 0 : i64, scratch_operands = 6 : i64, tpu.core_type = #tpu.core_type<sc_vector_subcore>, window_params = [{transform_indices = #map}, {transform_indices = #map1}, {transform_indices = #map1}, {transform_indices = #map1}]} {
    %mul3A = arith.constant 2 : i32
    %mul3A_0 = arith.muli %arg1, %mul3A : i32
    %add3A = arith.addi %mul3A_0, %arg0 : i32
    %scan3A = arith.constant 0 : i32
    %scan3A_1 = arith.constant 128 : i32
    %scan3A_2 = arith.addi %scan3A, %scan3A_1 : i32
    %scan3A_3 = arith.constant 1 : i32
    scf.for %scan3A_22 = %scan3A to %scan3A_2 step %scan3A_3  : i32 {
      %mul3A_23 = arith.constant 1 : i32
      %mul3A_24 = arith.muli %scan3A_22, %mul3A_23 : i32
      %add3A_25 = arith.constant 0 : i32
      %add3A_26 = arith.addi %add3A_25, %mul3A_24 : i32
      %broadcast_in_dim3A = arith.constant 0.000000e+00 : f32
      %broadcast_in_dim3A_27 = vector.broadcast %broadcast_in_dim3A : f32 to vector<16xf32>
      %swap3A = arith.index_cast %add3A_26 : i32 to index
      %swap3A_28 = arith.constant 0 : index
      %swap3A_29 = tpu.vector_load %arg9[%swap3A, %swap3A_28] {strides = array<i32>} : memref<128x16xf32, #tpu.memory_space<vmem>>, vector<1x16xf32>,
      %swap3A_30 = vector.shape_cast %swap3A_29 : vector<1x16xf32> to vector<16xf32>
      %swap3A_31 = vector.shape_cast %broadcast_in_dim3A_27 : vector<16xf32> to vector<1x16xf32>
      tpu.vector_store %arg9[%swap3A, %swap3A_28], %swap3A_31 {strides = array<i32>} : memref<128x16xf32, #tpu.memory_space<vmem>>, vector<1x16xf32>,
    }
    %scan3A_4 = arith.constant 128 : i32
    %mul3A_5 = arith.constant 3128 : i32
    %mul3A_6 = arith.muli %arg1, %mul3A_5 : i32
    %scan3A_7 = arith.constant 0 : i32
    %scan3A_8 = arith.constant 24 : i32
    %scan3A_9 = arith.addi %scan3A_7, %scan3A_8 : i32
    %scan3A_10 = arith.constant 1 : i32
    scf.for %scan3A_22 = %scan3A_7 to %scan3A_9 step %scan3A_10  : i32 {
      %mul3A_23 = arith.constant 1 : i32
      %mul3A_24 = arith.muli %scan3A_22, %mul3A_23 : i32
      %add3A_25 = arith.constant 0 : i32
      %add3A_26 = arith.addi %add3A_25, %mul3A_24 : i32
      %mul3A_27 = arith.constant 128 : i32
      %mul3A_28 = arith.muli %add3A_26, %mul3A_27 : i32
      %add3A_29 = arith.addi %mul3A_6, %mul3A_28 : i32
      "tpu.region"() ({
        %run_scoped3A = tpu.sem_alloc : memref<!tpu.dma_semaphore, #tpu.memory_space<semaphore_mem>>
        %dma_start3A = arith.constant 0 : i32
        %dma_start3A_30 = tpu.memref_slice %arg10[%add3A_29, %dma_start3A] : memref<50048x16xf32, #tpu.memory_space<vmem_shared>> -> memref<128x16xf32, #tpu.memory_space<vmem_shared>>
        %dma_start3A_31 = arith.constant 0 : i32
        %dma_start3A_32 = tpu.memref_slice %arg10[%add3A_29, %dma_start3A_31] : memref<50048x16xf32, #tpu.memory_space<vmem_shared>> -> memref<128x16xf32, #tpu.memory_space<vmem_shared>>
        tpu.enqueue_dma source(%arg9 : memref<128x16xf32, #tpu.memory_space<vmem>>) target(%dma_start3A_32 : memref<128x16xf32, #tpu.memory_space<vmem_shared>>) target_semaphore(%run_scoped3A : memref<!tpu.dma_semaphore, #tpu.memory_space<semaphore_mem>>)
        %dma_wait3A = arith.constant 0 : i32
        %dma_wait3A_33 = tpu.memref_slice %arg10[%add3A_29, %dma_wait3A] : memref<50048x16xf32, #tpu.memory_space<vmem_shared>> -> memref<128x16xf32, #tpu.memory_space<vmem_shared>>
        %dma_wait3A_34 = arith.constant 0 : i32
        %dma_wait3A_35 = tpu.memref_slice %arg10[%add3A_29, %dma_wait3A_34] : memref<50048x16xf32, #tpu.memory_space<vmem_shared>> -> memref<128x16xf32, #tpu.memory_space<vmem_shared>>
        tpu.wait_dma2 semaphore(%run_scoped3A : memref<!tpu.dma_semaphore, #tpu.memory_space<semaphore_mem>>) src(%arg9 : memref<128x16xf32, #tpu.memory_space<vmem>>) dst(%dma_wait3A_35 : memref<128x16xf32, #tpu.memory_space<vmem_shared>>)
        tpu.yield
      }) : () -> ()
    }
    %scan3A_11 = arith.constant 24 : i32
    %add3A_12 = arith.constant 3072 : i32
    %add3A_13 = arith.addi %mul3A_6, %add3A_12 : i32
    "tpu.region"() ({
      %run_scoped3A = tpu.sem_alloc : memref<!tpu.dma_semaphore, #tpu.memory_space<semaphore_mem>>
      %dma_start3A = arith.constant 0 : i32
      %dma_start3A_22 = arith.constant 0 : i32
      %dma_start3A_23 = tpu.memref_slice %arg9[%dma_start3A, %dma_start3A_22] : memref<128x16xf32, #tpu.memory_space<vmem>> -> memref<56x16xf32, #tpu.memory_space<vmem>>
      %dma_start3A_24 = arith.constant 0 : i32
      %dma_start3A_25 = tpu.memref_slice %arg10[%add3A_13, %dma_start3A_24] : memref<50048x16xf32, #tpu.memory_space<vmem_shared>> -> memref<56x16xf32, #tpu.memory_space<vmem_shared>>
      %dma_start3A_26 = arith.constant 0 : i32
      %dma_start3A_27 = tpu.memref_slice %arg10[%add3A_13, %dma_start3A_26] : memref<50048x16xf32, #tpu.memory_space<vmem_shared>> -> memref<56x16xf32, #tpu.memory_space<vmem_shared>>
      %dma_start3A_28 = arith.constant 0 : i32
      %dma_start3A_29 = arith.constant 0 : i32
      %dma_start3A_30 = tpu.memref_slice %arg9[%dma_start3A_28, %dma_start3A_29] : memref<128x16xf32, #tpu.memory_space<vmem>> -> memref<56x16xf32, #tpu.memory_space<vmem>>
      tpu.enqueue_dma source(%dma_start3A_30 : memref<56x16xf32, #tpu.memory_space<vmem>>) target(%dma_start3A_27 : memref<56x16xf32, #tpu.memory_space<vmem_shared>>) target_semaphore(%run_scoped3A : memref<!tpu.dma_semaphore, #tpu.memory_space<semaphore_mem>>)
      %dma_wait3A = arith.constant 0 : i32
      %dma_wait3A_31 = arith.constant 0 : i32
      %dma_wait3A_32 = tpu.memref_slice %arg9[%dma_wait3A, %dma_wait3A_31] : memref<128x16xf32, #tpu.memory_space<vmem>> -> memref<56x16xf32, #tpu.memory_space<vmem>>
      %dma_wait3A_33 = arith.constant 0 : i32
      %dma_wait3A_34 = tpu.memref_slice %arg10[%add3A_13, %dma_wait3A_33] : memref<50048x16xf32, #tpu.memory_space<vmem_shared>> -> memref<56x16xf32, #tpu.memory_space<vmem_shared>>
      %dma_wait3A_35 = arith.constant 0 : i32
      %dma_wait3A_36 = tpu.memref_slice %arg10[%add3A_13, %dma_wait3A_35] : memref<50048x16xf32, #tpu.memory_space<vmem_shared>> -> memref<56x16xf32, #tpu.memory_space<vmem_shared>>
      %dma_wait3A_37 = arith.constant 0 : i32
      %dma_wait3A_38 = arith.constant 0 : i32
      %dma_wait3A_39 = tpu.memref_slice %arg9[%dma_wait3A_37, %dma_wait3A_38] : memref<128x16xf32, #tpu.memory_space<vmem>> -> memref<56x16xf32, #tpu.memory_space<vmem>>
      tpu.wait_dma2 semaphore(%run_scoped3A : memref<!tpu.dma_semaphore, #tpu.memory_space<semaphore_mem>>) src(%dma_wait3A_39 : memref<56x16xf32, #tpu.memory_space<vmem>>) dst(%dma_wait3A_36 : memref<56x16xf32, #tpu.memory_space<vmem_shared>>)
      tpu.yield
    }) : () -> ()
    "tpu.region"() ({
      %run_scoped3A = tpu.sem_alloc : memref<!tpu.dma_semaphore, #tpu.memory_space<semaphore_mem>>
      %dma_start3A = arith.constant 0 : i32
      %dma_start3A_22 = arith.constant 0 : i32
      %dma_start3A_23 = tpu.memref_slice %arg3[%add3A, %dma_start3A, %dma_start3A_22] : memref<32x196x128xi32, #tpu.memory_space<hbm>> -> memref<1x196x128xi32, #tpu.memory_space<hbm>>
      %dma_start3A_24 = tpu.memref_squeeze %dma_start3A_23 : memref<1x196x128xi32, #tpu.memory_space<hbm>> -> memref<196x128xi32, #tpu.memory_space<hbm>>
      %dma_start3A_25 = arith.constant 0 : i32
      %dma_start3A_26 = arith.constant 0 : i32
      %dma_start3A_27 = tpu.memref_slice %arg3[%add3A, %dma_start3A_25, %dma_start3A_26] : memref<32x196x128xi32, #tpu.memory_space<hbm>> -> memref<1x196x128xi32, #tpu.memory_space<hbm>>
      %dma_start3A_28 = tpu.memref_squeeze %dma_start3A_27 : memref<1x196x128xi32, #tpu.memory_space<hbm>> -> memref<196x128xi32, #tpu.memory_space<hbm>>
      tpu.enqueue_dma source(%dma_start3A_28 : memref<196x128xi32, #tpu.memory_space<hbm>>) target(%arg6 : memref<196x128xi32, #tpu.memory_space<vmem>>) target_semaphore(%run_scoped3A : memref<!tpu.dma_semaphore, #tpu.memory_space<semaphore_mem>>)
      %dma_wait3A = arith.constant 0 : i32
      %dma_wait3A_29 = arith.constant 0 : i32
      %dma_wait3A_30 = tpu.memref_slice %arg3[%add3A, %dma_wait3A, %dma_wait3A_29] : memref<32x196x128xi32, #tpu.memory_space<hbm>> -> memref<1x196x128xi32, #tpu.memory_space<hbm>>
      %dma_wait3A_31 = tpu.memref_squeeze %dma_wait3A_30 : memref<1x196x128xi32, #tpu.memory_space<hbm>> -> memref<196x128xi32, #tpu.memory_space<hbm>>
      %dma_wait3A_32 = arith.constant 0 : i32
      %dma_wait3A_33 = arith.constant 0 : i32
      %dma_wait3A_34 = tpu.memref_slice %arg3[%add3A, %dma_wait3A_32, %dma_wait3A_33] : memref<32x196x128xi32, #tpu.memory_space<hbm>> -> memref<1x196x128xi32, #tpu.memory_space<hbm>>
      %dma_wait3A_35 = tpu.memref_squeeze %dma_wait3A_34 : memref<1x196x128xi32, #tpu.memory_space<hbm>> -> memref<196x128xi32, #tpu.memory_space<hbm>>
      tpu.wait_dma2 semaphore(%run_scoped3A : memref<!tpu.dma_semaphore, #tpu.memory_space<semaphore_mem>>) src(%dma_wait3A_35 : memref<196x128xi32, #tpu.memory_space<hbm>>) dst(%arg6 : memref<196x128xi32, #tpu.memory_space<vmem>>)
      tpu.yield
    }) : () -> ()
    "tpu.region"() ({
      %run_scoped3A = tpu.sem_alloc : memref<!tpu.dma_semaphore, #tpu.memory_space<semaphore_mem>>
      %dma_start3A = arith.constant 0 : i32
      %dma_start3A_22 = arith.constant 0 : i32
      %dma_start3A_23 = tpu.memref_slice %arg4[%add3A, %dma_start3A, %dma_start3A_22] : memref<32x196x128xi32, #tpu.memory_space<hbm>> -> memref<1x196x128xi32, #tpu.memory_space<hbm>>
      %dma_start3A_24 = tpu.memref_squeeze %dma_start3A_23 : memref<1x196x128xi32, #tpu.memory_space<hbm>> -> memref<196x128xi32, #tpu.memory_space<hbm>>
      %dma_start3A_25 = arith.constant 0 : i32
      %dma_start3A_26 = arith.constant 0 : i32
      %dma_start3A_27 = tpu.memref_slice %arg4[%add3A, %dma_start3A_25, %dma_start3A_26] : memref<32x196x128xi32, #tpu.memory_space<hbm>> -> memref<1x196x128xi32, #tpu.memory_space<hbm>>
      %dma_start3A_28 = tpu.memref_squeeze %dma_start3A_27 : memref<1x196x128xi32, #tpu.memory_space<hbm>> -> memref<196x128xi32, #tpu.memory_space<hbm>>
      tpu.enqueue_dma source(%dma_start3A_28 : memref<196x128xi32, #tpu.memory_space<hbm>>) target(%arg7 : memref<196x128xi32, #tpu.memory_space<vmem>>) target_semaphore(%run_scoped3A : memref<!tpu.dma_semaphore, #tpu.memory_space<semaphore_mem>>)
      %dma_wait3A = arith.constant 0 : i32
      %dma_wait3A_29 = arith.constant 0 : i32
      %dma_wait3A_30 = tpu.memref_slice %arg4[%add3A, %dma_wait3A, %dma_wait3A_29] : memref<32x196x128xi32, #tpu.memory_space<hbm>> -> memref<1x196x128xi32, #tpu.memory_space<hbm>>
      %dma_wait3A_31 = tpu.memref_squeeze %dma_wait3A_30 : memref<1x196x128xi32, #tpu.memory_space<hbm>> -> memref<196x128xi32, #tpu.memory_space<hbm>>
      %dma_wait3A_32 = arith.constant 0 : i32
      %dma_wait3A_33 = arith.constant 0 : i32
      %dma_wait3A_34 = tpu.memref_slice %arg4[%add3A, %dma_wait3A_32, %dma_wait3A_33] : memref<32x196x128xi32, #tpu.memory_space<hbm>> -> memref<1x196x128xi32, #tpu.memory_space<hbm>>
      %dma_wait3A_35 = tpu.memref_squeeze %dma_wait3A_34 : memref<1x196x128xi32, #tpu.memory_space<hbm>> -> memref<196x128xi32, #tpu.memory_space<hbm>>
      tpu.wait_dma2 semaphore(%run_scoped3A : memref<!tpu.dma_semaphore, #tpu.memory_space<semaphore_mem>>) src(%dma_wait3A_35 : memref<196x128xi32, #tpu.memory_space<hbm>>) dst(%arg7 : memref<196x128xi32, #tpu.memory_space<vmem>>)
      tpu.yield
    }) : () -> ()
    %barrier3A = arith.constant 0 : index
    tpu.barrier barrier_id(%barrier3A)
    %scan3A_14 = arith.constant 0 : i32
    %scan3A_15 = arith.constant 196 : i32
    %scan3A_16 = arith.addi %scan3A_14, %scan3A_15 : i32
    %scan3A_17 = arith.constant 1 : i32
    scf.for %scan3A_22 = %scan3A_14 to %scan3A_16 step %scan3A_17  : i32 {
      %mul3A_23 = arith.constant 1 : i32
      %mul3A_24 = arith.muli %scan3A_22, %mul3A_23 : i32
      %add3A_25 = arith.constant 0 : i32
      %add3A_26 = arith.addi %add3A_25, %mul3A_24 : i32
      %dma_start3A = arith.constant 0 : i32
      %dma_start3A_27 = tpu.memref_slice %arg6[%add3A_26, %dma_start3A] : memref<196x128xi32, #tpu.memory_space<vmem>> -> memref<1x128xi32, #tpu.memory_space<vmem>>
      %dma_start3A_28 = tpu.memref_squeeze %dma_start3A_27 : memref<1x128xi32, #tpu.memory_space<vmem>> -> memref<128xi32, #tpu.memory_space<vmem>>
      %dma_start3A_29 = arith.constant 0 : i32
      %dma_start3A_30 = arith.constant 0 : i32
      %dma_start3A_31 = tpu.memref_slice %arg2[%dma_start3A_29, %dma_start3A_30] : memref<50000x16xf32, #tpu.memory_space<hbm>> -> memref<50000x16xf32, #tpu.memory_space<hbm>>
      tpu.enqueue_indirect_dma source(%dma_start3A_31 : memref<50000x16xf32, #tpu.memory_space<hbm>>) target(%arg8 : memref<128x16xf32, #tpu.memory_space<vmem>>) offsets(%dma_start3A_28 : memref<128xi32, #tpu.memory_space<vmem>>) semaphore(%arg11 : memref<!tpu.dma_semaphore, #tpu.memory_space<semaphore_mem>>)
      %dma_wait3A = arith.constant 0 : i32
      %dma_wait3A_32 = tpu.memref_slice %arg6[%add3A_26, %dma_wait3A] : memref<196x128xi32, #tpu.memory_space<vmem>> -> memref<1x128xi32, #tpu.memory_space<vmem>>
      %dma_wait3A_33 = tpu.memref_squeeze %dma_wait3A_32 : memref<1x128xi32, #tpu.memory_space<vmem>> -> memref<128xi32, #tpu.memory_space<vmem>>
      %dma_wait3A_34 = arith.constant 0 : i32
      %dma_wait3A_35 = arith.constant 0 : i32
      %dma_wait3A_36 = tpu.memref_slice %arg2[%dma_wait3A_34, %dma_wait3A_35] : memref<50000x16xf32, #tpu.memory_space<hbm>> -> memref<50000x16xf32, #tpu.memory_space<hbm>>
      tpu.wait_indirect_dma semaphore(%arg11 : memref<!tpu.dma_semaphore, #tpu.memory_space<semaphore_mem>>) src(%dma_wait3A_36 : memref<50000x16xf32, #tpu.memory_space<hbm>>) dst(%arg8 : memref<128x16xf32, #tpu.memory_space<vmem>>)
      "tpu.region"() ({
        %run_scoped3A = tpu.sem_alloc : memref<!tpu.dma_semaphore, #tpu.memory_space<semaphore_mem>>
        %dma_start3A_37 = arith.constant 0 : i32
        %dma_start3A_38 = tpu.memref_slice %arg7[%add3A_26, %dma_start3A_37] : memref<196x128xi32, #tpu.memory_space<vmem>> -> memref<1x128xi32, #tpu.memory_space<vmem>>
        %dma_start3A_39 = tpu.memref_squeeze %dma_start3A_38 : memref<1x128xi32, #tpu.memory_space<vmem>> -> memref<128xi32, #tpu.memory_space<vmem>>
        %dma_start3A_40 = arith.constant 0 : i32
        %dma_start3A_41 = arith.constant 0 : i32
        %dma_start3A_42 = tpu.memref_slice %arg10[%dma_start3A_40, %dma_start3A_41] : memref<50048x16xf32, #tpu.memory_space<vmem_shared>> -> memref<50048x16xf32, #tpu.memory_space<vmem_shared>>
        tpu.enqueue_indirect_dma source(%arg8 : memref<128x16xf32, #tpu.memory_space<vmem>>) target(%dma_start3A_42 : memref<50048x16xf32, #tpu.memory_space<vmem_shared>>) offsets(%dma_start3A_39 : memref<128xi32, #tpu.memory_space<vmem>>) semaphore(%run_scoped3A : memref<!tpu.dma_semaphore, #tpu.memory_space<semaphore_mem>>) {add = true}
        %dma_wait3A_43 = arith.constant 0 : i32
        %dma_wait3A_44 = tpu.memref_slice %arg7[%add3A_26, %dma_wait3A_43] : memref<196x128xi32, #tpu.memory_space<vmem>> -> memref<1x128xi32, #tpu.memory_space<vmem>>
        %dma_wait3A_45 = tpu.memref_squeeze %dma_wait3A_44 : memref<1x128xi32, #tpu.memory_space<vmem>> -> memref<128xi32, #tpu.memory_space<vmem>>
        %dma_wait3A_46 = arith.constant 0 : i32
        %dma_wait3A_47 = arith.constant 0 : i32
        %dma_wait3A_48 = tpu.memref_slice %arg10[%dma_wait3A_46, %dma_wait3A_47] : memref<50048x16xf32, #tpu.memory_space<vmem_shared>> -> memref<50048x16xf32, #tpu.memory_space<vmem_shared>>
        tpu.wait_indirect_dma semaphore(%run_scoped3A : memref<!tpu.dma_semaphore, #tpu.memory_space<semaphore_mem>>) src(%arg8 : memref<128x16xf32, #tpu.memory_space<vmem>>) dst(%dma_wait3A_48 : memref<50048x16xf32, #tpu.memory_space<vmem_shared>>)
        tpu.yield
      }) : () -> ()
    }
    %scan3A_18 = arith.constant 196 : i32
    %barrier3A_19 = arith.constant 0 : index
    tpu.barrier barrier_id(%barrier3A_19)
    %mul3A_20 = arith.constant 3128 : i32
    %mul3A_21 = arith.muli %arg1, %mul3A_20 : i32
    "tpu.region"() ({
      %run_scoped3A = tpu.sem_alloc : memref<!tpu.dma_semaphore, #tpu.memory_space<semaphore_mem>>
      %dma_start3A = arith.constant 0 : i32
      %dma_start3A_22 = tpu.memref_slice %arg5[%arg0, %mul3A_21, %dma_start3A] : memref<2x50048x16xf32, #tpu.memory_space<hbm>> -> memref<1x3128x16xf32, #tpu.memory_space<hbm>>
      %dma_start3A_23 = tpu.memref_squeeze %dma_start3A_22 : memref<1x3128x16xf32, #tpu.memory_space<hbm>> -> memref<3128x16xf32, #tpu.memory_space<hbm>>
      %dma_start3A_24 = arith.constant 0 : i32
      %dma_start3A_25 = tpu.memref_slice %arg10[%mul3A_21, %dma_start3A_24] : memref<50048x16xf32, #tpu.memory_space<vmem_shared>> -> memref<3128x16xf32, #tpu.memory_space<vmem_shared>>
      tpu.enqueue_dma source(%dma_start3A_25 : memref<3128x16xf32, #tpu.memory_space<vmem_shared>>) target(%dma_start3A_23 : memref<3128x16xf32, #tpu.memory_space<hbm>>) target_semaphore(%run_scoped3A : memref<!tpu.dma_semaphore, #tpu.memory_space<semaphore_mem>>)
      %dma_wait3A = arith.constant 0 : i32
      %dma_wait3A_26 = tpu.memref_slice %arg5[%arg0, %mul3A_21, %dma_wait3A] : memref<2x50048x16xf32, #tpu.memory_space<hbm>> -> memref<1x3128x16xf32, #tpu.memory_space<hbm>>
      %dma_wait3A_27 = tpu.memref_squeeze %dma_wait3A_26 : memref<1x3128x16xf32, #tpu.memory_space<hbm>> -> memref<3128x16xf32, #tpu.memory_space<hbm>>
      %dma_wait3A_28 = arith.constant 0 : i32
      %dma_wait3A_29 = tpu.memref_slice %arg10[%mul3A_21, %dma_wait3A_28] : memref<50048x16xf32, #tpu.memory_space<vmem_shared>> -> memref<3128x16xf32, #tpu.memory_space<vmem_shared>>
      tpu.wait_dma2 semaphore(%run_scoped3A : memref<!tpu.dma_semaphore, #tpu.memory_space<semaphore_mem>>) src(%dma_wait3A_29 : memref<3128x16xf32, #tpu.memory_space<vmem_shared>>) dst(%dma_wait3A_27 : memref<3128x16xf32, #tpu.memory_space<hbm>>)
      tpu.yield
    }) : () -> ()
    return
  }
}

#map = affine_map<(d0, d1) -> (0, 0)>
#map1 = affine_map<(d0, d1) -> (0, 0, 0)>
module attributes {stable_mosaic.version = 14 : i64} {
  func.func @scatter_kernel(%arg0: i32, %arg1: i32, %arg2: memref<50000x16xf32, #tpu.memory_space<hbm>>, %arg3: memref<32x196x128xi32, #tpu.memory_space<hbm>>, %arg4: memref<32x196x128xi32, #tpu.memory_space<hbm>>, %arg5: memref<2x50048x16xf32, #tpu.memory_space<hbm>>, %arg6: memref<196x128xi32, #tpu.memory_space<vmem>>, %arg7: memref<196x128xi32, #tpu.memory_space<vmem>>, %arg8: memref<128x16xf32, #tpu.memory_space<vmem>>, %arg9: memref<128x16xf32, #tpu.memory_space<vmem>>, %arg10: memref<50048x16xf32, #tpu.memory_space<vmem_shared>>, %arg11: memref<!tpu.dma_semaphore, #tpu.memory_space<semaphore_mem>>) attributes {dimension_semantics = [#tpu.dimension_semantics<core_parallel>, #tpu.dimension_semantics<subcore_parallel>], iteration_bounds = array<i64: 2, 16>, scalar_prefetch = 0 : i64, scratch_operands = 6 : i64, tpu.core_type = #tpu.core_type<sc_vector_subcore>, window_params = [{transform_indices = #map}, {transform_indices = #map1}, {transform_indices = #map1}, {transform_indices = #map1}]} {
    %mul3A = arith.constant 2 : i32
    %mul3A_0 = arith.muli %arg1, %mul3A : i32
    %add3A = arith.addi %mul3A_0, %arg0 : i32
    %scan3A = arith.constant 0 : i32
    %scan3A_1 = arith.constant 128 : i32
    %scan3A_2 = arith.addi %scan3A, %scan3A_1 : i32
    %scan3A_3 = arith.constant 1 : i32
    scf.for %scan3A_22 = %scan3A to %scan3A_2 step %scan3A_3  : i32 {
      %mul3A_23 = arith.constant 1 : i32
      %mul3A_24 = arith.muli %scan3A_22, %mul3A_23 : i32
      %add3A_25 = arith.constant 0 : i32
      %add3A_26 = arith.addi %add3A_25, %mul3A_24 : i32
      %broadcast_in_dim3A = arith.constant 0.000000e+00 : f32
      %broadcast_in_dim3A_27 = vector.broadcast %broadcast_in_dim3A : f32 to vector<16xf32>
      %swap3A = arith.index_cast %add3A_26 : i32 to index
      %swap3A_28 = arith.constant 0 : index
      %swap3A_29 = tpu.vector_load %arg9[%swap3A, %swap3A_28] {strides = array<i32>} : memref<128x16xf32, #tpu.memory_space<vmem>>, vector<1x16xf32>,
      %swap3A_30 = vector.shape_cast %swap3A_29 : vector<1x16xf32> to vector<16xf32>
      %swap3A_31 = vector.shape_cast %broadcast_in_dim3A_27 : vector<16xf32> to vector<1x16xf32>
      tpu.vector_store %arg9[%swap3A, %swap3A_28], %swap3A_31 {strides = array<i32>} : memref<128x16xf32, #tpu.memory_space<vmem>>, vector<1x16xf32>,
    }
    %scan3A_4 = arith.constant 128 : i32
    %mul3A_5 = arith.constant 3128 : i32
    %mul3A_6 = arith.muli %arg1, %mul3A_5 : i32
    %scan3A_7 = arith.constant 0 : i32
    %scan3A_8 = arith.constant 24 : i32
    %scan3A_9 = arith.addi %scan3A_7, %scan3A_8 : i32
    %scan3A_10 = arith.constant 1 : i32
    scf.for %scan3A_22 = %scan3A_7 to %scan3A_9 step %scan3A_10  : i32 {
      %mul3A_23 = arith.constant 1 : i32
      %mul3A_24 = arith.muli %scan3A_22, %mul3A_23 : i32
      %add3A_25 = arith.constant 0 : i32
      %add3A_26 = arith.addi %add3A_25, %mul3A_24 : i32
      %mul3A_27 = arith.constant 128 : i32
      %mul3A_28 = arith.muli %add3A_26, %mul3A_27 : i32
      %add3A_29 = arith.addi %mul3A_6, %mul3A_28 : i32
      "tpu.region"() ({
        %run_scoped3A = tpu.sem_alloc : memref<!tpu.dma_semaphore, #tpu.memory_space<semaphore_mem>>
        %dma_start3A = arith.constant 0 : i32
        %dma_start3A_30 = tpu.memref_slice %arg10[%add3A_29, %dma_start3A] : memref<50048x16xf32, #tpu.memory_space<vmem_shared>> -> memref<128x16xf32, #tpu.memory_space<vmem_shared>>
        %dma_start3A_31 = arith.constant 0 : i32
        %dma_start3A_32 = tpu.memref_slice %arg10[%add3A_29, %dma_start3A_31] : memref<50048x16xf32, #tpu.memory_space<vmem_shared>> -> memref<128x16xf32, #tpu.memory_space<vmem_shared>>
        tpu.enqueue_dma source(%arg9 : memref<128x16xf32, #tpu.memory_space<vmem>>) target(%dma_start3A_32 : memref<128x16xf32, #tpu.memory_space<vmem_shared>>) target_semaphore(%run_scoped3A : memref<!tpu.dma_semaphore, #tpu.memory_space<semaphore_mem>>)
        %dma_wait3A = arith.constant 0 : i32
        %dma_wait3A_33 = tpu.memref_slice %arg10[%add3A_29, %dma_wait3A] : memref<50048x16xf32, #tpu.memory_space<vmem_shared>> -> memref<128x16xf32, #tpu.memory_space<vmem_shared>>
        %dma_wait3A_34 = arith.constant 0 : i32
        %dma_wait3A_35 = tpu.memref_slice %arg10[%add3A_29, %dma_wait3A_34] : memref<50048x16xf32, #tpu.memory_space<vmem_shared>> -> memref<128x16xf32, #tpu.memory_space<vmem_shared>>
        tpu.wait_dma2 semaphore(%run_scoped3A : memref<!tpu.dma_semaphore, #tpu.memory_space<semaphore_mem>>) src(%arg9 : memref<128x16xf32, #tpu.memory_space<vmem>>) dst(%dma_wait3A_35 : memref<128x16xf32, #tpu.memory_space<vmem_shared>>)
        tpu.yield
      }) : () -> ()
    }
    %scan3A_11 = arith.constant 24 : i32
    %add3A_12 = arith.constant 3072 : i32
    %add3A_13 = arith.addi %mul3A_6, %add3A_12 : i32
    "tpu.region"() ({
      %run_scoped3A = tpu.sem_alloc : memref<!tpu.dma_semaphore, #tpu.memory_space<semaphore_mem>>
      %dma_start3A = arith.constant 0 : i32
      %dma_start3A_22 = arith.constant 0 : i32
      %dma_start3A_23 = tpu.memref_slice %arg9[%dma_start3A, %dma_start3A_22] : memref<128x16xf32, #tpu.memory_space<vmem>> -> memref<56x16xf32, #tpu.memory_space<vmem>>
      %dma_start3A_24 = arith.constant 0 : i32
      %dma_start3A_25 = tpu.memref_slice %arg10[%add3A_13, %dma_start3A_24] : memref<50048x16xf32, #tpu.memory_space<vmem_shared>> -> memref<56x16xf32, #tpu.memory_space<vmem_shared>>
      %dma_start3A_26 = arith.constant 0 : i32
      %dma_start3A_27 = tpu.memref_slice %arg10[%add3A_13, %dma_start3A_26] : memref<50048x16xf32, #tpu.memory_space<vmem_shared>> -> memref<56x16xf32, #tpu.memory_space<vmem_shared>>
      %dma_start3A_28 = arith.constant 0 : i32
      %dma_start3A_29 = arith.constant 0 : i32
      %dma_start3A_30 = tpu.memref_slice %arg9[%dma_start3A_28, %dma_start3A_29] : memref<128x16xf32, #tpu.memory_space<vmem>> -> memref<56x16xf32, #tpu.memory_space<vmem>>
      tpu.enqueue_dma source(%dma_start3A_30 : memref<56x16xf32, #tpu.memory_space<vmem>>) target(%dma_start3A_27 : memref<56x16xf32, #tpu.memory_space<vmem_shared>>) target_semaphore(%run_scoped3A : memref<!tpu.dma_semaphore, #tpu.memory_space<semaphore_mem>>)
      %dma_wait3A = arith.constant 0 : i32
      %dma_wait3A_31 = arith.constant 0 : i32
      %dma_wait3A_32 = tpu.memref_slice %arg9[%dma_wait3A, %dma_wait3A_31] : memref<128x16xf32, #tpu.memory_space<vmem>> -> memref<56x16xf32, #tpu.memory_space<vmem>>
      %dma_wait3A_33 = arith.constant 0 : i32
      %dma_wait3A_34 = tpu.memref_slice %arg10[%add3A_13, %dma_wait3A_33] : memref<50048x16xf32, #tpu.memory_space<vmem_shared>> -> memref<56x16xf32, #tpu.memory_space<vmem_shared>>
      %dma_wait3A_35 = arith.constant 0 : i32
      %dma_wait3A_36 = tpu.memref_slice %arg10[%add3A_13, %dma_wait3A_35] : memref<50048x16xf32, #tpu.memory_space<vmem_shared>> -> memref<56x16xf32, #tpu.memory_space<vmem_shared>>
      %dma_wait3A_37 = arith.constant 0 : i32
      %dma_wait3A_38 = arith.constant 0 : i32
      %dma_wait3A_39 = tpu.memref_slice %arg9[%dma_wait3A_37, %dma_wait3A_38] : memref<128x16xf32, #tpu.memory_space<vmem>> -> memref<56x16xf32, #tpu.memory_space<vmem>>
      tpu.wait_dma2 semaphore(%run_scoped3A : memref<!tpu.dma_semaphore, #tpu.memory_space<semaphore_mem>>) src(%dma_wait3A_39 : memref<56x16xf32, #tpu.memory_space<vmem>>) dst(%dma_wait3A_36 : memref<56x16xf32, #tpu.memory_space<vmem_shared>>)
      tpu.yield
    }) : () -> ()
    "tpu.region"() ({
      %run_scoped3A = tpu.sem_alloc : memref<!tpu.dma_semaphore, #tpu.memory_space<semaphore_mem>>
      %dma_start3A = arith.constant 0 : i32
      %dma_start3A_22 = arith.constant 0 : i32
      %dma_start3A_23 = tpu.memref_slice %arg3[%add3A, %dma_start3A, %dma_start3A_22] : memref<32x196x128xi32, #tpu.memory_space<hbm>> -> memref<1x196x128xi32, #tpu.memory_space<hbm>>
      %dma_start3A_24 = tpu.memref_squeeze %dma_start3A_23 : memref<1x196x128xi32, #tpu.memory_space<hbm>> -> memref<196x128xi32, #tpu.memory_space<hbm>>
      %dma_start3A_25 = arith.constant 0 : i32
      %dma_start3A_26 = arith.constant 0 : i32
      %dma_start3A_27 = tpu.memref_slice %arg3[%add3A, %dma_start3A_25, %dma_start3A_26] : memref<32x196x128xi32, #tpu.memory_space<hbm>> -> memref<1x196x128xi32, #tpu.memory_space<hbm>>
      %dma_start3A_28 = tpu.memref_squeeze %dma_start3A_27 : memref<1x196x128xi32, #tpu.memory_space<hbm>> -> memref<196x128xi32, #tpu.memory_space<hbm>>
      tpu.enqueue_dma source(%dma_start3A_28 : memref<196x128xi32, #tpu.memory_space<hbm>>) target(%arg6 : memref<196x128xi32, #tpu.memory_space<vmem>>) target_semaphore(%run_scoped3A : memref<!tpu.dma_semaphore, #tpu.memory_space<semaphore_mem>>)
      %dma_wait3A = arith.constant 0 : i32
      %dma_wait3A_29 = arith.constant 0 : i32
      %dma_wait3A_30 = tpu.memref_slice %arg3[%add3A, %dma_wait3A, %dma_wait3A_29] : memref<32x196x128xi32, #tpu.memory_space<hbm>> -> memref<1x196x128xi32, #tpu.memory_space<hbm>>
      %dma_wait3A_31 = tpu.memref_squeeze %dma_wait3A_30 : memref<1x196x128xi32, #tpu.memory_space<hbm>> -> memref<196x128xi32, #tpu.memory_space<hbm>>
      %dma_wait3A_32 = arith.constant 0 : i32
      %dma_wait3A_33 = arith.constant 0 : i32
      %dma_wait3A_34 = tpu.memref_slice %arg3[%add3A, %dma_wait3A_32, %dma_wait3A_33] : memref<32x196x128xi32, #tpu.memory_space<hbm>> -> memref<1x196x128xi32, #tpu.memory_space<hbm>>
      %dma_wait3A_35 = tpu.memref_squeeze %dma_wait3A_34 : memref<1x196x128xi32, #tpu.memory_space<hbm>> -> memref<196x128xi32, #tpu.memory_space<hbm>>
      tpu.wait_dma2 semaphore(%run_scoped3A : memref<!tpu.dma_semaphore, #tpu.memory_space<semaphore_mem>>) src(%dma_wait3A_35 : memref<196x128xi32, #tpu.memory_space<hbm>>) dst(%arg6 : memref<196x128xi32, #tpu.memory_space<vmem>>)
      tpu.yield
    }) : () -> ()
    "tpu.region"() ({
      %run_scoped3A = tpu.sem_alloc : memref<!tpu.dma_semaphore, #tpu.memory_space<semaphore_mem>>
      %dma_start3A = arith.constant 0 : i32
      %dma_start3A_22 = arith.constant 0 : i32
      %dma_start3A_23 = tpu.memref_slice %arg4[%add3A, %dma_start3A, %dma_start3A_22] : memref<32x196x128xi32, #tpu.memory_space<hbm>> -> memref<1x196x128xi32, #tpu.memory_space<hbm>>
      %dma_start3A_24 = tpu.memref_squeeze %dma_start3A_23 : memref<1x196x128xi32, #tpu.memory_space<hbm>> -> memref<196x128xi32, #tpu.memory_space<hbm>>
      %dma_start3A_25 = arith.constant 0 : i32
      %dma_start3A_26 = arith.constant 0 : i32
      %dma_start3A_27 = tpu.memref_slice %arg4[%add3A, %dma_start3A_25, %dma_start3A_26] : memref<32x196x128xi32, #tpu.memory_space<hbm>> -> memref<1x196x128xi32, #tpu.memory_space<hbm>>
      %dma_start3A_28 = tpu.memref_squeeze %dma_start3A_27 : memref<1x196x128xi32, #tpu.memory_space<hbm>> -> memref<196x128xi32, #tpu.memory_space<hbm>>
      tpu.enqueue_dma source(%dma_start3A_28 : memref<196x128xi32, #tpu.memory_space<hbm>>) target(%arg7 : memref<196x128xi32, #tpu.memory_space<vmem>>) target_semaphore(%run_scoped3A : memref<!tpu.dma_semaphore, #tpu.memory_space<semaphore_mem>>)
      %dma_wait3A = arith.constant 0 : i32
      %dma_wait3A_29 = arith.constant 0 : i32
      %dma_wait3A_30 = tpu.memref_slice %arg4[%add3A, %dma_wait3A, %dma_wait3A_29] : memref<32x196x128xi32, #tpu.memory_space<hbm>> -> memref<1x196x128xi32, #tpu.memory_space<hbm>>
      %dma_wait3A_31 = tpu.memref_squeeze %dma_wait3A_30 : memref<1x196x128xi32, #tpu.memory_space<hbm>> -> memref<196x128xi32, #tpu.memory_space<hbm>>
      %dma_wait3A_32 = arith.constant 0 : i32
      %dma_wait3A_33 = arith.constant 0 : i32
      %dma_wait3A_34 = tpu.memref_slice %arg4[%add3A, %dma_wait3A_32, %dma_wait3A_33] : memref<32x196x128xi32, #tpu.memory_space<hbm>> -> memref<1x196x128xi32, #tpu.memory_space<hbm>>
      %dma_wait3A_35 = tpu.memref_squeeze %dma_wait3A_34 : memref<1x196x128xi32, #tpu.memory_space<hbm>> -> memref<196x128xi32, #tpu.memory_space<hbm>>
      tpu.wait_dma2 semaphore(%run_scoped3A : memref<!tpu.dma_semaphore, #tpu.memory_space<semaphore_mem>>) src(%dma_wait3A_35 : memref<196x128xi32, #tpu.memory_space<hbm>>) dst(%arg7 : memref<196x128xi32, #tpu.memory_space<vmem>>)
      tpu.yield
    }) : () -> ()
    %barrier3A = arith.constant 0 : index
    tpu.barrier barrier_id(%barrier3A)
    %scan3A_14 = arith.constant 0 : i32
    %scan3A_15 = arith.constant 196 : i32
    %scan3A_16 = arith.addi %scan3A_14, %scan3A_15 : i32
    %scan3A_17 = arith.constant 1 : i32
    scf.for %scan3A_22 = %scan3A_14 to %scan3A_16 step %scan3A_17  : i32 {
      %mul3A_23 = arith.constant 1 : i32
      %mul3A_24 = arith.muli %scan3A_22, %mul3A_23 : i32
      %add3A_25 = arith.constant 0 : i32
      %add3A_26 = arith.addi %add3A_25, %mul3A_24 : i32
      %dma_start3A = arith.constant 0 : i32
      %dma_start3A_27 = tpu.memref_slice %arg6[%add3A_26, %dma_start3A] : memref<196x128xi32, #tpu.memory_space<vmem>> -> memref<1x128xi32, #tpu.memory_space<vmem>>
      %dma_start3A_28 = tpu.memref_squeeze %dma_start3A_27 : memref<1x128xi32, #tpu.memory_space<vmem>> -> memref<128xi32, #tpu.memory_space<vmem>>
      %dma_start3A_29 = arith.constant 0 : i32
      %dma_start3A_30 = arith.constant 0 : i32
      %dma_start3A_31 = tpu.memref_slice %arg2[%dma_start3A_29, %dma_start3A_30] : memref<50000x16xf32, #tpu.memory_space<hbm>> -> memref<50000x16xf32, #tpu.memory_space<hbm>>
      tpu.enqueue_indirect_dma source(%dma_start3A_31 : memref<50000x16xf32, #tpu.memory_space<hbm>>) target(%arg8 : memref<128x16xf32, #tpu.memory_space<vmem>>) offsets(%dma_start3A_28 : memref<128xi32, #tpu.memory_space<vmem>>) semaphore(%arg11 : memref<!tpu.dma_semaphore, #tpu.memory_space<semaphore_mem>>)
      %dma_wait3A = arith.constant 0 : i32
      %dma_wait3A_32 = tpu.memref_slice %arg6[%add3A_26, %dma_wait3A] : memref<196x128xi32, #tpu.memory_space<vmem>> -> memref<1x128xi32, #tpu.memory_space<vmem>>
      %dma_wait3A_33 = tpu.memref_squeeze %dma_wait3A_32 : memref<1x128xi32, #tpu.memory_space<vmem>> -> memref<128xi32, #tpu.memory_space<vmem>>
      %dma_wait3A_34 = arith.constant 0 : i32
      %dma_wait3A_35 = arith.constant 0 : i32
      %dma_wait3A_36 = tpu.memref_slice %arg2[%dma_wait3A_34, %dma_wait3A_35] : memref<50000x16xf32, #tpu.memory_space<hbm>> -> memref<50000x16xf32, #tpu.memory_space<hbm>>
      tpu.wait_indirect_dma semaphore(%arg11 : memref<!tpu.dma_semaphore, #tpu.memory_space<semaphore_mem>>) src(%dma_wait3A_36 : memref<50000x16xf32, #tpu.memory_space<hbm>>) dst(%arg8 : memref<128x16xf32, #tpu.memory_space<vmem>>)
      "tpu.region"() ({
        %run_scoped3A = tpu.sem_alloc : memref<!tpu.dma_semaphore, #tpu.memory_space<semaphore_mem>>
        %dma_start3A_37 = arith.constant 0 : i32
        %dma_start3A_38 = tpu.memref_slice %arg7[%add3A_26, %dma_start3A_37] : memref<196x128xi32, #tpu.memory_space<vmem>> -> memref<1x128xi32, #tpu.memory_space<vmem>>
        %dma_start3A_39 = tpu.memref_squeeze %dma_start3A_38 : memref<1x128xi32, #tpu.memory_space<vmem>> -> memref<128xi32, #tpu.memory_space<vmem>>
        %dma_start3A_40 = arith.constant 0 : i32
        %dma_start3A_41 = arith.constant 0 : i32
        %dma_start3A_42 = tpu.memref_slice %arg10[%dma_start3A_40, %dma_start3A_41] : memref<50048x16xf32, #tpu.memory_space<vmem_shared>> -> memref<50048x16xf32, #tpu.memory_space<vmem_shared>>
        tpu.enqueue_indirect_dma source(%arg8 : memref<128x16xf32, #tpu.memory_space<vmem>>) target(%dma_start3A_42 : memref<50048x16xf32, #tpu.memory_space<vmem_shared>>) offsets(%dma_start3A_39 : memref<128xi32, #tpu.memory_space<vmem>>) semaphore(%run_scoped3A : memref<!tpu.dma_semaphore, #tpu.memory_space<semaphore_mem>>) {add = true}
        %dma_wait3A_43 = arith.constant 0 : i32
        %dma_wait3A_44 = tpu.memref_slice %arg7[%add3A_26, %dma_wait3A_43] : memref<196x128xi32, #tpu.memory_space<vmem>> -> memref<1x128xi32, #tpu.memory_space<vmem>>
        %dma_wait3A_45 = tpu.memref_squeeze %dma_wait3A_44 : memref<1x128xi32, #tpu.memory_space<vmem>> -> memref<128xi32, #tpu.memory_space<vmem>>
        %dma_wait3A_46 = arith.constant 0 : i32
        %dma_wait3A_47 = arith.constant 0 : i32
        %dma_wait3A_48 = tpu.memref_slice %arg10[%dma_wait3A_46, %dma_wait3A_47] : memref<50048x16xf32, #tpu.memory_space<vmem_shared>> -> memref<50048x16xf32, #tpu.memory_space<vmem_shared>>
        tpu.wait_indirect_dma semaphore(%run_scoped3A : memref<!tpu.dma_semaphore, #tpu.memory_space<semaphore_mem>>) src(%arg8 : memref<128x16xf32, #tpu.memory_space<vmem>>) dst(%dma_wait3A_48 : memref<50048x16xf32, #tpu.memory_space<vmem_shared>>)
        tpu.yield
      }) : () -> ()
    }
    %scan3A_18 = arith.constant 196 : i32
    %barrier3A_19 = arith.constant 0 : index
    tpu.barrier barrier_id(%barrier3A_19)
    %mul3A_20 = arith.constant 3128 : i32
    %mul3A_21 = arith.muli %arg1, %mul3A_20 : i32
    "tpu.region"() ({
      %run_scoped3A = tpu.sem_alloc : memref<!tpu.dma_semaphore, #tpu.memory_space<semaphore_mem>>
      %dma_start3A = arith.constant 0 : i32
      %dma_start3A_22 = tpu.memref_slice %arg5[%arg0, %mul3A_21, %dma_start3A] : memref<2x50048x16xf32, #tpu.memory_space<hbm>> -> memref<1x3128x16xf32, #tpu.memory_space<hbm>>
      %dma_start3A_23 = tpu.memref_squeeze %dma_start3A_22 : memref<1x3128x16xf32, #tpu.memory_space<hbm>> -> memref<3128x16xf32, #tpu.memory_space<hbm>>
      %dma_start3A_24 = arith.constant 0 : i32
      %dma_start3A_25 = tpu.memref_slice %arg10[%mul3A_21, %dma_start3A_24] : memref<50048x16xf32, #tpu.memory_space<vmem_shared>> -> memref<3128x16xf32, #tpu.memory_space<vmem_shared>>
      tpu.enqueue_dma source(%dma_start3A_25 : memref<3128x16xf32, #tpu.memory_space<vmem_shared>>) target(%dma_start3A_23 : memref<3128x16xf32, #tpu.memory_space<hbm>>) target_semaphore(%run_scoped3A : memref<!tpu.dma_semaphore, #tpu.memory_space<semaphore_mem>>)
      %dma_wait3A = arith.constant 0 : i32
      %dma_wait3A_26 = tpu.memref_slice %arg5[%arg0, %mul3A_21, %dma_wait3A] : memref<2x50048x16xf32, #tpu.memory_space<hbm>> -> memref<1x3128x16xf32, #tpu.memory_space<hbm>>
      %dma_wait3A_27 = tpu.memref_squeeze %dma_wait3A_26 : memref<1x3128x16xf32, #tpu.memory_space<hbm>> -> memref<3128x16xf32, #tpu.memory_space<hbm>>
      %dma_wait3A_28 = arith.constant 0 : i32
      %dma_wait3A_29 = tpu.memref_slice %arg10[%mul3A_21, %dma_wait3A_28] : memref<50048x16xf32, #tpu.memory_space<vmem_shared>> -> memref<3128x16xf32, #tpu.memory_space<vmem_shared>>
      tpu.wait_dma2 semaphore(%run_scoped3A : memref<!tpu.dma_semaphore, #tpu.memory_space<semaphore_mem>>) src(%dma_wait3A_29 : memref<3128x16xf32, #tpu.memory_space<vmem_shared>>) dst(%dma_wait3A_27 : memref<3128x16xf32, #tpu.memory_space<hbm>>)
      tpu.yield
    }) : () -> ()
    return
  }
}

#map = affine_map<(d0, d1) -> (0, 0)>
#map1 = affine_map<(d0, d1) -> (0, 0, 0)>
module attributes {stable_mosaic.version = 14 : i64} {
  func.func @scatter_kernel(%arg0: i32, %arg1: i32, %arg2: memref<50000x16xf32, #tpu.memory_space<hbm>>, %arg3: memref<32x196x128xi32, #tpu.memory_space<hbm>>, %arg4: memref<32x196x128xi32, #tpu.memory_space<hbm>>, %arg5: memref<2x50048x16xf32, #tpu.memory_space<hbm>>, %arg6: memref<196x128xi32, #tpu.memory_space<vmem>>, %arg7: memref<196x128xi32, #tpu.memory_space<vmem>>, %arg8: memref<128x16xf32, #tpu.memory_space<vmem>>, %arg9: memref<128x16xf32, #tpu.memory_space<vmem>>, %arg10: memref<50048x16xf32, #tpu.memory_space<vmem_shared>>, %arg11: memref<!tpu.dma_semaphore, #tpu.memory_space<semaphore_mem>>) attributes {dimension_semantics = [#tpu.dimension_semantics<core_parallel>, #tpu.dimension_semantics<subcore_parallel>], iteration_bounds = array<i64: 2, 16>, scalar_prefetch = 0 : i64, scratch_operands = 6 : i64, tpu.core_type = #tpu.core_type<sc_vector_subcore>, window_params = [{transform_indices = #map}, {transform_indices = #map1}, {transform_indices = #map1}, {transform_indices = #map1}]} {
    %mul3A = arith.constant 2 : i32
    %mul3A_0 = arith.muli %arg1, %mul3A : i32
    %add3A = arith.addi %mul3A_0, %arg0 : i32
    %scan3A = arith.constant 0 : i32
    %scan3A_1 = arith.constant 128 : i32
    %scan3A_2 = arith.addi %scan3A, %scan3A_1 : i32
    %scan3A_3 = arith.constant 1 : i32
    scf.for %scan3A_22 = %scan3A to %scan3A_2 step %scan3A_3  : i32 {
      %mul3A_23 = arith.constant 1 : i32
      %mul3A_24 = arith.muli %scan3A_22, %mul3A_23 : i32
      %add3A_25 = arith.constant 0 : i32
      %add3A_26 = arith.addi %add3A_25, %mul3A_24 : i32
      %broadcast_in_dim3A = arith.constant 0.000000e+00 : f32
      %broadcast_in_dim3A_27 = vector.broadcast %broadcast_in_dim3A : f32 to vector<16xf32>
      %swap3A = arith.index_cast %add3A_26 : i32 to index
      %swap3A_28 = arith.constant 0 : index
      %swap3A_29 = tpu.vector_load %arg9[%swap3A, %swap3A_28] {strides = array<i32>} : memref<128x16xf32, #tpu.memory_space<vmem>>, vector<1x16xf32>,
      %swap3A_30 = vector.shape_cast %swap3A_29 : vector<1x16xf32> to vector<16xf32>
      %swap3A_31 = vector.shape_cast %broadcast_in_dim3A_27 : vector<16xf32> to vector<1x16xf32>
      tpu.vector_store %arg9[%swap3A, %swap3A_28], %swap3A_31 {strides = array<i32>} : memref<128x16xf32, #tpu.memory_space<vmem>>, vector<1x16xf32>,
    }
    %scan3A_4 = arith.constant 128 : i32
    %mul3A_5 = arith.constant 3128 : i32
    %mul3A_6 = arith.muli %arg1, %mul3A_5 : i32
    %scan3A_7 = arith.constant 0 : i32
    %scan3A_8 = arith.constant 24 : i32
    %scan3A_9 = arith.addi %scan3A_7, %scan3A_8 : i32
    %scan3A_10 = arith.constant 1 : i32
    scf.for %scan3A_22 = %scan3A_7 to %scan3A_9 step %scan3A_10  : i32 {
      %mul3A_23 = arith.constant 1 : i32
      %mul3A_24 = arith.muli %scan3A_22, %mul3A_23 : i32
      %add3A_25 = arith.constant 0 : i32
      %add3A_26 = arith.addi %add3A_25, %mul3A_24 : i32
      %mul3A_27 = arith.constant 128 : i32
      %mul3A_28 = arith.muli %add3A_26, %mul3A_27 : i32
      %add3A_29 = arith.addi %mul3A_6, %mul3A_28 : i32
      "tpu.region"() ({
        %run_scoped3A = tpu.sem_alloc : memref<!tpu.dma_semaphore, #tpu.memory_space<semaphore_mem>>
        %dma_start3A = arith.constant 0 : i32
        %dma_start3A_30 = tpu.memref_slice %arg10[%add3A_29, %dma_start3A] : memref<50048x16xf32, #tpu.memory_space<vmem_shared>> -> memref<128x16xf32, #tpu.memory_space<vmem_shared>>
        %dma_start3A_31 = arith.constant 0 : i32
        %dma_start3A_32 = tpu.memref_slice %arg10[%add3A_29, %dma_start3A_31] : memref<50048x16xf32, #tpu.memory_space<vmem_shared>> -> memref<128x16xf32, #tpu.memory_space<vmem_shared>>
        tpu.enqueue_dma source(%arg9 : memref<128x16xf32, #tpu.memory_space<vmem>>) target(%dma_start3A_32 : memref<128x16xf32, #tpu.memory_space<vmem_shared>>) target_semaphore(%run_scoped3A : memref<!tpu.dma_semaphore, #tpu.memory_space<semaphore_mem>>)
        %dma_wait3A = arith.constant 0 : i32
        %dma_wait3A_33 = tpu.memref_slice %arg10[%add3A_29, %dma_wait3A] : memref<50048x16xf32, #tpu.memory_space<vmem_shared>> -> memref<128x16xf32, #tpu.memory_space<vmem_shared>>
        %dma_wait3A_34 = arith.constant 0 : i32
        %dma_wait3A_35 = tpu.memref_slice %arg10[%add3A_29, %dma_wait3A_34] : memref<50048x16xf32, #tpu.memory_space<vmem_shared>> -> memref<128x16xf32, #tpu.memory_space<vmem_shared>>
        tpu.wait_dma2 semaphore(%run_scoped3A : memref<!tpu.dma_semaphore, #tpu.memory_space<semaphore_mem>>) src(%arg9 : memref<128x16xf32, #tpu.memory_space<vmem>>) dst(%dma_wait3A_35 : memref<128x16xf32, #tpu.memory_space<vmem_shared>>)
        tpu.yield
      }) : () -> ()
    }
    %scan3A_11 = arith.constant 24 : i32
    %add3A_12 = arith.constant 3072 : i32
    %add3A_13 = arith.addi %mul3A_6, %add3A_12 : i32
    "tpu.region"() ({
      %run_scoped3A = tpu.sem_alloc : memref<!tpu.dma_semaphore, #tpu.memory_space<semaphore_mem>>
      %dma_start3A = arith.constant 0 : i32
      %dma_start3A_22 = arith.constant 0 : i32
      %dma_start3A_23 = tpu.memref_slice %arg9[%dma_start3A, %dma_start3A_22] : memref<128x16xf32, #tpu.memory_space<vmem>> -> memref<56x16xf32, #tpu.memory_space<vmem>>
      %dma_start3A_24 = arith.constant 0 : i32
      %dma_start3A_25 = tpu.memref_slice %arg10[%add3A_13, %dma_start3A_24] : memref<50048x16xf32, #tpu.memory_space<vmem_shared>> -> memref<56x16xf32, #tpu.memory_space<vmem_shared>>
      %dma_start3A_26 = arith.constant 0 : i32
      %dma_start3A_27 = tpu.memref_slice %arg10[%add3A_13, %dma_start3A_26] : memref<50048x16xf32, #tpu.memory_space<vmem_shared>> -> memref<56x16xf32, #tpu.memory_space<vmem_shared>>
      %dma_start3A_28 = arith.constant 0 : i32
      %dma_start3A_29 = arith.constant 0 : i32
      %dma_start3A_30 = tpu.memref_slice %arg9[%dma_start3A_28, %dma_start3A_29] : memref<128x16xf32, #tpu.memory_space<vmem>> -> memref<56x16xf32, #tpu.memory_space<vmem>>
      tpu.enqueue_dma source(%dma_start3A_30 : memref<56x16xf32, #tpu.memory_space<vmem>>) target(%dma_start3A_27 : memref<56x16xf32, #tpu.memory_space<vmem_shared>>) target_semaphore(%run_scoped3A : memref<!tpu.dma_semaphore, #tpu.memory_space<semaphore_mem>>)
      %dma_wait3A = arith.constant 0 : i32
      %dma_wait3A_31 = arith.constant 0 : i32
      %dma_wait3A_32 = tpu.memref_slice %arg9[%dma_wait3A, %dma_wait3A_31] : memref<128x16xf32, #tpu.memory_space<vmem>> -> memref<56x16xf32, #tpu.memory_space<vmem>>
      %dma_wait3A_33 = arith.constant 0 : i32
      %dma_wait3A_34 = tpu.memref_slice %arg10[%add3A_13, %dma_wait3A_33] : memref<50048x16xf32, #tpu.memory_space<vmem_shared>> -> memref<56x16xf32, #tpu.memory_space<vmem_shared>>
      %dma_wait3A_35 = arith.constant 0 : i32
      %dma_wait3A_36 = tpu.memref_slice %arg10[%add3A_13, %dma_wait3A_35] : memref<50048x16xf32, #tpu.memory_space<vmem_shared>> -> memref<56x16xf32, #tpu.memory_space<vmem_shared>>
      %dma_wait3A_37 = arith.constant 0 : i32
      %dma_wait3A_38 = arith.constant 0 : i32
      %dma_wait3A_39 = tpu.memref_slice %arg9[%dma_wait3A_37, %dma_wait3A_38] : memref<128x16xf32, #tpu.memory_space<vmem>> -> memref<56x16xf32, #tpu.memory_space<vmem>>
      tpu.wait_dma2 semaphore(%run_scoped3A : memref<!tpu.dma_semaphore, #tpu.memory_space<semaphore_mem>>) src(%dma_wait3A_39 : memref<56x16xf32, #tpu.memory_space<vmem>>) dst(%dma_wait3A_36 : memref<56x16xf32, #tpu.memory_space<vmem_shared>>)
      tpu.yield
    }) : () -> ()
    "tpu.region"() ({
      %run_scoped3A = tpu.sem_alloc : memref<!tpu.dma_semaphore, #tpu.memory_space<semaphore_mem>>
      %dma_start3A = arith.constant 0 : i32
      %dma_start3A_22 = arith.constant 0 : i32
      %dma_start3A_23 = tpu.memref_slice %arg3[%add3A, %dma_start3A, %dma_start3A_22] : memref<32x196x128xi32, #tpu.memory_space<hbm>> -> memref<1x196x128xi32, #tpu.memory_space<hbm>>
      %dma_start3A_24 = tpu.memref_squeeze %dma_start3A_23 : memref<1x196x128xi32, #tpu.memory_space<hbm>> -> memref<196x128xi32, #tpu.memory_space<hbm>>
      %dma_start3A_25 = arith.constant 0 : i32
      %dma_start3A_26 = arith.constant 0 : i32
      %dma_start3A_27 = tpu.memref_slice %arg3[%add3A, %dma_start3A_25, %dma_start3A_26] : memref<32x196x128xi32, #tpu.memory_space<hbm>> -> memref<1x196x128xi32, #tpu.memory_space<hbm>>
      %dma_start3A_28 = tpu.memref_squeeze %dma_start3A_27 : memref<1x196x128xi32, #tpu.memory_space<hbm>> -> memref<196x128xi32, #tpu.memory_space<hbm>>
      tpu.enqueue_dma source(%dma_start3A_28 : memref<196x128xi32, #tpu.memory_space<hbm>>) target(%arg6 : memref<196x128xi32, #tpu.memory_space<vmem>>) target_semaphore(%run_scoped3A : memref<!tpu.dma_semaphore, #tpu.memory_space<semaphore_mem>>)
      %dma_wait3A = arith.constant 0 : i32
      %dma_wait3A_29 = arith.constant 0 : i32
      %dma_wait3A_30 = tpu.memref_slice %arg3[%add3A, %dma_wait3A, %dma_wait3A_29] : memref<32x196x128xi32, #tpu.memory_space<hbm>> -> memref<1x196x128xi32, #tpu.memory_space<hbm>>
      %dma_wait3A_31 = tpu.memref_squeeze %dma_wait3A_30 : memref<1x196x128xi32, #tpu.memory_space<hbm>> -> memref<196x128xi32, #tpu.memory_space<hbm>>
      %dma_wait3A_32 = arith.constant 0 : i32
      %dma_wait3A_33 = arith.constant 0 : i32
      %dma_wait3A_34 = tpu.memref_slice %arg3[%add3A, %dma_wait3A_32, %dma_wait3A_33] : memref<32x196x128xi32, #tpu.memory_space<hbm>> -> memref<1x196x128xi32, #tpu.memory_space<hbm>>
      %dma_wait3A_35 = tpu.memref_squeeze %dma_wait3A_34 : memref<1x196x128xi32, #tpu.memory_space<hbm>> -> memref<196x128xi32, #tpu.memory_space<hbm>>
      tpu.wait_dma2 semaphore(%run_scoped3A : memref<!tpu.dma_semaphore, #tpu.memory_space<semaphore_mem>>) src(%dma_wait3A_35 : memref<196x128xi32, #tpu.memory_space<hbm>>) dst(%arg6 : memref<196x128xi32, #tpu.memory_space<vmem>>)
      tpu.yield
    }) : () -> ()
    "tpu.region"() ({
      %run_scoped3A = tpu.sem_alloc : memref<!tpu.dma_semaphore, #tpu.memory_space<semaphore_mem>>
      %dma_start3A = arith.constant 0 : i32
      %dma_start3A_22 = arith.constant 0 : i32
      %dma_start3A_23 = tpu.memref_slice %arg4[%add3A, %dma_start3A, %dma_start3A_22] : memref<32x196x128xi32, #tpu.memory_space<hbm>> -> memref<1x196x128xi32, #tpu.memory_space<hbm>>
      %dma_start3A_24 = tpu.memref_squeeze %dma_start3A_23 : memref<1x196x128xi32, #tpu.memory_space<hbm>> -> memref<196x128xi32, #tpu.memory_space<hbm>>
      %dma_start3A_25 = arith.constant 0 : i32
      %dma_start3A_26 = arith.constant 0 : i32
      %dma_start3A_27 = tpu.memref_slice %arg4[%add3A, %dma_start3A_25, %dma_start3A_26] : memref<32x196x128xi32, #tpu.memory_space<hbm>> -> memref<1x196x128xi32, #tpu.memory_space<hbm>>
      %dma_start3A_28 = tpu.memref_squeeze %dma_start3A_27 : memref<1x196x128xi32, #tpu.memory_space<hbm>> -> memref<196x128xi32, #tpu.memory_space<hbm>>
      tpu.enqueue_dma source(%dma_start3A_28 : memref<196x128xi32, #tpu.memory_space<hbm>>) target(%arg7 : memref<196x128xi32, #tpu.memory_space<vmem>>) target_semaphore(%run_scoped3A : memref<!tpu.dma_semaphore, #tpu.memory_space<semaphore_mem>>)
      %dma_wait3A = arith.constant 0 : i32
      %dma_wait3A_29 = arith.constant 0 : i32
      %dma_wait3A_30 = tpu.memref_slice %arg4[%add3A, %dma_wait3A, %dma_wait3A_29] : memref<32x196x128xi32, #tpu.memory_space<hbm>> -> memref<1x196x128xi32, #tpu.memory_space<hbm>>
      %dma_wait3A_31 = tpu.memref_squeeze %dma_wait3A_30 : memref<1x196x128xi32, #tpu.memory_space<hbm>> -> memref<196x128xi32, #tpu.memory_space<hbm>>
      %dma_wait3A_32 = arith.constant 0 : i32
      %dma_wait3A_33 = arith.constant 0 : i32
      %dma_wait3A_34 = tpu.memref_slice %arg4[%add3A, %dma_wait3A_32, %dma_wait3A_33] : memref<32x196x128xi32, #tpu.memory_space<hbm>> -> memref<1x196x128xi32, #tpu.memory_space<hbm>>
      %dma_wait3A_35 = tpu.memref_squeeze %dma_wait3A_34 : memref<1x196x128xi32, #tpu.memory_space<hbm>> -> memref<196x128xi32, #tpu.memory_space<hbm>>
      tpu.wait_dma2 semaphore(%run_scoped3A : memref<!tpu.dma_semaphore, #tpu.memory_space<semaphore_mem>>) src(%dma_wait3A_35 : memref<196x128xi32, #tpu.memory_space<hbm>>) dst(%arg7 : memref<196x128xi32, #tpu.memory_space<vmem>>)
      tpu.yield
    }) : () -> ()
    %barrier3A = arith.constant 0 : index
    tpu.barrier barrier_id(%barrier3A)
    %scan3A_14 = arith.constant 0 : i32
    %scan3A_15 = arith.constant 196 : i32
    %scan3A_16 = arith.addi %scan3A_14, %scan3A_15 : i32
    %scan3A_17 = arith.constant 1 : i32
    scf.for %scan3A_22 = %scan3A_14 to %scan3A_16 step %scan3A_17  : i32 {
      %mul3A_23 = arith.constant 1 : i32
      %mul3A_24 = arith.muli %scan3A_22, %mul3A_23 : i32
      %add3A_25 = arith.constant 0 : i32
      %add3A_26 = arith.addi %add3A_25, %mul3A_24 : i32
      %dma_start3A = arith.constant 0 : i32
      %dma_start3A_27 = tpu.memref_slice %arg6[%add3A_26, %dma_start3A] : memref<196x128xi32, #tpu.memory_space<vmem>> -> memref<1x128xi32, #tpu.memory_space<vmem>>
      %dma_start3A_28 = tpu.memref_squeeze %dma_start3A_27 : memref<1x128xi32, #tpu.memory_space<vmem>> -> memref<128xi32, #tpu.memory_space<vmem>>
      %dma_start3A_29 = arith.constant 0 : i32
      %dma_start3A_30 = arith.constant 0 : i32
      %dma_start3A_31 = tpu.memref_slice %arg2[%dma_start3A_29, %dma_start3A_30] : memref<50000x16xf32, #tpu.memory_space<hbm>> -> memref<50000x16xf32, #tpu.memory_space<hbm>>
      tpu.enqueue_indirect_dma source(%dma_start3A_31 : memref<50000x16xf32, #tpu.memory_space<hbm>>) target(%arg8 : memref<128x16xf32, #tpu.memory_space<vmem>>) offsets(%dma_start3A_28 : memref<128xi32, #tpu.memory_space<vmem>>) semaphore(%arg11 : memref<!tpu.dma_semaphore, #tpu.memory_space<semaphore_mem>>)
      %dma_wait3A = arith.constant 0 : i32
      %dma_wait3A_32 = tpu.memref_slice %arg6[%add3A_26, %dma_wait3A] : memref<196x128xi32, #tpu.memory_space<vmem>> -> memref<1x128xi32, #tpu.memory_space<vmem>>
      %dma_wait3A_33 = tpu.memref_squeeze %dma_wait3A_32 : memref<1x128xi32, #tpu.memory_space<vmem>> -> memref<128xi32, #tpu.memory_space<vmem>>
      %dma_wait3A_34 = arith.constant 0 : i32
      %dma_wait3A_35 = arith.constant 0 : i32
      %dma_wait3A_36 = tpu.memref_slice %arg2[%dma_wait3A_34, %dma_wait3A_35] : memref<50000x16xf32, #tpu.memory_space<hbm>> -> memref<50000x16xf32, #tpu.memory_space<hbm>>
      tpu.wait_indirect_dma semaphore(%arg11 : memref<!tpu.dma_semaphore, #tpu.memory_space<semaphore_mem>>) src(%dma_wait3A_36 : memref<50000x16xf32, #tpu.memory_space<hbm>>) dst(%arg8 : memref<128x16xf32, #tpu.memory_space<vmem>>)
      "tpu.region"() ({
        %run_scoped3A = tpu.sem_alloc : memref<!tpu.dma_semaphore, #tpu.memory_space<semaphore_mem>>
        %dma_start3A_37 = arith.constant 0 : i32
        %dma_start3A_38 = tpu.memref_slice %arg7[%add3A_26, %dma_start3A_37] : memref<196x128xi32, #tpu.memory_space<vmem>> -> memref<1x128xi32, #tpu.memory_space<vmem>>
        %dma_start3A_39 = tpu.memref_squeeze %dma_start3A_38 : memref<1x128xi32, #tpu.memory_space<vmem>> -> memref<128xi32, #tpu.memory_space<vmem>>
        %dma_start3A_40 = arith.constant 0 : i32
        %dma_start3A_41 = arith.constant 0 : i32
        %dma_start3A_42 = tpu.memref_slice %arg10[%dma_start3A_40, %dma_start3A_41] : memref<50048x16xf32, #tpu.memory_space<vmem_shared>> -> memref<50048x16xf32, #tpu.memory_space<vmem_shared>>
        tpu.enqueue_indirect_dma source(%arg8 : memref<128x16xf32, #tpu.memory_space<vmem>>) target(%dma_start3A_42 : memref<50048x16xf32, #tpu.memory_space<vmem_shared>>) offsets(%dma_start3A_39 : memref<128xi32, #tpu.memory_space<vmem>>) semaphore(%run_scoped3A : memref<!tpu.dma_semaphore, #tpu.memory_space<semaphore_mem>>) {add = true}
        %dma_wait3A_43 = arith.constant 0 : i32
        %dma_wait3A_44 = tpu.memref_slice %arg7[%add3A_26, %dma_wait3A_43] : memref<196x128xi32, #tpu.memory_space<vmem>> -> memref<1x128xi32, #tpu.memory_space<vmem>>
        %dma_wait3A_45 = tpu.memref_squeeze %dma_wait3A_44 : memref<1x128xi32, #tpu.memory_space<vmem>> -> memref<128xi32, #tpu.memory_space<vmem>>
        %dma_wait3A_46 = arith.constant 0 : i32
        %dma_wait3A_47 = arith.constant 0 : i32
        %dma_wait3A_48 = tpu.memref_slice %arg10[%dma_wait3A_46, %dma_wait3A_47] : memref<50048x16xf32, #tpu.memory_space<vmem_shared>> -> memref<50048x16xf32, #tpu.memory_space<vmem_shared>>
        tpu.wait_indirect_dma semaphore(%run_scoped3A : memref<!tpu.dma_semaphore, #tpu.memory_space<semaphore_mem>>) src(%arg8 : memref<128x16xf32, #tpu.memory_space<vmem>>) dst(%dma_wait3A_48 : memref<50048x16xf32, #tpu.memory_space<vmem_shared>>)
        tpu.yield
      }) : () -> ()
    }
    %scan3A_18 = arith.constant 196 : i32
    %barrier3A_19 = arith.constant 0 : index
    tpu.barrier barrier_id(%barrier3A_19)
    %mul3A_20 = arith.constant 3128 : i32
    %mul3A_21 = arith.muli %arg1, %mul3A_20 : i32
    "tpu.region"() ({
      %run_scoped3A = tpu.sem_alloc : memref<!tpu.dma_semaphore, #tpu.memory_space<semaphore_mem>>
      %dma_start3A = arith.constant 0 : i32
      %dma_start3A_22 = tpu.memref_slice %arg5[%arg0, %mul3A_21, %dma_start3A] : memref<2x50048x16xf32, #tpu.memory_space<hbm>> -> memref<1x3128x16xf32, #tpu.memory_space<hbm>>
      %dma_start3A_23 = tpu.memref_squeeze %dma_start3A_22 : memref<1x3128x16xf32, #tpu.memory_space<hbm>> -> memref<3128x16xf32, #tpu.memory_space<hbm>>
      %dma_start3A_24 = arith.constant 0 : i32
      %dma_start3A_25 = tpu.memref_slice %arg10[%mul3A_21, %dma_start3A_24] : memref<50048x16xf32, #tpu.memory_space<vmem_shared>> -> memref<3128x16xf32, #tpu.memory_space<vmem_shared>>
      tpu.enqueue_dma source(%dma_start3A_25 : memref<3128x16xf32, #tpu.memory_space<vmem_shared>>) target(%dma_start3A_23 : memref<3128x16xf32, #tpu.memory_space<hbm>>) target_semaphore(%run_scoped3A : memref<!tpu.dma_semaphore, #tpu.memory_space<semaphore_mem>>)
      %dma_wait3A = arith.constant 0 : i32
      %dma_wait3A_26 = tpu.memref_slice %arg5[%arg0, %mul3A_21, %dma_wait3A] : memref<2x50048x16xf32, #tpu.memory_space<hbm>> -> memref<1x3128x16xf32, #tpu.memory_space<hbm>>
      %dma_wait3A_27 = tpu.memref_squeeze %dma_wait3A_26 : memref<1x3128x16xf32, #tpu.memory_space<hbm>> -> memref<3128x16xf32, #tpu.memory_space<hbm>>
      %dma_wait3A_28 = arith.constant 0 : i32
      %dma_wait3A_29 = tpu.memref_slice %arg10[%mul3A_21, %dma_wait3A_28] : memref<50048x16xf32, #tpu.memory_space<vmem_shared>> -> memref<3128x16xf32, #tpu.memory_space<vmem_shared>>
      tpu.wait_dma2 semaphore(%run_scoped3A : memref<!tpu.dma_semaphore, #tpu.memory_space<semaphore_mem>>) src(%dma_wait3A_29 : memref<3128x16xf32, #tpu.memory_space<vmem_shared>>) dst(%dma_wait3A_27 : memref<3128x16xf32, #tpu.memory_space<hbm>>)
      tpu.yield
    }) : () -> ()
    return
  }
}

#map = affine_map<(d0, d1) -> (0, 0)>
#map1 = affine_map<(d0, d1) -> (0, 0, 0)>
module attributes {stable_mosaic.version = 14 : i64} {
  func.func @scatter_kernel(%arg0: i32, %arg1: i32, %arg2: memref<50000x16xf32, #tpu.memory_space<hbm>>, %arg3: memref<32x196x128xi32, #tpu.memory_space<hbm>>, %arg4: memref<32x196x128xi32, #tpu.memory_space<hbm>>, %arg5: memref<2x50048x16xf32, #tpu.memory_space<hbm>>, %arg6: memref<196x128xi32, #tpu.memory_space<vmem>>, %arg7: memref<196x128xi32, #tpu.memory_space<vmem>>, %arg8: memref<128x16xf32, #tpu.memory_space<vmem>>, %arg9: memref<128x16xf32, #tpu.memory_space<vmem>>, %arg10: memref<50048x16xf32, #tpu.memory_space<vmem_shared>>, %arg11: memref<!tpu.dma_semaphore, #tpu.memory_space<semaphore_mem>>) attributes {dimension_semantics = [#tpu.dimension_semantics<core_parallel>, #tpu.dimension_semantics<subcore_parallel>], iteration_bounds = array<i64: 2, 16>, scalar_prefetch = 0 : i64, scratch_operands = 6 : i64, tpu.core_type = #tpu.core_type<sc_vector_subcore>, window_params = [{transform_indices = #map}, {transform_indices = #map1}, {transform_indices = #map1}, {transform_indices = #map1}]} {
    %mul3A = arith.constant 2 : i32
    %mul3A_0 = arith.muli %arg1, %mul3A : i32
    %add3A = arith.addi %mul3A_0, %arg0 : i32
    %scan3A = arith.constant 0 : i32
    %scan3A_1 = arith.constant 128 : i32
    %scan3A_2 = arith.addi %scan3A, %scan3A_1 : i32
    %scan3A_3 = arith.constant 1 : i32
    scf.for %scan3A_22 = %scan3A to %scan3A_2 step %scan3A_3  : i32 {
      %mul3A_23 = arith.constant 1 : i32
      %mul3A_24 = arith.muli %scan3A_22, %mul3A_23 : i32
      %add3A_25 = arith.constant 0 : i32
      %add3A_26 = arith.addi %add3A_25, %mul3A_24 : i32
      %broadcast_in_dim3A = arith.constant 0.000000e+00 : f32
      %broadcast_in_dim3A_27 = vector.broadcast %broadcast_in_dim3A : f32 to vector<16xf32>
      %swap3A = arith.index_cast %add3A_26 : i32 to index
      %swap3A_28 = arith.constant 0 : index
      %swap3A_29 = tpu.vector_load %arg9[%swap3A, %swap3A_28] {strides = array<i32>} : memref<128x16xf32, #tpu.memory_space<vmem>>, vector<1x16xf32>,
      %swap3A_30 = vector.shape_cast %swap3A_29 : vector<1x16xf32> to vector<16xf32>
      %swap3A_31 = vector.shape_cast %broadcast_in_dim3A_27 : vector<16xf32> to vector<1x16xf32>
      tpu.vector_store %arg9[%swap3A, %swap3A_28], %swap3A_31 {strides = array<i32>} : memref<128x16xf32, #tpu.memory_space<vmem>>, vector<1x16xf32>,
    }
    %scan3A_4 = arith.constant 128 : i32
    %mul3A_5 = arith.constant 3128 : i32
    %mul3A_6 = arith.muli %arg1, %mul3A_5 : i32
    %scan3A_7 = arith.constant 0 : i32
    %scan3A_8 = arith.constant 24 : i32
    %scan3A_9 = arith.addi %scan3A_7, %scan3A_8 : i32
    %scan3A_10 = arith.constant 1 : i32
    scf.for %scan3A_22 = %scan3A_7 to %scan3A_9 step %scan3A_10  : i32 {
      %mul3A_23 = arith.constant 1 : i32
      %mul3A_24 = arith.muli %scan3A_22, %mul3A_23 : i32
      %add3A_25 = arith.constant 0 : i32
      %add3A_26 = arith.addi %add3A_25, %mul3A_24 : i32
      %mul3A_27 = arith.constant 128 : i32
      %mul3A_28 = arith.muli %add3A_26, %mul3A_27 : i32
      %add3A_29 = arith.addi %mul3A_6, %mul3A_28 : i32
      "tpu.region"() ({
        %run_scoped3A = tpu.sem_alloc : memref<!tpu.dma_semaphore, #tpu.memory_space<semaphore_mem>>
        %dma_start3A = arith.constant 0 : i32
        %dma_start3A_30 = tpu.memref_slice %arg10[%add3A_29, %dma_start3A] : memref<50048x16xf32, #tpu.memory_space<vmem_shared>> -> memref<128x16xf32, #tpu.memory_space<vmem_shared>>
        %dma_start3A_31 = arith.constant 0 : i32
        %dma_start3A_32 = tpu.memref_slice %arg10[%add3A_29, %dma_start3A_31] : memref<50048x16xf32, #tpu.memory_space<vmem_shared>> -> memref<128x16xf32, #tpu.memory_space<vmem_shared>>
        tpu.enqueue_dma source(%arg9 : memref<128x16xf32, #tpu.memory_space<vmem>>) target(%dma_start3A_32 : memref<128x16xf32, #tpu.memory_space<vmem_shared>>) target_semaphore(%run_scoped3A : memref<!tpu.dma_semaphore, #tpu.memory_space<semaphore_mem>>)
        %dma_wait3A = arith.constant 0 : i32
        %dma_wait3A_33 = tpu.memref_slice %arg10[%add3A_29, %dma_wait3A] : memref<50048x16xf32, #tpu.memory_space<vmem_shared>> -> memref<128x16xf32, #tpu.memory_space<vmem_shared>>
        %dma_wait3A_34 = arith.constant 0 : i32
        %dma_wait3A_35 = tpu.memref_slice %arg10[%add3A_29, %dma_wait3A_34] : memref<50048x16xf32, #tpu.memory_space<vmem_shared>> -> memref<128x16xf32, #tpu.memory_space<vmem_shared>>
        tpu.wait_dma2 semaphore(%run_scoped3A : memref<!tpu.dma_semaphore, #tpu.memory_space<semaphore_mem>>) src(%arg9 : memref<128x16xf32, #tpu.memory_space<vmem>>) dst(%dma_wait3A_35 : memref<128x16xf32, #tpu.memory_space<vmem_shared>>)
        tpu.yield
      }) : () -> ()
    }
    %scan3A_11 = arith.constant 24 : i32
    %add3A_12 = arith.constant 3072 : i32
    %add3A_13 = arith.addi %mul3A_6, %add3A_12 : i32
    "tpu.region"() ({
      %run_scoped3A = tpu.sem_alloc : memref<!tpu.dma_semaphore, #tpu.memory_space<semaphore_mem>>
      %dma_start3A = arith.constant 0 : i32
      %dma_start3A_22 = arith.constant 0 : i32
      %dma_start3A_23 = tpu.memref_slice %arg9[%dma_start3A, %dma_start3A_22] : memref<128x16xf32, #tpu.memory_space<vmem>> -> memref<56x16xf32, #tpu.memory_space<vmem>>
      %dma_start3A_24 = arith.constant 0 : i32
      %dma_start3A_25 = tpu.memref_slice %arg10[%add3A_13, %dma_start3A_24] : memref<50048x16xf32, #tpu.memory_space<vmem_shared>> -> memref<56x16xf32, #tpu.memory_space<vmem_shared>>
      %dma_start3A_26 = arith.constant 0 : i32
      %dma_start3A_27 = tpu.memref_slice %arg10[%add3A_13, %dma_start3A_26] : memref<50048x16xf32, #tpu.memory_space<vmem_shared>> -> memref<56x16xf32, #tpu.memory_space<vmem_shared>>
      %dma_start3A_28 = arith.constant 0 : i32
      %dma_start3A_29 = arith.constant 0 : i32
      %dma_start3A_30 = tpu.memref_slice %arg9[%dma_start3A_28, %dma_start3A_29] : memref<128x16xf32, #tpu.memory_space<vmem>> -> memref<56x16xf32, #tpu.memory_space<vmem>>
      tpu.enqueue_dma source(%dma_start3A_30 : memref<56x16xf32, #tpu.memory_space<vmem>>) target(%dma_start3A_27 : memref<56x16xf32, #tpu.memory_space<vmem_shared>>) target_semaphore(%run_scoped3A : memref<!tpu.dma_semaphore, #tpu.memory_space<semaphore_mem>>)
      %dma_wait3A = arith.constant 0 : i32
      %dma_wait3A_31 = arith.constant 0 : i32
      %dma_wait3A_32 = tpu.memref_slice %arg9[%dma_wait3A, %dma_wait3A_31] : memref<128x16xf32, #tpu.memory_space<vmem>> -> memref<56x16xf32, #tpu.memory_space<vmem>>
      %dma_wait3A_33 = arith.constant 0 : i32
      %dma_wait3A_34 = tpu.memref_slice %arg10[%add3A_13, %dma_wait3A_33] : memref<50048x16xf32, #tpu.memory_space<vmem_shared>> -> memref<56x16xf32, #tpu.memory_space<vmem_shared>>
      %dma_wait3A_35 = arith.constant 0 : i32
      %dma_wait3A_36 = tpu.memref_slice %arg10[%add3A_13, %dma_wait3A_35] : memref<50048x16xf32, #tpu.memory_space<vmem_shared>> -> memref<56x16xf32, #tpu.memory_space<vmem_shared>>
      %dma_wait3A_37 = arith.constant 0 : i32
      %dma_wait3A_38 = arith.constant 0 : i32
      %dma_wait3A_39 = tpu.memref_slice %arg9[%dma_wait3A_37, %dma_wait3A_38] : memref<128x16xf32, #tpu.memory_space<vmem>> -> memref<56x16xf32, #tpu.memory_space<vmem>>
      tpu.wait_dma2 semaphore(%run_scoped3A : memref<!tpu.dma_semaphore, #tpu.memory_space<semaphore_mem>>) src(%dma_wait3A_39 : memref<56x16xf32, #tpu.memory_space<vmem>>) dst(%dma_wait3A_36 : memref<56x16xf32, #tpu.memory_space<vmem_shared>>)
      tpu.yield
    }) : () -> ()
    "tpu.region"() ({
      %run_scoped3A = tpu.sem_alloc : memref<!tpu.dma_semaphore, #tpu.memory_space<semaphore_mem>>
      %dma_start3A = arith.constant 0 : i32
      %dma_start3A_22 = arith.constant 0 : i32
      %dma_start3A_23 = tpu.memref_slice %arg3[%add3A, %dma_start3A, %dma_start3A_22] : memref<32x196x128xi32, #tpu.memory_space<hbm>> -> memref<1x196x128xi32, #tpu.memory_space<hbm>>
      %dma_start3A_24 = tpu.memref_squeeze %dma_start3A_23 : memref<1x196x128xi32, #tpu.memory_space<hbm>> -> memref<196x128xi32, #tpu.memory_space<hbm>>
      %dma_start3A_25 = arith.constant 0 : i32
      %dma_start3A_26 = arith.constant 0 : i32
      %dma_start3A_27 = tpu.memref_slice %arg3[%add3A, %dma_start3A_25, %dma_start3A_26] : memref<32x196x128xi32, #tpu.memory_space<hbm>> -> memref<1x196x128xi32, #tpu.memory_space<hbm>>
      %dma_start3A_28 = tpu.memref_squeeze %dma_start3A_27 : memref<1x196x128xi32, #tpu.memory_space<hbm>> -> memref<196x128xi32, #tpu.memory_space<hbm>>
      tpu.enqueue_dma source(%dma_start3A_28 : memref<196x128xi32, #tpu.memory_space<hbm>>) target(%arg6 : memref<196x128xi32, #tpu.memory_space<vmem>>) target_semaphore(%run_scoped3A : memref<!tpu.dma_semaphore, #tpu.memory_space<semaphore_mem>>)
      %dma_wait3A = arith.constant 0 : i32
      %dma_wait3A_29 = arith.constant 0 : i32
      %dma_wait3A_30 = tpu.memref_slice %arg3[%add3A, %dma_wait3A, %dma_wait3A_29] : memref<32x196x128xi32, #tpu.memory_space<hbm>> -> memref<1x196x128xi32, #tpu.memory_space<hbm>>
      %dma_wait3A_31 = tpu.memref_squeeze %dma_wait3A_30 : memref<1x196x128xi32, #tpu.memory_space<hbm>> -> memref<196x128xi32, #tpu.memory_space<hbm>>
      %dma_wait3A_32 = arith.constant 0 : i32
      %dma_wait3A_33 = arith.constant 0 : i32
      %dma_wait3A_34 = tpu.memref_slice %arg3[%add3A, %dma_wait3A_32, %dma_wait3A_33] : memref<32x196x128xi32, #tpu.memory_space<hbm>> -> memref<1x196x128xi32, #tpu.memory_space<hbm>>
      %dma_wait3A_35 = tpu.memref_squeeze %dma_wait3A_34 : memref<1x196x128xi32, #tpu.memory_space<hbm>> -> memref<196x128xi32, #tpu.memory_space<hbm>>
      tpu.wait_dma2 semaphore(%run_scoped3A : memref<!tpu.dma_semaphore, #tpu.memory_space<semaphore_mem>>) src(%dma_wait3A_35 : memref<196x128xi32, #tpu.memory_space<hbm>>) dst(%arg6 : memref<196x128xi32, #tpu.memory_space<vmem>>)
      tpu.yield
    }) : () -> ()
    "tpu.region"() ({
      %run_scoped3A = tpu.sem_alloc : memref<!tpu.dma_semaphore, #tpu.memory_space<semaphore_mem>>
      %dma_start3A = arith.constant 0 : i32
      %dma_start3A_22 = arith.constant 0 : i32
      %dma_start3A_23 = tpu.memref_slice %arg4[%add3A, %dma_start3A, %dma_start3A_22] : memref<32x196x128xi32, #tpu.memory_space<hbm>> -> memref<1x196x128xi32, #tpu.memory_space<hbm>>
      %dma_start3A_24 = tpu.memref_squeeze %dma_start3A_23 : memref<1x196x128xi32, #tpu.memory_space<hbm>> -> memref<196x128xi32, #tpu.memory_space<hbm>>
      %dma_start3A_25 = arith.constant 0 : i32
      %dma_start3A_26 = arith.constant 0 : i32
      %dma_start3A_27 = tpu.memref_slice %arg4[%add3A, %dma_start3A_25, %dma_start3A_26] : memref<32x196x128xi32, #tpu.memory_space<hbm>> -> memref<1x196x128xi32, #tpu.memory_space<hbm>>
      %dma_start3A_28 = tpu.memref_squeeze %dma_start3A_27 : memref<1x196x128xi32, #tpu.memory_space<hbm>> -> memref<196x128xi32, #tpu.memory_space<hbm>>
      tpu.enqueue_dma source(%dma_start3A_28 : memref<196x128xi32, #tpu.memory_space<hbm>>) target(%arg7 : memref<196x128xi32, #tpu.memory_space<vmem>>) target_semaphore(%run_scoped3A : memref<!tpu.dma_semaphore, #tpu.memory_space<semaphore_mem>>)
      %dma_wait3A = arith.constant 0 : i32
      %dma_wait3A_29 = arith.constant 0 : i32
      %dma_wait3A_30 = tpu.memref_slice %arg4[%add3A, %dma_wait3A, %dma_wait3A_29] : memref<32x196x128xi32, #tpu.memory_space<hbm>> -> memref<1x196x128xi32, #tpu.memory_space<hbm>>
      %dma_wait3A_31 = tpu.memref_squeeze %dma_wait3A_30 : memref<1x196x128xi32, #tpu.memory_space<hbm>> -> memref<196x128xi32, #tpu.memory_space<hbm>>
      %dma_wait3A_32 = arith.constant 0 : i32
      %dma_wait3A_33 = arith.constant 0 : i32
      %dma_wait3A_34 = tpu.memref_slice %arg4[%add3A, %dma_wait3A_32, %dma_wait3A_33] : memref<32x196x128xi32, #tpu.memory_space<hbm>> -> memref<1x196x128xi32, #tpu.memory_space<hbm>>
      %dma_wait3A_35 = tpu.memref_squeeze %dma_wait3A_34 : memref<1x196x128xi32, #tpu.memory_space<hbm>> -> memref<196x128xi32, #tpu.memory_space<hbm>>
      tpu.wait_dma2 semaphore(%run_scoped3A : memref<!tpu.dma_semaphore, #tpu.memory_space<semaphore_mem>>) src(%dma_wait3A_35 : memref<196x128xi32, #tpu.memory_space<hbm>>) dst(%arg7 : memref<196x128xi32, #tpu.memory_space<vmem>>)
      tpu.yield
    }) : () -> ()
    %barrier3A = arith.constant 0 : index
    tpu.barrier barrier_id(%barrier3A)
    %scan3A_14 = arith.constant 0 : i32
    %scan3A_15 = arith.constant 196 : i32
    %scan3A_16 = arith.addi %scan3A_14, %scan3A_15 : i32
    %scan3A_17 = arith.constant 1 : i32
    scf.for %scan3A_22 = %scan3A_14 to %scan3A_16 step %scan3A_17  : i32 {
      %mul3A_23 = arith.constant 1 : i32
      %mul3A_24 = arith.muli %scan3A_22, %mul3A_23 : i32
      %add3A_25 = arith.constant 0 : i32
      %add3A_26 = arith.addi %add3A_25, %mul3A_24 : i32
      %dma_start3A = arith.constant 0 : i32
      %dma_start3A_27 = tpu.memref_slice %arg6[%add3A_26, %dma_start3A] : memref<196x128xi32, #tpu.memory_space<vmem>> -> memref<1x128xi32, #tpu.memory_space<vmem>>
      %dma_start3A_28 = tpu.memref_squeeze %dma_start3A_27 : memref<1x128xi32, #tpu.memory_space<vmem>> -> memref<128xi32, #tpu.memory_space<vmem>>
      %dma_start3A_29 = arith.constant 0 : i32
      %dma_start3A_30 = arith.constant 0 : i32
      %dma_start3A_31 = tpu.memref_slice %arg2[%dma_start3A_29, %dma_start3A_30] : memref<50000x16xf32, #tpu.memory_space<hbm>> -> memref<50000x16xf32, #tpu.memory_space<hbm>>
      tpu.enqueue_indirect_dma source(%dma_start3A_31 : memref<50000x16xf32, #tpu.memory_space<hbm>>) target(%arg8 : memref<128x16xf32, #tpu.memory_space<vmem>>) offsets(%dma_start3A_28 : memref<128xi32, #tpu.memory_space<vmem>>) semaphore(%arg11 : memref<!tpu.dma_semaphore, #tpu.memory_space<semaphore_mem>>)
      %dma_wait3A = arith.constant 0 : i32
      %dma_wait3A_32 = tpu.memref_slice %arg6[%add3A_26, %dma_wait3A] : memref<196x128xi32, #tpu.memory_space<vmem>> -> memref<1x128xi32, #tpu.memory_space<vmem>>
      %dma_wait3A_33 = tpu.memref_squeeze %dma_wait3A_32 : memref<1x128xi32, #tpu.memory_space<vmem>> -> memref<128xi32, #tpu.memory_space<vmem>>
      %dma_wait3A_34 = arith.constant 0 : i32
      %dma_wait3A_35 = arith.constant 0 : i32
      %dma_wait3A_36 = tpu.memref_slice %arg2[%dma_wait3A_34, %dma_wait3A_35] : memref<50000x16xf32, #tpu.memory_space<hbm>> -> memref<50000x16xf32, #tpu.memory_space<hbm>>
      tpu.wait_indirect_dma semaphore(%arg11 : memref<!tpu.dma_semaphore, #tpu.memory_space<semaphore_mem>>) src(%dma_wait3A_36 : memref<50000x16xf32, #tpu.memory_space<hbm>>) dst(%arg8 : memref<128x16xf32, #tpu.memory_space<vmem>>)
      "tpu.region"() ({
        %run_scoped3A = tpu.sem_alloc : memref<!tpu.dma_semaphore, #tpu.memory_space<semaphore_mem>>
        %dma_start3A_37 = arith.constant 0 : i32
        %dma_start3A_38 = tpu.memref_slice %arg7[%add3A_26, %dma_start3A_37] : memref<196x128xi32, #tpu.memory_space<vmem>> -> memref<1x128xi32, #tpu.memory_space<vmem>>
        %dma_start3A_39 = tpu.memref_squeeze %dma_start3A_38 : memref<1x128xi32, #tpu.memory_space<vmem>> -> memref<128xi32, #tpu.memory_space<vmem>>
        %dma_start3A_40 = arith.constant 0 : i32
        %dma_start3A_41 = arith.constant 0 : i32
        %dma_start3A_42 = tpu.memref_slice %arg10[%dma_start3A_40, %dma_start3A_41] : memref<50048x16xf32, #tpu.memory_space<vmem_shared>> -> memref<50048x16xf32, #tpu.memory_space<vmem_shared>>
        tpu.enqueue_indirect_dma source(%arg8 : memref<128x16xf32, #tpu.memory_space<vmem>>) target(%dma_start3A_42 : memref<50048x16xf32, #tpu.memory_space<vmem_shared>>) offsets(%dma_start3A_39 : memref<128xi32, #tpu.memory_space<vmem>>) semaphore(%run_scoped3A : memref<!tpu.dma_semaphore, #tpu.memory_space<semaphore_mem>>) {add = true}
        %dma_wait3A_43 = arith.constant 0 : i32
        %dma_wait3A_44 = tpu.memref_slice %arg7[%add3A_26, %dma_wait3A_43] : memref<196x128xi32, #tpu.memory_space<vmem>> -> memref<1x128xi32, #tpu.memory_space<vmem>>
        %dma_wait3A_45 = tpu.memref_squeeze %dma_wait3A_44 : memref<1x128xi32, #tpu.memory_space<vmem>> -> memref<128xi32, #tpu.memory_space<vmem>>
        %dma_wait3A_46 = arith.constant 0 : i32
        %dma_wait3A_47 = arith.constant 0 : i32
        %dma_wait3A_48 = tpu.memref_slice %arg10[%dma_wait3A_46, %dma_wait3A_47] : memref<50048x16xf32, #tpu.memory_space<vmem_shared>> -> memref<50048x16xf32, #tpu.memory_space<vmem_shared>>
        tpu.wait_indirect_dma semaphore(%run_scoped3A : memref<!tpu.dma_semaphore, #tpu.memory_space<semaphore_mem>>) src(%arg8 : memref<128x16xf32, #tpu.memory_space<vmem>>) dst(%dma_wait3A_48 : memref<50048x16xf32, #tpu.memory_space<vmem_shared>>)
        tpu.yield
      }) : () -> ()
    }
    %scan3A_18 = arith.constant 196 : i32
    %barrier3A_19 = arith.constant 0 : index
    tpu.barrier barrier_id(%barrier3A_19)
    %mul3A_20 = arith.constant 3128 : i32
    %mul3A_21 = arith.muli %arg1, %mul3A_20 : i32
    "tpu.region"() ({
      %run_scoped3A = tpu.sem_alloc : memref<!tpu.dma_semaphore, #tpu.memory_space<semaphore_mem>>
      %dma_start3A = arith.constant 0 : i32
      %dma_start3A_22 = tpu.memref_slice %arg5[%arg0, %mul3A_21, %dma_start3A] : memref<2x50048x16xf32, #tpu.memory_space<hbm>> -> memref<1x3128x16xf32, #tpu.memory_space<hbm>>
      %dma_start3A_23 = tpu.memref_squeeze %dma_start3A_22 : memref<1x3128x16xf32, #tpu.memory_space<hbm>> -> memref<3128x16xf32, #tpu.memory_space<hbm>>
      %dma_start3A_24 = arith.constant 0 : i32
      %dma_start3A_25 = tpu.memref_slice %arg10[%mul3A_21, %dma_start3A_24] : memref<50048x16xf32, #tpu.memory_space<vmem_shared>> -> memref<3128x16xf32, #tpu.memory_space<vmem_shared>>
      tpu.enqueue_dma source(%dma_start3A_25 : memref<3128x16xf32, #tpu.memory_space<vmem_shared>>) target(%dma_start3A_23 : memref<3128x16xf32, #tpu.memory_space<hbm>>) target_semaphore(%run_scoped3A : memref<!tpu.dma_semaphore, #tpu.memory_space<semaphore_mem>>)
      %dma_wait3A = arith.constant 0 : i32
      %dma_wait3A_26 = tpu.memref_slice %arg5[%arg0, %mul3A_21, %dma_wait3A] : memref<2x50048x16xf32, #tpu.memory_space<hbm>> -> memref<1x3128x16xf32, #tpu.memory_space<hbm>>
      %dma_wait3A_27 = tpu.memref_squeeze %dma_wait3A_26 : memref<1x3128x16xf32, #tpu.memory_space<hbm>> -> memref<3128x16xf32, #tpu.memory_space<hbm>>
      %dma_wait3A_28 = arith.constant 0 : i32
      %dma_wait3A_29 = tpu.memref_slice %arg10[%mul3A_21, %dma_wait3A_28] : memref<50048x16xf32, #tpu.memory_space<vmem_shared>> -> memref<3128x16xf32, #tpu.memory_space<vmem_shared>>
      tpu.wait_dma2 semaphore(%run_scoped3A : memref<!tpu.dma_semaphore, #tpu.memory_space<semaphore_mem>>) src(%dma_wait3A_29 : memref<3128x16xf32, #tpu.memory_space<vmem_shared>>) dst(%dma_wait3A_27 : memref<3128x16xf32, #tpu.memory_space<hbm>>)
      tpu.yield
    }) : () -> ()
    return
  }
}

#map = affine_map<(d0, d1) -> (0, 0)>
#map1 = affine_map<(d0, d1) -> (0, 0, 0)>
module attributes {stable_mosaic.version = 14 : i64} {
  func.func @scatter_kernel(%arg0: i32, %arg1: i32, %arg2: memref<50000x16xf32, #tpu.memory_space<hbm>>, %arg3: memref<32x196x128xi32, #tpu.memory_space<hbm>>, %arg4: memref<32x196x128xi32, #tpu.memory_space<hbm>>, %arg5: memref<2x50048x16xf32, #tpu.memory_space<hbm>>, %arg6: memref<196x128xi32, #tpu.memory_space<vmem>>, %arg7: memref<196x128xi32, #tpu.memory_space<vmem>>, %arg8: memref<128x16xf32, #tpu.memory_space<vmem>>, %arg9: memref<128x16xf32, #tpu.memory_space<vmem>>, %arg10: memref<50048x16xf32, #tpu.memory_space<vmem_shared>>, %arg11: memref<!tpu.dma_semaphore, #tpu.memory_space<semaphore_mem>>) attributes {dimension_semantics = [#tpu.dimension_semantics<core_parallel>, #tpu.dimension_semantics<subcore_parallel>], iteration_bounds = array<i64: 2, 16>, scalar_prefetch = 0 : i64, scratch_operands = 6 : i64, tpu.core_type = #tpu.core_type<sc_vector_subcore>, window_params = [{transform_indices = #map}, {transform_indices = #map1}, {transform_indices = #map1}, {transform_indices = #map1}]} {
    %mul3A = arith.constant 2 : i32
    %mul3A_0 = arith.muli %arg1, %mul3A : i32
    %add3A = arith.addi %mul3A_0, %arg0 : i32
    %scan3A = arith.constant 0 : i32
    %scan3A_1 = arith.constant 128 : i32
    %scan3A_2 = arith.addi %scan3A, %scan3A_1 : i32
    %scan3A_3 = arith.constant 1 : i32
    scf.for %scan3A_22 = %scan3A to %scan3A_2 step %scan3A_3  : i32 {
      %mul3A_23 = arith.constant 1 : i32
      %mul3A_24 = arith.muli %scan3A_22, %mul3A_23 : i32
      %add3A_25 = arith.constant 0 : i32
      %add3A_26 = arith.addi %add3A_25, %mul3A_24 : i32
      %broadcast_in_dim3A = arith.constant 0.000000e+00 : f32
      %broadcast_in_dim3A_27 = vector.broadcast %broadcast_in_dim3A : f32 to vector<16xf32>
      %swap3A = arith.index_cast %add3A_26 : i32 to index
      %swap3A_28 = arith.constant 0 : index
      %swap3A_29 = tpu.vector_load %arg9[%swap3A, %swap3A_28] {strides = array<i32>} : memref<128x16xf32, #tpu.memory_space<vmem>>, vector<1x16xf32>,
      %swap3A_30 = vector.shape_cast %swap3A_29 : vector<1x16xf32> to vector<16xf32>
      %swap3A_31 = vector.shape_cast %broadcast_in_dim3A_27 : vector<16xf32> to vector<1x16xf32>
      tpu.vector_store %arg9[%swap3A, %swap3A_28], %swap3A_31 {strides = array<i32>} : memref<128x16xf32, #tpu.memory_space<vmem>>, vector<1x16xf32>,
    }
    %scan3A_4 = arith.constant 128 : i32
    %mul3A_5 = arith.constant 3128 : i32
    %mul3A_6 = arith.muli %arg1, %mul3A_5 : i32
    %scan3A_7 = arith.constant 0 : i32
    %scan3A_8 = arith.constant 24 : i32
    %scan3A_9 = arith.addi %scan3A_7, %scan3A_8 : i32
    %scan3A_10 = arith.constant 1 : i32
    scf.for %scan3A_22 = %scan3A_7 to %scan3A_9 step %scan3A_10  : i32 {
      %mul3A_23 = arith.constant 1 : i32
      %mul3A_24 = arith.muli %scan3A_22, %mul3A_23 : i32
      %add3A_25 = arith.constant 0 : i32
      %add3A_26 = arith.addi %add3A_25, %mul3A_24 : i32
      %mul3A_27 = arith.constant 128 : i32
      %mul3A_28 = arith.muli %add3A_26, %mul3A_27 : i32
      %add3A_29 = arith.addi %mul3A_6, %mul3A_28 : i32
      "tpu.region"() ({
        %run_scoped3A = tpu.sem_alloc : memref<!tpu.dma_semaphore, #tpu.memory_space<semaphore_mem>>
        %dma_start3A = arith.constant 0 : i32
        %dma_start3A_30 = tpu.memref_slice %arg10[%add3A_29, %dma_start3A] : memref<50048x16xf32, #tpu.memory_space<vmem_shared>> -> memref<128x16xf32, #tpu.memory_space<vmem_shared>>
        %dma_start3A_31 = arith.constant 0 : i32
        %dma_start3A_32 = tpu.memref_slice %arg10[%add3A_29, %dma_start3A_31] : memref<50048x16xf32, #tpu.memory_space<vmem_shared>> -> memref<128x16xf32, #tpu.memory_space<vmem_shared>>
        tpu.enqueue_dma source(%arg9 : memref<128x16xf32, #tpu.memory_space<vmem>>) target(%dma_start3A_32 : memref<128x16xf32, #tpu.memory_space<vmem_shared>>) target_semaphore(%run_scoped3A : memref<!tpu.dma_semaphore, #tpu.memory_space<semaphore_mem>>)
        %dma_wait3A = arith.constant 0 : i32
        %dma_wait3A_33 = tpu.memref_slice %arg10[%add3A_29, %dma_wait3A] : memref<50048x16xf32, #tpu.memory_space<vmem_shared>> -> memref<128x16xf32, #tpu.memory_space<vmem_shared>>
        %dma_wait3A_34 = arith.constant 0 : i32
        %dma_wait3A_35 = tpu.memref_slice %arg10[%add3A_29, %dma_wait3A_34] : memref<50048x16xf32, #tpu.memory_space<vmem_shared>> -> memref<128x16xf32, #tpu.memory_space<vmem_shared>>
        tpu.wait_dma2 semaphore(%run_scoped3A : memref<!tpu.dma_semaphore, #tpu.memory_space<semaphore_mem>>) src(%arg9 : memref<128x16xf32, #tpu.memory_space<vmem>>) dst(%dma_wait3A_35 : memref<128x16xf32, #tpu.memory_space<vmem_shared>>)
        tpu.yield
      }) : () -> ()
    }
    %scan3A_11 = arith.constant 24 : i32
    %add3A_12 = arith.constant 3072 : i32
    %add3A_13 = arith.addi %mul3A_6, %add3A_12 : i32
    "tpu.region"() ({
      %run_scoped3A = tpu.sem_alloc : memref<!tpu.dma_semaphore, #tpu.memory_space<semaphore_mem>>
      %dma_start3A = arith.constant 0 : i32
      %dma_start3A_22 = arith.constant 0 : i32
      %dma_start3A_23 = tpu.memref_slice %arg9[%dma_start3A, %dma_start3A_22] : memref<128x16xf32, #tpu.memory_space<vmem>> -> memref<56x16xf32, #tpu.memory_space<vmem>>
      %dma_start3A_24 = arith.constant 0 : i32
      %dma_start3A_25 = tpu.memref_slice %arg10[%add3A_13, %dma_start3A_24] : memref<50048x16xf32, #tpu.memory_space<vmem_shared>> -> memref<56x16xf32, #tpu.memory_space<vmem_shared>>
      %dma_start3A_26 = arith.constant 0 : i32
      %dma_start3A_27 = tpu.memref_slice %arg10[%add3A_13, %dma_start3A_26] : memref<50048x16xf32, #tpu.memory_space<vmem_shared>> -> memref<56x16xf32, #tpu.memory_space<vmem_shared>>
      %dma_start3A_28 = arith.constant 0 : i32
      %dma_start3A_29 = arith.constant 0 : i32
      %dma_start3A_30 = tpu.memref_slice %arg9[%dma_start3A_28, %dma_start3A_29] : memref<128x16xf32, #tpu.memory_space<vmem>> -> memref<56x16xf32, #tpu.memory_space<vmem>>
      tpu.enqueue_dma source(%dma_start3A_30 : memref<56x16xf32, #tpu.memory_space<vmem>>) target(%dma_start3A_27 : memref<56x16xf32, #tpu.memory_space<vmem_shared>>) target_semaphore(%run_scoped3A : memref<!tpu.dma_semaphore, #tpu.memory_space<semaphore_mem>>)
      %dma_wait3A = arith.constant 0 : i32
      %dma_wait3A_31 = arith.constant 0 : i32
      %dma_wait3A_32 = tpu.memref_slice %arg9[%dma_wait3A, %dma_wait3A_31] : memref<128x16xf32, #tpu.memory_space<vmem>> -> memref<56x16xf32, #tpu.memory_space<vmem>>
      %dma_wait3A_33 = arith.constant 0 : i32
      %dma_wait3A_34 = tpu.memref_slice %arg10[%add3A_13, %dma_wait3A_33] : memref<50048x16xf32, #tpu.memory_space<vmem_shared>> -> memref<56x16xf32, #tpu.memory_space<vmem_shared>>
      %dma_wait3A_35 = arith.constant 0 : i32
      %dma_wait3A_36 = tpu.memref_slice %arg10[%add3A_13, %dma_wait3A_35] : memref<50048x16xf32, #tpu.memory_space<vmem_shared>> -> memref<56x16xf32, #tpu.memory_space<vmem_shared>>
      %dma_wait3A_37 = arith.constant 0 : i32
      %dma_wait3A_38 = arith.constant 0 : i32
      %dma_wait3A_39 = tpu.memref_slice %arg9[%dma_wait3A_37, %dma_wait3A_38] : memref<128x16xf32, #tpu.memory_space<vmem>> -> memref<56x16xf32, #tpu.memory_space<vmem>>
      tpu.wait_dma2 semaphore(%run_scoped3A : memref<!tpu.dma_semaphore, #tpu.memory_space<semaphore_mem>>) src(%dma_wait3A_39 : memref<56x16xf32, #tpu.memory_space<vmem>>) dst(%dma_wait3A_36 : memref<56x16xf32, #tpu.memory_space<vmem_shared>>)
      tpu.yield
    }) : () -> ()
    "tpu.region"() ({
      %run_scoped3A = tpu.sem_alloc : memref<!tpu.dma_semaphore, #tpu.memory_space<semaphore_mem>>
      %dma_start3A = arith.constant 0 : i32
      %dma_start3A_22 = arith.constant 0 : i32
      %dma_start3A_23 = tpu.memref_slice %arg3[%add3A, %dma_start3A, %dma_start3A_22] : memref<32x196x128xi32, #tpu.memory_space<hbm>> -> memref<1x196x128xi32, #tpu.memory_space<hbm>>
      %dma_start3A_24 = tpu.memref_squeeze %dma_start3A_23 : memref<1x196x128xi32, #tpu.memory_space<hbm>> -> memref<196x128xi32, #tpu.memory_space<hbm>>
      %dma_start3A_25 = arith.constant 0 : i32
      %dma_start3A_26 = arith.constant 0 : i32
      %dma_start3A_27 = tpu.memref_slice %arg3[%add3A, %dma_start3A_25, %dma_start3A_26] : memref<32x196x128xi32, #tpu.memory_space<hbm>> -> memref<1x196x128xi32, #tpu.memory_space<hbm>>
      %dma_start3A_28 = tpu.memref_squeeze %dma_start3A_27 : memref<1x196x128xi32, #tpu.memory_space<hbm>> -> memref<196x128xi32, #tpu.memory_space<hbm>>
      tpu.enqueue_dma source(%dma_start3A_28 : memref<196x128xi32, #tpu.memory_space<hbm>>) target(%arg6 : memref<196x128xi32, #tpu.memory_space<vmem>>) target_semaphore(%run_scoped3A : memref<!tpu.dma_semaphore, #tpu.memory_space<semaphore_mem>>)
      %dma_wait3A = arith.constant 0 : i32
      %dma_wait3A_29 = arith.constant 0 : i32
      %dma_wait3A_30 = tpu.memref_slice %arg3[%add3A, %dma_wait3A, %dma_wait3A_29] : memref<32x196x128xi32, #tpu.memory_space<hbm>> -> memref<1x196x128xi32, #tpu.memory_space<hbm>>
      %dma_wait3A_31 = tpu.memref_squeeze %dma_wait3A_30 : memref<1x196x128xi32, #tpu.memory_space<hbm>> -> memref<196x128xi32, #tpu.memory_space<hbm>>
      %dma_wait3A_32 = arith.constant 0 : i32
      %dma_wait3A_33 = arith.constant 0 : i32
      %dma_wait3A_34 = tpu.memref_slice %arg3[%add3A, %dma_wait3A_32, %dma_wait3A_33] : memref<32x196x128xi32, #tpu.memory_space<hbm>> -> memref<1x196x128xi32, #tpu.memory_space<hbm>>
      %dma_wait3A_35 = tpu.memref_squeeze %dma_wait3A_34 : memref<1x196x128xi32, #tpu.memory_space<hbm>> -> memref<196x128xi32, #tpu.memory_space<hbm>>
      tpu.wait_dma2 semaphore(%run_scoped3A : memref<!tpu.dma_semaphore, #tpu.memory_space<semaphore_mem>>) src(%dma_wait3A_35 : memref<196x128xi32, #tpu.memory_space<hbm>>) dst(%arg6 : memref<196x128xi32, #tpu.memory_space<vmem>>)
      tpu.yield
    }) : () -> ()
    "tpu.region"() ({
      %run_scoped3A = tpu.sem_alloc : memref<!tpu.dma_semaphore, #tpu.memory_space<semaphore_mem>>
      %dma_start3A = arith.constant 0 : i32
      %dma_start3A_22 = arith.constant 0 : i32
      %dma_start3A_23 = tpu.memref_slice %arg4[%add3A, %dma_start3A, %dma_start3A_22] : memref<32x196x128xi32, #tpu.memory_space<hbm>> -> memref<1x196x128xi32, #tpu.memory_space<hbm>>
      %dma_start3A_24 = tpu.memref_squeeze %dma_start3A_23 : memref<1x196x128xi32, #tpu.memory_space<hbm>> -> memref<196x128xi32, #tpu.memory_space<hbm>>
      %dma_start3A_25 = arith.constant 0 : i32
      %dma_start3A_26 = arith.constant 0 : i32
      %dma_start3A_27 = tpu.memref_slice %arg4[%add3A, %dma_start3A_25, %dma_start3A_26] : memref<32x196x128xi32, #tpu.memory_space<hbm>> -> memref<1x196x128xi32, #tpu.memory_space<hbm>>
      %dma_start3A_28 = tpu.memref_squeeze %dma_start3A_27 : memref<1x196x128xi32, #tpu.memory_space<hbm>> -> memref<196x128xi32, #tpu.memory_space<hbm>>
      tpu.enqueue_dma source(%dma_start3A_28 : memref<196x128xi32, #tpu.memory_space<hbm>>) target(%arg7 : memref<196x128xi32, #tpu.memory_space<vmem>>) target_semaphore(%run_scoped3A : memref<!tpu.dma_semaphore, #tpu.memory_space<semaphore_mem>>)
      %dma_wait3A = arith.constant 0 : i32
      %dma_wait3A_29 = arith.constant 0 : i32
      %dma_wait3A_30 = tpu.memref_slice %arg4[%add3A, %dma_wait3A, %dma_wait3A_29] : memref<32x196x128xi32, #tpu.memory_space<hbm>> -> memref<1x196x128xi32, #tpu.memory_space<hbm>>
      %dma_wait3A_31 = tpu.memref_squeeze %dma_wait3A_30 : memref<1x196x128xi32, #tpu.memory_space<hbm>> -> memref<196x128xi32, #tpu.memory_space<hbm>>
      %dma_wait3A_32 = arith.constant 0 : i32
      %dma_wait3A_33 = arith.constant 0 : i32
      %dma_wait3A_34 = tpu.memref_slice %arg4[%add3A, %dma_wait3A_32, %dma_wait3A_33] : memref<32x196x128xi32, #tpu.memory_space<hbm>> -> memref<1x196x128xi32, #tpu.memory_space<hbm>>
      %dma_wait3A_35 = tpu.memref_squeeze %dma_wait3A_34 : memref<1x196x128xi32, #tpu.memory_space<hbm>> -> memref<196x128xi32, #tpu.memory_space<hbm>>
      tpu.wait_dma2 semaphore(%run_scoped3A : memref<!tpu.dma_semaphore, #tpu.memory_space<semaphore_mem>>) src(%dma_wait3A_35 : memref<196x128xi32, #tpu.memory_space<hbm>>) dst(%arg7 : memref<196x128xi32, #tpu.memory_space<vmem>>)
      tpu.yield
    }) : () -> ()
    %barrier3A = arith.constant 0 : index
    tpu.barrier barrier_id(%barrier3A)
    %scan3A_14 = arith.constant 0 : i32
    %scan3A_15 = arith.constant 196 : i32
    %scan3A_16 = arith.addi %scan3A_14, %scan3A_15 : i32
    %scan3A_17 = arith.constant 1 : i32
    scf.for %scan3A_22 = %scan3A_14 to %scan3A_16 step %scan3A_17  : i32 {
      %mul3A_23 = arith.constant 1 : i32
      %mul3A_24 = arith.muli %scan3A_22, %mul3A_23 : i32
      %add3A_25 = arith.constant 0 : i32
      %add3A_26 = arith.addi %add3A_25, %mul3A_24 : i32
      %dma_start3A = arith.constant 0 : i32
      %dma_start3A_27 = tpu.memref_slice %arg6[%add3A_26, %dma_start3A] : memref<196x128xi32, #tpu.memory_space<vmem>> -> memref<1x128xi32, #tpu.memory_space<vmem>>
      %dma_start3A_28 = tpu.memref_squeeze %dma_start3A_27 : memref<1x128xi32, #tpu.memory_space<vmem>> -> memref<128xi32, #tpu.memory_space<vmem>>
      %dma_start3A_29 = arith.constant 0 : i32
      %dma_start3A_30 = arith.constant 0 : i32
      %dma_start3A_31 = tpu.memref_slice %arg2[%dma_start3A_29, %dma_start3A_30] : memref<50000x16xf32, #tpu.memory_space<hbm>> -> memref<50000x16xf32, #tpu.memory_space<hbm>>
      tpu.enqueue_indirect_dma source(%dma_start3A_31 : memref<50000x16xf32, #tpu.memory_space<hbm>>) target(%arg8 : memref<128x16xf32, #tpu.memory_space<vmem>>) offsets(%dma_start3A_28 : memref<128xi32, #tpu.memory_space<vmem>>) semaphore(%arg11 : memref<!tpu.dma_semaphore, #tpu.memory_space<semaphore_mem>>)
      %dma_wait3A = arith.constant 0 : i32
      %dma_wait3A_32 = tpu.memref_slice %arg6[%add3A_26, %dma_wait3A] : memref<196x128xi32, #tpu.memory_space<vmem>> -> memref<1x128xi32, #tpu.memory_space<vmem>>
      %dma_wait3A_33 = tpu.memref_squeeze %dma_wait3A_32 : memref<1x128xi32, #tpu.memory_space<vmem>> -> memref<128xi32, #tpu.memory_space<vmem>>
      %dma_wait3A_34 = arith.constant 0 : i32
      %dma_wait3A_35 = arith.constant 0 : i32
      %dma_wait3A_36 = tpu.memref_slice %arg2[%dma_wait3A_34, %dma_wait3A_35] : memref<50000x16xf32, #tpu.memory_space<hbm>> -> memref<50000x16xf32, #tpu.memory_space<hbm>>
      tpu.wait_indirect_dma semaphore(%arg11 : memref<!tpu.dma_semaphore, #tpu.memory_space<semaphore_mem>>) src(%dma_wait3A_36 : memref<50000x16xf32, #tpu.memory_space<hbm>>) dst(%arg8 : memref<128x16xf32, #tpu.memory_space<vmem>>)
      "tpu.region"() ({
        %run_scoped3A = tpu.sem_alloc : memref<!tpu.dma_semaphore, #tpu.memory_space<semaphore_mem>>
        %dma_start3A_37 = arith.constant 0 : i32
        %dma_start3A_38 = tpu.memref_slice %arg7[%add3A_26, %dma_start3A_37] : memref<196x128xi32, #tpu.memory_space<vmem>> -> memref<1x128xi32, #tpu.memory_space<vmem>>
        %dma_start3A_39 = tpu.memref_squeeze %dma_start3A_38 : memref<1x128xi32, #tpu.memory_space<vmem>> -> memref<128xi32, #tpu.memory_space<vmem>>
        %dma_start3A_40 = arith.constant 0 : i32
        %dma_start3A_41 = arith.constant 0 : i32
        %dma_start3A_42 = tpu.memref_slice %arg10[%dma_start3A_40, %dma_start3A_41] : memref<50048x16xf32, #tpu.memory_space<vmem_shared>> -> memref<50048x16xf32, #tpu.memory_space<vmem_shared>>
        tpu.enqueue_indirect_dma source(%arg8 : memref<128x16xf32, #tpu.memory_space<vmem>>) target(%dma_start3A_42 : memref<50048x16xf32, #tpu.memory_space<vmem_shared>>) offsets(%dma_start3A_39 : memref<128xi32, #tpu.memory_space<vmem>>) semaphore(%run_scoped3A : memref<!tpu.dma_semaphore, #tpu.memory_space<semaphore_mem>>) {add = true}
        %dma_wait3A_43 = arith.constant 0 : i32
        %dma_wait3A_44 = tpu.memref_slice %arg7[%add3A_26, %dma_wait3A_43] : memref<196x128xi32, #tpu.memory_space<vmem>> -> memref<1x128xi32, #tpu.memory_space<vmem>>
        %dma_wait3A_45 = tpu.memref_squeeze %dma_wait3A_44 : memref<1x128xi32, #tpu.memory_space<vmem>> -> memref<128xi32, #tpu.memory_space<vmem>>
        %dma_wait3A_46 = arith.constant 0 : i32
        %dma_wait3A_47 = arith.constant 0 : i32
        %dma_wait3A_48 = tpu.memref_slice %arg10[%dma_wait3A_46, %dma_wait3A_47] : memref<50048x16xf32, #tpu.memory_space<vmem_shared>> -> memref<50048x16xf32, #tpu.memory_space<vmem_shared>>
        tpu.wait_indirect_dma semaphore(%run_scoped3A : memref<!tpu.dma_semaphore, #tpu.memory_space<semaphore_mem>>) src(%arg8 : memref<128x16xf32, #tpu.memory_space<vmem>>) dst(%dma_wait3A_48 : memref<50048x16xf32, #tpu.memory_space<vmem_shared>>)
        tpu.yield
      }) : () -> ()
    }
    %scan3A_18 = arith.constant 196 : i32
    %barrier3A_19 = arith.constant 0 : index
    tpu.barrier barrier_id(%barrier3A_19)
    %mul3A_20 = arith.constant 3128 : i32
    %mul3A_21 = arith.muli %arg1, %mul3A_20 : i32
    "tpu.region"() ({
      %run_scoped3A = tpu.sem_alloc : memref<!tpu.dma_semaphore, #tpu.memory_space<semaphore_mem>>
      %dma_start3A = arith.constant 0 : i32
      %dma_start3A_22 = tpu.memref_slice %arg5[%arg0, %mul3A_21, %dma_start3A] : memref<2x50048x16xf32, #tpu.memory_space<hbm>> -> memref<1x3128x16xf32, #tpu.memory_space<hbm>>
      %dma_start3A_23 = tpu.memref_squeeze %dma_start3A_22 : memref<1x3128x16xf32, #tpu.memory_space<hbm>> -> memref<3128x16xf32, #tpu.memory_space<hbm>>
      %dma_start3A_24 = arith.constant 0 : i32
      %dma_start3A_25 = tpu.memref_slice %arg10[%mul3A_21, %dma_start3A_24] : memref<50048x16xf32, #tpu.memory_space<vmem_shared>> -> memref<3128x16xf32, #tpu.memory_space<vmem_shared>>
      tpu.enqueue_dma source(%dma_start3A_25 : memref<3128x16xf32, #tpu.memory_space<vmem_shared>>) target(%dma_start3A_23 : memref<3128x16xf32, #tpu.memory_space<hbm>>) target_semaphore(%run_scoped3A : memref<!tpu.dma_semaphore, #tpu.memory_space<semaphore_mem>>)
      %dma_wait3A = arith.constant 0 : i32
      %dma_wait3A_26 = tpu.memref_slice %arg5[%arg0, %mul3A_21, %dma_wait3A] : memref<2x50048x16xf32, #tpu.memory_space<hbm>> -> memref<1x3128x16xf32, #tpu.memory_space<hbm>>
      %dma_wait3A_27 = tpu.memref_squeeze %dma_wait3A_26 : memref<1x3128x16xf32, #tpu.memory_space<hbm>> -> memref<3128x16xf32, #tpu.memory_space<hbm>>
      %dma_wait3A_28 = arith.constant 0 : i32
      %dma_wait3A_29 = tpu.memref_slice %arg10[%mul3A_21, %dma_wait3A_28] : memref<50048x16xf32, #tpu.memory_space<vmem_shared>> -> memref<3128x16xf32, #tpu.memory_space<vmem_shared>>
      tpu.wait_dma2 semaphore(%run_scoped3A : memref<!tpu.dma_semaphore, #tpu.memory_space<semaphore_mem>>) src(%dma_wait3A_29 : memref<3128x16xf32, #tpu.memory_space<vmem_shared>>) dst(%dma_wait3A_27 : memref<3128x16xf32, #tpu.memory_space<hbm>>)
      tpu.yield
    }) : () -> ()
    return
  }
}

#map = affine_map<(d0, d1) -> (0, 0)>
#map1 = affine_map<(d0, d1) -> (0, 0, 0)>
module attributes {stable_mosaic.version = 14 : i64} {
  func.func @scatter_kernel(%arg0: i32, %arg1: i32, %arg2: memref<50000x16xf32, #tpu.memory_space<hbm>>, %arg3: memref<32x196x128xi32, #tpu.memory_space<hbm>>, %arg4: memref<32x196x128xi32, #tpu.memory_space<hbm>>, %arg5: memref<2x50048x16xf32, #tpu.memory_space<hbm>>, %arg6: memref<196x128xi32, #tpu.memory_space<vmem>>, %arg7: memref<196x128xi32, #tpu.memory_space<vmem>>, %arg8: memref<128x16xf32, #tpu.memory_space<vmem>>, %arg9: memref<128x16xf32, #tpu.memory_space<vmem>>, %arg10: memref<50048x16xf32, #tpu.memory_space<vmem_shared>>, %arg11: memref<!tpu.dma_semaphore, #tpu.memory_space<semaphore_mem>>) attributes {dimension_semantics = [#tpu.dimension_semantics<core_parallel>, #tpu.dimension_semantics<subcore_parallel>], iteration_bounds = array<i64: 2, 16>, scalar_prefetch = 0 : i64, scratch_operands = 6 : i64, tpu.core_type = #tpu.core_type<sc_vector_subcore>, window_params = [{transform_indices = #map}, {transform_indices = #map1}, {transform_indices = #map1}, {transform_indices = #map1}]} {
    %mul3A = arith.constant 2 : i32
    %mul3A_0 = arith.muli %arg1, %mul3A : i32
    %add3A = arith.addi %mul3A_0, %arg0 : i32
    %scan3A = arith.constant 0 : i32
    %scan3A_1 = arith.constant 128 : i32
    %scan3A_2 = arith.addi %scan3A, %scan3A_1 : i32
    %scan3A_3 = arith.constant 1 : i32
    scf.for %scan3A_22 = %scan3A to %scan3A_2 step %scan3A_3  : i32 {
      %mul3A_23 = arith.constant 1 : i32
      %mul3A_24 = arith.muli %scan3A_22, %mul3A_23 : i32
      %add3A_25 = arith.constant 0 : i32
      %add3A_26 = arith.addi %add3A_25, %mul3A_24 : i32
      %broadcast_in_dim3A = arith.constant 0.000000e+00 : f32
      %broadcast_in_dim3A_27 = vector.broadcast %broadcast_in_dim3A : f32 to vector<16xf32>
      %swap3A = arith.index_cast %add3A_26 : i32 to index
      %swap3A_28 = arith.constant 0 : index
      %swap3A_29 = tpu.vector_load %arg9[%swap3A, %swap3A_28] {strides = array<i32>} : memref<128x16xf32, #tpu.memory_space<vmem>>, vector<1x16xf32>,
      %swap3A_30 = vector.shape_cast %swap3A_29 : vector<1x16xf32> to vector<16xf32>
      %swap3A_31 = vector.shape_cast %broadcast_in_dim3A_27 : vector<16xf32> to vector<1x16xf32>
      tpu.vector_store %arg9[%swap3A, %swap3A_28], %swap3A_31 {strides = array<i32>} : memref<128x16xf32, #tpu.memory_space<vmem>>, vector<1x16xf32>,
    }
    %scan3A_4 = arith.constant 128 : i32
    %mul3A_5 = arith.constant 3128 : i32
    %mul3A_6 = arith.muli %arg1, %mul3A_5 : i32
    %scan3A_7 = arith.constant 0 : i32
    %scan3A_8 = arith.constant 24 : i32
    %scan3A_9 = arith.addi %scan3A_7, %scan3A_8 : i32
    %scan3A_10 = arith.constant 1 : i32
    scf.for %scan3A_22 = %scan3A_7 to %scan3A_9 step %scan3A_10  : i32 {
      %mul3A_23 = arith.constant 1 : i32
      %mul3A_24 = arith.muli %scan3A_22, %mul3A_23 : i32
      %add3A_25 = arith.constant 0 : i32
      %add3A_26 = arith.addi %add3A_25, %mul3A_24 : i32
      %mul3A_27 = arith.constant 128 : i32
      %mul3A_28 = arith.muli %add3A_26, %mul3A_27 : i32
      %add3A_29 = arith.addi %mul3A_6, %mul3A_28 : i32
      "tpu.region"() ({
        %run_scoped3A = tpu.sem_alloc : memref<!tpu.dma_semaphore, #tpu.memory_space<semaphore_mem>>
        %dma_start3A = arith.constant 0 : i32
        %dma_start3A_30 = tpu.memref_slice %arg10[%add3A_29, %dma_start3A] : memref<50048x16xf32, #tpu.memory_space<vmem_shared>> -> memref<128x16xf32, #tpu.memory_space<vmem_shared>>
        %dma_start3A_31 = arith.constant 0 : i32
        %dma_start3A_32 = tpu.memref_slice %arg10[%add3A_29, %dma_start3A_31] : memref<50048x16xf32, #tpu.memory_space<vmem_shared>> -> memref<128x16xf32, #tpu.memory_space<vmem_shared>>
        tpu.enqueue_dma source(%arg9 : memref<128x16xf32, #tpu.memory_space<vmem>>) target(%dma_start3A_32 : memref<128x16xf32, #tpu.memory_space<vmem_shared>>) target_semaphore(%run_scoped3A : memref<!tpu.dma_semaphore, #tpu.memory_space<semaphore_mem>>)
        %dma_wait3A = arith.constant 0 : i32
        %dma_wait3A_33 = tpu.memref_slice %arg10[%add3A_29, %dma_wait3A] : memref<50048x16xf32, #tpu.memory_space<vmem_shared>> -> memref<128x16xf32, #tpu.memory_space<vmem_shared>>
        %dma_wait3A_34 = arith.constant 0 : i32
        %dma_wait3A_35 = tpu.memref_slice %arg10[%add3A_29, %dma_wait3A_34] : memref<50048x16xf32, #tpu.memory_space<vmem_shared>> -> memref<128x16xf32, #tpu.memory_space<vmem_shared>>
        tpu.wait_dma2 semaphore(%run_scoped3A : memref<!tpu.dma_semaphore, #tpu.memory_space<semaphore_mem>>) src(%arg9 : memref<128x16xf32, #tpu.memory_space<vmem>>) dst(%dma_wait3A_35 : memref<128x16xf32, #tpu.memory_space<vmem_shared>>)
        tpu.yield
      }) : () -> ()
    }
    %scan3A_11 = arith.constant 24 : i32
    %add3A_12 = arith.constant 3072 : i32
    %add3A_13 = arith.addi %mul3A_6, %add3A_12 : i32
    "tpu.region"() ({
      %run_scoped3A = tpu.sem_alloc : memref<!tpu.dma_semaphore, #tpu.memory_space<semaphore_mem>>
      %dma_start3A = arith.constant 0 : i32
      %dma_start3A_22 = arith.constant 0 : i32
      %dma_start3A_23 = tpu.memref_slice %arg9[%dma_start3A, %dma_start3A_22] : memref<128x16xf32, #tpu.memory_space<vmem>> -> memref<56x16xf32, #tpu.memory_space<vmem>>
      %dma_start3A_24 = arith.constant 0 : i32
      %dma_start3A_25 = tpu.memref_slice %arg10[%add3A_13, %dma_start3A_24] : memref<50048x16xf32, #tpu.memory_space<vmem_shared>> -> memref<56x16xf32, #tpu.memory_space<vmem_shared>>
      %dma_start3A_26 = arith.constant 0 : i32
      %dma_start3A_27 = tpu.memref_slice %arg10[%add3A_13, %dma_start3A_26] : memref<50048x16xf32, #tpu.memory_space<vmem_shared>> -> memref<56x16xf32, #tpu.memory_space<vmem_shared>>
      %dma_start3A_28 = arith.constant 0 : i32
      %dma_start3A_29 = arith.constant 0 : i32
      %dma_start3A_30 = tpu.memref_slice %arg9[%dma_start3A_28, %dma_start3A_29] : memref<128x16xf32, #tpu.memory_space<vmem>> -> memref<56x16xf32, #tpu.memory_space<vmem>>
      tpu.enqueue_dma source(%dma_start3A_30 : memref<56x16xf32, #tpu.memory_space<vmem>>) target(%dma_start3A_27 : memref<56x16xf32, #tpu.memory_space<vmem_shared>>) target_semaphore(%run_scoped3A : memref<!tpu.dma_semaphore, #tpu.memory_space<semaphore_mem>>)
      %dma_wait3A = arith.constant 0 : i32
      %dma_wait3A_31 = arith.constant 0 : i32
      %dma_wait3A_32 = tpu.memref_slice %arg9[%dma_wait3A, %dma_wait3A_31] : memref<128x16xf32, #tpu.memory_space<vmem>> -> memref<56x16xf32, #tpu.memory_space<vmem>>
      %dma_wait3A_33 = arith.constant 0 : i32
      %dma_wait3A_34 = tpu.memref_slice %arg10[%add3A_13, %dma_wait3A_33] : memref<50048x16xf32, #tpu.memory_space<vmem_shared>> -> memref<56x16xf32, #tpu.memory_space<vmem_shared>>
      %dma_wait3A_35 = arith.constant 0 : i32
      %dma_wait3A_36 = tpu.memref_slice %arg10[%add3A_13, %dma_wait3A_35] : memref<50048x16xf32, #tpu.memory_space<vmem_shared>> -> memref<56x16xf32, #tpu.memory_space<vmem_shared>>
      %dma_wait3A_37 = arith.constant 0 : i32
      %dma_wait3A_38 = arith.constant 0 : i32
      %dma_wait3A_39 = tpu.memref_slice %arg9[%dma_wait3A_37, %dma_wait3A_38] : memref<128x16xf32, #tpu.memory_space<vmem>> -> memref<56x16xf32, #tpu.memory_space<vmem>>
      tpu.wait_dma2 semaphore(%run_scoped3A : memref<!tpu.dma_semaphore, #tpu.memory_space<semaphore_mem>>) src(%dma_wait3A_39 : memref<56x16xf32, #tpu.memory_space<vmem>>) dst(%dma_wait3A_36 : memref<56x16xf32, #tpu.memory_space<vmem_shared>>)
      tpu.yield
    }) : () -> ()
    "tpu.region"() ({
      %run_scoped3A = tpu.sem_alloc : memref<!tpu.dma_semaphore, #tpu.memory_space<semaphore_mem>>
      %dma_start3A = arith.constant 0 : i32
      %dma_start3A_22 = arith.constant 0 : i32
      %dma_start3A_23 = tpu.memref_slice %arg3[%add3A, %dma_start3A, %dma_start3A_22] : memref<32x196x128xi32, #tpu.memory_space<hbm>> -> memref<1x196x128xi32, #tpu.memory_space<hbm>>
      %dma_start3A_24 = tpu.memref_squeeze %dma_start3A_23 : memref<1x196x128xi32, #tpu.memory_space<hbm>> -> memref<196x128xi32, #tpu.memory_space<hbm>>
      %dma_start3A_25 = arith.constant 0 : i32
      %dma_start3A_26 = arith.constant 0 : i32
      %dma_start3A_27 = tpu.memref_slice %arg3[%add3A, %dma_start3A_25, %dma_start3A_26] : memref<32x196x128xi32, #tpu.memory_space<hbm>> -> memref<1x196x128xi32, #tpu.memory_space<hbm>>
      %dma_start3A_28 = tpu.memref_squeeze %dma_start3A_27 : memref<1x196x128xi32, #tpu.memory_space<hbm>> -> memref<196x128xi32, #tpu.memory_space<hbm>>
      tpu.enqueue_dma source(%dma_start3A_28 : memref<196x128xi32, #tpu.memory_space<hbm>>) target(%arg6 : memref<196x128xi32, #tpu.memory_space<vmem>>) target_semaphore(%run_scoped3A : memref<!tpu.dma_semaphore, #tpu.memory_space<semaphore_mem>>)
      %dma_wait3A = arith.constant 0 : i32
      %dma_wait3A_29 = arith.constant 0 : i32
      %dma_wait3A_30 = tpu.memref_slice %arg3[%add3A, %dma_wait3A, %dma_wait3A_29] : memref<32x196x128xi32, #tpu.memory_space<hbm>> -> memref<1x196x128xi32, #tpu.memory_space<hbm>>
      %dma_wait3A_31 = tpu.memref_squeeze %dma_wait3A_30 : memref<1x196x128xi32, #tpu.memory_space<hbm>> -> memref<196x128xi32, #tpu.memory_space<hbm>>
      %dma_wait3A_32 = arith.constant 0 : i32
      %dma_wait3A_33 = arith.constant 0 : i32
      %dma_wait3A_34 = tpu.memref_slice %arg3[%add3A, %dma_wait3A_32, %dma_wait3A_33] : memref<32x196x128xi32, #tpu.memory_space<hbm>> -> memref<1x196x128xi32, #tpu.memory_space<hbm>>
      %dma_wait3A_35 = tpu.memref_squeeze %dma_wait3A_34 : memref<1x196x128xi32, #tpu.memory_space<hbm>> -> memref<196x128xi32, #tpu.memory_space<hbm>>
      tpu.wait_dma2 semaphore(%run_scoped3A : memref<!tpu.dma_semaphore, #tpu.memory_space<semaphore_mem>>) src(%dma_wait3A_35 : memref<196x128xi32, #tpu.memory_space<hbm>>) dst(%arg6 : memref<196x128xi32, #tpu.memory_space<vmem>>)
      tpu.yield
    }) : () -> ()
    "tpu.region"() ({
      %run_scoped3A = tpu.sem_alloc : memref<!tpu.dma_semaphore, #tpu.memory_space<semaphore_mem>>
      %dma_start3A = arith.constant 0 : i32
      %dma_start3A_22 = arith.constant 0 : i32
      %dma_start3A_23 = tpu.memref_slice %arg4[%add3A, %dma_start3A, %dma_start3A_22] : memref<32x196x128xi32, #tpu.memory_space<hbm>> -> memref<1x196x128xi32, #tpu.memory_space<hbm>>
      %dma_start3A_24 = tpu.memref_squeeze %dma_start3A_23 : memref<1x196x128xi32, #tpu.memory_space<hbm>> -> memref<196x128xi32, #tpu.memory_space<hbm>>
      %dma_start3A_25 = arith.constant 0 : i32
      %dma_start3A_26 = arith.constant 0 : i32
      %dma_start3A_27 = tpu.memref_slice %arg4[%add3A, %dma_start3A_25, %dma_start3A_26] : memref<32x196x128xi32, #tpu.memory_space<hbm>> -> memref<1x196x128xi32, #tpu.memory_space<hbm>>
      %dma_start3A_28 = tpu.memref_squeeze %dma_start3A_27 : memref<1x196x128xi32, #tpu.memory_space<hbm>> -> memref<196x128xi32, #tpu.memory_space<hbm>>
      tpu.enqueue_dma source(%dma_start3A_28 : memref<196x128xi32, #tpu.memory_space<hbm>>) target(%arg7 : memref<196x128xi32, #tpu.memory_space<vmem>>) target_semaphore(%run_scoped3A : memref<!tpu.dma_semaphore, #tpu.memory_space<semaphore_mem>>)
      %dma_wait3A = arith.constant 0 : i32
      %dma_wait3A_29 = arith.constant 0 : i32
      %dma_wait3A_30 = tpu.memref_slice %arg4[%add3A, %dma_wait3A, %dma_wait3A_29] : memref<32x196x128xi32, #tpu.memory_space<hbm>> -> memref<1x196x128xi32, #tpu.memory_space<hbm>>
      %dma_wait3A_31 = tpu.memref_squeeze %dma_wait3A_30 : memref<1x196x128xi32, #tpu.memory_space<hbm>> -> memref<196x128xi32, #tpu.memory_space<hbm>>
      %dma_wait3A_32 = arith.constant 0 : i32
      %dma_wait3A_33 = arith.constant 0 : i32
      %dma_wait3A_34 = tpu.memref_slice %arg4[%add3A, %dma_wait3A_32, %dma_wait3A_33] : memref<32x196x128xi32, #tpu.memory_space<hbm>> -> memref<1x196x128xi32, #tpu.memory_space<hbm>>
      %dma_wait3A_35 = tpu.memref_squeeze %dma_wait3A_34 : memref<1x196x128xi32, #tpu.memory_space<hbm>> -> memref<196x128xi32, #tpu.memory_space<hbm>>
      tpu.wait_dma2 semaphore(%run_scoped3A : memref<!tpu.dma_semaphore, #tpu.memory_space<semaphore_mem>>) src(%dma_wait3A_35 : memref<196x128xi32, #tpu.memory_space<hbm>>) dst(%arg7 : memref<196x128xi32, #tpu.memory_space<vmem>>)
      tpu.yield
    }) : () -> ()
    %barrier3A = arith.constant 0 : index
    tpu.barrier barrier_id(%barrier3A)
    %scan3A_14 = arith.constant 0 : i32
    %scan3A_15 = arith.constant 196 : i32
    %scan3A_16 = arith.addi %scan3A_14, %scan3A_15 : i32
    %scan3A_17 = arith.constant 1 : i32
    scf.for %scan3A_22 = %scan3A_14 to %scan3A_16 step %scan3A_17  : i32 {
      %mul3A_23 = arith.constant 1 : i32
      %mul3A_24 = arith.muli %scan3A_22, %mul3A_23 : i32
      %add3A_25 = arith.constant 0 : i32
      %add3A_26 = arith.addi %add3A_25, %mul3A_24 : i32
      %dma_start3A = arith.constant 0 : i32
      %dma_start3A_27 = tpu.memref_slice %arg6[%add3A_26, %dma_start3A] : memref<196x128xi32, #tpu.memory_space<vmem>> -> memref<1x128xi32, #tpu.memory_space<vmem>>
      %dma_start3A_28 = tpu.memref_squeeze %dma_start3A_27 : memref<1x128xi32, #tpu.memory_space<vmem>> -> memref<128xi32, #tpu.memory_space<vmem>>
      %dma_start3A_29 = arith.constant 0 : i32
      %dma_start3A_30 = arith.constant 0 : i32
      %dma_start3A_31 = tpu.memref_slice %arg2[%dma_start3A_29, %dma_start3A_30] : memref<50000x16xf32, #tpu.memory_space<hbm>> -> memref<50000x16xf32, #tpu.memory_space<hbm>>
      tpu.enqueue_indirect_dma source(%dma_start3A_31 : memref<50000x16xf32, #tpu.memory_space<hbm>>) target(%arg8 : memref<128x16xf32, #tpu.memory_space<vmem>>) offsets(%dma_start3A_28 : memref<128xi32, #tpu.memory_space<vmem>>) semaphore(%arg11 : memref<!tpu.dma_semaphore, #tpu.memory_space<semaphore_mem>>)
      %dma_wait3A = arith.constant 0 : i32
      %dma_wait3A_32 = tpu.memref_slice %arg6[%add3A_26, %dma_wait3A] : memref<196x128xi32, #tpu.memory_space<vmem>> -> memref<1x128xi32, #tpu.memory_space<vmem>>
      %dma_wait3A_33 = tpu.memref_squeeze %dma_wait3A_32 : memref<1x128xi32, #tpu.memory_space<vmem>> -> memref<128xi32, #tpu.memory_space<vmem>>
      %dma_wait3A_34 = arith.constant 0 : i32
      %dma_wait3A_35 = arith.constant 0 : i32
      %dma_wait3A_36 = tpu.memref_slice %arg2[%dma_wait3A_34, %dma_wait3A_35] : memref<50000x16xf32, #tpu.memory_space<hbm>> -> memref<50000x16xf32, #tpu.memory_space<hbm>>
      tpu.wait_indirect_dma semaphore(%arg11 : memref<!tpu.dma_semaphore, #tpu.memory_space<semaphore_mem>>) src(%dma_wait3A_36 : memref<50000x16xf32, #tpu.memory_space<hbm>>) dst(%arg8 : memref<128x16xf32, #tpu.memory_space<vmem>>)
      "tpu.region"() ({
        %run_scoped3A = tpu.sem_alloc : memref<!tpu.dma_semaphore, #tpu.memory_space<semaphore_mem>>
        %dma_start3A_37 = arith.constant 0 : i32
        %dma_start3A_38 = tpu.memref_slice %arg7[%add3A_26, %dma_start3A_37] : memref<196x128xi32, #tpu.memory_space<vmem>> -> memref<1x128xi32, #tpu.memory_space<vmem>>
        %dma_start3A_39 = tpu.memref_squeeze %dma_start3A_38 : memref<1x128xi32, #tpu.memory_space<vmem>> -> memref<128xi32, #tpu.memory_space<vmem>>
        %dma_start3A_40 = arith.constant 0 : i32
        %dma_start3A_41 = arith.constant 0 : i32
        %dma_start3A_42 = tpu.memref_slice %arg10[%dma_start3A_40, %dma_start3A_41] : memref<50048x16xf32, #tpu.memory_space<vmem_shared>> -> memref<50048x16xf32, #tpu.memory_space<vmem_shared>>
        tpu.enqueue_indirect_dma source(%arg8 : memref<128x16xf32, #tpu.memory_space<vmem>>) target(%dma_start3A_42 : memref<50048x16xf32, #tpu.memory_space<vmem_shared>>) offsets(%dma_start3A_39 : memref<128xi32, #tpu.memory_space<vmem>>) semaphore(%run_scoped3A : memref<!tpu.dma_semaphore, #tpu.memory_space<semaphore_mem>>) {add = true}
        %dma_wait3A_43 = arith.constant 0 : i32
        %dma_wait3A_44 = tpu.memref_slice %arg7[%add3A_26, %dma_wait3A_43] : memref<196x128xi32, #tpu.memory_space<vmem>> -> memref<1x128xi32, #tpu.memory_space<vmem>>
        %dma_wait3A_45 = tpu.memref_squeeze %dma_wait3A_44 : memref<1x128xi32, #tpu.memory_space<vmem>> -> memref<128xi32, #tpu.memory_space<vmem>>
        %dma_wait3A_46 = arith.constant 0 : i32
        %dma_wait3A_47 = arith.constant 0 : i32
        %dma_wait3A_48 = tpu.memref_slice %arg10[%dma_wait3A_46, %dma_wait3A_47] : memref<50048x16xf32, #tpu.memory_space<vmem_shared>> -> memref<50048x16xf32, #tpu.memory_space<vmem_shared>>
        tpu.wait_indirect_dma semaphore(%run_scoped3A : memref<!tpu.dma_semaphore, #tpu.memory_space<semaphore_mem>>) src(%arg8 : memref<128x16xf32, #tpu.memory_space<vmem>>) dst(%dma_wait3A_48 : memref<50048x16xf32, #tpu.memory_space<vmem_shared>>)
        tpu.yield
      }) : () -> ()
    }
    %scan3A_18 = arith.constant 196 : i32
    %barrier3A_19 = arith.constant 0 : index
    tpu.barrier barrier_id(%barrier3A_19)
    %mul3A_20 = arith.constant 3128 : i32
    %mul3A_21 = arith.muli %arg1, %mul3A_20 : i32
    "tpu.region"() ({
      %run_scoped3A = tpu.sem_alloc : memref<!tpu.dma_semaphore, #tpu.memory_space<semaphore_mem>>
      %dma_start3A = arith.constant 0 : i32
      %dma_start3A_22 = tpu.memref_slice %arg5[%arg0, %mul3A_21, %dma_start3A] : memref<2x50048x16xf32, #tpu.memory_space<hbm>> -> memref<1x3128x16xf32, #tpu.memory_space<hbm>>
      %dma_start3A_23 = tpu.memref_squeeze %dma_start3A_22 : memref<1x3128x16xf32, #tpu.memory_space<hbm>> -> memref<3128x16xf32, #tpu.memory_space<hbm>>
      %dma_start3A_24 = arith.constant 0 : i32
      %dma_start3A_25 = tpu.memref_slice %arg10[%mul3A_21, %dma_start3A_24] : memref<50048x16xf32, #tpu.memory_space<vmem_shared>> -> memref<3128x16xf32, #tpu.memory_space<vmem_shared>>
      tpu.enqueue_dma source(%dma_start3A_25 : memref<3128x16xf32, #tpu.memory_space<vmem_shared>>) target(%dma_start3A_23 : memref<3128x16xf32, #tpu.memory_space<hbm>>) target_semaphore(%run_scoped3A : memref<!tpu.dma_semaphore, #tpu.memory_space<semaphore_mem>>)
      %dma_wait3A = arith.constant 0 : i32
      %dma_wait3A_26 = tpu.memref_slice %arg5[%arg0, %mul3A_21, %dma_wait3A] : memref<2x50048x16xf32, #tpu.memory_space<hbm>> -> memref<1x3128x16xf32, #tpu.memory_space<hbm>>
      %dma_wait3A_27 = tpu.memref_squeeze %dma_wait3A_26 : memref<1x3128x16xf32, #tpu.memory_space<hbm>> -> memref<3128x16xf32, #tpu.memory_space<hbm>>
      %dma_wait3A_28 = arith.constant 0 : i32
      %dma_wait3A_29 = tpu.memref_slice %arg10[%mul3A_21, %dma_wait3A_28] : memref<50048x16xf32, #tpu.memory_space<vmem_shared>> -> memref<3128x16xf32, #tpu.memory_space<vmem_shared>>
      tpu.wait_dma2 semaphore(%run_scoped3A : memref<!tpu.dma_semaphore, #tpu.memory_space<semaphore_mem>>) src(%dma_wait3A_29 : memref<3128x16xf32, #tpu.memory_space<vmem_shared>>) dst(%dma_wait3A_27 : memref<3128x16xf32, #tpu.memory_space<hbm>>)
      tpu.yield
    }) : () -> ()
    return
  }
}

module attributes {stable_mosaic.version = 14 : i64} {
  func.func @_mlp_body(%arg0: i32, %arg1: memref<2000x128xf32, #tpu.memory_space<vmem>>, %arg2: memref<128x64xf32, #tpu.memory_space<vmem>>, %arg3: memref<1x64xf32, #tpu.memory_space<vmem>>, %arg4: memref<64x16xf32, #tpu.memory_space<vmem>>, %arg5: memref<1x16xf32, #tpu.memory_space<vmem>>, %arg6: memref<2000x16xf32, #tpu.memory_space<vmem>>) attributes {dimension_semantics = [#tpu.dimension_semantics<arbitrary>], iteration_bounds = array<i64: 25>, scalar_prefetch = 0 : i64, scratch_operands = 0 : i64, tpu.core_type = #tpu.core_type<tc>, window_params = [{transform_indices = @transform_0, window_bounds = array<i64: 2000, 128>}, {pipeline_mode = #tpu.pipeline_mode<synchronous>, transform_indices = @transform_1, window_bounds = array<i64: 128, 64>}, {pipeline_mode = #tpu.pipeline_mode<synchronous>, transform_indices = @transform_2, window_bounds = array<i64: 1, 64>}, {pipeline_mode = #tpu.pipeline_mode<synchronous>, transform_indices = @transform_3, window_bounds = array<i64: 64, 16>}, {pipeline_mode = #tpu.pipeline_mode<synchronous>, transform_indices = @transform_4, window_bounds = array<i64: 1, 16>}, {transform_indices = @transform_5, window_bounds = array<i64: 2000, 16>}]} {
    %get3A = arith.constant 0 : index
    %get3A_0 = arith.constant 0 : index
    %get3A_1 = vector.load %arg1[%get3A, %get3A_0] : memref<2000x128xf32, #tpu.memory_space<vmem>>, vector<2000x128xf32>
    %get3A_2 = arith.constant 0 : index
    %get3A_3 = arith.constant 0 : index
    %get3A_4 = vector.load %arg2[%get3A_2, %get3A_3] : memref<128x64xf32, #tpu.memory_space<vmem>>, vector<128x64xf32>
    %dot_general3A = arith.constant dense<0.000000e+00> : vector<2000x64xf32>
    %dot_general3A_5 = tpu.matmul %get3A_1, %get3A_4, %dot_general3A {dimension_numbers = #tpu.dot_dimension_numbers<[1], [0], [0], [1], [0, 0, 1, 1], [], []>, transpose_lhs_hint = false} : vector<2000x128xf32>, vector<128x64xf32>, vector<2000x64xf32> -> vector<2000x64xf32>
    %get3A_6 = arith.constant 0 : index
    %get3A_7 = arith.constant 0 : index
    %get3A_8 = vector.load %arg3[%get3A_6, %get3A_7] : memref<1x64xf32, #tpu.memory_space<vmem>>, vector<1x64xf32>
    %add3A = vector.broadcast %get3A_8 : vector<1x64xf32> to vector<2000x64xf32>
    %add3A_9 = arith.addf %dot_general3A_5, %add3A : vector<2000x64xf32>
    %max3A = arith.constant 0.000000e+00 : f32
    %max3A_10 = vector.broadcast %max3A : f32 to vector<2000x64xf32>
    %max3A_11 = arith.maximumf %add3A_9, %max3A_10 : vector<2000x64xf32>
    %get3A_12 = arith.constant 0 : index
    %get3A_13 = arith.constant 0 : index
    %get3A_14 = vector.load %arg4[%get3A_12, %get3A_13] : memref<64x16xf32, #tpu.memory_space<vmem>>, vector<64x16xf32>
    %dot_general3A_15 = arith.constant dense<0.000000e+00> : vector<2000x16xf32>
    %dot_general3A_16 = tpu.matmul %max3A_11, %get3A_14, %dot_general3A_15 {dimension_numbers = #tpu.dot_dimension_numbers<[1], [0], [0], [1], [0, 0, 1, 1], [], []>, transpose_lhs_hint = false} : vector<2000x64xf32>, vector<64x16xf32>, vector<2000x16xf32> -> vector<2000x16xf32>
    %get3A_17 = arith.constant 0 : index
    %get3A_18 = arith.constant 0 : index
    %get3A_19 = vector.load %arg5[%get3A_17, %get3A_18] : memref<1x16xf32, #tpu.memory_space<vmem>>, vector<1x16xf32>
    %add3A_20 = vector.broadcast %get3A_19 : vector<1x16xf32> to vector<2000x16xf32>
    %add3A_21 = arith.addf %dot_general3A_16, %add3A_20 : vector<2000x16xf32>
    %swap3A = arith.constant 0 : index
    %swap3A_22 = arith.constant 0 : index
    %swap3A_23 = vector.load %arg6[%swap3A, %swap3A_22] : memref<2000x16xf32, #tpu.memory_space<vmem>>, vector<2000x16xf32>
    tpu.vector_store %arg6[%swap3A, %swap3A_22], %add3A_21 {strides = array<i32>} : memref<2000x16xf32, #tpu.memory_space<vmem>>, vector<2000x16xf32>,
    return
  }
  func.func @transform_0(%arg0: i32) -> (i32, i32) {
    %c0_i32 = arith.constant 0 : i32
    %c0_i32_0 = arith.constant 0 : i32
    return %arg0, %c0_i32 : i32, i32
  }
  func.func @transform_1(%arg0: i32) -> (i32, i32) {
    %c0_i32 = arith.constant 0 : i32
    %c0_i32_0 = arith.constant 0 : i32
    %c0_i32_1 = arith.constant 0 : i32
    return %c0_i32, %c0_i32_0 : i32, i32
  }
  func.func @transform_2(%arg0: i32) -> (i32, i32) {
    %c0_i32 = arith.constant 0 : i32
    %c0_i32_0 = arith.constant 0 : i32
    %c0_i32_1 = arith.constant 0 : i32
    return %c0_i32, %c0_i32_0 : i32, i32
  }
  func.func @transform_3(%arg0: i32) -> (i32, i32) {
    %c0_i32 = arith.constant 0 : i32
    %c0_i32_0 = arith.constant 0 : i32
    %c0_i32_1 = arith.constant 0 : i32
    return %c0_i32, %c0_i32_0 : i32, i32
  }
  func.func @transform_4(%arg0: i32) -> (i32, i32) {
    %c0_i32 = arith.constant 0 : i32
    %c0_i32_0 = arith.constant 0 : i32
    %c0_i32_1 = arith.constant 0 : i32
    return %c0_i32, %c0_i32_0 : i32, i32
  }
  func.func @transform_5(%arg0: i32) -> (i32, i32) {
    %c0_i32 = arith.constant 0 : i32
    %c0_i32_0 = arith.constant 0 : i32
    return %arg0, %c0_i32 : i32, i32
  }
}

module attributes {stable_mosaic.version = 14 : i64} {
  func.func @_dinv_g0_body(%arg0: i32, %arg1: memref<2x2000x16xf32, #tpu.memory_space<vmem>>, %arg2: memref<2000x16xf32, #tpu.memory_space<vmem>>, %arg3: memref<2000x16xf32, #tpu.memory_space<vmem>>, %arg4: memref<2000x16xf32, #tpu.memory_space<vmem>>) attributes {dimension_semantics = [#tpu.dimension_semantics<arbitrary>], iteration_bounds = array<i64: 25>, scalar_prefetch = 0 : i64, scratch_operands = 0 : i64, tpu.core_type = #tpu.core_type<tc>, window_params = [{transform_indices = @transform_0, window_bounds = array<i64: 2, 2000, 16>}, {transform_indices = @transform_1, window_bounds = array<i64: 2000, 16>}, {transform_indices = @transform_2, window_bounds = array<i64: 2000, 16>}, {transform_indices = @transform_3, window_bounds = array<i64: 2000, 16>}]} {
    %get3A = arith.constant 0 : index
    %get3A_0 = arith.constant 0 : index
    %get3A_1 = arith.constant 0 : index
    %get3A_2 = vector.load %arg1[%get3A, %get3A_0, %get3A_1] : memref<2x2000x16xf32, #tpu.memory_space<vmem>>, vector<1x2000x16xf32>
    %get3A_3 = vector.shape_cast %get3A_2 : vector<1x2000x16xf32> to vector<2000x16xf32>
    %get3A_4 = arith.constant 1 : index
    %get3A_5 = arith.constant 0 : index
    %get3A_6 = arith.constant 0 : index
    %get3A_7 = vector.load %arg1[%get3A_4, %get3A_5, %get3A_6] : memref<2x2000x16xf32, #tpu.memory_space<vmem>>, vector<1x2000x16xf32>
    %get3A_8 = vector.shape_cast %get3A_7 : vector<1x2000x16xf32> to vector<2000x16xf32>
    %add3A = arith.addf %get3A_3, %get3A_8 : vector<2000x16xf32>
    %add3A_9 = arith.constant 1.000000e+00 : f32
    %add3A_10 = vector.broadcast %add3A_9 : f32 to vector<2000x16xf32>
    %add3A_11 = arith.addf %add3A, %add3A_10 : vector<2000x16xf32>
    %rsqrt3A = math.rsqrt %add3A_11 : vector<2000x16xf32>
    %swap3A = arith.constant 0 : index
    %swap3A_12 = arith.constant 0 : index
    %swap3A_13 = vector.load %arg3[%swap3A, %swap3A_12] : memref<2000x16xf32, #tpu.memory_space<vmem>>, vector<2000x16xf32>
    tpu.vector_store %arg3[%swap3A, %swap3A_12], %rsqrt3A {strides = array<i32>} : memref<2000x16xf32, #tpu.memory_space<vmem>>, vector<2000x16xf32>,
    %get3A_14 = arith.constant 0 : index
    %get3A_15 = arith.constant 0 : index
    %get3A_16 = vector.load %arg2[%get3A_14, %get3A_15] : memref<2000x16xf32, #tpu.memory_space<vmem>>, vector<2000x16xf32>
    %mul3A = arith.mulf %rsqrt3A, %get3A_16 : vector<2000x16xf32>
    %swap3A_17 = arith.constant 0 : index
    %swap3A_18 = arith.constant 0 : index
    %swap3A_19 = vector.load %arg4[%swap3A_17, %swap3A_18] : memref<2000x16xf32, #tpu.memory_space<vmem>>, vector<2000x16xf32>
    tpu.vector_store %arg4[%swap3A_17, %swap3A_18], %mul3A {strides = array<i32>} : memref<2000x16xf32, #tpu.memory_space<vmem>>, vector<2000x16xf32>,
    return
  }
  func.func @transform_0(%arg0: i32) -> (i32, i32, i32) {
    %c0_i32 = arith.constant 0 : i32
    %c0_i32_0 = arith.constant 0 : i32
    %c0_i32_1 = arith.constant 0 : i32
    return %c0_i32, %arg0, %c0_i32_0 : i32, i32, i32
  }
  func.func @transform_1(%arg0: i32) -> (i32, i32) {
    %c0_i32 = arith.constant 0 : i32
    %c0_i32_0 = arith.constant 0 : i32
    return %arg0, %c0_i32 : i32, i32
  }
  func.func @transform_2(%arg0: i32) -> (i32, i32) {
    %c0_i32 = arith.constant 0 : i32
    %c0_i32_0 = arith.constant 0 : i32
    return %arg0, %c0_i32 : i32, i32
  }
  func.func @transform_3(%arg0: i32) -> (i32, i32) {
    %c0_i32 = arith.constant 0 : i32
    %c0_i32_0 = arith.constant 0 : i32
    return %arg0, %c0_i32 : i32, i32
  }
}

module attributes {stable_mosaic.version = 14 : i64} {
  func.func @_combine_body(%arg0: i32, %arg1: memref<2x2000x16xf32, #tpu.memory_space<vmem>>, %arg2: memref<2000x16xf32, #tpu.memory_space<vmem>>, %arg3: memref<2000x16xf32, #tpu.memory_space<vmem>>, %arg4: memref<2000x16xf32, #tpu.memory_space<vmem>>, %arg5: memref<2000x16xf32, #tpu.memory_space<vmem>>, %arg6: memref<2000x16xf32, #tpu.memory_space<vmem>>) attributes {dimension_semantics = [#tpu.dimension_semantics<arbitrary>], iteration_bounds = array<i64: 25>, scalar_prefetch = 0 : i64, scratch_operands = 0 : i64, tpu.core_type = #tpu.core_type<tc>, window_params = [{transform_indices = @transform_0, window_bounds = array<i64: 2, 2000, 16>}, {transform_indices = @transform_1, window_bounds = array<i64: 2000, 16>}, {transform_indices = @transform_2, window_bounds = array<i64: 2000, 16>}, {transform_indices = @transform_3, window_bounds = array<i64: 2000, 16>}, {transform_indices = @transform_4, window_bounds = array<i64: 2000, 16>}, {transform_indices = @transform_5, window_bounds = array<i64: 2000, 16>}]} {
    %get3A = arith.constant 0 : index
    %get3A_0 = arith.constant 0 : index
    %get3A_1 = arith.constant 0 : index
    %get3A_2 = vector.load %arg1[%get3A, %get3A_0, %get3A_1] : memref<2x2000x16xf32, #tpu.memory_space<vmem>>, vector<1x2000x16xf32>
    %get3A_3 = vector.shape_cast %get3A_2 : vector<1x2000x16xf32> to vector<2000x16xf32>
    %get3A_4 = arith.constant 1 : index
    %get3A_5 = arith.constant 0 : index
    %get3A_6 = arith.constant 0 : index
    %get3A_7 = vector.load %arg1[%get3A_4, %get3A_5, %get3A_6] : memref<2x2000x16xf32, #tpu.memory_space<vmem>>, vector<1x2000x16xf32>
    %get3A_8 = vector.shape_cast %get3A_7 : vector<1x2000x16xf32> to vector<2000x16xf32>
    %add3A = arith.addf %get3A_3, %get3A_8 : vector<2000x16xf32>
    %get3A_9 = arith.constant 0 : index
    %get3A_10 = arith.constant 0 : index
    %get3A_11 = vector.load %arg2[%get3A_9, %get3A_10] : memref<2000x16xf32, #tpu.memory_space<vmem>>, vector<2000x16xf32>
    %add3A_12 = arith.addf %add3A, %get3A_11 : vector<2000x16xf32>
    %get3A_13 = arith.constant 0 : index
    %get3A_14 = arith.constant 0 : index
    %get3A_15 = vector.load %arg3[%get3A_13, %get3A_14] : memref<2000x16xf32, #tpu.memory_space<vmem>>, vector<2000x16xf32>
    %mul3A = arith.mulf %get3A_15, %add3A_12 : vector<2000x16xf32>
    %mul3A_16 = arith.constant 0.899999976 : f32
    %mul3A_17 = vector.broadcast %mul3A_16 : f32 to vector<2000x16xf32>
    %mul3A_18 = arith.mulf %mul3A_17, %mul3A : vector<2000x16xf32>
    %get3A_19 = arith.constant 0 : index
    %get3A_20 = arith.constant 0 : index
    %get3A_21 = vector.load %arg4[%get3A_19, %get3A_20] : memref<2000x16xf32, #tpu.memory_space<vmem>>, vector<2000x16xf32>
    %mul3A_22 = arith.constant 1.000000e-01 : f32
    %mul3A_23 = vector.broadcast %mul3A_22 : f32 to vector<2000x16xf32>
    %mul3A_24 = arith.mulf %mul3A_23, %get3A_21 : vector<2000x16xf32>
    %add3A_25 = arith.addf %mul3A_18, %mul3A_24 : vector<2000x16xf32>
    %swap3A = arith.constant 0 : index
    %swap3A_26 = arith.constant 0 : index
    %swap3A_27 = vector.load %arg5[%swap3A, %swap3A_26] : memref<2000x16xf32, #tpu.memory_space<vmem>>, vector<2000x16xf32>
    tpu.vector_store %arg5[%swap3A, %swap3A_26], %add3A_25 {strides = array<i32>} : memref<2000x16xf32, #tpu.memory_space<vmem>>, vector<2000x16xf32>,
    %get3A_28 = arith.constant 0 : index
    %get3A_29 = arith.constant 0 : index
    %get3A_30 = vector.load %arg3[%get3A_28, %get3A_29] : memref<2000x16xf32, #tpu.memory_space<vmem>>, vector<2000x16xf32>
    %mul3A_31 = arith.mulf %get3A_30, %add3A_25 : vector<2000x16xf32>
    %swap3A_32 = arith.constant 0 : index
    %swap3A_33 = arith.constant 0 : index
    %swap3A_34 = vector.load %arg6[%swap3A_32, %swap3A_33] : memref<2000x16xf32, #tpu.memory_space<vmem>>, vector<2000x16xf32>
    tpu.vector_store %arg6[%swap3A_32, %swap3A_33], %mul3A_31 {strides = array<i32>} : memref<2000x16xf32, #tpu.memory_space<vmem>>, vector<2000x16xf32>,
    return
  }
  func.func @transform_0(%arg0: i32) -> (i32, i32, i32) {
    %c0_i32 = arith.constant 0 : i32
    %c0_i32_0 = arith.constant 0 : i32
    %c0_i32_1 = arith.constant 0 : i32
    return %c0_i32, %arg0, %c0_i32_0 : i32, i32, i32
  }
  func.func @transform_1(%arg0: i32) -> (i32, i32) {
    %c0_i32 = arith.constant 0 : i32
    %c0_i32_0 = arith.constant 0 : i32
    return %arg0, %c0_i32 : i32, i32
  }
  func.func @transform_2(%arg0: i32) -> (i32, i32) {
    %c0_i32 = arith.constant 0 : i32
    %c0_i32_0 = arith.constant 0 : i32
    return %arg0, %c0_i32 : i32, i32
  }
  func.func @transform_3(%arg0: i32) -> (i32, i32) {
    %c0_i32 = arith.constant 0 : i32
    %c0_i32_0 = arith.constant 0 : i32
    return %arg0, %c0_i32 : i32, i32
  }
  func.func @transform_4(%arg0: i32) -> (i32, i32) {
    %c0_i32 = arith.constant 0 : i32
    %c0_i32_0 = arith.constant 0 : i32
    return %arg0, %c0_i32 : i32, i32
  }
  func.func @transform_5(%arg0: i32) -> (i32, i32) {
    %c0_i32 = arith.constant 0 : i32
    %c0_i32_0 = arith.constant 0 : i32
    return %arg0, %c0_i32 : i32, i32
  }
}

</mosaic_0001>

<sc_bundles>
// kernel: kernel.25.cloned.1.call-start
scs
__scs_entry_jumppad:
0x0: {  	(pc) =	sbr.rel $0x88, $3  }
0x1: {  	(tag) =	ssettag $0x0;
	lr =	simm.s32 $0x1  }
0x2: {  	[smem:$0x3F9B] =	sst lr;
	_ =	strace $0xD0000000  }
0x3: {  	_ = 	snop  }
0x4: {  	_ = 	snop  }
0x5: {  	_ = 	snop  }
0x6: {  	_ = 	snop  }
0x7: {  	_ = 	snop  }
__scs_overlays_trampoline_lowered:
0x8: {  	[smem:$0x3FAA] =	sst s0  }
0x9: {  	[smem:$0x3FAB] =	sst s1  }
0xa: {  	[smem:$0x3FAC] =	sst s2  }
0xb: {  	[smem:$0x3FAD] =	sst s3  }
0xc: {  	[smem:$0x3FAE] =	sst s4  }
0xd: {  	[smem:$0x3FAF] =	sst s5  }
0xe: {  	[smem:$0x3FB0] =	sst s6  }
0xf: {  	[smem:$0x3FB1] =	sst s7  }
0x10: {  	[smem:$0x3FB2] =	sst s8  }
0x11: {  	[smem:$0x3FB3] =	sst s9;
	s0 =	simm.s32 @!p0 $0x0  }
0x12: {  	s1 =	sld [smem:$0x3F99];
	s0 =	simm.s32 @p0 $0x1  }
0x13: {  	[smem:$0x3FB4] =	sst s0;
	s0 =	simm.s32 @!p1 $0x0  }
0x14: {  	s2 =	sld [smem:$0x3F98];
	s0 =	simm.s32 @p1 $0x1  }
0x15: {  	[smem:$0x3FB5] =	sst s0;
	s0 =	simm.s32 @!p2 $0x0  }
0x16: {  	s3 =	sld [smem:$0x3FDB];
	s0 =	simm.s32 @p2 $0x1  }
0x17: {  	s4 =	simm.s32 $0x1BF5;
	[smem:$0x3FB7] =	sst s0  }
0x18: {  	s0 =	sld [smem:$0x3F9A];
	_ =	swait.ge [sflag:s4], $0x0  }
0x19: {  	s7 =	sld [smem:$0x3F9B]  }
0x1a: {  	s8 =	sadd.s32 $0xFFFFE003, lr  }
0x1b: {  	s9 =	sadd.s32 $0xFFFFFEF7, lr;
	s5 =	simm.s32 $0xFFFFFFFF;
	p2 =	slt.u32 s8, $0xFFFFF086  }
0x1c: {  	p1 =	slt.u32 s9, $0xF7A;
	s5 =	simm.s32 @!p2 $0x0  }
0x1d: {  	s5 =	simm.s32 @p1 $0x1;
	p0 =	seq.s32 s7, s2  }
0x1e: {  	s7 =	smul.u32 @!p0 $0xF7A, s2;
	p2 =	seq.s32 @!p0 s5, $0x0  }
0x1f: {  	s9 =	smul.u32 $0xF7A, s1;
	s8 =	simm.s32 @!p0 $0x1BF5;
	p2 =	por !p2, p0  }
0x20: {  	[sflag:s8] =	ssyncset.s32 @!p0 $0xFFFFF086;
	s6 =	sadd.s32 @!p0 s3, s7;
	s7 =	simm.s32 @!p0 $0x108  }
0x21: {  	s3 =	sadd.s32 s3, s9;
	s6 =	sadd.s32 @!p0 $0x88, s6;
	s7 =	simm.s32 @p2 $0x1082  }
0x22: {  	[simem:s7], [sflag:s8] =	dma.local @!p0 [hbm:s6], $0xF7A  }
0x23: {  	s9 =	sor.u32 $0xD0000000, s2;
	s6 =	simm.s32 $0x108;
	_ =	swait.ge @!p0 [sflag:s8], $0x0  }
0x24: {  	s3 =	sadd.s32 $0x88, s3;
	s6 =	simm.s32 @!p1 $0x1082;
	[sflag:s4] =	ssyncset.s32 $0xFFFFF086  }
0x25: {  	[simem:s6], [sflag:s4] =	dma.local [hbm:s3], $0xF7A  }
0x26: {  	[smem:$0x3F9B] =	sst s1;
	(tag) =	ssettag s2;
	_ =	strace s9  }
0x27: {  	s1 =	sld [smem:$0x3FAB]  }
0x28: {  	s2 =	sld [smem:$0x3FAC]  }
0x29: {  	s4 =	sld [smem:$0x3FAE]  }
0x2a: {  	p0 =	seq.s32 s5, $0x0;
	s5 =	sld [smem:$0x3FAF]  }
0x2b: {  	s6 =	sld [smem:$0x3FB0]  }
0x2c: {  	s7 =	sld [smem:$0x3FB1]  }
0x2d: {  	s3 =	simm.s32 $0x108;
	s8 =	sld [smem:$0x3FB2]  }
0x2e: {  	s3 =	simm.s32 @!p0 $0x1082;
	s9 =	sld [smem:$0x3FB3]  }
0x2f: {  	lr =	sadd.s32 s0, s3;
	s0 =	sld [smem:$0x3FAA]  }
0x30: {  	s3 =	sld [smem:$0x3FAD]  }
0x31: {  	[smem:$0x3FB6] =	sst s10  }
0x32: {  	s10 =	sld [smem:$0x3FB4];
	_ =	sdelay $0x3  }
0x33: {  	p0 =	seq.s32 s10, $0x1;
	s10 =	sld [smem:$0x3FB6];
	_ =	sdelay $0x3  }
0x34: {  	[smem:$0x3FB6] =	sst s10  }
0x35: {  	s10 =	sld [smem:$0x3FB5];
	_ =	sdelay $0x3  }
0x36: {  	p1 =	seq.s32 s10, $0x1;
	s10 =	sld [smem:$0x3FB6];
	_ =	sdelay $0x3  }
0x37: {  	[smem:$0x3FB6] =	sst s10  }
0x38: {  	s10 =	sld [smem:$0x3FB7]  }
0x39: {  	_ = 	snop;
	(pc) =	sbr.ind lr, $3  }
0x3a: {  	_ = 	snop  }
0x3b: {  	_ = 	snop  }
0x3c: {  	p2 =	seq.s32 s10, $0x1;
	s10 =	sld [smem:$0x3FB6]  }
0x3d: {  	_ =	shalt  }
0x3e: {  	_ =	shalt  }
0x3f: {  	_ =	shalt  }
0x40: {  	_ =	shalt  }
0x41: {  	_ =	shalt  }
0x42: {  	_ =	shalt  }
0x43: {  	_ =	shalt  }
0x44: {  	_ =	shalt  }
0x45: {  	_ =	shalt  }
0x46: {  	_ =	shalt  }
0x47: {  	_ =	shalt  }
0x48: {  	_ =	shalt  }
0x49: {  	_ =	shalt  }
0x4a: {  	_ =	shalt  }
0x4b: {  	_ =	shalt  }
0x4c: {  	_ =	shalt  }
0x4d: {  	_ =	shalt  }
0x4e: {  	_ =	shalt  }
0x4f: {  	_ =	shalt  }
0x50: {  	_ =	shalt  }
0x51: {  	_ =	shalt  }
0x52: {  	_ =	shalt  }
0x53: {  	_ =	shalt  }
0x54: {  	_ =	shalt  }
0x55: {  	_ =	shalt  }
0x56: {  	_ =	shalt  }
0x57: {  	_ =	shalt  }
0x58: {  	_ =	shalt  }
0x59: {  	_ =	shalt  }
0x5a: {  	_ =	shalt  }
0x5b: {  	_ =	shalt  }
0x5c: {  	_ =	shalt  }
0x5d: {  	_ =	shalt  }
0x5e: {  	_ =	shalt  }
0x5f: {  	_ =	shalt  }
0x60: {  	_ =	shalt  }
0x61: {  	_ =	shalt  }
0x62: {  	_ =	shalt  }
0x63: {  	_ =	shalt  }
0x64: {  	_ =	shalt  }
0x65: {  	_ =	shalt  }
0x66: {  	_ =	shalt  }
0x67: {  	_ =	shalt  }
0x68: {  	_ =	shalt  }
0x69: {  	_ =	shalt  }
0x6a: {  	_ =	shalt  }
0x6b: {  	_ =	shalt  }
0x6c: {  	_ =	shalt  }
0x6d: {  	_ =	shalt  }
0x6e: {  	_ =	shalt  }
0x6f: {  	_ =	shalt  }
0x70: {  	_ =	shalt  }
0x71: {  	_ =	shalt  }
0x72: {  	_ =	shalt  }
0x73: {  	_ =	shalt  }
0x74: {  	_ =	shalt  }
0x75: {  	_ =	shalt  }
0x76: {  	_ =	shalt  }
0x77: {  	_ =	shalt  }
0x78: {  	_ =	shalt  }
0x79: {  	_ =	shalt  }
0x7a: {  	_ =	shalt  }
0x7b: {  	_ =	shalt  }
0x7c: {  	_ =	shalt  }
0x7d: {  	_ =	shalt  }
0x7e: {  	_ =	shalt  }
0x7f: {  	_ =	shalt  }
0x80: {  	_ =	shalt  }
0x81: {  	_ =	shalt  }
0x82: {  	_ =	shalt  }
0x83: {  	_ =	shalt  }
0x84: {  	_ =	shalt  }
0x85: {  	_ =	shalt  }
0x86: {  	_ =	shalt  }
0x87: {  	_ =	shalt  }
.Lfunc_end0:
.L_simem_size_0:
called_computation_lowered:
.L_overlay_start_0:
0x88: {  	s2 =	sld [smem:$0x3FD9]  }
0x89: {  	s3 =	sld [smem:$0x3FFE];
	_ =	sdelay $0x1  }
0x8a: {  	s1 =	srdreg.scid  }
0x8b: {  	s0 =	sand.u32 $0x1, s1  }
0x8c: {  	s16 =	sshll.u32 s0, $0xA;
	s2 =	sadd.s32 s3, s2  }
0x8d: {  	s2 =	sadd.s32 s2, s16  }
0x8e: {  	[smem:$0x3FC2] =	sst s2  }
0x8f: {  	_ = 	snop  }
0x90: {  	(tm) =	ssettm $0x1  }
0x91: {  	s17 =	sld [smem:$0x3FFB];
	_ =	sdelay $0x3  }
0x92: {  	_ =	strace s17  }
0x93: {  	s2 =	sld [smem:$0x3FFC];
	_ =	sdelay $0x3  }
0x94: {  	_ =	strace s2  }
0x95: {  	s2 =	sld [smem:$0x3FFD];
	_ =	sdelay $0x3  }
0x96: {  	_ =	strace s2  }
0x97: {  	_ =	strace $0x8FFFFFFF  }
0x98: {  	s18 =	sld [smem:$0x3FDB];
	_ =	sdelay $0x1  }
0x99: {  	s19 =	simm.s32 $_scs_section_size  }
0x9a: {  	s4 =	simm.s32 $_size__tile_overlayer_lowered;
	s5 =	simm.s32 $_tile_overlayer_lowered  }
0x9b: {  	s22 =	simm.s32 $0x1BFF;
	s21 =	sshll.u32 s5, $0x1;
	s2 =	sadd.s32 s19, s18  }
0x9c: {  	s6 =	simm.s32 $0x0;
	s20 =	sshll.u32 s4, $0x1;
	s4 =	sadd.s32 s21, s2  }
0x9d: {  	[timem:s6], [sflag:s22] =	dma.local [hbm:s4], s20  }
0x9e: {  	_ =	swait.ge [sflag:s22], s20  }
0x9f: {  	s3 =	ssub.s32 $0x0, s20;
	[sflag:s22] =	ssyncset.done $0x0  }
0xa0: {  	[sflag:s22] =	ssyncadd.s32 s3;
	_ =	sdelay $0x1  }
0xa1: {  	s23 =	simm.s32 $0x1B8B  }
0xa2: {  	_ =	swait.ge [sflag:s23], $0x1  }
0xa3: {  	[sflag:s23] =	ssyncset.done $0x0  }
0xa4: {  	s25 =	simm.s32 $0x1B8E;
	s24 =	sld [smem:$0x3FFE];
	[sflag:s23] =	ssyncadd.s32 $0xFFFFFFFF  }
0xa5: {  	s26 =	simm.s32 $execute0_lowered;
	[smem:$0x3FD2] =	sst s25  }
0xa6: {  	s4 =	sshll.u32 s26, $0x1;
	_ =	strace $0x80000046;
	[dreg:$0x1] =	wrdreg $0xFFFFFFFF  }
0xa7: {  	s28 =	simm.s32 $_size_execute0_lowered;
	s2 =	sadd.s32 s2, s4;
	[dreg:$0x0] =	wrdreg $0x0  }
0xa8: {  	s4 =	sshll.u32 s28, $0x1;
	[dreg:$0x2] =	wrdreg s2  }
0xa9: {  	[dreg:$0x3] =	wrdreg s4  }
0xaa: {  	[dreg:$0x4] =	wrdreg $0xC0  }
0xab: {  	_ =	task [dreg:s6], $0x5FFFF  }
0xac: {  	[dreg:$0x1] =	wrdreg $0xFFFFFFFF  }
0xad: {  	[dreg:$0x0] =	wrdreg $0x60  }
0xae: {  	[dreg:$0x2] =	wrdreg s24  }
0xaf: {  	[dreg:$0x3] =	wrdreg $0x72000  }
0xb0: {  	[dreg:$0x4] =	wrdreg $0x9  }
0xb1: {  	_ =	task.clear_ibuf [dreg:s6], $0x5FFFF;
	_ =	strace $0x90000046  }
0xb2: {  	s29 =	simm.s32 $0x9;
	_ =	strace $0x80000048  }
0xb3: {  	_ =	swait.ge [sflag:s29], $0x1  }
0xb4: {  	[sflag:s29] =	ssyncadd.s32 $0xFFFFFFFF  }
0xb5: {  	_ =	strace $0x90000048  }
0xb6: {  	_ =	sfence  }
0xb7: {  	s30 =	sld [smem:$0x0];
	_ =	sdelay $0x2  }
0xb8: {  	s31 =	sshll.u32 s1, $0xD;
	s1 =	sshrl.u32 s1, $0x2  }
0xb9: {  	s3 =	sand.u32 $0x4000, s31;
	s1 =	sadd.s32 s1, s30  }
0xba: {  	s0 =	sor.u32 s3, s0;
	s1 =	sshll.u32 s1, $0x11  }
0xbb: {  	s0 =	sor.u32 s1, s0  }
0xbc: {  	s0 =	sadd.s32 $0x8F2B, s0  }
0xbd: {  	[sflag:s0] =	ssyncadd.remote.s32 $0x1  }
0xbe: {  	_ =	sfence.sel $0xFFFF  }
0xbf: {  	[dreg:$0x0] =	wrdreg $0xFFFFFFFF;
	(pc) =	sbr.abs _section_cstart, $3  }
0xc0: {  	[dreg:$0x1] =	wrdreg $0xFFFFFFFF  }
0xc1: {  	_ =	task.clear_ibuf [dreg:s6], $0x2FFFF;
	_ =	strace $0x9FFFFFFF  }
0xc2: {  	(tm) =	ssettm $0x7FFFFFFF  }
0xc3: {  	_ =	shalt  }
tec
execute0_lowered:
.L_overlay_start_1:
0x0: {  	(tag) =	ssettag $0x1  }
0x1: {  	s0 =	srdreg.scid;
	s4 =	rddreg [dreg:$0x0]  }
0x2: {  	s7 =	stileid.u32;
	s2 =	rddreg [dreg:$0x1];
	s3 =	simm.s32 $0x0  }
0x3: {  	s0 =	sand.u32 $0x1, s0;
	s1 =	sshll.u32 s7, $0x1;
	s6 =	smul.u32 $0xC380, s7  }
0x4: {  	[smem:$0x7FF] =	sst s3;
	s7 =	smul.u32 $0x30E00, s7;
	s1 =	sor.u32 s0, s1  }
0x5: {  	s5 =	smul.u32 $0xC3800, s0;
	_ =	strace $0x80000047;
	s0 =	ssub.s32 $0x2, s0  }
0x6: {  	s1 =	smul.u32 $0xC40, s1;
	s8 =	sshrl.u32 s0, $0x1;
	s7 =	sshrl.u32 s7, $0x2  }
0x7: {  	s10 =	sadd.s32 s6, s2;
	s5 =	sadd.s32 s6, s5;
	s0 =	ssub.s32 s0, s8  }
0x8: {  	s6 =	simm.s32 $0x1;
	s8 =	simm.s32 $0x6200;
	s5 =	sshrl.u32 s5, $0x3  }
0x9: {  	s1 =	sadd.s32 s1, s4;
	s0 =	smax.u32 s0, $0x1;
	s5 =	sadd.s32 s5, s4  }
0xa: {  	s4 =	sadd.s32 s7, s2;
	s1 =	sadd.s32 $0x4200, s1;
	[dreg:$0x6] =	wrdreg s0  }
0xb: {  	s7 =	sadd.s32 $0xC000, s4;
	[dreg:$0x4] =	wrdreg s1;
	s9 =	sadd.s32 $0x1CA00, s5  }
0xc: {  	s25 =	sadd.s32 $0x800, s4;
	s26 =	sadd.s32 $0x1000, s4;
	s11 =	sadd.s32 $0x1800, s4  }
0xd: {  	s12 =	sadd.s32 $0x2000, s4;
	s13 =	sadd.s32 $0x2800, s4;
	s14 =	sadd.s32 $0x3000, s4  }
0xe: {  	s15 =	sadd.s32 $0x3800, s4;
	s16 =	sadd.s32 $0x4000, s4;
	s17 =	sadd.s32 $0x4800, s4  }
0xf: {  	s18 =	sadd.s32 $0x5000, s4;
	s19 =	sadd.s32 $0x5800, s4;
	s20 =	sadd.s32 $0x6000, s4  }
0x10: {  	s21 =	sadd.s32 $0x6800, s4;
	s22 =	sadd.s32 $0x7000, s4;
	s23 =	sadd.s32 $0x7800, s4  }
0x11: {  	s24 =	sadd.s32 $0x8000, s4;
	s28 =	sadd.s32 $0x9000, s4;
	[dreg:$0x3] =	wrdreg s7  }
0x12: {  	s29 =	sadd.s32 $0x9800, s4;
	s30 =	sadd.s32 $0xA000, s4;
	[dreg:$0x5] =	wrdreg s9  }
0x13: {  	s31 =	sadd.s32 $0xA800, s4;
	s1 =	sadd.s32 $0xB000, s4;
	[dreg:$0x7] =	wrdreg s25  }
0x14: {  	s0 =	sadd.s32 $0xB800, s4;
	s5 =	simm.s32 $0x6A00;
	[dreg:$0x8] =	wrdreg s26  }
0x15: {  	v0 =	vimm.f32 $0.0e+00;
	v1 =	vimm.f32 $1.000000000e+00;
	s25 =	sshrl.u32 s10, $0x3;
	s26 =	sadd.s32 $0x8800, s4;
	s7 =	simm.s32 $0x80  }
.LBB2_1:
0x16: {  	s9 =	simm.s32 $0x40;
	s10 =	simm.s32 $0x0  }
.LBB2_2:
0x17: {  	p0 =	sne.s32 s9, $0x1FC0;
	[tilespmem:s10+$0x6A00] =	vst v0;
	s10 =	smov.u32 s9;
	s9 =	sadd.s32 $0x40, s9  }
.Ltmp0:
0x18: {  	(pc) =	sbr.rel @p0 .LBB2_2-.Ltmp0, $2  }
0x19: {  	_ =	sdelay $0x2  }
0x1a: {  	s10 =	sshra.s32 s10, $0x2  }
0x1b: {  	[tilespmem:s10+$0x6A00] =	vst v0  }
0x1c: {  	[spmem:s4] =	stream.linear.scatter [tilespmem:s5], [sflag:$0x1], $0x800, $0x38;
	[tilespmem:$0x13580] =	vst v63  }
0x1d: {  	_ =	swait.ge [sflag:s6], $0x800  }
0x1e: {  	[sflag:s6] =	ssyncset.done $0x0  }
0x1f: {  	s9 =	rddreg [dreg:$0x7];
	[sflag:s6] =	ssyncadd.s32 $0xFFFFF800  }
0x20: {  	[spmem:s9] =	stream.linear.scatter [tilespmem:s5], [sflag:$0x1], $0x800, $0x38;
	[tilespmem:$0x13580] =	vst v63  }
0x21: {  	_ =	swait.ge [sflag:s6], $0x800  }
0x22: {  	[sflag:s6] =	ssyncset.done $0x0  }
0x23: {  	s10 =	rddreg [dreg:$0x8];
	[sflag:s6] =	ssyncadd.s32 $0xFFFFF800  }
0x24: {  	[spmem:s10] =	stream.linear.scatter [tilespmem:s5], [sflag:$0x1], $0x800, $0x38;
	[tilespmem:$0x13580] =	vst v63  }
0x25: {  	_ =	swait.ge [sflag:s6], $0x800  }
0x26: {  	[sflag:s6] =	ssyncset.done $0x0  }
0x27: {  	[sflag:s6] =	ssyncadd.s32 $0xFFFFF800  }
0x28: {  	[spmem:s11] =	stream.linear.scatter [tilespmem:s5], [sflag:$0x1], $0x800, $0x38;
	[tilespmem:$0x13580] =	vst v63  }
0x29: {  	_ =	swait.ge [sflag:s6], $0x800  }
0x2a: {  	[sflag:s6] =	ssyncset.done $0x0  }
0x2b: {  	[sflag:s6] =	ssyncadd.s32 $0xFFFFF800  }
0x2c: {  	[spmem:s12] =	stream.linear.scatter [tilespmem:s5], [sflag:$0x1], $0x800, $0x38;
	[tilespmem:$0x13580] =	vst v63  }
0x2d: {  	_ =	swait.ge [sflag:s6], $0x800  }
0x2e: {  	[sflag:s6] =	ssyncset.done $0x0  }
0x2f: {  	[sflag:s6] =	ssyncadd.s32 $0xFFFFF800  }
0x30: {  	[spmem:s13] =	stream.linear.scatter [tilespmem:s5], [sflag:$0x1], $0x800, $0x38;
	[tilespmem:$0x13580] =	vst v63  }
0x31: {  	_ =	swait.ge [sflag:s6], $0x800  }
0x32: {  	[sflag:s6] =	ssyncset.done $0x0  }
0x33: {  	[sflag:s6] =	ssyncadd.s32 $0xFFFFF800  }
0x34: {  	[spmem:s14] =	stream.linear.scatter [tilespmem:s5], [sflag:$0x1], $0x800, $0x38;
	[tilespmem:$0x13580] =	vst v63  }
0x35: {  	_ =	swait.ge [sflag:s6], $0x800  }
0x36: {  	[sflag:s6] =	ssyncset.done $0x0  }
0x37: {  	[sflag:s6] =	ssyncadd.s32 $0xFFFFF800  }
0x38: {  	[spmem:s15] =	stream.linear.scatter [tilespmem:s5], [sflag:$0x1], $0x800, $0x38;
	[tilespmem:$0x13580] =	vst v63  }
0x39: {  	_ =	swait.ge [sflag:s6], $0x800  }
0x3a: {  	[sflag:s6] =	ssyncset.done $0x0  }
0x3b: {  	[sflag:s6] =	ssyncadd.s32 $0xFFFFF800  }
0x3c: {  	[spmem:s16] =	stream.linear.scatter [tilespmem:s5], [sflag:$0x1], $0x800, $0x38;
	[tilespmem:$0x13580] =	vst v63  }
0x3d: {  	_ =	swait.ge [sflag:s6], $0x800  }
0x3e: {  	[sflag:s6] =	ssyncset.done $0x0  }
0x3f: {  	[sflag:s6] =	ssyncadd.s32 $0xFFFFF800  }
0x40: {  	[spmem:s17] =	stream.linear.scatter [tilespmem:s5], [sflag:$0x1], $0x800, $0x38;
	[tilespmem:$0x13580] =	vst v63  }
0x41: {  	_ =	swait.ge [sflag:s6], $0x800  }
0x42: {  	[sflag:s6] =	ssyncset.done $0x0  }
0x43: {  	[sflag:s6] =	ssyncadd.s32 $0xFFFFF800  }
0x44: {  	[spmem:s18] =	stream.linear.scatter [tilespmem:s5], [sflag:$0x1], $0x800, $0x38;
	[tilespmem:$0x13580] =	vst v63  }
0x45: {  	_ =	swait.ge [sflag:s6], $0x800  }
0x46: {  	[sflag:s6] =	ssyncset.done $0x0  }
0x47: {  	[sflag:s6] =	ssyncadd.s32 $0xFFFFF800  }
0x48: {  	[spmem:s19] =	stream.linear.scatter [tilespmem:s5], [sflag:$0x1], $0x800, $0x38;
	[tilespmem:$0x13580] =	vst v63  }
0x49: {  	_ =	swait.ge [sflag:s6], $0x800  }
0x4a: {  	[sflag:s6] =	ssyncset.done $0x0  }
0x4b: {  	[sflag:s6] =	ssyncadd.s32 $0xFFFFF800  }
0x4c: {  	[spmem:s20] =	stream.linear.scatter [tilespmem:s5], [sflag:$0x1], $0x800, $0x38;
	[tilespmem:$0x13580] =	vst v63  }
0x4d: {  	_ =	swait.ge [sflag:s6], $0x800  }
0x4e: {  	[sflag:s6] =	ssyncset.done $0x0  }
0x4f: {  	[sflag:s6] =	ssyncadd.s32 $0xFFFFF800  }
0x50: {  	[spmem:s21] =	stream.linear.scatter [tilespmem:s5], [sflag:$0x1], $0x800, $0x38;
	[tilespmem:$0x13580] =	vst v63  }
0x51: {  	_ =	swait.ge [sflag:s6], $0x800  }
0x52: {  	[sflag:s6] =	ssyncset.done $0x0  }
0x53: {  	[sflag:s6] =	ssyncadd.s32 $0xFFFFF800  }
0x54: {  	[spmem:s22] =	stream.linear.scatter [tilespmem:s5], [sflag:$0x1], $0x800, $0x38;
	[tilespmem:$0x13580] =	vst v63  }
0x55: {  	_ =	swait.ge [sflag:s6], $0x800  }
0x56: {  	[sflag:s6] =	ssyncset.done $0x0  }
0x57: {  	[sflag:s6] =	ssyncadd.s32 $0xFFFFF800  }
0x58: {  	[spmem:s23] =	stream.linear.scatter [tilespmem:s5], [sflag:$0x1], $0x800, $0x38;
	[tilespmem:$0x13580] =	vst v63  }
0x59: {  	_ =	swait.ge [sflag:s6], $0x800  }
0x5a: {  	[sflag:s6] =	ssyncset.done $0x0  }
0x5b: {  	[sflag:s6] =	ssyncadd.s32 $0xFFFFF800  }
0x5c: {  	[spmem:s24] =	stream.linear.scatter [tilespmem:s5], [sflag:$0x1], $0x800, $0x38;
	[tilespmem:$0x13580] =	vst v63  }
0x5d: {  	_ =	swait.ge [sflag:s6], $0x800  }
0x5e: {  	[sflag:s6] =	ssyncset.done $0x0  }
0x5f: {  	[sflag:s6] =	ssyncadd.s32 $0xFFFFF800  }
0x60: {  	[spmem:s26] =	stream.linear.scatter [tilespmem:s5], [sflag:$0x1], $0x800, $0x38;
	[tilespmem:$0x13580] =	vst v63  }
0x61: {  	_ =	swait.ge [sflag:s6], $0x800  }
0x62: {  	[sflag:s6] =	ssyncset.done $0x0  }
0x63: {  	[sflag:s6] =	ssyncadd.s32 $0xFFFFF800  }
0x64: {  	[spmem:s28] =	stream.linear.scatter [tilespmem:s5], [sflag:$0x1], $0x800, $0x38;
	[tilespmem:$0x13580] =	vst v63  }
0x65: {  	_ =	swait.ge [sflag:s6], $0x800  }
0x66: {  	[sflag:s6] =	ssyncset.done $0x0  }
0x67: {  	[sflag:s6] =	ssyncadd.s32 $0xFFFFF800  }
0x68: {  	[spmem:s29] =	stream.linear.scatter [tilespmem:s5], [sflag:$0x1], $0x800, $0x38;
	[tilespmem:$0x13580] =	vst v63  }
0x69: {  	_ =	swait.ge [sflag:s6], $0x800  }
0x6a: {  	[sflag:s6] =	ssyncset.done $0x0  }
0x6b: {  	[sflag:s6] =	ssyncadd.s32 $0xFFFFF800  }
0x6c: {  	[spmem:s30] =	stream.linear.scatter [tilespmem:s5], [sflag:$0x1], $0x800, $0x38;
	[tilespmem:$0x13580] =	vst v63  }
0x6d: {  	_ =	swait.ge [sflag:s6], $0x800  }
0x6e: {  	[sflag:s6] =	ssyncset.done $0x0  }
0x6f: {  	[sflag:s6] =	ssyncadd.s32 $0xFFFFF800  }
0x70: {  	[spmem:s31] =	stream.linear.scatter [tilespmem:s5], [sflag:$0x1], $0x800, $0x38;
	[tilespmem:$0x13580] =	vst v63  }
0x71: {  	_ =	swait.ge [sflag:s6], $0x800  }
0x72: {  	[sflag:s6] =	ssyncset.done $0x0  }
0x73: {  	[sflag:s6] =	ssyncadd.s32 $0xFFFFF800  }
0x74: {  	[spmem:s1] =	stream.linear.scatter [tilespmem:s5], [sflag:$0x1], $0x800, $0x38;
	[tilespmem:$0x13580] =	vst v63  }
0x75: {  	_ =	swait.ge [sflag:s6], $0x800  }
0x76: {  	[sflag:s6] =	ssyncset.done $0x0  }
0x77: {  	[sflag:s6] =	ssyncadd.s32 $0xFFFFF800  }
0x78: {  	[spmem:s0] =	stream.linear.scatter [tilespmem:s5], [sflag:$0x1], $0x800, $0x38;
	[tilespmem:$0x13580] =	vst v63  }
0x79: {  	_ =	swait.ge [sflag:s6], $0x800  }
0x7a: {  	[sflag:s6] =	ssyncset.done $0x0  }
0x7b: {  	s10 =	rddreg [dreg:$0x3];
	[sflag:s6] =	ssyncadd.s32 $0xFFFFF800  }
0x7c: {  	[spmem:s10] =	stream.linear.scatter [tilespmem:s5], [sflag:$0x1], $0x380, $0x38;
	[tilespmem:$0x13580] =	vst v63  }
0x7d: {  	_ =	swait.ge [sflag:s6], $0x380  }
0x7e: {  	[sflag:s6] =	ssyncset.done $0x0  }
0x7f: {  	s9 =	simm.s32 $0x40;
	s10 =	simm.s32 $0x0;
	[sflag:s6] =	ssyncadd.s32 $0xFFFFFC80  }
.LBB2_4:
0x80: {  	p0 =	sne.s32 s9, $0x1FC0;
	[tilespmem:s10+$0x6200] =	vst v1;
	s10 =	smov.u32 s9;
	s9 =	sadd.s32 $0x40, s9  }
.Ltmp1:
0x81: {  	(pc) =	sbr.rel @p0 .LBB2_4-.Ltmp1, $2  }
0x82: {  	_ =	sdelay $0x2  }
0x83: {  	s10 =	sshra.s32 s10, $0x2  }
0x84: {  	[tilespmem:s10+$0x6200] =	vst v1;
	s9 =	simm.s32 $0x0;
	s10 =	rddreg [dreg:$0x4]  }
0x85: {  	[tilespmem:s9], [sflag:$0x1] =	stream.linear.gather [hbm4b:s10+s9], $0x6200, $0x38;
	[tilespmem:$0x13580] =	vst v63  }
0x86: {  	_ =	swait.ge [sflag:s6], $0x6200  }
0x87: {  	[sflag:s6] =	ssyncset.done $0x0  }
0x88: {  	[sflag:s6] =	ssyncadd.s32 $0xFFFF9E00  }
0x89: {  	s10 =	simm.s32 $0x0;
	[bflag:$0x0] =	sbarrier.arrive $0xFFFF  }
0x8a: {  	[spmem:s2] =	stream.indirect.scatter.add.f32 [tilespmem:s8], [sflag:$0x1], $0x10, s10, s7, $0xb8;
	[tilespmem:$0x13580] =	vst v63  }
0x8b: {  	_ =	swait.ge [sflag:s6], $0x800  }
0x8c: {  	s9 =	simm.s32 $0x200;
	[sflag:s6] =	ssyncset.done $0x0  }
.LBB2_6:
0x8d: {  	s10 =	sshra.s32 s9, $0x2;
	[sflag:s6] =	ssyncadd.s32 $0xFFFFF800;
	p0 =	sne.s32 s9, $0x18600  }
0x8e: {  	[spmem:s2] =	stream.indirect.scatter.add.f32 [tilespmem:s8], [sflag:$0x1], $0x10, s10, s7, $0xb8;
	[tilespmem:$0x13580] =	vst v63  }
.Ltmp2:
0x8f: {  	_ = 	snop;
	(pc) =	sbr.rel @p0 .LBB2_6-.Ltmp2, $4  }
0x90: {  	_ = 	snop  }
0x91: {  	s9 =	sadd.s32 $0x200, s9  }
0x92: {  	_ =	swait.ge [sflag:s6], $0x800  }
0x93: {  	[sflag:s6] =	ssyncset.done $0x0  }
0x94: {  	[sflag:s6] =	ssyncadd.s32 $0xFFFFF800;
	s9 =	stileid.u32  }
0x95: {  	s9 =	sshll.u32 s9, $0x6;
	[bflag:$0x0] =	sbarrier.arrive $0xFFFF  }
0x96: {  	s9 =	sor.u32 $0x1C01, s9;
	s10 =	rddreg [dreg:$0x5]  }
0x97: {  	[hbm:s10], [sflag:s9] =	dma.local [spmem:s25], $0x1870  }
0x98: {  	_ =	swait.ge [sflag:s6], $0x1870  }
0x99: {  	s3 =	sadd.s32 $0x1, s3;
	s10 =	rddreg [dreg:$0x6]  }
0x9a: {  	p0 =	sne.s32 s3, s10  }
.Ltmp3:
0x9b: {  	_ = 	snop;
	(pc) =	sbr.rel @p0 .LBB2_1-.Ltmp3, $3  }
0x9c: {  	_ =	sdelay $0x1  }
0x9d: {  	[sflag:s6] =	ssyncset.done $0x0  }
0x9e: {  	[sflag:s6] =	ssyncadd.s32 $0xFFFFE790  }
0x9f: {  	_ =	sfence.sel $0x180000  }
0xa0: {  	[bflag:$0x0] =	sbarrier.arrive $0xFFFF  }
0xa1: {  	_ =	strace $0x90000047  }
0xa2: {  	s0 =	stileid.u32;
	[bflag:$0x2] =	sbarrier.arrive $0xFFFF  }
0xa3: {  	p0 =	sne.s32 s0, $0x0;
	s0 =	rddreg [dreg:$0x2]  }
0xa4: {  	s0 =	sadd.s32 @!p0 $0x100000, s0  }
0xa5: {  	[sflag:s0] =	ssyncadd.tile.s32 @!p0 $0x1;
	_ =	shalt  }
.Lfunc_end2:
_tile_overlayer_lowered:
.L_overlay_start_2:
0xa6: {  	(tag) =	ssettag $0x2  }
0xa7: {  	s0 =	rddreg [dreg:$0x0];
	s2 =	stileid.u32  }
0xa8: {  	s1 =	rddreg [dreg:$0x1];
	p0 =	sne.s32 s2, $0x0  }
0xa9: {  	s3 =	rddreg [dreg:$0x2];
	[bflag:$0x3] =	sbarrier.arrive $0xFFFF;
	s2 =	simm.s32 @!p0 $0x1C01  }
0xaa: {  	[timem:s3], [sflag:s2] =	dma.local @!p0 [hbm:s0], s1  }
0xab: {  	s0 =	simm.s32 @!p0 $0x1  }
0xac: {  	_ =	swait.ge @!p0 [sflag:s0], s1  }
0xad: {  	s1 =	ssub.s32 @!p0 $0x0, s1;
	[sflag:s0] =	ssyncset.done @!p0 $0x0  }
0xae: {  	[sflag:s0] =	ssyncadd.s32 @!p0 s1  }
0xaf: {  	[bflag:$0x3] =	sbarrier.arrive $0xFFFF  }
0xb0: {  	_ =	shalt  }

// kernel: kernel.28.cloned.1.call-start
scs
__scs_entry_jumppad:
0x0: {  	(pc) =	sbr.rel $0x88, $3  }
0x1: {  	(tag) =	ssettag $0x0;
	lr =	simm.s32 $0x1  }
0x2: {  	[smem:$0x3F9B] =	sst lr;
	_ =	strace $0xD0000000  }
0x3: {  	_ = 	snop  }
0x4: {  	_ = 	snop  }
0x5: {  	_ = 	snop  }
0x6: {  	_ = 	snop  }
0x7: {  	_ = 	snop  }
__scs_overlays_trampoline_lowered:
0x8: {  	[smem:$0x3FAA] =	sst s0  }
0x9: {  	[smem:$0x3FAB] =	sst s1  }
0xa: {  	[smem:$0x3FAC] =	sst s2  }
0xb: {  	[smem:$0x3FAD] =	sst s3  }
0xc: {  	[smem:$0x3FAE] =	sst s4  }
0xd: {  	[smem:$0x3FAF] =	sst s5  }
0xe: {  	[smem:$0x3FB0] =	sst s6  }
0xf: {  	[smem:$0x3FB1] =	sst s7  }
0x10: {  	[smem:$0x3FB2] =	sst s8  }
0x11: {  	[smem:$0x3FB3] =	sst s9;
	s0 =	simm.s32 @!p0 $0x0  }
0x12: {  	s1 =	sld [smem:$0x3F99];
	s0 =	simm.s32 @p0 $0x1  }
0x13: {  	[smem:$0x3FB4] =	sst s0;
	s0 =	simm.s32 @!p1 $0x0  }
0x14: {  	s2 =	sld [smem:$0x3F98];
	s0 =	simm.s32 @p1 $0x1  }
0x15: {  	[smem:$0x3FB5] =	sst s0;
	s0 =	simm.s32 @!p2 $0x0  }
0x16: {  	s3 =	sld [smem:$0x3FDB];
	s0 =	simm.s32 @p2 $0x1  }
0x17: {  	s4 =	simm.s32 $0x1BF5;
	[smem:$0x3FB7] =	sst s0  }
0x18: {  	s0 =	sld [smem:$0x3F9A];
	_ =	swait.ge [sflag:s4], $0x0  }
0x19: {  	s7 =	sld [smem:$0x3F9B]  }
0x1a: {  	s8 =	sadd.s32 $0xFFFFE003, lr  }
0x1b: {  	s9 =	sadd.s32 $0xFFFFFEF7, lr;
	s5 =	simm.s32 $0xFFFFFFFF;
	p2 =	slt.u32 s8, $0xFFFFF086  }
0x1c: {  	p1 =	slt.u32 s9, $0xF7A;
	s5 =	simm.s32 @!p2 $0x0  }
0x1d: {  	s5 =	simm.s32 @p1 $0x1;
	p0 =	seq.s32 s7, s2  }
0x1e: {  	s7 =	smul.u32 @!p0 $0xF7A, s2;
	p2 =	seq.s32 @!p0 s5, $0x0  }
0x1f: {  	s9 =	smul.u32 $0xF7A, s1;
	s8 =	simm.s32 @!p0 $0x1BF5;
	p2 =	por !p2, p0  }
0x20: {  	[sflag:s8] =	ssyncset.s32 @!p0 $0xFFFFF086;
	s6 =	sadd.s32 @!p0 s3, s7;
	s7 =	simm.s32 @!p0 $0x108  }
0x21: {  	s3 =	sadd.s32 s3, s9;
	s6 =	sadd.s32 @!p0 $0x88, s6;
	s7 =	simm.s32 @p2 $0x1082  }
0x22: {  	[simem:s7], [sflag:s8] =	dma.local @!p0 [hbm:s6], $0xF7A  }
0x23: {  	s9 =	sor.u32 $0xD0000000, s2;
	s6 =	simm.s32 $0x108;
	_ =	swait.ge @!p0 [sflag:s8], $0x0  }
0x24: {  	s3 =	sadd.s32 $0x88, s3;
	s6 =	simm.s32 @!p1 $0x1082;
	[sflag:s4] =	ssyncset.s32 $0xFFFFF086  }
0x25: {  	[simem:s6], [sflag:s4] =	dma.local [hbm:s3], $0xF7A  }
0x26: {  	[smem:$0x3F9B] =	sst s1;
	(tag) =	ssettag s2;
	_ =	strace s9  }
0x27: {  	s1 =	sld [smem:$0x3FAB]  }
0x28: {  	s2 =	sld [smem:$0x3FAC]  }
0x29: {  	s4 =	sld [smem:$0x3FAE]  }
0x2a: {  	p0 =	seq.s32 s5, $0x0;
	s5 =	sld [smem:$0x3FAF]  }
0x2b: {  	s6 =	sld [smem:$0x3FB0]  }
0x2c: {  	s7 =	sld [smem:$0x3FB1]  }
0x2d: {  	s3 =	simm.s32 $0x108;
	s8 =	sld [smem:$0x3FB2]  }
0x2e: {  	s3 =	simm.s32 @!p0 $0x1082;
	s9 =	sld [smem:$0x3FB3]  }
0x2f: {  	lr =	sadd.s32 s0, s3;
	s0 =	sld [smem:$0x3FAA]  }
0x30: {  	s3 =	sld [smem:$0x3FAD]  }
0x31: {  	[smem:$0x3FB6] =	sst s10  }
0x32: {  	s10 =	sld [smem:$0x3FB4];
	_ =	sdelay $0x3  }
0x33: {  	p0 =	seq.s32 s10, $0x1;
	s10 =	sld [smem:$0x3FB6];
	_ =	sdelay $0x3  }
0x34: {  	[smem:$0x3FB6] =	sst s10  }
0x35: {  	s10 =	sld [smem:$0x3FB5];
	_ =	sdelay $0x3  }
0x36: {  	p1 =	seq.s32 s10, $0x1;
	s10 =	sld [smem:$0x3FB6];
	_ =	sdelay $0x3  }
0x37: {  	[smem:$0x3FB6] =	sst s10  }
0x38: {  	s10 =	sld [smem:$0x3FB7]  }
0x39: {  	_ = 	snop;
	(pc) =	sbr.ind lr, $3  }
0x3a: {  	_ = 	snop  }
0x3b: {  	_ = 	snop  }
0x3c: {  	p2 =	seq.s32 s10, $0x1;
	s10 =	sld [smem:$0x3FB6]  }
0x3d: {  	_ =	shalt  }
0x3e: {  	_ =	shalt  }
0x3f: {  	_ =	shalt  }
0x40: {  	_ =	shalt  }
0x41: {  	_ =	shalt  }
0x42: {  	_ =	shalt  }
0x43: {  	_ =	shalt  }
0x44: {  	_ =	shalt  }
0x45: {  	_ =	shalt  }
0x46: {  	_ =	shalt  }
0x47: {  	_ =	shalt  }
0x48: {  	_ =	shalt  }
0x49: {  	_ =	shalt  }
0x4a: {  	_ =	shalt  }
0x4b: {  	_ =	shalt  }
0x4c: {  	_ =	shalt  }
0x4d: {  	_ =	shalt  }
0x4e: {  	_ =	shalt  }
0x4f: {  	_ =	shalt  }
0x50: {  	_ =	shalt  }
0x51: {  	_ =	shalt  }
0x52: {  	_ =	shalt  }
0x53: {  	_ =	shalt  }
0x54: {  	_ =	shalt  }
0x55: {  	_ =	shalt  }
0x56: {  	_ =	shalt  }
0x57: {  	_ =	shalt  }
0x58: {  	_ =	shalt  }
0x59: {  	_ =	shalt  }
0x5a: {  	_ =	shalt  }
0x5b: {  	_ =	shalt  }
0x5c: {  	_ =	shalt  }
0x5d: {  	_ =	shalt  }
0x5e: {  	_ =	shalt  }
0x5f: {  	_ =	shalt  }
0x60: {  	_ =	shalt  }
0x61: {  	_ =	shalt  }
0x62: {  	_ =	shalt  }
0x63: {  	_ =	shalt  }
0x64: {  	_ =	shalt  }
0x65: {  	_ =	shalt  }
0x66: {  	_ =	shalt  }
0x67: {  	_ =	shalt  }
0x68: {  	_ =	shalt  }
0x69: {  	_ =	shalt  }
0x6a: {  	_ =	shalt  }
0x6b: {  	_ =	shalt  }
0x6c: {  	_ =	shalt  }
0x6d: {  	_ =	shalt  }
0x6e: {  	_ =	shalt  }
0x6f: {  	_ =	shalt  }
0x70: {  	_ =	shalt  }
0x71: {  	_ =	shalt  }
0x72: {  	_ =	shalt  }
0x73: {  	_ =	shalt  }
0x74: {  	_ =	shalt  }
0x75: {  	_ =	shalt  }
0x76: {  	_ =	shalt  }
0x77: {  	_ =	shalt  }
0x78: {  	_ =	shalt  }
0x79: {  	_ =	shalt  }
0x7a: {  	_ =	shalt  }
0x7b: {  	_ =	shalt  }
0x7c: {  	_ =	shalt  }
0x7d: {  	_ =	shalt  }
0x7e: {  	_ =	shalt  }
0x7f: {  	_ =	shalt  }
0x80: {  	_ =	shalt  }
0x81: {  	_ =	shalt  }
0x82: {  	_ =	shalt  }
0x83: {  	_ =	shalt  }
0x84: {  	_ =	shalt  }
0x85: {  	_ =	shalt  }
0x86: {  	_ =	shalt  }
0x87: {  	_ =	shalt  }
.Lfunc_end0:
.L_simem_size_0:
called_computation.1_lowered:
.L_overlay_start_0:
0x88: {  	s2 =	sld [smem:$0x3FD9]  }
0x89: {  	s3 =	sld [smem:$0x3FFE];
	_ =	sdelay $0x1  }
0x8a: {  	s1 =	srdreg.scid  }
0x8b: {  	s0 =	sand.u32 $0x1, s1  }
0x8c: {  	s17 =	sshll.u32 s0, $0xA;
	s2 =	sadd.s32 s3, s2  }
0x8d: {  	s2 =	sadd.s32 s2, s17  }
0x8e: {  	[smem:$0x3FC2] =	sst s2  }
0x8f: {  	_ = 	snop  }
0x90: {  	s2 =	sld [smem:$0x3FD0];
	(tm) =	ssettm $0x1  }
0x91: {  	s18 =	sld [smem:$0x3FFB];
	_ =	sdelay $0x3  }
0x92: {  	_ =	strace s18  }
0x93: {  	s3 =	sld [smem:$0x3FFC];
	_ =	sdelay $0x3  }
0x94: {  	_ =	strace s3  }
0x95: {  	s3 =	sld [smem:$0x3FFD];
	_ =	sdelay $0x3  }
0x96: {  	_ =	strace s3  }
0x97: {  	_ =	strace $0x8FFFFFFF  }
0x98: {  	s19 =	sld [smem:$0x3FDB];
	_ =	sdelay $0x1  }
0x99: {  	s4 =	simm.s32 $_scs_section_size  }
0x9a: {  	s5 =	simm.s32 $_size__tile_overlayer_lowered;
	s6 =	simm.s32 $_tile_overlayer_lowered  }
0x9b: {  	s22 =	simm.s32 $0x1BFF;
	s21 =	sshll.u32 s6, $0x1;
	s3 =	sadd.s32 s4, s19  }
0x9c: {  	s7 =	simm.s32 $0x0;
	s20 =	sshll.u32 s5, $0x1;
	s5 =	sadd.s32 s21, s3  }
0x9d: {  	[timem:s7], [sflag:s22] =	dma.local [hbm:s5], s20  }
0x9e: {  	_ =	swait.ge [sflag:s22], s20  }
0x9f: {  	s4 =	ssub.s32 $0x0, s20;
	[sflag:s22] =	ssyncset.done $0x0  }
0xa0: {  	[sflag:s22] =	ssyncadd.s32 s4;
	_ =	sdelay $0x1  }
0xa1: {  	s23 =	simm.s32 $0x1B8B  }
0xa2: {  	_ =	swait.ge [sflag:s23], $0x1  }
0xa3: {  	[sflag:s23] =	ssyncset.done $0x0  }
0xa4: {  	s25 =	simm.s32 $0x1B8E;
	s24 =	sld [smem:$0x3FFE];
	[sflag:s23] =	ssyncadd.s32 $0xFFFFFFFF  }
0xa5: {  	s26 =	simm.s32 $execute0_lowered;
	[smem:$0x3FD2] =	sst s25  }
0xa6: {  	s5 =	sshll.u32 s26, $0x1;
	_ =	strace $0x80000049;
	[dreg:$0x1] =	wrdreg $0xFFFFFFFF  }
0xa7: {  	s28 =	simm.s32 $_size_execute0_lowered;
	s3 =	sadd.s32 s3, s5;
	[dreg:$0x0] =	wrdreg $0x0  }
0xa8: {  	s5 =	sshll.u32 s28, $0x1;
	[dreg:$0x2] =	wrdreg s3  }
0xa9: {  	[dreg:$0x3] =	wrdreg s5  }
0xaa: {  	[dreg:$0x4] =	wrdreg $0xC0  }
0xab: {  	_ =	task [dreg:s7], $0x5FFFF  }
0xac: {  	[dreg:$0x1] =	wrdreg $0xFFFFFFFF  }
0xad: {  	[dreg:$0x0] =	wrdreg $0x60  }
0xae: {  	[dreg:$0x2] =	wrdreg s2  }
0xaf: {  	[dreg:$0x3] =	wrdreg s24  }
0xb0: {  	[dreg:$0x4] =	wrdreg $0xD4000  }
0xb1: {  	[dreg:$0x5] =	wrdreg $0x9  }
0xb2: {  	_ =	task.clear_ibuf [dreg:s7], $0x6FFFF;
	_ =	strace $0x90000049  }
0xb3: {  	s29 =	simm.s32 $0x9;
	_ =	strace $0x8000004B  }
0xb4: {  	_ =	swait.ge [sflag:s29], $0x1  }
0xb5: {  	[sflag:s29] =	ssyncadd.s32 $0xFFFFFFFF  }
0xb6: {  	_ =	strace $0x9000004B  }
0xb7: {  	_ =	sfence  }
0xb8: {  	s30 =	sld [smem:$0x0];
	_ =	sdelay $0x2  }
0xb9: {  	s31 =	sshll.u32 s1, $0xD;
	s1 =	sshrl.u32 s1, $0x2  }
0xba: {  	s3 =	sand.u32 $0x4000, s31;
	s1 =	sadd.s32 s1, s30  }
0xbb: {  	s0 =	sor.u32 s3, s0;
	s1 =	sshll.u32 s1, $0x11  }
0xbc: {  	s0 =	sor.u32 s1, s0  }
0xbd: {  	s0 =	sadd.s32 $0x8F2B, s0  }
0xbe: {  	[sflag:s0] =	ssyncadd.remote.s32 $0x1  }
0xbf: {  	_ =	sfence.sel $0xFFFF  }
0xc0: {  	[dreg:$0x0] =	wrdreg $0xFFFFFFFF;
	(pc) =	sbr.abs _section_cstart, $3  }
0xc1: {  	[dreg:$0x1] =	wrdreg $0xFFFFFFFF  }
0xc2: {  	_ =	task.clear_ibuf [dreg:s7], $0x2FFFF;
	_ =	strace $0x9FFFFFFF  }
0xc3: {  	(tm) =	ssettm $0x7FFFFFFF  }
tec
execute0_lowered:
.L_overlay_start_1:
0x0: {  	(tag) =	ssettag $0x1  }
0x1: {  	s0 =	srdreg.scid;
	s1 =	rddreg [dreg:$0x0]  }
0x2: {  	s8 =	stileid.u32;
	s5 =	rddreg [dreg:$0x1]  }
0x3: {  	s3 =	rddreg [dreg:$0x2];
	s4 =	simm.s32 $0x0;
	s10 =	simm.s32 $0x80  }
0x4: {  	s11 =	simm.s32 $0xC400;
	s12 =	simm.s32 $0x1;
	s7 =	smul.u32 $0xC380, s8  }
0x5: {  	s0 =	sand.u32 $0x1, s0;
	s2 =	sshll.u32 s8, $0x1;
	s8 =	smul.u32 $0x30E00, s8  }
0x6: {  	[smem:$0x7FF] =	sst s4;
	s2 =	sor.u32 s0, s2;
	s6 =	smul.u32 $0xC3800, s0  }
0x7: {  	_ =	strace $0x8000004A;
	s0 =	ssub.s32 $0x2, s0;
	s2 =	smul.u32 $0xC40, s2  }
0x8: {  	s9 =	sshrl.u32 s0, $0x1;
	s8 =	sshrl.u32 s8, $0x2;
	s16 =	sadd.s32 s7, s3  }
0x9: {  	s6 =	sadd.s32 s7, s6;
	s0 =	ssub.s32 s0, s9;
	s9 =	simm.s32 $0x2  }
0xa: {  	s2 =	sadd.s32 s2, s5;
	s6 =	sshrl.u32 s6, $0x3;
	s0 =	smax.u32 s0, $0x1  }
0xb: {  	s6 =	sadd.s32 s6, s5;
	s14 =	sadd.s32 $0x4D800, s2;
	[dreg:$0x8] =	wrdreg s0  }
0xc: {  	s5 =	sadd.s32 s8, s3;
	s2 =	sadd.s32 $0x4200, s2;
	[dreg:$0x5] =	wrdreg s14  }
0xd: {  	s8 =	sadd.s32 $0xC000, s5;
	[dreg:$0x6] =	wrdreg s2;
	s15 =	sadd.s32 $0x1CA00, s6  }
0xe: {  	s21 =	sadd.s32 $0x800, s5;
	s22 =	sadd.s32 $0x1000, s5;
	s23 =	sadd.s32 $0x1800, s5  }
0xf: {  	s24 =	sadd.s32 $0x2000, s5;
	s25 =	sadd.s32 $0x2800, s5;
	[dreg:$0x4] =	wrdreg s8  }
0x10: {  	s26 =	sadd.s32 $0x3000, s5;
	s17 =	sadd.s32 $0x3800, s5;
	[dreg:$0x7] =	wrdreg s15  }
0x11: {  	s18 =	sadd.s32 $0x4000, s5;
	s19 =	sadd.s32 $0x4800, s5;
	[dreg:$0x9] =	wrdreg s21  }
0x12: {  	s20 =	sadd.s32 $0x5000, s5;
	s28 =	sadd.s32 $0x8000, s5;
	[dreg:$0xa] =	wrdreg s22  }
0x13: {  	s29 =	sadd.s32 $0x8800, s5;
	s30 =	sadd.s32 $0x9000, s5;
	[dreg:$0xb] =	wrdreg s23  }
0x14: {  	s31 =	sadd.s32 $0x9800, s5;
	s2 =	sadd.s32 $0xA000, s5;
	[dreg:$0xc] =	wrdreg s24  }
0x15: {  	s0 =	sadd.s32 $0xA800, s5;
	s6 =	sadd.s32 $0xB000, s5;
	[dreg:$0xd] =	wrdreg s25  }
0x16: {  	s7 =	sadd.s32 $0xB800, s5;
	[dreg:$0xe] =	wrdreg s26;
	s21 =	sadd.s32 $0x5800, s5  }
0x17: {  	s22 =	sadd.s32 $0x6000, s5;
	s23 =	sadd.s32 $0x6800, s5;
	s24 =	sadd.s32 $0x7000, s5  }
0x18: {  	v0 =	vimm.f32 $0.0e+00;
	s25 =	sshrl.u32 s16, $0x3;
	s26 =	sadd.s32 $0x7800, s5;
	s8 =	simm.s32 $0xCC00  }
.LBB2_1:
0x19: {  	s13 =	simm.s32 $0x40;
	s14 =	simm.s32 $0x0  }
.LBB2_2:
0x1a: {  	p0 =	sne.s32 s13, $0x1FC0;
	[tilespmem:s14+$0xCC00] =	vst v0;
	s14 =	smov.u32 s13;
	s13 =	sadd.s32 $0x40, s13  }
.Ltmp0:
0x1b: {  	(pc) =	sbr.rel @p0 .LBB2_2-.Ltmp0, $2  }
0x1c: {  	_ =	sdelay $0x2  }
0x1d: {  	s14 =	sshra.s32 s14, $0x2  }
0x1e: {  	[tilespmem:s14+$0xCC00] =	vst v0  }
0x1f: {  	[spmem:s5] =	stream.linear.scatter [tilespmem:s8], [sflag:$0x2], $0x800, $0x38;
	[tilespmem:$0x19780] =	vst v63  }
0x20: {  	_ =	swait.ge [sflag:s9], $0x800  }
0x21: {  	[sflag:s9] =	ssyncset.done $0x0  }
0x22: {  	s13 =	rddreg [dreg:$0x9];
	[sflag:s9] =	ssyncadd.s32 $0xFFFFF800  }
0x23: {  	[spmem:s13] =	stream.linear.scatter [tilespmem:s8], [sflag:$0x2], $0x800, $0x38;
	[tilespmem:$0x19780] =	vst v63  }
0x24: {  	_ =	swait.ge [sflag:s9], $0x800  }
0x25: {  	[sflag:s9] =	ssyncset.done $0x0  }
0x26: {  	s15 =	rddreg [dreg:$0xa];
	[sflag:s9] =	ssyncadd.s32 $0xFFFFF800  }
0x27: {  	[spmem:s15] =	stream.linear.scatter [tilespmem:s8], [sflag:$0x2], $0x800, $0x38;
	[tilespmem:$0x19780] =	vst v63  }
0x28: {  	_ =	swait.ge [sflag:s9], $0x800  }
0x29: {  	[sflag:s9] =	ssyncset.done $0x0  }
0x2a: {  	s16 =	rddreg [dreg:$0xb];
	[sflag:s9] =	ssyncadd.s32 $0xFFFFF800  }
0x2b: {  	[spmem:s16] =	stream.linear.scatter [tilespmem:s8], [sflag:$0x2], $0x800, $0x38;
	[tilespmem:$0x19780] =	vst v63  }
0x2c: {  	_ =	swait.ge [sflag:s9], $0x800  }
0x2d: {  	[sflag:s9] =	ssyncset.done $0x0  }
0x2e: {  	s14 =	rddreg [dreg:$0xc];
	[sflag:s9] =	ssyncadd.s32 $0xFFFFF800  }
0x2f: {  	[spmem:s14] =	stream.linear.scatter [tilespmem:s8], [sflag:$0x2], $0x800, $0x38;
	[tilespmem:$0x19780] =	vst v63  }
0x30: {  	_ =	swait.ge [sflag:s9], $0x800  }
0x31: {  	[sflag:s9] =	ssyncset.done $0x0  }
0x32: {  	s15 =	rddreg [dreg:$0xd];
	[sflag:s9] =	ssyncadd.s32 $0xFFFFF800  }
0x33: {  	[spmem:s15] =	stream.linear.scatter [tilespmem:s8], [sflag:$0x2], $0x800, $0x38;
	[tilespmem:$0x19780] =	vst v63  }
0x34: {  	_ =	swait.ge [sflag:s9], $0x800  }
0x35: {  	[sflag:s9] =	ssyncset.done $0x0  }
0x36: {  	s16 =	rddreg [dreg:$0xe];
	[sflag:s9] =	ssyncadd.s32 $0xFFFFF800  }
0x37: {  	[spmem:s16] =	stream.linear.scatter [tilespmem:s8], [sflag:$0x2], $0x800, $0x38;
	[tilespmem:$0x19780] =	vst v63  }
0x38: {  	_ =	swait.ge [sflag:s9], $0x800  }
0x39: {  	[sflag:s9] =	ssyncset.done $0x0  }
0x3a: {  	[sflag:s9] =	ssyncadd.s32 $0xFFFFF800  }
0x3b: {  	[spmem:s17] =	stream.linear.scatter [tilespmem:s8], [sflag:$0x2], $0x800, $0x38;
	[tilespmem:$0x19780] =	vst v63  }
0x3c: {  	_ =	swait.ge [sflag:s9], $0x800  }
0x3d: {  	[sflag:s9] =	ssyncset.done $0x0  }
0x3e: {  	[sflag:s9] =	ssyncadd.s32 $0xFFFFF800  }
0x3f: {  	[spmem:s18] =	stream.linear.scatter [tilespmem:s8], [sflag:$0x2], $0x800, $0x38;
	[tilespmem:$0x19780] =	vst v63  }
0x40: {  	_ =	swait.ge [sflag:s9], $0x800  }
0x41: {  	[sflag:s9] =	ssyncset.done $0x0  }
0x42: {  	[sflag:s9] =	ssyncadd.s32 $0xFFFFF800  }
0x43: {  	[spmem:s19] =	stream.linear.scatter [tilespmem:s8], [sflag:$0x2], $0x800, $0x38;
	[tilespmem:$0x19780] =	vst v63  }
0x44: {  	_ =	swait.ge [sflag:s9], $0x800  }
0x45: {  	[sflag:s9] =	ssyncset.done $0x0  }
0x46: {  	[sflag:s9] =	ssyncadd.s32 $0xFFFFF800  }
0x47: {  	[spmem:s20] =	stream.linear.scatter [tilespmem:s8], [sflag:$0x2], $0x800, $0x38;
	[tilespmem:$0x19780] =	vst v63  }
0x48: {  	_ =	swait.ge [sflag:s9], $0x800  }
0x49: {  	[sflag:s9] =	ssyncset.done $0x0  }
0x4a: {  	[sflag:s9] =	ssyncadd.s32 $0xFFFFF800  }
0x4b: {  	[spmem:s21] =	stream.linear.scatter [tilespmem:s8], [sflag:$0x2], $0x800, $0x38;
	[tilespmem:$0x19780] =	vst v63  }
0x4c: {  	_ =	swait.ge [sflag:s9], $0x800  }
0x4d: {  	[sflag:s9] =	ssyncset.done $0x0  }
0x4e: {  	[sflag:s9] =	ssyncadd.s32 $0xFFFFF800  }
0x4f: {  	[spmem:s22] =	stream.linear.scatter [tilespmem:s8], [sflag:$0x2], $0x800, $0x38;
	[tilespmem:$0x19780] =	vst v63  }
0x50: {  	_ =	swait.ge [sflag:s9], $0x800  }
0x51: {  	[sflag:s9] =	ssyncset.done $0x0  }
0x52: {  	[sflag:s9] =	ssyncadd.s32 $0xFFFFF800  }
0x53: {  	[spmem:s23] =	stream.linear.scatter [tilespmem:s8], [sflag:$0x2], $0x800, $0x38;
	[tilespmem:$0x19780] =	vst v63  }
0x54: {  	_ =	swait.ge [sflag:s9], $0x800  }
0x55: {  	[sflag:s9] =	ssyncset.done $0x0  }
0x56: {  	[sflag:s9] =	ssyncadd.s32 $0xFFFFF800  }
0x57: {  	[spmem:s24] =	stream.linear.scatter [tilespmem:s8], [sflag:$0x2], $0x800, $0x38;
	[tilespmem:$0x19780] =	vst v63  }
0x58: {  	_ =	swait.ge [sflag:s9], $0x800  }
0x59: {  	[sflag:s9] =	ssyncset.done $0x0  }
0x5a: {  	[sflag:s9] =	ssyncadd.s32 $0xFFFFF800  }
0x5b: {  	[spmem:s26] =	stream.linear.scatter [tilespmem:s8], [sflag:$0x2], $0x800, $0x38;
	[tilespmem:$0x19780] =	vst v63  }
0x5c: {  	_ =	swait.ge [sflag:s9], $0x800  }
0x5d: {  	[sflag:s9] =	ssyncset.done $0x0  }
0x5e: {  	[sflag:s9] =	ssyncadd.s32 $0xFFFFF800  }
0x5f: {  	[spmem:s28] =	stream.linear.scatter [tilespmem:s8], [sflag:$0x2], $0x800, $0x38;
	[tilespmem:$0x19780] =	vst v63  }
0x60: {  	_ =	swait.ge [sflag:s9], $0x800  }
0x61: {  	[sflag:s9] =	ssyncset.done $0x0  }
0x62: {  	[sflag:s9] =	ssyncadd.s32 $0xFFFFF800  }
0x63: {  	[spmem:s29] =	stream.linear.scatter [tilespmem:s8], [sflag:$0x2], $0x800, $0x38;
	[tilespmem:$0x19780] =	vst v63  }
0x64: {  	_ =	swait.ge [sflag:s9], $0x800  }
0x65: {  	[sflag:s9] =	ssyncset.done $0x0  }
0x66: {  	[sflag:s9] =	ssyncadd.s32 $0xFFFFF800  }
0x67: {  	[spmem:s30] =	stream.linear.scatter [tilespmem:s8], [sflag:$0x2], $0x800, $0x38;
	[tilespmem:$0x19780] =	vst v63  }
0x68: {  	_ =	swait.ge [sflag:s9], $0x800  }
0x69: {  	[sflag:s9] =	ssyncset.done $0x0  }
0x6a: {  	[sflag:s9] =	ssyncadd.s32 $0xFFFFF800  }
0x6b: {  	[spmem:s31] =	stream.linear.scatter [tilespmem:s8], [sflag:$0x2], $0x800, $0x38;
	[tilespmem:$0x19780] =	vst v63  }
0x6c: {  	_ =	swait.ge [sflag:s9], $0x800  }
0x6d: {  	[sflag:s9] =	ssyncset.done $0x0  }
0x6e: {  	[sflag:s9] =	ssyncadd.s32 $0xFFFFF800  }
0x6f: {  	[spmem:s2] =	stream.linear.scatter [tilespmem:s8], [sflag:$0x2], $0x800, $0x38;
	[tilespmem:$0x19780] =	vst v63  }
0x70: {  	_ =	swait.ge [sflag:s9], $0x800  }
0x71: {  	[sflag:s9] =	ssyncset.done $0x0  }
0x72: {  	[sflag:s9] =	ssyncadd.s32 $0xFFFFF800  }
0x73: {  	[spmem:s0] =	stream.linear.scatter [tilespmem:s8], [sflag:$0x2], $0x800, $0x38;
	[tilespmem:$0x19780] =	vst v63  }
0x74: {  	_ =	swait.ge [sflag:s9], $0x800  }
0x75: {  	[sflag:s9] =	ssyncset.done $0x0  }
0x76: {  	[sflag:s9] =	ssyncadd.s32 $0xFFFFF800  }
0x77: {  	[spmem:s6] =	stream.linear.scatter [tilespmem:s8], [sflag:$0x2], $0x800, $0x38;
	[tilespmem:$0x19780] =	vst v63  }
0x78: {  	_ =	swait.ge [sflag:s9], $0x800  }
0x79: {  	[sflag:s9] =	ssyncset.done $0x0  }
0x7a: {  	[sflag:s9] =	ssyncadd.s32 $0xFFFFF800  }
0x7b: {  	[spmem:s7] =	stream.linear.scatter [tilespmem:s8], [sflag:$0x2], $0x800, $0x38;
	[tilespmem:$0x19780] =	vst v63  }
0x7c: {  	_ =	swait.ge [sflag:s9], $0x800  }
0x7d: {  	[sflag:s9] =	ssyncset.done $0x0  }
0x7e: {  	s14 =	rddreg [dreg:$0x4];
	[sflag:s9] =	ssyncadd.s32 $0xFFFFF800  }
0x7f: {  	[spmem:s14] =	stream.linear.scatter [tilespmem:s8], [sflag:$0x2], $0x380, $0x38;
	[tilespmem:$0x19780] =	vst v63  }
0x80: {  	_ =	swait.ge [sflag:s9], $0x380  }
0x81: {  	[sflag:s9] =	ssyncset.done $0x0  }
0x82: {  	s13 =	simm.s32 $0x0;
	s15 =	rddreg [dreg:$0x5];
	[sflag:s9] =	ssyncadd.s32 $0xFFFFFC80  }
0x83: {  	[tilespmem:s13], [sflag:$0x2] =	stream.linear.gather [hbm4b:s15+s13], $0x6200, $0x38;
	[tilespmem:$0x19780] =	vst v63  }
0x84: {  	_ =	swait.ge [sflag:s9], $0x6200  }
0x85: {  	[sflag:s9] =	ssyncset.done $0x0  }
0x86: {  	s15 =	simm.s32 $0x6200;
	s16 =	rddreg [dreg:$0x6];
	[sflag:s9] =	ssyncadd.s32 $0xFFFF9E00  }
0x87: {  	[tilespmem:s15], [sflag:$0x2] =	stream.linear.gather [hbm4b:s16+s13], $0x6200, $0x38;
	[tilespmem:$0x19780] =	vst v63  }
0x88: {  	_ =	swait.ge [sflag:s9], $0x6200  }
0x89: {  	[sflag:s9] =	ssyncset.done $0x0  }
0x8a: {  	[sflag:s9] =	ssyncadd.s32 $0xFFFF9E00  }
0x8b: {  	s15 =	simm.s32 $0x0;
	[bflag:$0x0] =	sbarrier.arrive $0xFFFF  }
0x8c: {  	[tilespmem:s11], [sflag:$0x1] =	stream.indirect.gather [hbm4b:s1+s10], $0x10, s15, s10, $0xb8;
	[tilespmem:$0x19780] =	vst v63  }
0x8d: {  	_ =	swait.ge [sflag:s12], $0x800  }
0x8e: {  	[sflag:s12] =	ssyncset.done $0x0  }
0x8f: {  	s16 =	simm.s32 $0x6200;
	[sflag:s12] =	ssyncadd.s32 $0xFFFFF800  }
0x90: {  	[spmem:s3] =	stream.indirect.scatter.add.f32 [tilespmem:s11], [sflag:$0x2], $0x10, s16, s10, $0xb8;
	[tilespmem:$0x19780] =	vst v63  }
0x91: {  	_ =	swait.ge [sflag:s9], $0x800  }
0x92: {  	s14 =	simm.s32 $0x400;
	s13 =	simm.s32 $0x200;
	[sflag:s9] =	ssyncset.done $0x0  }
.LBB2_4:
0x93: {  	s15 =	sshra.s32 s13, $0x2  }
0x94: {  	[sflag:s9] =	ssyncadd.s32 $0xFFFFF800;
	s13 =	smov.u32 s14;
	s16 =	sadd.s32 $0x200, s14  }
0x95: {  	[tilespmem:s11], [sflag:$0x1] =	stream.indirect.gather [hbm4b:s1+s10], $0x10, s15, s10, $0xb8;
	[tilespmem:$0x19780] =	vst v63  }
0x96: {  	p0 =	sne.s32 s14, $0x18600;
	_ =	swait.ge [sflag:s12], $0x800  }
.Ltmp1:
0x97: {  	[sflag:s12] =	ssyncset.done $0x0;
	(pc) =	sbr.rel @p0 .LBB2_4-.Ltmp1, $4  }
0x98: {  	s14 =	sadd.s32 $0x6200, s15;
	[sflag:s12] =	ssyncadd.s32 $0xFFFFF800  }
0x99: {  	[spmem:s3] =	stream.indirect.scatter.add.f32 [tilespmem:s11], [sflag:$0x2], $0x10, s14, s10, $0xb8;
	[tilespmem:$0x19780] =	vst v63  }
0x9a: {  	_ =	swait.ge [sflag:s9], $0x800  }
0x9b: {  	s14 =	smov.u32 s16;
	[sflag:s9] =	ssyncset.done $0x0  }
0x9c: {  	s13 =	sshra.s32 s13, $0x2;
	[sflag:s9] =	ssyncadd.s32 $0xFFFFF800  }
0x9d: {  	[tilespmem:s11], [sflag:$0x1] =	stream.indirect.gather [hbm4b:s1+s10], $0x10, s13, s10, $0xb8;
	[tilespmem:$0x19780] =	vst v63  }
0x9e: {  	_ =	swait.ge [sflag:s12], $0x800  }
0x9f: {  	[sflag:s12] =	ssyncset.done $0x0  }
0xa0: {  	s13 =	sadd.s32 $0x6200, s13;
	[sflag:s12] =	ssyncadd.s32 $0xFFFFF800  }
0xa1: {  	[spmem:s3] =	stream.indirect.scatter.add.f32 [tilespmem:s11], [sflag:$0x2], $0x10, s13, s10, $0xb8;
	[tilespmem:$0x19780] =	vst v63  }
0xa2: {  	_ =	swait.ge [sflag:s9], $0x800  }
0xa3: {  	[sflag:s9] =	ssyncset.done $0x0  }
0xa4: {  	s15 =	stileid.u32;
	[sflag:s9] =	ssyncadd.s32 $0xFFFFF800  }
0xa5: {  	s13 =	sshll.u32 s15, $0x6;
	[bflag:$0x0] =	sbarrier.arrive $0xFFFF  }
0xa6: {  	s13 =	sor.u32 $0x1C02, s13;
	s14 =	rddreg [dreg:$0x7]  }
0xa7: {  	[hbm:s14], [sflag:s13] =	dma.local [spmem:s25], $0x1870  }
0xa8: {  	_ =	swait.ge [sflag:s9], $0x1870  }
0xa9: {  	s4 =	sadd.s32 $0x1, s4;
	s16 =	rddreg [dreg:$0x8]  }
0xaa: {  	p0 =	sne.s32 s4, s16  }
.Ltmp2:
0xab: {  	_ = 	snop;
	(pc) =	sbr.rel @p0 .LBB2_1-.Ltmp2, $3  }
0xac: {  	_ =	sdelay $0x1  }
0xad: {  	[sflag:s9] =	ssyncset.done $0x0  }
0xae: {  	[sflag:s9] =	ssyncadd.s32 $0xFFFFE790  }
0xaf: {  	_ =	sfence.sel $0x180000  }
0xb0: {  	[bflag:$0x0] =	sbarrier.arrive $0xFFFF  }
0xb1: {  	_ =	strace $0x9000004A  }
0xb2: {  	s0 =	stileid.u32;
	[bflag:$0x2] =	sbarrier.arrive $0xFFFF  }
0xb3: {  	p0 =	sne.s32 s0, $0x0;
	s0 =	rddreg [dreg:$0x3]  }
0xb4: {  	s0 =	sadd.s32 @!p0 $0x100000, s0  }
0xb5: {  	[sflag:s0] =	ssyncadd.tile.s32 @!p0 $0x1;
	_ =	shalt  }
.Lfunc_end2:
_tile_overlayer_lowered:
.L_overlay_start_2:
0xb6: {  	(tag) =	ssettag $0x2  }
0xb7: {  	s0 =	rddreg [dreg:$0x0];
	s2 =	stileid.u32  }
0xb8: {  	s1 =	rddreg [dreg:$0x1];
	p0 =	sne.s32 s2, $0x0  }
0xb9: {  	s3 =	rddreg [dreg:$0x2];
	[bflag:$0x3] =	sbarrier.arrive $0xFFFF;
	s2 =	simm.s32 @!p0 $0x1C02  }
0xba: {  	[timem:s3], [sflag:s2] =	dma.local @!p0 [hbm:s0], s1  }
0xbb: {  	s0 =	simm.s32 @!p0 $0x2  }
0xbc: {  	_ =	swait.ge @!p0 [sflag:s0], s1  }
0xbd: {  	s1 =	ssub.s32 @!p0 $0x0, s1;
	[sflag:s0] =	ssyncset.done @!p0 $0x0  }
0xbe: {  	[sflag:s0] =	ssyncadd.s32 @!p0 s1  }
0xbf: {  	[bflag:$0x3] =	sbarrier.arrive $0xFFFF  }
0xc0: {  	_ =	shalt  }

// kernel: kernel.31.cloned.1.call-start
scs
__scs_entry_jumppad:
0x0: {  	(pc) =	sbr.rel $0x88, $3  }
0x1: {  	(tag) =	ssettag $0x0;
	lr =	simm.s32 $0x1  }
0x2: {  	[smem:$0x3F9B] =	sst lr;
	_ =	strace $0xD0000000  }
0x3: {  	_ = 	snop  }
0x4: {  	_ = 	snop  }
0x5: {  	_ = 	snop  }
0x6: {  	_ = 	snop  }
0x7: {  	_ = 	snop  }
__scs_overlays_trampoline_lowered:
0x8: {  	[smem:$0x3FAA] =	sst s0  }
0x9: {  	[smem:$0x3FAB] =	sst s1  }
0xa: {  	[smem:$0x3FAC] =	sst s2  }
0xb: {  	[smem:$0x3FAD] =	sst s3  }
0xc: {  	[smem:$0x3FAE] =	sst s4  }
0xd: {  	[smem:$0x3FAF] =	sst s5  }
0xe: {  	[smem:$0x3FB0] =	sst s6  }
0xf: {  	[smem:$0x3FB1] =	sst s7  }
0x10: {  	[smem:$0x3FB2] =	sst s8  }
0x11: {  	[smem:$0x3FB3] =	sst s9;
	s0 =	simm.s32 @!p0 $0x0  }
0x12: {  	s1 =	sld [smem:$0x3F99];
	s0 =	simm.s32 @p0 $0x1  }
0x13: {  	[smem:$0x3FB4] =	sst s0;
	s0 =	simm.s32 @!p1 $0x0  }
0x14: {  	s2 =	sld [smem:$0x3F98];
	s0 =	simm.s32 @p1 $0x1  }
0x15: {  	[smem:$0x3FB5] =	sst s0;
	s0 =	simm.s32 @!p2 $0x0  }
0x16: {  	s3 =	sld [smem:$0x3FDB];
	s0 =	simm.s32 @p2 $0x1  }
0x17: {  	s4 =	simm.s32 $0x1BF5;
	[smem:$0x3FB7] =	sst s0  }
0x18: {  	s0 =	sld [smem:$0x3F9A];
	_ =	swait.ge [sflag:s4], $0x0  }
0x19: {  	s7 =	sld [smem:$0x3F9B]  }
0x1a: {  	s8 =	sadd.s32 $0xFFFFE003, lr  }
0x1b: {  	s9 =	sadd.s32 $0xFFFFFEF7, lr;
	s5 =	simm.s32 $0xFFFFFFFF;
	p2 =	slt.u32 s8, $0xFFFFF086  }
0x1c: {  	p1 =	slt.u32 s9, $0xF7A;
	s5 =	simm.s32 @!p2 $0x0  }
0x1d: {  	s5 =	simm.s32 @p1 $0x1;
	p0 =	seq.s32 s7, s2  }
0x1e: {  	s7 =	smul.u32 @!p0 $0xF7A, s2;
	p2 =	seq.s32 @!p0 s5, $0x0  }
0x1f: {  	s9 =	smul.u32 $0xF7A, s1;
	s8 =	simm.s32 @!p0 $0x1BF5;
	p2 =	por !p2, p0  }
0x20: {  	[sflag:s8] =	ssyncset.s32 @!p0 $0xFFFFF086;
	s6 =	sadd.s32 @!p0 s3, s7;
	s7 =	simm.s32 @!p0 $0x108  }
0x21: {  	s3 =	sadd.s32 s3, s9;
	s6 =	sadd.s32 @!p0 $0x88, s6;
	s7 =	simm.s32 @p2 $0x1082  }
0x22: {  	[simem:s7], [sflag:s8] =	dma.local @!p0 [hbm:s6], $0xF7A  }
0x23: {  	s9 =	sor.u32 $0xD0000000, s2;
	s6 =	simm.s32 $0x108;
	_ =	swait.ge @!p0 [sflag:s8], $0x0  }
0x24: {  	s3 =	sadd.s32 $0x88, s3;
	s6 =	simm.s32 @!p1 $0x1082;
	[sflag:s4] =	ssyncset.s32 $0xFFFFF086  }
0x25: {  	[simem:s6], [sflag:s4] =	dma.local [hbm:s3], $0xF7A  }
0x26: {  	[smem:$0x3F9B] =	sst s1;
	(tag) =	ssettag s2;
	_ =	strace s9  }
0x27: {  	s1 =	sld [smem:$0x3FAB]  }
0x28: {  	s2 =	sld [smem:$0x3FAC]  }
0x29: {  	s4 =	sld [smem:$0x3FAE]  }
0x2a: {  	p0 =	seq.s32 s5, $0x0;
	s5 =	sld [smem:$0x3FAF]  }
0x2b: {  	s6 =	sld [smem:$0x3FB0]  }
0x2c: {  	s7 =	sld [smem:$0x3FB1]  }
0x2d: {  	s3 =	simm.s32 $0x108;
	s8 =	sld [smem:$0x3FB2]  }
0x2e: {  	s3 =	simm.s32 @!p0 $0x1082;
	s9 =	sld [smem:$0x3FB3]  }
0x2f: {  	lr =	sadd.s32 s0, s3;
	s0 =	sld [smem:$0x3FAA]  }
0x30: {  	s3 =	sld [smem:$0x3FAD]  }
0x31: {  	[smem:$0x3FB6] =	sst s10  }
0x32: {  	s10 =	sld [smem:$0x3FB4];
	_ =	sdelay $0x3  }
0x33: {  	p0 =	seq.s32 s10, $0x1;
	s10 =	sld [smem:$0x3FB6];
	_ =	sdelay $0x3  }
0x34: {  	[smem:$0x3FB6] =	sst s10  }
0x35: {  	s10 =	sld [smem:$0x3FB5];
	_ =	sdelay $0x3  }
0x36: {  	p1 =	seq.s32 s10, $0x1;
	s10 =	sld [smem:$0x3FB6];
	_ =	sdelay $0x3  }
0x37: {  	[smem:$0x3FB6] =	sst s10  }
0x38: {  	s10 =	sld [smem:$0x3FB7]  }
0x39: {  	_ = 	snop;
	(pc) =	sbr.ind lr, $3  }
0x3a: {  	_ = 	snop  }
0x3b: {  	_ = 	snop  }
0x3c: {  	p2 =	seq.s32 s10, $0x1;
	s10 =	sld [smem:$0x3FB6]  }
0x3d: {  	_ =	shalt  }
0x3e: {  	_ =	shalt  }
0x3f: {  	_ =	shalt  }
0x40: {  	_ =	shalt  }
0x41: {  	_ =	shalt  }
0x42: {  	_ =	shalt  }
0x43: {  	_ =	shalt  }
0x44: {  	_ =	shalt  }
0x45: {  	_ =	shalt  }
0x46: {  	_ =	shalt  }
0x47: {  	_ =	shalt  }
0x48: {  	_ =	shalt  }
0x49: {  	_ =	shalt  }
0x4a: {  	_ =	shalt  }
0x4b: {  	_ =	shalt  }
0x4c: {  	_ =	shalt  }
0x4d: {  	_ =	shalt  }
0x4e: {  	_ =	shalt  }
0x4f: {  	_ =	shalt  }
0x50: {  	_ =	shalt  }
0x51: {  	_ =	shalt  }
0x52: {  	_ =	shalt  }
0x53: {  	_ =	shalt  }
0x54: {  	_ =	shalt  }
0x55: {  	_ =	shalt  }
0x56: {  	_ =	shalt  }
0x57: {  	_ =	shalt  }
0x58: {  	_ =	shalt  }
0x59: {  	_ =	shalt  }
0x5a: {  	_ =	shalt  }
0x5b: {  	_ =	shalt  }
0x5c: {  	_ =	shalt  }
0x5d: {  	_ =	shalt  }
0x5e: {  	_ =	shalt  }
0x5f: {  	_ =	shalt  }
0x60: {  	_ =	shalt  }
0x61: {  	_ =	shalt  }
0x62: {  	_ =	shalt  }
0x63: {  	_ =	shalt  }
0x64: {  	_ =	shalt  }
0x65: {  	_ =	shalt  }
0x66: {  	_ =	shalt  }
0x67: {  	_ =	shalt  }
0x68: {  	_ =	shalt  }
0x69: {  	_ =	shalt  }
0x6a: {  	_ =	shalt  }
0x6b: {  	_ =	shalt  }
0x6c: {  	_ =	shalt  }
0x6d: {  	_ =	shalt  }
0x6e: {  	_ =	shalt  }
0x6f: {  	_ =	shalt  }
0x70: {  	_ =	shalt  }
0x71: {  	_ =	shalt  }
0x72: {  	_ =	shalt  }
0x73: {  	_ =	shalt  }
0x74: {  	_ =	shalt  }
0x75: {  	_ =	shalt  }
0x76: {  	_ =	shalt  }
0x77: {  	_ =	shalt  }
0x78: {  	_ =	shalt  }
0x79: {  	_ =	shalt  }
0x7a: {  	_ =	shalt  }
0x7b: {  	_ =	shalt  }
0x7c: {  	_ =	shalt  }
0x7d: {  	_ =	shalt  }
0x7e: {  	_ =	shalt  }
0x7f: {  	_ =	shalt  }
0x80: {  	_ =	shalt  }
0x81: {  	_ =	shalt  }
0x82: {  	_ =	shalt  }
0x83: {  	_ =	shalt  }
0x84: {  	_ =	shalt  }
0x85: {  	_ =	shalt  }
0x86: {  	_ =	shalt  }
0x87: {  	_ =	shalt  }
.Lfunc_end0:
.L_simem_size_0:
called_computation.2_lowered:
.L_overlay_start_0:
0x88: {  	s2 =	sld [smem:$0x3FD9]  }
0x89: {  	s3 =	sld [smem:$0x3FFE];
	_ =	sdelay $0x1  }
0x8a: {  	s1 =	srdreg.scid  }
0x8b: {  	s0 =	sand.u32 $0x1, s1  }
0x8c: {  	s17 =	sshll.u32 s0, $0xA;
	s2 =	sadd.s32 s3, s2  }
0x8d: {  	s2 =	sadd.s32 s2, s17  }
0x8e: {  	[smem:$0x3FC2] =	sst s2  }
0x8f: {  	_ = 	snop  }
0x90: {  	s2 =	sld [smem:$0x3FD0];
	(tm) =	ssettm $0x1  }
0x91: {  	s18 =	sld [smem:$0x3FFB];
	_ =	sdelay $0x3  }
0x92: {  	_ =	strace s18  }
0x93: {  	s3 =	sld [smem:$0x3FFC];
	_ =	sdelay $0x3  }
0x94: {  	_ =	strace s3  }
0x95: {  	s3 =	sld [smem:$0x3FFD];
	_ =	sdelay $0x3  }
0x96: {  	_ =	strace s3  }
0x97: {  	_ =	strace $0x8FFFFFFF  }
0x98: {  	s19 =	sld [smem:$0x3FDB];
	_ =	sdelay $0x1  }
0x99: {  	s4 =	simm.s32 $_scs_section_size  }
0x9a: {  	s5 =	simm.s32 $_size__tile_overlayer_lowered;
	s6 =	simm.s32 $_tile_overlayer_lowered  }
0x9b: {  	s22 =	simm.s32 $0x1BFF;
	s21 =	sshll.u32 s6, $0x1;
	s3 =	sadd.s32 s4, s19  }
0x9c: {  	s7 =	simm.s32 $0x0;
	s20 =	sshll.u32 s5, $0x1;
	s5 =	sadd.s32 s21, s3  }
0x9d: {  	[timem:s7], [sflag:s22] =	dma.local [hbm:s5], s20  }
0x9e: {  	_ =	swait.ge [sflag:s22], s20  }
0x9f: {  	s4 =	ssub.s32 $0x0, s20;
	[sflag:s22] =	ssyncset.done $0x0  }
0xa0: {  	[sflag:s22] =	ssyncadd.s32 s4;
	_ =	sdelay $0x1  }
0xa1: {  	s23 =	simm.s32 $0x1B8B  }
0xa2: {  	_ =	swait.ge [sflag:s23], $0x1  }
0xa3: {  	[sflag:s23] =	ssyncset.done $0x0  }
0xa4: {  	s25 =	simm.s32 $0x1B8E;
	s24 =	sld [smem:$0x3FFE];
	[sflag:s23] =	ssyncadd.s32 $0xFFFFFFFF  }
0xa5: {  	s26 =	simm.s32 $execute0_lowered;
	[smem:$0x3FD2] =	sst s25  }
0xa6: {  	s5 =	sshll.u32 s26, $0x1;
	_ =	strace $0x8000004C;
	[dreg:$0x1] =	wrdreg $0xFFFFFFFF  }
0xa7: {  	s28 =	simm.s32 $_size_execute0_lowered;
	s3 =	sadd.s32 s3, s5;
	[dreg:$0x0] =	wrdreg $0x0  }
0xa8: {  	s5 =	sshll.u32 s28, $0x1;
	[dreg:$0x2] =	wrdreg s3  }
0xa9: {  	[dreg:$0x3] =	wrdreg s5  }
0xaa: {  	[dreg:$0x4] =	wrdreg $0xC0  }
0xab: {  	_ =	task [dreg:s7], $0x5FFFF  }
0xac: {  	[dreg:$0x1] =	wrdreg $0xFFFFFFFF  }
0xad: {  	[dreg:$0x0] =	wrdreg $0x60  }
0xae: {  	[dreg:$0x2] =	wrdreg s2  }
0xaf: {  	[dreg:$0x3] =	wrdreg s24  }
0xb0: {  	[dreg:$0x4] =	wrdreg $0xD4000  }
0xb1: {  	[dreg:$0x5] =	wrdreg $0x9  }
0xb2: {  	_ =	task.clear_ibuf [dreg:s7], $0x6FFFF;
	_ =	strace $0x9000004C  }
0xb3: {  	s29 =	simm.s32 $0x9;
	_ =	strace $0x8000004E  }
0xb4: {  	_ =	swait.ge [sflag:s29], $0x1  }
0xb5: {  	[sflag:s29] =	ssyncadd.s32 $0xFFFFFFFF  }
0xb6: {  	_ =	strace $0x9000004E  }
0xb7: {  	_ =	sfence  }
0xb8: {  	s30 =	sld [smem:$0x0];
	_ =	sdelay $0x2  }
0xb9: {  	s31 =	sshll.u32 s1, $0xD;
	s1 =	sshrl.u32 s1, $0x2  }
0xba: {  	s3 =	sand.u32 $0x4000, s31;
	s1 =	sadd.s32 s1, s30  }
0xbb: {  	s0 =	sor.u32 s3, s0;
	s1 =	sshll.u32 s1, $0x11  }
0xbc: {  	s0 =	sor.u32 s1, s0  }
0xbd: {  	s0 =	sadd.s32 $0x8F2B, s0  }
0xbe: {  	[sflag:s0] =	ssyncadd.remote.s32 $0x1  }
0xbf: {  	_ =	sfence.sel $0xFFFF  }
0xc0: {  	[dreg:$0x0] =	wrdreg $0xFFFFFFFF;
	(pc) =	sbr.abs _section_cstart, $3  }
0xc1: {  	[dreg:$0x1] =	wrdreg $0xFFFFFFFF  }
0xc2: {  	_ =	task.clear_ibuf [dreg:s7], $0x2FFFF;
	_ =	strace $0x9FFFFFFF  }
0xc3: {  	(tm) =	ssettm $0x7FFFFFFF  }
tec
execute0_lowered:
.L_overlay_start_1:
0x0: {  	(tag) =	ssettag $0x1  }
0x1: {  	s0 =	srdreg.scid;
	s1 =	rddreg [dreg:$0x0]  }
0x2: {  	s8 =	stileid.u32;
	s5 =	rddreg [dreg:$0x1]  }
0x3: {  	s3 =	rddreg [dreg:$0x2];
	s4 =	simm.s32 $0x0;
	s10 =	simm.s32 $0x80  }
0x4: {  	s11 =	simm.s32 $0xC400;
	s12 =	simm.s32 $0x1;
	s7 =	smul.u32 $0xC380, s8  }
0x5: {  	s0 =	sand.u32 $0x1, s0;
	s2 =	sshll.u32 s8, $0x1;
	s8 =	smul.u32 $0x30E00, s8  }
0x6: {  	[smem:$0x7FF] =	sst s4;
	s2 =	sor.u32 s0, s2;
	s6 =	smul.u32 $0xC3800, s0  }
0x7: {  	_ =	strace $0x8000004D;
	s0 =	ssub.s32 $0x2, s0;
	s2 =	smul.u32 $0xC40, s2  }
0x8: {  	s9 =	sshrl.u32 s0, $0x1;
	s8 =	sshrl.u32 s8, $0x2;
	s16 =	sadd.s32 s7, s3  }
0x9: {  	s6 =	sadd.s32 s7, s6;
	s0 =	ssub.s32 s0, s9;
	s9 =	simm.s32 $0x2  }
0xa: {  	s2 =	sadd.s32 s2, s5;
	s6 =	sshrl.u32 s6, $0x3;
	s0 =	smax.u32 s0, $0x1  }
0xb: {  	s6 =	sadd.s32 s6, s5;
	s14 =	sadd.s32 $0x4D800, s2;
	[dreg:$0x8] =	wrdreg s0  }
0xc: {  	s5 =	sadd.s32 s8, s3;
	s2 =	sadd.s32 $0x4200, s2;
	[dreg:$0x5] =	wrdreg s14  }
0xd: {  	s8 =	sadd.s32 $0xC000, s5;
	[dreg:$0x6] =	wrdreg s2;
	s15 =	sadd.s32 $0x1CA00, s6  }
0xe: {  	s21 =	sadd.s32 $0x800, s5;
	s22 =	sadd.s32 $0x1000, s5;
	s23 =	sadd.s32 $0x1800, s5  }
0xf: {  	s24 =	sadd.s32 $0x2000, s5;
	s25 =	sadd.s32 $0x2800, s5;
	[dreg:$0x4] =	wrdreg s8  }
0x10: {  	s26 =	sadd.s32 $0x3000, s5;
	s17 =	sadd.s32 $0x3800, s5;
	[dreg:$0x7] =	wrdreg s15  }
0x11: {  	s18 =	sadd.s32 $0x4000, s5;
	s19 =	sadd.s32 $0x4800, s5;
	[dreg:$0x9] =	wrdreg s21  }
0x12: {  	s20 =	sadd.s32 $0x5000, s5;
	s28 =	sadd.s32 $0x8000, s5;
	[dreg:$0xa] =	wrdreg s22  }
0x13: {  	s29 =	sadd.s32 $0x8800, s5;
	s30 =	sadd.s32 $0x9000, s5;
	[dreg:$0xb] =	wrdreg s23  }
0x14: {  	s31 =	sadd.s32 $0x9800, s5;
	s2 =	sadd.s32 $0xA000, s5;
	[dreg:$0xc] =	wrdreg s24  }
0x15: {  	s0 =	sadd.s32 $0xA800, s5;
	s6 =	sadd.s32 $0xB000, s5;
	[dreg:$0xd] =	wrdreg s25  }
0x16: {  	s7 =	sadd.s32 $0xB800, s5;
	[dreg:$0xe] =	wrdreg s26;
	s21 =	sadd.s32 $0x5800, s5  }
0x17: {  	s22 =	sadd.s32 $0x6000, s5;
	s23 =	sadd.s32 $0x6800, s5;
	s24 =	sadd.s32 $0x7000, s5  }
0x18: {  	v0 =	vimm.f32 $0.0e+00;
	s25 =	sshrl.u32 s16, $0x3;
	s26 =	sadd.s32 $0x7800, s5;
	s8 =	simm.s32 $0xCC00  }
.LBB2_1:
0x19: {  	s13 =	simm.s32 $0x40;
	s14 =	simm.s32 $0x0  }
.LBB2_2:
0x1a: {  	p0 =	sne.s32 s13, $0x1FC0;
	[tilespmem:s14+$0xCC00] =	vst v0;
	s14 =	smov.u32 s13;
	s13 =	sadd.s32 $0x40, s13  }
.Ltmp0:
0x1b: {  	(pc) =	sbr.rel @p0 .LBB2_2-.Ltmp0, $2  }
0x1c: {  	_ =	sdelay $0x2  }
0x1d: {  	s14 =	sshra.s32 s14, $0x2  }
0x1e: {  	[tilespmem:s14+$0xCC00] =	vst v0  }
0x1f: {  	[spmem:s5] =	stream.linear.scatter [tilespmem:s8], [sflag:$0x2], $0x800, $0x38;
	[tilespmem:$0x19780] =	vst v63  }
0x20: {  	_ =	swait.ge [sflag:s9], $0x800  }
0x21: {  	[sflag:s9] =	ssyncset.done $0x0  }
0x22: {  	s13 =	rddreg [dreg:$0x9];
	[sflag:s9] =	ssyncadd.s32 $0xFFFFF800  }
0x23: {  	[spmem:s13] =	stream.linear.scatter [tilespmem:s8], [sflag:$0x2], $0x800, $0x38;
	[tilespmem:$0x19780] =	vst v63  }
0x24: {  	_ =	swait.ge [sflag:s9], $0x800  }
0x25: {  	[sflag:s9] =	ssyncset.done $0x0  }
0x26: {  	s15 =	rddreg [dreg:$0xa];
	[sflag:s9] =	ssyncadd.s32 $0xFFFFF800  }
0x27: {  	[spmem:s15] =	stream.linear.scatter [tilespmem:s8], [sflag:$0x2], $0x800, $0x38;
	[tilespmem:$0x19780] =	vst v63  }
0x28: {  	_ =	swait.ge [sflag:s9], $0x800  }
0x29: {  	[sflag:s9] =	ssyncset.done $0x0  }
0x2a: {  	s16 =	rddreg [dreg:$0xb];
	[sflag:s9] =	ssyncadd.s32 $0xFFFFF800  }
0x2b: {  	[spmem:s16] =	stream.linear.scatter [tilespmem:s8], [sflag:$0x2], $0x800, $0x38;
	[tilespmem:$0x19780] =	vst v63  }
0x2c: {  	_ =	swait.ge [sflag:s9], $0x800  }
0x2d: {  	[sflag:s9] =	ssyncset.done $0x0  }
0x2e: {  	s14 =	rddreg [dreg:$0xc];
	[sflag:s9] =	ssyncadd.s32 $0xFFFFF800  }
0x2f: {  	[spmem:s14] =	stream.linear.scatter [tilespmem:s8], [sflag:$0x2], $0x800, $0x38;
	[tilespmem:$0x19780] =	vst v63  }
0x30: {  	_ =	swait.ge [sflag:s9], $0x800  }
0x31: {  	[sflag:s9] =	ssyncset.done $0x0  }
0x32: {  	s15 =	rddreg [dreg:$0xd];
	[sflag:s9] =	ssyncadd.s32 $0xFFFFF800  }
0x33: {  	[spmem:s15] =	stream.linear.scatter [tilespmem:s8], [sflag:$0x2], $0x800, $0x38;
	[tilespmem:$0x19780] =	vst v63  }
0x34: {  	_ =	swait.ge [sflag:s9], $0x800  }
0x35: {  	[sflag:s9] =	ssyncset.done $0x0  }
0x36: {  	s16 =	rddreg [dreg:$0xe];
	[sflag:s9] =	ssyncadd.s32 $0xFFFFF800  }
0x37: {  	[spmem:s16] =	stream.linear.scatter [tilespmem:s8], [sflag:$0x2], $0x800, $0x38;
	[tilespmem:$0x19780] =	vst v63  }
0x38: {  	_ =	swait.ge [sflag:s9], $0x800  }
0x39: {  	[sflag:s9] =	ssyncset.done $0x0  }
0x3a: {  	[sflag:s9] =	ssyncadd.s32 $0xFFFFF800  }
0x3b: {  	[spmem:s17] =	stream.linear.scatter [tilespmem:s8], [sflag:$0x2], $0x800, $0x38;
	[tilespmem:$0x19780] =	vst v63  }
0x3c: {  	_ =	swait.ge [sflag:s9], $0x800  }
0x3d: {  	[sflag:s9] =	ssyncset.done $0x0  }
0x3e: {  	[sflag:s9] =	ssyncadd.s32 $0xFFFFF800  }
0x3f: {  	[spmem:s18] =	stream.linear.scatter [tilespmem:s8], [sflag:$0x2], $0x800, $0x38;
	[tilespmem:$0x19780] =	vst v63  }
0x40: {  	_ =	swait.ge [sflag:s9], $0x800  }
0x41: {  	[sflag:s9] =	ssyncset.done $0x0  }
0x42: {  	[sflag:s9] =	ssyncadd.s32 $0xFFFFF800  }
0x43: {  	[spmem:s19] =	stream.linear.scatter [tilespmem:s8], [sflag:$0x2], $0x800, $0x38;
	[tilespmem:$0x19780] =	vst v63  }
0x44: {  	_ =	swait.ge [sflag:s9], $0x800  }
0x45: {  	[sflag:s9] =	ssyncset.done $0x0  }
0x46: {  	[sflag:s9] =	ssyncadd.s32 $0xFFFFF800  }
0x47: {  	[spmem:s20] =	stream.linear.scatter [tilespmem:s8], [sflag:$0x2], $0x800, $0x38;
	[tilespmem:$0x19780] =	vst v63  }
0x48: {  	_ =	swait.ge [sflag:s9], $0x800  }
0x49: {  	[sflag:s9] =	ssyncset.done $0x0  }
0x4a: {  	[sflag:s9] =	ssyncadd.s32 $0xFFFFF800  }
0x4b: {  	[spmem:s21] =	stream.linear.scatter [tilespmem:s8], [sflag:$0x2], $0x800, $0x38;
	[tilespmem:$0x19780] =	vst v63  }
0x4c: {  	_ =	swait.ge [sflag:s9], $0x800  }
0x4d: {  	[sflag:s9] =	ssyncset.done $0x0  }
0x4e: {  	[sflag:s9] =	ssyncadd.s32 $0xFFFFF800  }
0x4f: {  	[spmem:s22] =	stream.linear.scatter [tilespmem:s8], [sflag:$0x2], $0x800, $0x38;
	[tilespmem:$0x19780] =	vst v63  }
0x50: {  	_ =	swait.ge [sflag:s9], $0x800  }
0x51: {  	[sflag:s9] =	ssyncset.done $0x0  }
0x52: {  	[sflag:s9] =	ssyncadd.s32 $0xFFFFF800  }
0x53: {  	[spmem:s23] =	stream.linear.scatter [tilespmem:s8], [sflag:$0x2], $0x800, $0x38;
	[tilespmem:$0x19780] =	vst v63  }
0x54: {  	_ =	swait.ge [sflag:s9], $0x800  }
0x55: {  	[sflag:s9] =	ssyncset.done $0x0  }
0x56: {  	[sflag:s9] =	ssyncadd.s32 $0xFFFFF800  }
0x57: {  	[spmem:s24] =	stream.linear.scatter [tilespmem:s8], [sflag:$0x2], $0x800, $0x38;
	[tilespmem:$0x19780] =	vst v63  }
0x58: {  	_ =	swait.ge [sflag:s9], $0x800  }
0x59: {  	[sflag:s9] =	ssyncset.done $0x0  }
0x5a: {  	[sflag:s9] =	ssyncadd.s32 $0xFFFFF800  }
0x5b: {  	[spmem:s26] =	stream.linear.scatter [tilespmem:s8], [sflag:$0x2], $0x800, $0x38;
	[tilespmem:$0x19780] =	vst v63  }
0x5c: {  	_ =	swait.ge [sflag:s9], $0x800  }
0x5d: {  	[sflag:s9] =	ssyncset.done $0x0  }
0x5e: {  	[sflag:s9] =	ssyncadd.s32 $0xFFFFF800  }
0x5f: {  	[spmem:s28] =	stream.linear.scatter [tilespmem:s8], [sflag:$0x2], $0x800, $0x38;
	[tilespmem:$0x19780] =	vst v63  }
0x60: {  	_ =	swait.ge [sflag:s9], $0x800  }
0x61: {  	[sflag:s9] =	ssyncset.done $0x0  }
0x62: {  	[sflag:s9] =	ssyncadd.s32 $0xFFFFF800  }
0x63: {  	[spmem:s29] =	stream.linear.scatter [tilespmem:s8], [sflag:$0x2], $0x800, $0x38;
	[tilespmem:$0x19780] =	vst v63  }
0x64: {  	_ =	swait.ge [sflag:s9], $0x800  }
0x65: {  	[sflag:s9] =	ssyncset.done $0x0  }
0x66: {  	[sflag:s9] =	ssyncadd.s32 $0xFFFFF800  }
0x67: {  	[spmem:s30] =	stream.linear.scatter [tilespmem:s8], [sflag:$0x2], $0x800, $0x38;
	[tilespmem:$0x19780] =	vst v63  }
0x68: {  	_ =	swait.ge [sflag:s9], $0x800  }
0x69: {  	[sflag:s9] =	ssyncset.done $0x0  }
0x6a: {  	[sflag:s9] =	ssyncadd.s32 $0xFFFFF800  }
0x6b: {  	[spmem:s31] =	stream.linear.scatter [tilespmem:s8], [sflag:$0x2], $0x800, $0x38;
	[tilespmem:$0x19780] =	vst v63  }
0x6c: {  	_ =	swait.ge [sflag:s9], $0x800  }
0x6d: {  	[sflag:s9] =	ssyncset.done $0x0  }
0x6e: {  	[sflag:s9] =	ssyncadd.s32 $0xFFFFF800  }
0x6f: {  	[spmem:s2] =	stream.linear.scatter [tilespmem:s8], [sflag:$0x2], $0x800, $0x38;
	[tilespmem:$0x19780] =	vst v63  }
0x70: {  	_ =	swait.ge [sflag:s9], $0x800  }
0x71: {  	[sflag:s9] =	ssyncset.done $0x0  }
0x72: {  	[sflag:s9] =	ssyncadd.s32 $0xFFFFF800  }
0x73: {  	[spmem:s0] =	stream.linear.scatter [tilespmem:s8], [sflag:$0x2], $0x800, $0x38;
	[tilespmem:$0x19780] =	vst v63  }
0x74: {  	_ =	swait.ge [sflag:s9], $0x800  }
0x75: {  	[sflag:s9] =	ssyncset.done $0x0  }
0x76: {  	[sflag:s9] =	ssyncadd.s32 $0xFFFFF800  }
0x77: {  	[spmem:s6] =	stream.linear.scatter [tilespmem:s8], [sflag:$0x2], $0x800, $0x38;
	[tilespmem:$0x19780] =	vst v63  }
0x78: {  	_ =	swait.ge [sflag:s9], $0x800  }
0x79: {  	[sflag:s9] =	ssyncset.done $0x0  }
0x7a: {  	[sflag:s9] =	ssyncadd.s32 $0xFFFFF800  }
0x7b: {  	[spmem:s7] =	stream.linear.scatter [tilespmem:s8], [sflag:$0x2], $0x800, $0x38;
	[tilespmem:$0x19780] =	vst v63  }
0x7c: {  	_ =	swait.ge [sflag:s9], $0x800  }
0x7d: {  	[sflag:s9] =	ssyncset.done $0x0  }
0x7e: {  	s14 =	rddreg [dreg:$0x4];
	[sflag:s9] =	ssyncadd.s32 $0xFFFFF800  }
0x7f: {  	[spmem:s14] =	stream.linear.scatter [tilespmem:s8], [sflag:$0x2], $0x380, $0x38;
	[tilespmem:$0x19780] =	vst v63  }
0x80: {  	_ =	swait.ge [sflag:s9], $0x380  }
0x81: {  	[sflag:s9] =	ssyncset.done $0x0  }
0x82: {  	s13 =	simm.s32 $0x0;
	s15 =	rddreg [dreg:$0x5];
	[sflag:s9] =	ssyncadd.s32 $0xFFFFFC80  }
0x83: {  	[tilespmem:s13], [sflag:$0x2] =	stream.linear.gather [hbm4b:s15+s13], $0x6200, $0x38;
	[tilespmem:$0x19780] =	vst v63  }
0x84: {  	_ =	swait.ge [sflag:s9], $0x6200  }
0x85: {  	[sflag:s9] =	ssyncset.done $0x0  }
0x86: {  	s15 =	simm.s32 $0x6200;
	s16 =	rddreg [dreg:$0x6];
	[sflag:s9] =	ssyncadd.s32 $0xFFFF9E00  }
0x87: {  	[tilespmem:s15], [sflag:$0x2] =	stream.linear.gather [hbm4b:s16+s13], $0x6200, $0x38;
	[tilespmem:$0x19780] =	vst v63  }
0x88: {  	_ =	swait.ge [sflag:s9], $0x6200  }
0x89: {  	[sflag:s9] =	ssyncset.done $0x0  }
0x8a: {  	[sflag:s9] =	ssyncadd.s32 $0xFFFF9E00  }
0x8b: {  	s15 =	simm.s32 $0x0;
	[bflag:$0x0] =	sbarrier.arrive $0xFFFF  }
0x8c: {  	[tilespmem:s11], [sflag:$0x1] =	stream.indirect.gather [hbm4b:s1+s10], $0x10, s15, s10, $0xb8;
	[tilespmem:$0x19780] =	vst v63  }
0x8d: {  	_ =	swait.ge [sflag:s12], $0x800  }
0x8e: {  	[sflag:s12] =	ssyncset.done $0x0  }
0x8f: {  	s16 =	simm.s32 $0x6200;
	[sflag:s12] =	ssyncadd.s32 $0xFFFFF800  }
0x90: {  	[spmem:s3] =	stream.indirect.scatter.add.f32 [tilespmem:s11], [sflag:$0x2], $0x10, s16, s10, $0xb8;
	[tilespmem:$0x19780] =	vst v63  }
0x91: {  	_ =	swait.ge [sflag:s9], $0x800  }
0x92: {  	s14 =	simm.s32 $0x400;
	s13 =	simm.s32 $0x200;
	[sflag:s9] =	ssyncset.done $0x0  }
.LBB2_4:
0x93: {  	s15 =	sshra.s32 s13, $0x2  }
0x94: {  	[sflag:s9] =	ssyncadd.s32 $0xFFFFF800;
	s13 =	smov.u32 s14;
	s16 =	sadd.s32 $0x200, s14  }
0x95: {  	[tilespmem:s11], [sflag:$0x1] =	stream.indirect.gather [hbm4b:s1+s10], $0x10, s15, s10, $0xb8;
	[tilespmem:$0x19780] =	vst v63  }
0x96: {  	p0 =	sne.s32 s14, $0x18600;
	_ =	swait.ge [sflag:s12], $0x800  }
.Ltmp1:
0x97: {  	[sflag:s12] =	ssyncset.done $0x0;
	(pc) =	sbr.rel @p0 .LBB2_4-.Ltmp1, $4  }
0x98: {  	s14 =	sadd.s32 $0x6200, s15;
	[sflag:s12] =	ssyncadd.s32 $0xFFFFF800  }
0x99: {  	[spmem:s3] =	stream.indirect.scatter.add.f32 [tilespmem:s11], [sflag:$0x2], $0x10, s14, s10, $0xb8;
	[tilespmem:$0x19780] =	vst v63  }
0x9a: {  	_ =	swait.ge [sflag:s9], $0x800  }
0x9b: {  	s14 =	smov.u32 s16;
	[sflag:s9] =	ssyncset.done $0x0  }
0x9c: {  	s13 =	sshra.s32 s13, $0x2;
	[sflag:s9] =	ssyncadd.s32 $0xFFFFF800  }
0x9d: {  	[tilespmem:s11], [sflag:$0x1] =	stream.indirect.gather [hbm4b:s1+s10], $0x10, s13, s10, $0xb8;
	[tilespmem:$0x19780] =	vst v63  }
0x9e: {  	_ =	swait.ge [sflag:s12], $0x800  }
0x9f: {  	[sflag:s12] =	ssyncset.done $0x0  }
0xa0: {  	s13 =	sadd.s32 $0x6200, s13;
	[sflag:s12] =	ssyncadd.s32 $0xFFFFF800  }
0xa1: {  	[spmem:s3] =	stream.indirect.scatter.add.f32 [tilespmem:s11], [sflag:$0x2], $0x10, s13, s10, $0xb8;
	[tilespmem:$0x19780] =	vst v63  }
0xa2: {  	_ =	swait.ge [sflag:s9], $0x800  }
0xa3: {  	[sflag:s9] =	ssyncset.done $0x0  }
0xa4: {  	s15 =	stileid.u32;
	[sflag:s9] =	ssyncadd.s32 $0xFFFFF800  }
0xa5: {  	s13 =	sshll.u32 s15, $0x6;
	[bflag:$0x0] =	sbarrier.arrive $0xFFFF  }
0xa6: {  	s13 =	sor.u32 $0x1C02, s13;
	s14 =	rddreg [dreg:$0x7]  }
0xa7: {  	[hbm:s14], [sflag:s13] =	dma.local [spmem:s25], $0x1870  }
0xa8: {  	_ =	swait.ge [sflag:s9], $0x1870  }
0xa9: {  	s4 =	sadd.s32 $0x1, s4;
	s16 =	rddreg [dreg:$0x8]  }
0xaa: {  	p0 =	sne.s32 s4, s16  }
.Ltmp2:
0xab: {  	_ = 	snop;
	(pc) =	sbr.rel @p0 .LBB2_1-.Ltmp2, $3  }
0xac: {  	_ =	sdelay $0x1  }
0xad: {  	[sflag:s9] =	ssyncset.done $0x0  }
0xae: {  	[sflag:s9] =	ssyncadd.s32 $0xFFFFE790  }
0xaf: {  	_ =	sfence.sel $0x180000  }
0xb0: {  	[bflag:$0x0] =	sbarrier.arrive $0xFFFF  }
0xb1: {  	_ =	strace $0x9000004D  }
0xb2: {  	s0 =	stileid.u32;
	[bflag:$0x2] =	sbarrier.arrive $0xFFFF  }
0xb3: {  	p0 =	sne.s32 s0, $0x0;
	s0 =	rddreg [dreg:$0x3]  }
0xb4: {  	s0 =	sadd.s32 @!p0 $0x100000, s0  }
0xb5: {  	[sflag:s0] =	ssyncadd.tile.s32 @!p0 $0x1;
	_ =	shalt  }
.Lfunc_end2:
_tile_overlayer_lowered:
.L_overlay_start_2:
0xb6: {  	(tag) =	ssettag $0x2  }
0xb7: {  	s0 =	rddreg [dreg:$0x0];
	s2 =	stileid.u32  }
0xb8: {  	s1 =	rddreg [dreg:$0x1];
	p0 =	sne.s32 s2, $0x0  }
0xb9: {  	s3 =	rddreg [dreg:$0x2];
	[bflag:$0x3] =	sbarrier.arrive $0xFFFF;
	s2 =	simm.s32 @!p0 $0x1C02  }
0xba: {  	[timem:s3], [sflag:s2] =	dma.local @!p0 [hbm:s0], s1  }
0xbb: {  	s0 =	simm.s32 @!p0 $0x2  }
0xbc: {  	_ =	swait.ge @!p0 [sflag:s0], s1  }
0xbd: {  	s1 =	ssub.s32 @!p0 $0x0, s1;
	[sflag:s0] =	ssyncset.done @!p0 $0x0  }
0xbe: {  	[sflag:s0] =	ssyncadd.s32 @!p0 s1  }
0xbf: {  	[bflag:$0x3] =	sbarrier.arrive $0xFFFF  }
0xc0: {  	_ =	shalt  }

// kernel: kernel.34.cloned.1.call-start
scs
__scs_entry_jumppad:
0x0: {  	(pc) =	sbr.rel $0x88, $3  }
0x1: {  	(tag) =	ssettag $0x0;
	lr =	simm.s32 $0x1  }
0x2: {  	[smem:$0x3F9B] =	sst lr;
	_ =	strace $0xD0000000  }
0x3: {  	_ = 	snop  }
0x4: {  	_ = 	snop  }
0x5: {  	_ = 	snop  }
0x6: {  	_ = 	snop  }
0x7: {  	_ = 	snop  }
__scs_overlays_trampoline_lowered:
0x8: {  	[smem:$0x3FAA] =	sst s0  }
0x9: {  	[smem:$0x3FAB] =	sst s1  }
0xa: {  	[smem:$0x3FAC] =	sst s2  }
0xb: {  	[smem:$0x3FAD] =	sst s3  }
0xc: {  	[smem:$0x3FAE] =	sst s4  }
0xd: {  	[smem:$0x3FAF] =	sst s5  }
0xe: {  	[smem:$0x3FB0] =	sst s6  }
0xf: {  	[smem:$0x3FB1] =	sst s7  }
0x10: {  	[smem:$0x3FB2] =	sst s8  }
0x11: {  	[smem:$0x3FB3] =	sst s9;
	s0 =	simm.s32 @!p0 $0x0  }
0x12: {  	s1 =	sld [smem:$0x3F99];
	s0 =	simm.s32 @p0 $0x1  }
0x13: {  	[smem:$0x3FB4] =	sst s0;
	s0 =	simm.s32 @!p1 $0x0  }
0x14: {  	s2 =	sld [smem:$0x3F98];
	s0 =	simm.s32 @p1 $0x1  }
0x15: {  	[smem:$0x3FB5] =	sst s0;
	s0 =	simm.s32 @!p2 $0x0  }
0x16: {  	s3 =	sld [smem:$0x3FDB];
	s0 =	simm.s32 @p2 $0x1  }
0x17: {  	s4 =	simm.s32 $0x1BF5;
	[smem:$0x3FB7] =	sst s0  }
0x18: {  	s0 =	sld [smem:$0x3F9A];
	_ =	swait.ge [sflag:s4], $0x0  }
0x19: {  	s7 =	sld [smem:$0x3F9B]  }
0x1a: {  	s8 =	sadd.s32 $0xFFFFE003, lr  }
0x1b: {  	s9 =	sadd.s32 $0xFFFFFEF7, lr;
	s5 =	simm.s32 $0xFFFFFFFF;
	p2 =	slt.u32 s8, $0xFFFFF086  }
0x1c: {  	p1 =	slt.u32 s9, $0xF7A;
	s5 =	simm.s32 @!p2 $0x0  }
0x1d: {  	s5 =	simm.s32 @p1 $0x1;
	p0 =	seq.s32 s7, s2  }
0x1e: {  	s7 =	smul.u32 @!p0 $0xF7A, s2;
	p2 =	seq.s32 @!p0 s5, $0x0  }
0x1f: {  	s9 =	smul.u32 $0xF7A, s1;
	s8 =	simm.s32 @!p0 $0x1BF5;
	p2 =	por !p2, p0  }
0x20: {  	[sflag:s8] =	ssyncset.s32 @!p0 $0xFFFFF086;
	s6 =	sadd.s32 @!p0 s3, s7;
	s7 =	simm.s32 @!p0 $0x108  }
0x21: {  	s3 =	sadd.s32 s3, s9;
	s6 =	sadd.s32 @!p0 $0x88, s6;
	s7 =	simm.s32 @p2 $0x1082  }
0x22: {  	[simem:s7], [sflag:s8] =	dma.local @!p0 [hbm:s6], $0xF7A  }
0x23: {  	s9 =	sor.u32 $0xD0000000, s2;
	s6 =	simm.s32 $0x108;
	_ =	swait.ge @!p0 [sflag:s8], $0x0  }
0x24: {  	s3 =	sadd.s32 $0x88, s3;
	s6 =	simm.s32 @!p1 $0x1082;
	[sflag:s4] =	ssyncset.s32 $0xFFFFF086  }
0x25: {  	[simem:s6], [sflag:s4] =	dma.local [hbm:s3], $0xF7A  }
0x26: {  	[smem:$0x3F9B] =	sst s1;
	(tag) =	ssettag s2;
	_ =	strace s9  }
0x27: {  	s1 =	sld [smem:$0x3FAB]  }
0x28: {  	s2 =	sld [smem:$0x3FAC]  }
0x29: {  	s4 =	sld [smem:$0x3FAE]  }
0x2a: {  	p0 =	seq.s32 s5, $0x0;
	s5 =	sld [smem:$0x3FAF]  }
0x2b: {  	s6 =	sld [smem:$0x3FB0]  }
0x2c: {  	s7 =	sld [smem:$0x3FB1]  }
0x2d: {  	s3 =	simm.s32 $0x108;
	s8 =	sld [smem:$0x3FB2]  }
0x2e: {  	s3 =	simm.s32 @!p0 $0x1082;
	s9 =	sld [smem:$0x3FB3]  }
0x2f: {  	lr =	sadd.s32 s0, s3;
	s0 =	sld [smem:$0x3FAA]  }
0x30: {  	s3 =	sld [smem:$0x3FAD]  }
0x31: {  	[smem:$0x3FB6] =	sst s10  }
0x32: {  	s10 =	sld [smem:$0x3FB4];
	_ =	sdelay $0x3  }
0x33: {  	p0 =	seq.s32 s10, $0x1;
	s10 =	sld [smem:$0x3FB6];
	_ =	sdelay $0x3  }
0x34: {  	[smem:$0x3FB6] =	sst s10  }
0x35: {  	s10 =	sld [smem:$0x3FB5];
	_ =	sdelay $0x3  }
0x36: {  	p1 =	seq.s32 s10, $0x1;
	s10 =	sld [smem:$0x3FB6];
	_ =	sdelay $0x3  }
0x37: {  	[smem:$0x3FB6] =	sst s10  }
0x38: {  	s10 =	sld [smem:$0x3FB7]  }
0x39: {  	_ = 	snop;
	(pc) =	sbr.ind lr, $3  }
0x3a: {  	_ = 	snop  }
0x3b: {  	_ = 	snop  }
0x3c: {  	p2 =	seq.s32 s10, $0x1;
	s10 =	sld [smem:$0x3FB6]  }
0x3d: {  	_ =	shalt  }
0x3e: {  	_ =	shalt  }
0x3f: {  	_ =	shalt  }
0x40: {  	_ =	shalt  }
0x41: {  	_ =	shalt  }
0x42: {  	_ =	shalt  }
0x43: {  	_ =	shalt  }
0x44: {  	_ =	shalt  }
0x45: {  	_ =	shalt  }
0x46: {  	_ =	shalt  }
0x47: {  	_ =	shalt  }
0x48: {  	_ =	shalt  }
0x49: {  	_ =	shalt  }
0x4a: {  	_ =	shalt  }
0x4b: {  	_ =	shalt  }
0x4c: {  	_ =	shalt  }
0x4d: {  	_ =	shalt  }
0x4e: {  	_ =	shalt  }
0x4f: {  	_ =	shalt  }
0x50: {  	_ =	shalt  }
0x51: {  	_ =	shalt  }
0x52: {  	_ =	shalt  }
0x53: {  	_ =	shalt  }
0x54: {  	_ =	shalt  }
0x55: {  	_ =	shalt  }
0x56: {  	_ =	shalt  }
0x57: {  	_ =	shalt  }
0x58: {  	_ =	shalt  }
0x59: {  	_ =	shalt  }
0x5a: {  	_ =	shalt  }
0x5b: {  	_ =	shalt  }
0x5c: {  	_ =	shalt  }
0x5d: {  	_ =	shalt  }
0x5e: {  	_ =	shalt  }
0x5f: {  	_ =	shalt  }
0x60: {  	_ =	shalt  }
0x61: {  	_ =	shalt  }
0x62: {  	_ =	shalt  }
0x63: {  	_ =	shalt  }
0x64: {  	_ =	shalt  }
0x65: {  	_ =	shalt  }
0x66: {  	_ =	shalt  }
0x67: {  	_ =	shalt  }
0x68: {  	_ =	shalt  }
0x69: {  	_ =	shalt  }
0x6a: {  	_ =	shalt  }
0x6b: {  	_ =	shalt  }
0x6c: {  	_ =	shalt  }
0x6d: {  	_ =	shalt  }
0x6e: {  	_ =	shalt  }
0x6f: {  	_ =	shalt  }
0x70: {  	_ =	shalt  }
0x71: {  	_ =	shalt  }
0x72: {  	_ =	shalt  }
0x73: {  	_ =	shalt  }
0x74: {  	_ =	shalt  }
0x75: {  	_ =	shalt  }
0x76: {  	_ =	shalt  }
0x77: {  	_ =	shalt  }
0x78: {  	_ =	shalt  }
0x79: {  	_ =	shalt  }
0x7a: {  	_ =	shalt  }
0x7b: {  	_ =	shalt  }
0x7c: {  	_ =	shalt  }
0x7d: {  	_ =	shalt  }
0x7e: {  	_ =	shalt  }
0x7f: {  	_ =	shalt  }
0x80: {  	_ =	shalt  }
0x81: {  	_ =	shalt  }
0x82: {  	_ =	shalt  }
0x83: {  	_ =	shalt  }
0x84: {  	_ =	shalt  }
0x85: {  	_ =	shalt  }
0x86: {  	_ =	shalt  }
0x87: {  	_ =	shalt  }
.Lfunc_end0:
.L_simem_size_0:
called_computation.3_lowered:
.L_overlay_start_0:
0x88: {  	s2 =	sld [smem:$0x3FD9]  }
0x89: {  	s3 =	sld [smem:$0x3FFE];
	_ =	sdelay $0x1  }
0x8a: {  	s1 =	srdreg.scid  }
0x8b: {  	s0 =	sand.u32 $0x1, s1  }
0x8c: {  	s17 =	sshll.u32 s0, $0xA;
	s2 =	sadd.s32 s3, s2  }
0x8d: {  	s2 =	sadd.s32 s2, s17  }
0x8e: {  	[smem:$0x3FC2] =	sst s2  }
0x8f: {  	_ = 	snop  }
0x90: {  	s2 =	sld [smem:$0x3FD0];
	(tm) =	ssettm $0x1  }
0x91: {  	s18 =	sld [smem:$0x3FFB];
	_ =	sdelay $0x3  }
0x92: {  	_ =	strace s18  }
0x93: {  	s3 =	sld [smem:$0x3FFC];
	_ =	sdelay $0x3  }
0x94: {  	_ =	strace s3  }
0x95: {  	s3 =	sld [smem:$0x3FFD];
	_ =	sdelay $0x3  }
0x96: {  	_ =	strace s3  }
0x97: {  	_ =	strace $0x8FFFFFFF  }
0x98: {  	s19 =	sld [smem:$0x3FDB];
	_ =	sdelay $0x1  }
0x99: {  	s4 =	simm.s32 $_scs_section_size  }
0x9a: {  	s5 =	simm.s32 $_size__tile_overlayer_lowered;
	s6 =	simm.s32 $_tile_overlayer_lowered  }
0x9b: {  	s22 =	simm.s32 $0x1BFF;
	s21 =	sshll.u32 s6, $0x1;
	s3 =	sadd.s32 s4, s19  }
0x9c: {  	s7 =	simm.s32 $0x0;
	s20 =	sshll.u32 s5, $0x1;
	s5 =	sadd.s32 s21, s3  }
0x9d: {  	[timem:s7], [sflag:s22] =	dma.local [hbm:s5], s20  }
0x9e: {  	_ =	swait.ge [sflag:s22], s20  }
0x9f: {  	s4 =	ssub.s32 $0x0, s20;
	[sflag:s22] =	ssyncset.done $0x0  }
0xa0: {  	[sflag:s22] =	ssyncadd.s32 s4;
	_ =	sdelay $0x1  }
0xa1: {  	s23 =	simm.s32 $0x1B8B  }
0xa2: {  	_ =	swait.ge [sflag:s23], $0x1  }
0xa3: {  	[sflag:s23] =	ssyncset.done $0x0  }
0xa4: {  	s25 =	simm.s32 $0x1B8E;
	s24 =	sld [smem:$0x3FFE];
	[sflag:s23] =	ssyncadd.s32 $0xFFFFFFFF  }
0xa5: {  	s26 =	simm.s32 $execute0_lowered;
	[smem:$0x3FD2] =	sst s25  }
0xa6: {  	s5 =	sshll.u32 s26, $0x1;
	_ =	strace $0x8000004F;
	[dreg:$0x1] =	wrdreg $0xFFFFFFFF  }
0xa7: {  	s28 =	simm.s32 $_size_execute0_lowered;
	s3 =	sadd.s32 s3, s5;
	[dreg:$0x0] =	wrdreg $0x0  }
0xa8: {  	s5 =	sshll.u32 s28, $0x1;
	[dreg:$0x2] =	wrdreg s3  }
0xa9: {  	[dreg:$0x3] =	wrdreg s5  }
0xaa: {  	[dreg:$0x4] =	wrdreg $0xC0  }
0xab: {  	_ =	task [dreg:s7], $0x5FFFF  }
0xac: {  	[dreg:$0x1] =	wrdreg $0xFFFFFFFF  }
0xad: {  	[dreg:$0x0] =	wrdreg $0x60  }
0xae: {  	[dreg:$0x2] =	wrdreg s2  }
0xaf: {  	[dreg:$0x3] =	wrdreg s24  }
0xb0: {  	[dreg:$0x4] =	wrdreg $0xD4000  }
0xb1: {  	[dreg:$0x5] =	wrdreg $0x9  }
0xb2: {  	_ =	task.clear_ibuf [dreg:s7], $0x6FFFF;
	_ =	strace $0x9000004F  }
0xb3: {  	s29 =	simm.s32 $0x9;
	_ =	strace $0x80000051  }
0xb4: {  	_ =	swait.ge [sflag:s29], $0x1  }
0xb5: {  	[sflag:s29] =	ssyncadd.s32 $0xFFFFFFFF  }
0xb6: {  	_ =	strace $0x90000051  }
0xb7: {  	_ =	sfence  }
0xb8: {  	s30 =	sld [smem:$0x0];
	_ =	sdelay $0x2  }
0xb9: {  	s31 =	sshll.u32 s1, $0xD;
	s1 =	sshrl.u32 s1, $0x2  }
0xba: {  	s3 =	sand.u32 $0x4000, s31;
	s1 =	sadd.s32 s1, s30  }
0xbb: {  	s0 =	sor.u32 s3, s0;
	s1 =	sshll.u32 s1, $0x11  }
0xbc: {  	s0 =	sor.u32 s1, s0  }
0xbd: {  	s0 =	sadd.s32 $0x8F2B, s0  }
0xbe: {  	[sflag:s0] =	ssyncadd.remote.s32 $0x1  }
0xbf: {  	_ =	sfence.sel $0xFFFF  }
0xc0: {  	[dreg:$0x0] =	wrdreg $0xFFFFFFFF;
	(pc) =	sbr.abs _section_cstart, $3  }
0xc1: {  	[dreg:$0x1] =	wrdreg $0xFFFFFFFF  }
0xc2: {  	_ =	task.clear_ibuf [dreg:s7], $0x2FFFF;
	_ =	strace $0x9FFFFFFF  }
0xc3: {  	(tm) =	ssettm $0x7FFFFFFF  }
tec
execute0_lowered:
.L_overlay_start_1:
0x0: {  	(tag) =	ssettag $0x1  }
0x1: {  	s0 =	srdreg.scid;
	s1 =	rddreg [dreg:$0x0]  }
0x2: {  	s8 =	stileid.u32;
	s5 =	rddreg [dreg:$0x1]  }
0x3: {  	s3 =	rddreg [dreg:$0x2];
	s4 =	simm.s32 $0x0;
	s10 =	simm.s32 $0x80  }
0x4: {  	s11 =	simm.s32 $0xC400;
	s12 =	simm.s32 $0x1;
	s7 =	smul.u32 $0xC380, s8  }
0x5: {  	s0 =	sand.u32 $0x1, s0;
	s2 =	sshll.u32 s8, $0x1;
	s8 =	smul.u32 $0x30E00, s8  }
0x6: {  	[smem:$0x7FF] =	sst s4;
	s2 =	sor.u32 s0, s2;
	s6 =	smul.u32 $0xC3800, s0  }
0x7: {  	_ =	strace $0x80000050;
	s0 =	ssub.s32 $0x2, s0;
	s2 =	smul.u32 $0xC40, s2  }
0x8: {  	s9 =	sshrl.u32 s0, $0x1;
	s8 =	sshrl.u32 s8, $0x2;
	s16 =	sadd.s32 s7, s3  }
0x9: {  	s6 =	sadd.s32 s7, s6;
	s0 =	ssub.s32 s0, s9;
	s9 =	simm.s32 $0x2  }
0xa: {  	s2 =	sadd.s32 s2, s5;
	s6 =	sshrl.u32 s6, $0x3;
	s0 =	smax.u32 s0, $0x1  }
0xb: {  	s6 =	sadd.s32 s6, s5;
	s14 =	sadd.s32 $0x4D800, s2;
	[dreg:$0x8] =	wrdreg s0  }
0xc: {  	s5 =	sadd.s32 s8, s3;
	s2 =	sadd.s32 $0x4200, s2;
	[dreg:$0x5] =	wrdreg s14  }
0xd: {  	s8 =	sadd.s32 $0xC000, s5;
	[dreg:$0x6] =	wrdreg s2;
	s15 =	sadd.s32 $0x1CA00, s6  }
0xe: {  	s21 =	sadd.s32 $0x800, s5;
	s22 =	sadd.s32 $0x1000, s5;
	s23 =	sadd.s32 $0x1800, s5  }
0xf: {  	s24 =	sadd.s32 $0x2000, s5;
	s25 =	sadd.s32 $0x2800, s5;
	[dreg:$0x4] =	wrdreg s8  }
0x10: {  	s26 =	sadd.s32 $0x3000, s5;
	s17 =	sadd.s32 $0x3800, s5;
	[dreg:$0x7] =	wrdreg s15  }
0x11: {  	s18 =	sadd.s32 $0x4000, s5;
	s19 =	sadd.s32 $0x4800, s5;
	[dreg:$0x9] =	wrdreg s21  }
0x12: {  	s20 =	sadd.s32 $0x5000, s5;
	s28 =	sadd.s32 $0x8000, s5;
	[dreg:$0xa] =	wrdreg s22  }
0x13: {  	s29 =	sadd.s32 $0x8800, s5;
	s30 =	sadd.s32 $0x9000, s5;
	[dreg:$0xb] =	wrdreg s23  }
0x14: {  	s31 =	sadd.s32 $0x9800, s5;
	s2 =	sadd.s32 $0xA000, s5;
	[dreg:$0xc] =	wrdreg s24  }
0x15: {  	s0 =	sadd.s32 $0xA800, s5;
	s6 =	sadd.s32 $0xB000, s5;
	[dreg:$0xd] =	wrdreg s25  }
0x16: {  	s7 =	sadd.s32 $0xB800, s5;
	[dreg:$0xe] =	wrdreg s26;
	s21 =	sadd.s32 $0x5800, s5  }
0x17: {  	s22 =	sadd.s32 $0x6000, s5;
	s23 =	sadd.s32 $0x6800, s5;
	s24 =	sadd.s32 $0x7000, s5  }
0x18: {  	v0 =	vimm.f32 $0.0e+00;
	s25 =	sshrl.u32 s16, $0x3;
	s26 =	sadd.s32 $0x7800, s5;
	s8 =	simm.s32 $0xCC00  }
.LBB2_1:
0x19: {  	s13 =	simm.s32 $0x40;
	s14 =	simm.s32 $0x0  }
.LBB2_2:
0x1a: {  	p0 =	sne.s32 s13, $0x1FC0;
	[tilespmem:s14+$0xCC00] =	vst v0;
	s14 =	smov.u32 s13;
	s13 =	sadd.s32 $0x40, s13  }
.Ltmp0:
0x1b: {  	(pc) =	sbr.rel @p0 .LBB2_2-.Ltmp0, $2  }
0x1c: {  	_ =	sdelay $0x2  }
0x1d: {  	s14 =	sshra.s32 s14, $0x2  }
0x1e: {  	[tilespmem:s14+$0xCC00] =	vst v0  }
0x1f: {  	[spmem:s5] =	stream.linear.scatter [tilespmem:s8], [sflag:$0x2], $0x800, $0x38;
	[tilespmem:$0x19780] =	vst v63  }
0x20: {  	_ =	swait.ge [sflag:s9], $0x800  }
0x21: {  	[sflag:s9] =	ssyncset.done $0x0  }
0x22: {  	s13 =	rddreg [dreg:$0x9];
	[sflag:s9] =	ssyncadd.s32 $0xFFFFF800  }
0x23: {  	[spmem:s13] =	stream.linear.scatter [tilespmem:s8], [sflag:$0x2], $0x800, $0x38;
	[tilespmem:$0x19780] =	vst v63  }
0x24: {  	_ =	swait.ge [sflag:s9], $0x800  }
0x25: {  	[sflag:s9] =	ssyncset.done $0x0  }
0x26: {  	s15 =	rddreg [dreg:$0xa];
	[sflag:s9] =	ssyncadd.s32 $0xFFFFF800  }
0x27: {  	[spmem:s15] =	stream.linear.scatter [tilespmem:s8], [sflag:$0x2], $0x800, $0x38;
	[tilespmem:$0x19780] =	vst v63  }
0x28: {  	_ =	swait.ge [sflag:s9], $0x800  }
0x29: {  	[sflag:s9] =	ssyncset.done $0x0  }
0x2a: {  	s16 =	rddreg [dreg:$0xb];
	[sflag:s9] =	ssyncadd.s32 $0xFFFFF800  }
0x2b: {  	[spmem:s16] =	stream.linear.scatter [tilespmem:s8], [sflag:$0x2], $0x800, $0x38;
	[tilespmem:$0x19780] =	vst v63  }
0x2c: {  	_ =	swait.ge [sflag:s9], $0x800  }
0x2d: {  	[sflag:s9] =	ssyncset.done $0x0  }
0x2e: {  	s14 =	rddreg [dreg:$0xc];
	[sflag:s9] =	ssyncadd.s32 $0xFFFFF800  }
0x2f: {  	[spmem:s14] =	stream.linear.scatter [tilespmem:s8], [sflag:$0x2], $0x800, $0x38;
	[tilespmem:$0x19780] =	vst v63  }
0x30: {  	_ =	swait.ge [sflag:s9], $0x800  }
0x31: {  	[sflag:s9] =	ssyncset.done $0x0  }
0x32: {  	s15 =	rddreg [dreg:$0xd];
	[sflag:s9] =	ssyncadd.s32 $0xFFFFF800  }
0x33: {  	[spmem:s15] =	stream.linear.scatter [tilespmem:s8], [sflag:$0x2], $0x800, $0x38;
	[tilespmem:$0x19780] =	vst v63  }
0x34: {  	_ =	swait.ge [sflag:s9], $0x800  }
0x35: {  	[sflag:s9] =	ssyncset.done $0x0  }
0x36: {  	s16 =	rddreg [dreg:$0xe];
	[sflag:s9] =	ssyncadd.s32 $0xFFFFF800  }
0x37: {  	[spmem:s16] =	stream.linear.scatter [tilespmem:s8], [sflag:$0x2], $0x800, $0x38;
	[tilespmem:$0x19780] =	vst v63  }
0x38: {  	_ =	swait.ge [sflag:s9], $0x800  }
0x39: {  	[sflag:s9] =	ssyncset.done $0x0  }
0x3a: {  	[sflag:s9] =	ssyncadd.s32 $0xFFFFF800  }
0x3b: {  	[spmem:s17] =	stream.linear.scatter [tilespmem:s8], [sflag:$0x2], $0x800, $0x38;
	[tilespmem:$0x19780] =	vst v63  }
0x3c: {  	_ =	swait.ge [sflag:s9], $0x800  }
0x3d: {  	[sflag:s9] =	ssyncset.done $0x0  }
0x3e: {  	[sflag:s9] =	ssyncadd.s32 $0xFFFFF800  }
0x3f: {  	[spmem:s18] =	stream.linear.scatter [tilespmem:s8], [sflag:$0x2], $0x800, $0x38;
	[tilespmem:$0x19780] =	vst v63  }
0x40: {  	_ =	swait.ge [sflag:s9], $0x800  }
0x41: {  	[sflag:s9] =	ssyncset.done $0x0  }
0x42: {  	[sflag:s9] =	ssyncadd.s32 $0xFFFFF800  }
0x43: {  	[spmem:s19] =	stream.linear.scatter [tilespmem:s8], [sflag:$0x2], $0x800, $0x38;
	[tilespmem:$0x19780] =	vst v63  }
0x44: {  	_ =	swait.ge [sflag:s9], $0x800  }
0x45: {  	[sflag:s9] =	ssyncset.done $0x0  }
0x46: {  	[sflag:s9] =	ssyncadd.s32 $0xFFFFF800  }
0x47: {  	[spmem:s20] =	stream.linear.scatter [tilespmem:s8], [sflag:$0x2], $0x800, $0x38;
	[tilespmem:$0x19780] =	vst v63  }
0x48: {  	_ =	swait.ge [sflag:s9], $0x800  }
0x49: {  	[sflag:s9] =	ssyncset.done $0x0  }
0x4a: {  	[sflag:s9] =	ssyncadd.s32 $0xFFFFF800  }
0x4b: {  	[spmem:s21] =	stream.linear.scatter [tilespmem:s8], [sflag:$0x2], $0x800, $0x38;
	[tilespmem:$0x19780] =	vst v63  }
0x4c: {  	_ =	swait.ge [sflag:s9], $0x800  }
0x4d: {  	[sflag:s9] =	ssyncset.done $0x0  }
0x4e: {  	[sflag:s9] =	ssyncadd.s32 $0xFFFFF800  }
0x4f: {  	[spmem:s22] =	stream.linear.scatter [tilespmem:s8], [sflag:$0x2], $0x800, $0x38;
	[tilespmem:$0x19780] =	vst v63  }
0x50: {  	_ =	swait.ge [sflag:s9], $0x800  }
0x51: {  	[sflag:s9] =	ssyncset.done $0x0  }
0x52: {  	[sflag:s9] =	ssyncadd.s32 $0xFFFFF800  }
0x53: {  	[spmem:s23] =	stream.linear.scatter [tilespmem:s8], [sflag:$0x2], $0x800, $0x38;
	[tilespmem:$0x19780] =	vst v63  }
0x54: {  	_ =	swait.ge [sflag:s9], $0x800  }
0x55: {  	[sflag:s9] =	ssyncset.done $0x0  }
0x56: {  	[sflag:s9] =	ssyncadd.s32 $0xFFFFF800  }
0x57: {  	[spmem:s24] =	stream.linear.scatter [tilespmem:s8], [sflag:$0x2], $0x800, $0x38;
	[tilespmem:$0x19780] =	vst v63  }
0x58: {  	_ =	swait.ge [sflag:s9], $0x800  }
0x59: {  	[sflag:s9] =	ssyncset.done $0x0  }
0x5a: {  	[sflag:s9] =	ssyncadd.s32 $0xFFFFF800  }
0x5b: {  	[spmem:s26] =	stream.linear.scatter [tilespmem:s8], [sflag:$0x2], $0x800, $0x38;
	[tilespmem:$0x19780] =	vst v63  }
0x5c: {  	_ =	swait.ge [sflag:s9], $0x800  }
0x5d: {  	[sflag:s9] =	ssyncset.done $0x0  }
0x5e: {  	[sflag:s9] =	ssyncadd.s32 $0xFFFFF800  }
0x5f: {  	[spmem:s28] =	stream.linear.scatter [tilespmem:s8], [sflag:$0x2], $0x800, $0x38;
	[tilespmem:$0x19780] =	vst v63  }
0x60: {  	_ =	swait.ge [sflag:s9], $0x800  }
0x61: {  	[sflag:s9] =	ssyncset.done $0x0  }
0x62: {  	[sflag:s9] =	ssyncadd.s32 $0xFFFFF800  }
0x63: {  	[spmem:s29] =	stream.linear.scatter [tilespmem:s8], [sflag:$0x2], $0x800, $0x38;
	[tilespmem:$0x19780] =	vst v63  }
0x64: {  	_ =	swait.ge [sflag:s9], $0x800  }
0x65: {  	[sflag:s9] =	ssyncset.done $0x0  }
0x66: {  	[sflag:s9] =	ssyncadd.s32 $0xFFFFF800  }
0x67: {  	[spmem:s30] =	stream.linear.scatter [tilespmem:s8], [sflag:$0x2], $0x800, $0x38;
	[tilespmem:$0x19780] =	vst v63  }
0x68: {  	_ =	swait.ge [sflag:s9], $0x800  }
0x69: {  	[sflag:s9] =	ssyncset.done $0x0  }
0x6a: {  	[sflag:s9] =	ssyncadd.s32 $0xFFFFF800  }
0x6b: {  	[spmem:s31] =	stream.linear.scatter [tilespmem:s8], [sflag:$0x2], $0x800, $0x38;
	[tilespmem:$0x19780] =	vst v63  }
0x6c: {  	_ =	swait.ge [sflag:s9], $0x800  }
0x6d: {  	[sflag:s9] =	ssyncset.done $0x0  }
0x6e: {  	[sflag:s9] =	ssyncadd.s32 $0xFFFFF800  }
0x6f: {  	[spmem:s2] =	stream.linear.scatter [tilespmem:s8], [sflag:$0x2], $0x800, $0x38;
	[tilespmem:$0x19780] =	vst v63  }
0x70: {  	_ =	swait.ge [sflag:s9], $0x800  }
0x71: {  	[sflag:s9] =	ssyncset.done $0x0  }
0x72: {  	[sflag:s9] =	ssyncadd.s32 $0xFFFFF800  }
0x73: {  	[spmem:s0] =	stream.linear.scatter [tilespmem:s8], [sflag:$0x2], $0x800, $0x38;
	[tilespmem:$0x19780] =	vst v63  }
0x74: {  	_ =	swait.ge [sflag:s9], $0x800  }
0x75: {  	[sflag:s9] =	ssyncset.done $0x0  }
0x76: {  	[sflag:s9] =	ssyncadd.s32 $0xFFFFF800  }
0x77: {  	[spmem:s6] =	stream.linear.scatter [tilespmem:s8], [sflag:$0x2], $0x800, $0x38;
	[tilespmem:$0x19780] =	vst v63  }
0x78: {  	_ =	swait.ge [sflag:s9], $0x800  }
0x79: {  	[sflag:s9] =	ssyncset.done $0x0  }
0x7a: {  	[sflag:s9] =	ssyncadd.s32 $0xFFFFF800  }
0x7b: {  	[spmem:s7] =	stream.linear.scatter [tilespmem:s8], [sflag:$0x2], $0x800, $0x38;
	[tilespmem:$0x19780] =	vst v63  }
0x7c: {  	_ =	swait.ge [sflag:s9], $0x800  }
0x7d: {  	[sflag:s9] =	ssyncset.done $0x0  }
0x7e: {  	s14 =	rddreg [dreg:$0x4];
	[sflag:s9] =	ssyncadd.s32 $0xFFFFF800  }
0x7f: {  	[spmem:s14] =	stream.linear.scatter [tilespmem:s8], [sflag:$0x2], $0x380, $0x38;
	[tilespmem:$0x19780] =	vst v63  }
0x80: {  	_ =	swait.ge [sflag:s9], $0x380  }
0x81: {  	[sflag:s9] =	ssyncset.done $0x0  }
0x82: {  	s13 =	simm.s32 $0x0;
	s15 =	rddreg [dreg:$0x5];
	[sflag:s9] =	ssyncadd.s32 $0xFFFFFC80  }
0x83: {  	[tilespmem:s13], [sflag:$0x2] =	stream.linear.gather [hbm4b:s15+s13], $0x6200, $0x38;
	[tilespmem:$0x19780] =	vst v63  }
0x84: {  	_ =	swait.ge [sflag:s9], $0x6200  }
0x85: {  	[sflag:s9] =	ssyncset.done $0x0  }
0x86: {  	s15 =	simm.s32 $0x6200;
	s16 =	rddreg [dreg:$0x6];
	[sflag:s9] =	ssyncadd.s32 $0xFFFF9E00  }
0x87: {  	[tilespmem:s15], [sflag:$0x2] =	stream.linear.gather [hbm4b:s16+s13], $0x6200, $0x38;
	[tilespmem:$0x19780] =	vst v63  }
0x88: {  	_ =	swait.ge [sflag:s9], $0x6200  }
0x89: {  	[sflag:s9] =	ssyncset.done $0x0  }
0x8a: {  	[sflag:s9] =	ssyncadd.s32 $0xFFFF9E00  }
0x8b: {  	s15 =	simm.s32 $0x0;
	[bflag:$0x0] =	sbarrier.arrive $0xFFFF  }
0x8c: {  	[tilespmem:s11], [sflag:$0x1] =	stream.indirect.gather [hbm4b:s1+s10], $0x10, s15, s10, $0xb8;
	[tilespmem:$0x19780] =	vst v63  }
0x8d: {  	_ =	swait.ge [sflag:s12], $0x800  }
0x8e: {  	[sflag:s12] =	ssyncset.done $0x0  }
0x8f: {  	s16 =	simm.s32 $0x6200;
	[sflag:s12] =	ssyncadd.s32 $0xFFFFF800  }
0x90: {  	[spmem:s3] =	stream.indirect.scatter.add.f32 [tilespmem:s11], [sflag:$0x2], $0x10, s16, s10, $0xb8;
	[tilespmem:$0x19780] =	vst v63  }
0x91: {  	_ =	swait.ge [sflag:s9], $0x800  }
0x92: {  	s14 =	simm.s32 $0x400;
	s13 =	simm.s32 $0x200;
	[sflag:s9] =	ssyncset.done $0x0  }
.LBB2_4:
0x93: {  	s15 =	sshra.s32 s13, $0x2  }
0x94: {  	[sflag:s9] =	ssyncadd.s32 $0xFFFFF800;
	s13 =	smov.u32 s14;
	s16 =	sadd.s32 $0x200, s14  }
0x95: {  	[tilespmem:s11], [sflag:$0x1] =	stream.indirect.gather [hbm4b:s1+s10], $0x10, s15, s10, $0xb8;
	[tilespmem:$0x19780] =	vst v63  }
0x96: {  	p0 =	sne.s32 s14, $0x18600;
	_ =	swait.ge [sflag:s12], $0x800  }
.Ltmp1:
0x97: {  	[sflag:s12] =	ssyncset.done $0x0;
	(pc) =	sbr.rel @p0 .LBB2_4-.Ltmp1, $4  }
0x98: {  	s14 =	sadd.s32 $0x6200, s15;
	[sflag:s12] =	ssyncadd.s32 $0xFFFFF800  }
0x99: {  	[spmem:s3] =	stream.indirect.scatter.add.f32 [tilespmem:s11], [sflag:$0x2], $0x10, s14, s10, $0xb8;
	[tilespmem:$0x19780] =	vst v63  }
0x9a: {  	_ =	swait.ge [sflag:s9], $0x800  }
0x9b: {  	s14 =	smov.u32 s16;
	[sflag:s9] =	ssyncset.done $0x0  }
0x9c: {  	s13 =	sshra.s32 s13, $0x2;
	[sflag:s9] =	ssyncadd.s32 $0xFFFFF800  }
0x9d: {  	[tilespmem:s11], [sflag:$0x1] =	stream.indirect.gather [hbm4b:s1+s10], $0x10, s13, s10, $0xb8;
	[tilespmem:$0x19780] =	vst v63  }
0x9e: {  	_ =	swait.ge [sflag:s12], $0x800  }
0x9f: {  	[sflag:s12] =	ssyncset.done $0x0  }
0xa0: {  	s13 =	sadd.s32 $0x6200, s13;
	[sflag:s12] =	ssyncadd.s32 $0xFFFFF800  }
0xa1: {  	[spmem:s3] =	stream.indirect.scatter.add.f32 [tilespmem:s11], [sflag:$0x2], $0x10, s13, s10, $0xb8;
	[tilespmem:$0x19780] =	vst v63  }
0xa2: {  	_ =	swait.ge [sflag:s9], $0x800  }
0xa3: {  	[sflag:s9] =	ssyncset.done $0x0  }
0xa4: {  	s15 =	stileid.u32;
	[sflag:s9] =	ssyncadd.s32 $0xFFFFF800  }
0xa5: {  	s13 =	sshll.u32 s15, $0x6;
	[bflag:$0x0] =	sbarrier.arrive $0xFFFF  }
0xa6: {  	s13 =	sor.u32 $0x1C02, s13;
	s14 =	rddreg [dreg:$0x7]  }
0xa7: {  	[hbm:s14], [sflag:s13] =	dma.local [spmem:s25], $0x1870  }
0xa8: {  	_ =	swait.ge [sflag:s9], $0x1870  }
0xa9: {  	s4 =	sadd.s32 $0x1, s4;
	s16 =	rddreg [dreg:$0x8]  }
0xaa: {  	p0 =	sne.s32 s4, s16  }
.Ltmp2:
0xab: {  	_ = 	snop;
	(pc) =	sbr.rel @p0 .LBB2_1-.Ltmp2, $3  }
0xac: {  	_ =	sdelay $0x1  }
0xad: {  	[sflag:s9] =	ssyncset.done $0x0  }
0xae: {  	[sflag:s9] =	ssyncadd.s32 $0xFFFFE790  }
0xaf: {  	_ =	sfence.sel $0x180000  }
0xb0: {  	[bflag:$0x0] =	sbarrier.arrive $0xFFFF  }
0xb1: {  	_ =	strace $0x90000050  }
0xb2: {  	s0 =	stileid.u32;
	[bflag:$0x2] =	sbarrier.arrive $0xFFFF  }
0xb3: {  	p0 =	sne.s32 s0, $0x0;
	s0 =	rddreg [dreg:$0x3]  }
0xb4: {  	s0 =	sadd.s32 @!p0 $0x100000, s0  }
0xb5: {  	[sflag:s0] =	ssyncadd.tile.s32 @!p0 $0x1;
	_ =	shalt  }
.Lfunc_end2:
_tile_overlayer_lowered:
.L_overlay_start_2:
0xb6: {  	(tag) =	ssettag $0x2  }
0xb7: {  	s0 =	rddreg [dreg:$0x0];
	s2 =	stileid.u32  }
0xb8: {  	s1 =	rddreg [dreg:$0x1];
	p0 =	sne.s32 s2, $0x0  }
0xb9: {  	s3 =	rddreg [dreg:$0x2];
	[bflag:$0x3] =	sbarrier.arrive $0xFFFF;
	s2 =	simm.s32 @!p0 $0x1C02  }
0xba: {  	[timem:s3], [sflag:s2] =	dma.local @!p0 [hbm:s0], s1  }
0xbb: {  	s0 =	simm.s32 @!p0 $0x2  }
0xbc: {  	_ =	swait.ge @!p0 [sflag:s0], s1  }
0xbd: {  	s1 =	ssub.s32 @!p0 $0x0, s1;
	[sflag:s0] =	ssyncset.done @!p0 $0x0  }
0xbe: {  	[sflag:s0] =	ssyncadd.s32 @!p0 s1  }
0xbf: {  	[bflag:$0x3] =	sbarrier.arrive $0xFFFF  }
0xc0: {  	_ =	shalt  }

// kernel: kernel.37.cloned.1.call-start
scs
__scs_entry_jumppad:
0x0: {  	(pc) =	sbr.rel $0x88, $3  }
0x1: {  	(tag) =	ssettag $0x0;
	lr =	simm.s32 $0x1  }
0x2: {  	[smem:$0x3F9B] =	sst lr;
	_ =	strace $0xD0000000  }
0x3: {  	_ = 	snop  }
0x4: {  	_ = 	snop  }
0x5: {  	_ = 	snop  }
0x6: {  	_ = 	snop  }
0x7: {  	_ = 	snop  }
__scs_overlays_trampoline_lowered:
0x8: {  	[smem:$0x3FAA] =	sst s0  }
0x9: {  	[smem:$0x3FAB] =	sst s1  }
0xa: {  	[smem:$0x3FAC] =	sst s2  }
0xb: {  	[smem:$0x3FAD] =	sst s3  }
0xc: {  	[smem:$0x3FAE] =	sst s4  }
0xd: {  	[smem:$0x3FAF] =	sst s5  }
0xe: {  	[smem:$0x3FB0] =	sst s6  }
0xf: {  	[smem:$0x3FB1] =	sst s7  }
0x10: {  	[smem:$0x3FB2] =	sst s8  }
0x11: {  	[smem:$0x3FB3] =	sst s9;
	s0 =	simm.s32 @!p0 $0x0  }
0x12: {  	s1 =	sld [smem:$0x3F99];
	s0 =	simm.s32 @p0 $0x1  }
0x13: {  	[smem:$0x3FB4] =	sst s0;
	s0 =	simm.s32 @!p1 $0x0  }
0x14: {  	s2 =	sld [smem:$0x3F98];
	s0 =	simm.s32 @p1 $0x1  }
0x15: {  	[smem:$0x3FB5] =	sst s0;
	s0 =	simm.s32 @!p2 $0x0  }
0x16: {  	s3 =	sld [smem:$0x3FDB];
	s0 =	simm.s32 @p2 $0x1  }
0x17: {  	s4 =	simm.s32 $0x1BF5;
	[smem:$0x3FB7] =	sst s0  }
0x18: {  	s0 =	sld [smem:$0x3F9A];
	_ =	swait.ge [sflag:s4], $0x0  }
0x19: {  	s7 =	sld [smem:$0x3F9B]  }
0x1a: {  	s8 =	sadd.s32 $0xFFFFE003, lr  }
0x1b: {  	s9 =	sadd.s32 $0xFFFFFEF7, lr;
	s5 =	simm.s32 $0xFFFFFFFF;
	p2 =	slt.u32 s8, $0xFFFFF086  }
0x1c: {  	p1 =	slt.u32 s9, $0xF7A;
	s5 =	simm.s32 @!p2 $0x0  }
0x1d: {  	s5 =	simm.s32 @p1 $0x1;
	p0 =	seq.s32 s7, s2  }
0x1e: {  	s7 =	smul.u32 @!p0 $0xF7A, s2;
	p2 =	seq.s32 @!p0 s5, $0x0  }
0x1f: {  	s9 =	smul.u32 $0xF7A, s1;
	s8 =	simm.s32 @!p0 $0x1BF5;
	p2 =	por !p2, p0  }
0x20: {  	[sflag:s8] =	ssyncset.s32 @!p0 $0xFFFFF086;
	s6 =	sadd.s32 @!p0 s3, s7;
	s7 =	simm.s32 @!p0 $0x108  }
0x21: {  	s3 =	sadd.s32 s3, s9;
	s6 =	sadd.s32 @!p0 $0x88, s6;
	s7 =	simm.s32 @p2 $0x1082  }
0x22: {  	[simem:s7], [sflag:s8] =	dma.local @!p0 [hbm:s6], $0xF7A  }
0x23: {  	s9 =	sor.u32 $0xD0000000, s2;
	s6 =	simm.s32 $0x108;
	_ =	swait.ge @!p0 [sflag:s8], $0x0  }
0x24: {  	s3 =	sadd.s32 $0x88, s3;
	s6 =	simm.s32 @!p1 $0x1082;
	[sflag:s4] =	ssyncset.s32 $0xFFFFF086  }
0x25: {  	[simem:s6], [sflag:s4] =	dma.local [hbm:s3], $0xF7A  }
0x26: {  	[smem:$0x3F9B] =	sst s1;
	(tag) =	ssettag s2;
	_ =	strace s9  }
0x27: {  	s1 =	sld [smem:$0x3FAB]  }
0x28: {  	s2 =	sld [smem:$0x3FAC]  }
0x29: {  	s4 =	sld [smem:$0x3FAE]  }
0x2a: {  	p0 =	seq.s32 s5, $0x0;
	s5 =	sld [smem:$0x3FAF]  }
0x2b: {  	s6 =	sld [smem:$0x3FB0]  }
0x2c: {  	s7 =	sld [smem:$0x3FB1]  }
0x2d: {  	s3 =	simm.s32 $0x108;
	s8 =	sld [smem:$0x3FB2]  }
0x2e: {  	s3 =	simm.s32 @!p0 $0x1082;
	s9 =	sld [smem:$0x3FB3]  }
0x2f: {  	lr =	sadd.s32 s0, s3;
	s0 =	sld [smem:$0x3FAA]  }
0x30: {  	s3 =	sld [smem:$0x3FAD]  }
0x31: {  	[smem:$0x3FB6] =	sst s10  }
0x32: {  	s10 =	sld [smem:$0x3FB4];
	_ =	sdelay $0x3  }
0x33: {  	p0 =	seq.s32 s10, $0x1;
	s10 =	sld [smem:$0x3FB6];
	_ =	sdelay $0x3  }
0x34: {  	[smem:$0x3FB6] =	sst s10  }
0x35: {  	s10 =	sld [smem:$0x3FB5];
	_ =	sdelay $0x3  }
0x36: {  	p1 =	seq.s32 s10, $0x1;
	s10 =	sld [smem:$0x3FB6];
	_ =	sdelay $0x3  }
0x37: {  	[smem:$0x3FB6] =	sst s10  }
0x38: {  	s10 =	sld [smem:$0x3FB7]  }
0x39: {  	_ = 	snop;
	(pc) =	sbr.ind lr, $3  }
0x3a: {  	_ = 	snop  }
0x3b: {  	_ = 	snop  }
0x3c: {  	p2 =	seq.s32 s10, $0x1;
	s10 =	sld [smem:$0x3FB6]  }
0x3d: {  	_ =	shalt  }
0x3e: {  	_ =	shalt  }
0x3f: {  	_ =	shalt  }
0x40: {  	_ =	shalt  }
0x41: {  	_ =	shalt  }
0x42: {  	_ =	shalt  }
0x43: {  	_ =	shalt  }
0x44: {  	_ =	shalt  }
0x45: {  	_ =	shalt  }
0x46: {  	_ =	shalt  }
0x47: {  	_ =	shalt  }
0x48: {  	_ =	shalt  }
0x49: {  	_ =	shalt  }
0x4a: {  	_ =	shalt  }
0x4b: {  	_ =	shalt  }
0x4c: {  	_ =	shalt  }
0x4d: {  	_ =	shalt  }
0x4e: {  	_ =	shalt  }
0x4f: {  	_ =	shalt  }
0x50: {  	_ =	shalt  }
0x51: {  	_ =	shalt  }
0x52: {  	_ =	shalt  }
0x53: {  	_ =	shalt  }
0x54: {  	_ =	shalt  }
0x55: {  	_ =	shalt  }
0x56: {  	_ =	shalt  }
0x57: {  	_ =	shalt  }
0x58: {  	_ =	shalt  }
0x59: {  	_ =	shalt  }
0x5a: {  	_ =	shalt  }
0x5b: {  	_ =	shalt  }
0x5c: {  	_ =	shalt  }
0x5d: {  	_ =	shalt  }
0x5e: {  	_ =	shalt  }
0x5f: {  	_ =	shalt  }
0x60: {  	_ =	shalt  }
0x61: {  	_ =	shalt  }
0x62: {  	_ =	shalt  }
0x63: {  	_ =	shalt  }
0x64: {  	_ =	shalt  }
0x65: {  	_ =	shalt  }
0x66: {  	_ =	shalt  }
0x67: {  	_ =	shalt  }
0x68: {  	_ =	shalt  }
0x69: {  	_ =	shalt  }
0x6a: {  	_ =	shalt  }
0x6b: {  	_ =	shalt  }
0x6c: {  	_ =	shalt  }
0x6d: {  	_ =	shalt  }
0x6e: {  	_ =	shalt  }
0x6f: {  	_ =	shalt  }
0x70: {  	_ =	shalt  }
0x71: {  	_ =	shalt  }
0x72: {  	_ =	shalt  }
0x73: {  	_ =	shalt  }
0x74: {  	_ =	shalt  }
0x75: {  	_ =	shalt  }
0x76: {  	_ =	shalt  }
0x77: {  	_ =	shalt  }
0x78: {  	_ =	shalt  }
0x79: {  	_ =	shalt  }
0x7a: {  	_ =	shalt  }
0x7b: {  	_ =	shalt  }
0x7c: {  	_ =	shalt  }
0x7d: {  	_ =	shalt  }
0x7e: {  	_ =	shalt  }
0x7f: {  	_ =	shalt  }
0x80: {  	_ =	shalt  }
0x81: {  	_ =	shalt  }
0x82: {  	_ =	shalt  }
0x83: {  	_ =	shalt  }
0x84: {  	_ =	shalt  }
0x85: {  	_ =	shalt  }
0x86: {  	_ =	shalt  }
0x87: {  	_ =	shalt  }
.Lfunc_end0:
.L_simem_size_0:
called_computation.4_lowered:
.L_overlay_start_0:
0x88: {  	s2 =	sld [smem:$0x3FD9]  }
0x89: {  	s3 =	sld [smem:$0x3FFE];
	_ =	sdelay $0x1  }
0x8a: {  	s1 =	srdreg.scid  }
0x8b: {  	s0 =	sand.u32 $0x1, s1  }
0x8c: {  	s17 =	sshll.u32 s0, $0xA;
	s2 =	sadd.s32 s3, s2  }
0x8d: {  	s2 =	sadd.s32 s2, s17  }
0x8e: {  	[smem:$0x3FC2] =	sst s2  }
0x8f: {  	_ = 	snop  }
0x90: {  	s2 =	sld [smem:$0x3FD0];
	(tm) =	ssettm $0x1  }
0x91: {  	s18 =	sld [smem:$0x3FFB];
	_ =	sdelay $0x3  }
0x92: {  	_ =	strace s18  }
0x93: {  	s3 =	sld [smem:$0x3FFC];
	_ =	sdelay $0x3  }
0x94: {  	_ =	strace s3  }
0x95: {  	s3 =	sld [smem:$0x3FFD];
	_ =	sdelay $0x3  }
0x96: {  	_ =	strace s3  }
0x97: {  	_ =	strace $0x8FFFFFFF  }
0x98: {  	s19 =	sld [smem:$0x3FDB];
	_ =	sdelay $0x1  }
0x99: {  	s4 =	simm.s32 $_scs_section_size  }
0x9a: {  	s5 =	simm.s32 $_size__tile_overlayer_lowered;
	s6 =	simm.s32 $_tile_overlayer_lowered  }
0x9b: {  	s22 =	simm.s32 $0x1BFF;
	s21 =	sshll.u32 s6, $0x1;
	s3 =	sadd.s32 s4, s19  }
0x9c: {  	s7 =	simm.s32 $0x0;
	s20 =	sshll.u32 s5, $0x1;
	s5 =	sadd.s32 s21, s3  }
0x9d: {  	[timem:s7], [sflag:s22] =	dma.local [hbm:s5], s20  }
0x9e: {  	_ =	swait.ge [sflag:s22], s20  }
0x9f: {  	s4 =	ssub.s32 $0x0, s20;
	[sflag:s22] =	ssyncset.done $0x0  }
0xa0: {  	[sflag:s22] =	ssyncadd.s32 s4;
	_ =	sdelay $0x1  }
0xa1: {  	s23 =	simm.s32 $0x1B8B  }
0xa2: {  	_ =	swait.ge [sflag:s23], $0x1  }
0xa3: {  	[sflag:s23] =	ssyncset.done $0x0  }
0xa4: {  	s25 =	simm.s32 $0x1B8E;
	s24 =	sld [smem:$0x3FFE];
	[sflag:s23] =	ssyncadd.s32 $0xFFFFFFFF  }
0xa5: {  	s26 =	simm.s32 $execute0_lowered;
	[smem:$0x3FD2] =	sst s25  }
0xa6: {  	s5 =	sshll.u32 s26, $0x1;
	_ =	strace $0x80000052;
	[dreg:$0x1] =	wrdreg $0xFFFFFFFF  }
0xa7: {  	s28 =	simm.s32 $_size_execute0_lowered;
	s3 =	sadd.s32 s3, s5;
	[dreg:$0x0] =	wrdreg $0x0  }
0xa8: {  	s5 =	sshll.u32 s28, $0x1;
	[dreg:$0x2] =	wrdreg s3  }
0xa9: {  	[dreg:$0x3] =	wrdreg s5  }
0xaa: {  	[dreg:$0x4] =	wrdreg $0xC0  }
0xab: {  	_ =	task [dreg:s7], $0x5FFFF  }
0xac: {  	[dreg:$0x1] =	wrdreg $0xFFFFFFFF  }
0xad: {  	[dreg:$0x0] =	wrdreg $0x60  }
0xae: {  	[dreg:$0x2] =	wrdreg s2  }
0xaf: {  	[dreg:$0x3] =	wrdreg s24  }
0xb0: {  	[dreg:$0x4] =	wrdreg $0xD4000  }
0xb1: {  	[dreg:$0x5] =	wrdreg $0x9  }
0xb2: {  	_ =	task.clear_ibuf [dreg:s7], $0x6FFFF;
	_ =	strace $0x90000052  }
0xb3: {  	s29 =	simm.s32 $0x9;
	_ =	strace $0x80000054  }
0xb4: {  	_ =	swait.ge [sflag:s29], $0x1  }
0xb5: {  	[sflag:s29] =	ssyncadd.s32 $0xFFFFFFFF  }
0xb6: {  	_ =	strace $0x90000054  }
0xb7: {  	_ =	sfence  }
0xb8: {  	s30 =	sld [smem:$0x0];
	_ =	sdelay $0x2  }
0xb9: {  	s31 =	sshll.u32 s1, $0xD;
	s1 =	sshrl.u32 s1, $0x2  }
0xba: {  	s3 =	sand.u32 $0x4000, s31;
	s1 =	sadd.s32 s1, s30  }
0xbb: {  	s0 =	sor.u32 s3, s0;
	s1 =	sshll.u32 s1, $0x11  }
0xbc: {  	s0 =	sor.u32 s1, s0  }
0xbd: {  	s0 =	sadd.s32 $0x8F2B, s0  }
0xbe: {  	[sflag:s0] =	ssyncadd.remote.s32 $0x1  }
0xbf: {  	_ =	sfence.sel $0xFFFF  }
0xc0: {  	[dreg:$0x0] =	wrdreg $0xFFFFFFFF;
	(pc) =	sbr.abs _section_cstart, $3  }
0xc1: {  	[dreg:$0x1] =	wrdreg $0xFFFFFFFF  }
0xc2: {  	_ =	task.clear_ibuf [dreg:s7], $0x2FFFF;
	_ =	strace $0x9FFFFFFF  }
0xc3: {  	(tm) =	ssettm $0x7FFFFFFF  }
tec
execute0_lowered:
.L_overlay_start_1:
0x0: {  	(tag) =	ssettag $0x1  }
0x1: {  	s0 =	srdreg.scid;
	s1 =	rddreg [dreg:$0x0]  }
0x2: {  	s8 =	stileid.u32;
	s5 =	rddreg [dreg:$0x1]  }
0x3: {  	s3 =	rddreg [dreg:$0x2];
	s4 =	simm.s32 $0x0;
	s10 =	simm.s32 $0x80  }
0x4: {  	s11 =	simm.s32 $0xC400;
	s12 =	simm.s32 $0x1;
	s7 =	smul.u32 $0xC380, s8  }
0x5: {  	s0 =	sand.u32 $0x1, s0;
	s2 =	sshll.u32 s8, $0x1;
	s8 =	smul.u32 $0x30E00, s8  }
0x6: {  	[smem:$0x7FF] =	sst s4;
	s2 =	sor.u32 s0, s2;
	s6 =	smul.u32 $0xC3800, s0  }
0x7: {  	_ =	strace $0x80000053;
	s0 =	ssub.s32 $0x2, s0;
	s2 =	smul.u32 $0xC40, s2  }
0x8: {  	s9 =	sshrl.u32 s0, $0x1;
	s8 =	sshrl.u32 s8, $0x2;
	s16 =	sadd.s32 s7, s3  }
0x9: {  	s6 =	sadd.s32 s7, s6;
	s0 =	ssub.s32 s0, s9;
	s9 =	simm.s32 $0x2  }
0xa: {  	s2 =	sadd.s32 s2, s5;
	s6 =	sshrl.u32 s6, $0x3;
	s0 =	smax.u32 s0, $0x1  }
0xb: {  	s6 =	sadd.s32 s6, s5;
	s14 =	sadd.s32 $0x4D800, s2;
	[dreg:$0x8] =	wrdreg s0  }
0xc: {  	s5 =	sadd.s32 s8, s3;
	s2 =	sadd.s32 $0x4200, s2;
	[dreg:$0x5] =	wrdreg s14  }
0xd: {  	s8 =	sadd.s32 $0xC000, s5;
	[dreg:$0x6] =	wrdreg s2;
	s15 =	sadd.s32 $0x1CA00, s6  }
0xe: {  	s21 =	sadd.s32 $0x800, s5;
	s22 =	sadd.s32 $0x1000, s5;
	s23 =	sadd.s32 $0x1800, s5  }
0xf: {  	s24 =	sadd.s32 $0x2000, s5;
	s25 =	sadd.s32 $0x2800, s5;
	[dreg:$0x4] =	wrdreg s8  }
0x10: {  	s26 =	sadd.s32 $0x3000, s5;
	s17 =	sadd.s32 $0x3800, s5;
	[dreg:$0x7] =	wrdreg s15  }
0x11: {  	s18 =	sadd.s32 $0x4000, s5;
	s19 =	sadd.s32 $0x4800, s5;
	[dreg:$0x9] =	wrdreg s21  }
0x12: {  	s20 =	sadd.s32 $0x5000, s5;
	s28 =	sadd.s32 $0x8000, s5;
	[dreg:$0xa] =	wrdreg s22  }
0x13: {  	s29 =	sadd.s32 $0x8800, s5;
	s30 =	sadd.s32 $0x9000, s5;
	[dreg:$0xb] =	wrdreg s23  }
0x14: {  	s31 =	sadd.s32 $0x9800, s5;
	s2 =	sadd.s32 $0xA000, s5;
	[dreg:$0xc] =	wrdreg s24  }
0x15: {  	s0 =	sadd.s32 $0xA800, s5;
	s6 =	sadd.s32 $0xB000, s5;
	[dreg:$0xd] =	wrdreg s25  }
0x16: {  	s7 =	sadd.s32 $0xB800, s5;
	[dreg:$0xe] =	wrdreg s26;
	s21 =	sadd.s32 $0x5800, s5  }
0x17: {  	s22 =	sadd.s32 $0x6000, s5;
	s23 =	sadd.s32 $0x6800, s5;
	s24 =	sadd.s32 $0x7000, s5  }
0x18: {  	v0 =	vimm.f32 $0.0e+00;
	s25 =	sshrl.u32 s16, $0x3;
	s26 =	sadd.s32 $0x7800, s5;
	s8 =	simm.s32 $0xCC00  }
.LBB2_1:
0x19: {  	s13 =	simm.s32 $0x40;
	s14 =	simm.s32 $0x0  }
.LBB2_2:
0x1a: {  	p0 =	sne.s32 s13, $0x1FC0;
	[tilespmem:s14+$0xCC00] =	vst v0;
	s14 =	smov.u32 s13;
	s13 =	sadd.s32 $0x40, s13  }
.Ltmp0:
0x1b: {  	(pc) =	sbr.rel @p0 .LBB2_2-.Ltmp0, $2  }
0x1c: {  	_ =	sdelay $0x2  }
0x1d: {  	s14 =	sshra.s32 s14, $0x2  }
0x1e: {  	[tilespmem:s14+$0xCC00] =	vst v0  }
0x1f: {  	[spmem:s5] =	stream.linear.scatter [tilespmem:s8], [sflag:$0x2], $0x800, $0x38;
	[tilespmem:$0x19780] =	vst v63  }
0x20: {  	_ =	swait.ge [sflag:s9], $0x800  }
0x21: {  	[sflag:s9] =	ssyncset.done $0x0  }
0x22: {  	s13 =	rddreg [dreg:$0x9];
	[sflag:s9] =	ssyncadd.s32 $0xFFFFF800  }
0x23: {  	[spmem:s13] =	stream.linear.scatter [tilespmem:s8], [sflag:$0x2], $0x800, $0x38;
	[tilespmem:$0x19780] =	vst v63  }
0x24: {  	_ =	swait.ge [sflag:s9], $0x800  }
0x25: {  	[sflag:s9] =	ssyncset.done $0x0  }
0x26: {  	s15 =	rddreg [dreg:$0xa];
	[sflag:s9] =	ssyncadd.s32 $0xFFFFF800  }
0x27: {  	[spmem:s15] =	stream.linear.scatter [tilespmem:s8], [sflag:$0x2], $0x800, $0x38;
	[tilespmem:$0x19780] =	vst v63  }
0x28: {  	_ =	swait.ge [sflag:s9], $0x800  }
0x29: {  	[sflag:s9] =	ssyncset.done $0x0  }
0x2a: {  	s16 =	rddreg [dreg:$0xb];
	[sflag:s9] =	ssyncadd.s32 $0xFFFFF800  }
0x2b: {  	[spmem:s16] =	stream.linear.scatter [tilespmem:s8], [sflag:$0x2], $0x800, $0x38;
	[tilespmem:$0x19780] =	vst v63  }
0x2c: {  	_ =	swait.ge [sflag:s9], $0x800  }
0x2d: {  	[sflag:s9] =	ssyncset.done $0x0  }
0x2e: {  	s14 =	rddreg [dreg:$0xc];
	[sflag:s9] =	ssyncadd.s32 $0xFFFFF800  }
0x2f: {  	[spmem:s14] =	stream.linear.scatter [tilespmem:s8], [sflag:$0x2], $0x800, $0x38;
	[tilespmem:$0x19780] =	vst v63  }
0x30: {  	_ =	swait.ge [sflag:s9], $0x800  }
0x31: {  	[sflag:s9] =	ssyncset.done $0x0  }
0x32: {  	s15 =	rddreg [dreg:$0xd];
	[sflag:s9] =	ssyncadd.s32 $0xFFFFF800  }
0x33: {  	[spmem:s15] =	stream.linear.scatter [tilespmem:s8], [sflag:$0x2], $0x800, $0x38;
	[tilespmem:$0x19780] =	vst v63  }
0x34: {  	_ =	swait.ge [sflag:s9], $0x800  }
0x35: {  	[sflag:s9] =	ssyncset.done $0x0  }
0x36: {  	s16 =	rddreg [dreg:$0xe];
	[sflag:s9] =	ssyncadd.s32 $0xFFFFF800  }
0x37: {  	[spmem:s16] =	stream.linear.scatter [tilespmem:s8], [sflag:$0x2], $0x800, $0x38;
	[tilespmem:$0x19780] =	vst v63  }
0x38: {  	_ =	swait.ge [sflag:s9], $0x800  }
0x39: {  	[sflag:s9] =	ssyncset.done $0x0  }
0x3a: {  	[sflag:s9] =	ssyncadd.s32 $0xFFFFF800  }
0x3b: {  	[spmem:s17] =	stream.linear.scatter [tilespmem:s8], [sflag:$0x2], $0x800, $0x38;
	[tilespmem:$0x19780] =	vst v63  }
0x3c: {  	_ =	swait.ge [sflag:s9], $0x800  }
0x3d: {  	[sflag:s9] =	ssyncset.done $0x0  }
0x3e: {  	[sflag:s9] =	ssyncadd.s32 $0xFFFFF800  }
0x3f: {  	[spmem:s18] =	stream.linear.scatter [tilespmem:s8], [sflag:$0x2], $0x800, $0x38;
	[tilespmem:$0x19780] =	vst v63  }
0x40: {  	_ =	swait.ge [sflag:s9], $0x800  }
0x41: {  	[sflag:s9] =	ssyncset.done $0x0  }
0x42: {  	[sflag:s9] =	ssyncadd.s32 $0xFFFFF800  }
0x43: {  	[spmem:s19] =	stream.linear.scatter [tilespmem:s8], [sflag:$0x2], $0x800, $0x38;
	[tilespmem:$0x19780] =	vst v63  }
0x44: {  	_ =	swait.ge [sflag:s9], $0x800  }
0x45: {  	[sflag:s9] =	ssyncset.done $0x0  }
0x46: {  	[sflag:s9] =	ssyncadd.s32 $0xFFFFF800  }
0x47: {  	[spmem:s20] =	stream.linear.scatter [tilespmem:s8], [sflag:$0x2], $0x800, $0x38;
	[tilespmem:$0x19780] =	vst v63  }
0x48: {  	_ =	swait.ge [sflag:s9], $0x800  }
0x49: {  	[sflag:s9] =	ssyncset.done $0x0  }
0x4a: {  	[sflag:s9] =	ssyncadd.s32 $0xFFFFF800  }
0x4b: {  	[spmem:s21] =	stream.linear.scatter [tilespmem:s8], [sflag:$0x2], $0x800, $0x38;
	[tilespmem:$0x19780] =	vst v63  }
0x4c: {  	_ =	swait.ge [sflag:s9], $0x800  }
0x4d: {  	[sflag:s9] =	ssyncset.done $0x0  }
0x4e: {  	[sflag:s9] =	ssyncadd.s32 $0xFFFFF800  }
0x4f: {  	[spmem:s22] =	stream.linear.scatter [tilespmem:s8], [sflag:$0x2], $0x800, $0x38;
	[tilespmem:$0x19780] =	vst v63  }
0x50: {  	_ =	swait.ge [sflag:s9], $0x800  }
0x51: {  	[sflag:s9] =	ssyncset.done $0x0  }
0x52: {  	[sflag:s9] =	ssyncadd.s32 $0xFFFFF800  }
0x53: {  	[spmem:s23] =	stream.linear.scatter [tilespmem:s8], [sflag:$0x2], $0x800, $0x38;
	[tilespmem:$0x19780] =	vst v63  }
0x54: {  	_ =	swait.ge [sflag:s9], $0x800  }
0x55: {  	[sflag:s9] =	ssyncset.done $0x0  }
0x56: {  	[sflag:s9] =	ssyncadd.s32 $0xFFFFF800  }
0x57: {  	[spmem:s24] =	stream.linear.scatter [tilespmem:s8], [sflag:$0x2], $0x800, $0x38;
	[tilespmem:$0x19780] =	vst v63  }
0x58: {  	_ =	swait.ge [sflag:s9], $0x800  }
0x59: {  	[sflag:s9] =	ssyncset.done $0x0  }
0x5a: {  	[sflag:s9] =	ssyncadd.s32 $0xFFFFF800  }
0x5b: {  	[spmem:s26] =	stream.linear.scatter [tilespmem:s8], [sflag:$0x2], $0x800, $0x38;
	[tilespmem:$0x19780] =	vst v63  }
0x5c: {  	_ =	swait.ge [sflag:s9], $0x800  }
0x5d: {  	[sflag:s9] =	ssyncset.done $0x0  }
0x5e: {  	[sflag:s9] =	ssyncadd.s32 $0xFFFFF800  }
0x5f: {  	[spmem:s28] =	stream.linear.scatter [tilespmem:s8], [sflag:$0x2], $0x800, $0x38;
	[tilespmem:$0x19780] =	vst v63  }
0x60: {  	_ =	swait.ge [sflag:s9], $0x800  }
0x61: {  	[sflag:s9] =	ssyncset.done $0x0  }
0x62: {  	[sflag:s9] =	ssyncadd.s32 $0xFFFFF800  }
0x63: {  	[spmem:s29] =	stream.linear.scatter [tilespmem:s8], [sflag:$0x2], $0x800, $0x38;
	[tilespmem:$0x19780] =	vst v63  }
0x64: {  	_ =	swait.ge [sflag:s9], $0x800  }
0x65: {  	[sflag:s9] =	ssyncset.done $0x0  }
0x66: {  	[sflag:s9] =	ssyncadd.s32 $0xFFFFF800  }
0x67: {  	[spmem:s30] =	stream.linear.scatter [tilespmem:s8], [sflag:$0x2], $0x800, $0x38;
	[tilespmem:$0x19780] =	vst v63  }
0x68: {  	_ =	swait.ge [sflag:s9], $0x800  }
0x69: {  	[sflag:s9] =	ssyncset.done $0x0  }
0x6a: {  	[sflag:s9] =	ssyncadd.s32 $0xFFFFF800  }
0x6b: {  	[spmem:s31] =	stream.linear.scatter [tilespmem:s8], [sflag:$0x2], $0x800, $0x38;
	[tilespmem:$0x19780] =	vst v63  }
0x6c: {  	_ =	swait.ge [sflag:s9], $0x800  }
0x6d: {  	[sflag:s9] =	ssyncset.done $0x0  }
0x6e: {  	[sflag:s9] =	ssyncadd.s32 $0xFFFFF800  }
0x6f: {  	[spmem:s2] =	stream.linear.scatter [tilespmem:s8], [sflag:$0x2], $0x800, $0x38;
	[tilespmem:$0x19780] =	vst v63  }
0x70: {  	_ =	swait.ge [sflag:s9], $0x800  }
0x71: {  	[sflag:s9] =	ssyncset.done $0x0  }
0x72: {  	[sflag:s9] =	ssyncadd.s32 $0xFFFFF800  }
0x73: {  	[spmem:s0] =	stream.linear.scatter [tilespmem:s8], [sflag:$0x2], $0x800, $0x38;
	[tilespmem:$0x19780] =	vst v63  }
0x74: {  	_ =	swait.ge [sflag:s9], $0x800  }
0x75: {  	[sflag:s9] =	ssyncset.done $0x0  }
0x76: {  	[sflag:s9] =	ssyncadd.s32 $0xFFFFF800  }
0x77: {  	[spmem:s6] =	stream.linear.scatter [tilespmem:s8], [sflag:$0x2], $0x800, $0x38;
	[tilespmem:$0x19780] =	vst v63  }
0x78: {  	_ =	swait.ge [sflag:s9], $0x800  }
0x79: {  	[sflag:s9] =	ssyncset.done $0x0  }
0x7a: {  	[sflag:s9] =	ssyncadd.s32 $0xFFFFF800  }
0x7b: {  	[spmem:s7] =	stream.linear.scatter [tilespmem:s8], [sflag:$0x2], $0x800, $0x38;
	[tilespmem:$0x19780] =	vst v63  }
0x7c: {  	_ =	swait.ge [sflag:s9], $0x800  }
0x7d: {  	[sflag:s9] =	ssyncset.done $0x0  }
0x7e: {  	s14 =	rddreg [dreg:$0x4];
	[sflag:s9] =	ssyncadd.s32 $0xFFFFF800  }
0x7f: {  	[spmem:s14] =	stream.linear.scatter [tilespmem:s8], [sflag:$0x2], $0x380, $0x38;
	[tilespmem:$0x19780] =	vst v63  }
0x80: {  	_ =	swait.ge [sflag:s9], $0x380  }
0x81: {  	[sflag:s9] =	ssyncset.done $0x0  }
0x82: {  	s13 =	simm.s32 $0x0;
	s15 =	rddreg [dreg:$0x5];
	[sflag:s9] =	ssyncadd.s32 $0xFFFFFC80  }
0x83: {  	[tilespmem:s13], [sflag:$0x2] =	stream.linear.gather [hbm4b:s15+s13], $0x6200, $0x38;
	[tilespmem:$0x19780] =	vst v63  }
0x84: {  	_ =	swait.ge [sflag:s9], $0x6200  }
0x85: {  	[sflag:s9] =	ssyncset.done $0x0  }
0x86: {  	s15 =	simm.s32 $0x6200;
	s16 =	rddreg [dreg:$0x6];
	[sflag:s9] =	ssyncadd.s32 $0xFFFF9E00  }
0x87: {  	[tilespmem:s15], [sflag:$0x2] =	stream.linear.gather [hbm4b:s16+s13], $0x6200, $0x38;
	[tilespmem:$0x19780] =	vst v63  }
0x88: {  	_ =	swait.ge [sflag:s9], $0x6200  }
0x89: {  	[sflag:s9] =	ssyncset.done $0x0  }
0x8a: {  	[sflag:s9] =	ssyncadd.s32 $0xFFFF9E00  }
0x8b: {  	s15 =	simm.s32 $0x0;
	[bflag:$0x0] =	sbarrier.arrive $0xFFFF  }
0x8c: {  	[tilespmem:s11], [sflag:$0x1] =	stream.indirect.gather [hbm4b:s1+s10], $0x10, s15, s10, $0xb8;
	[tilespmem:$0x19780] =	vst v63  }
0x8d: {  	_ =	swait.ge [sflag:s12], $0x800  }
0x8e: {  	[sflag:s12] =	ssyncset.done $0x0  }
0x8f: {  	s16 =	simm.s32 $0x6200;
	[sflag:s12] =	ssyncadd.s32 $0xFFFFF800  }
0x90: {  	[spmem:s3] =	stream.indirect.scatter.add.f32 [tilespmem:s11], [sflag:$0x2], $0x10, s16, s10, $0xb8;
	[tilespmem:$0x19780] =	vst v63  }
0x91: {  	_ =	swait.ge [sflag:s9], $0x800  }
0x92: {  	s14 =	simm.s32 $0x400;
	s13 =	simm.s32 $0x200;
	[sflag:s9] =	ssyncset.done $0x0  }
.LBB2_4:
0x93: {  	s15 =	sshra.s32 s13, $0x2  }
0x94: {  	[sflag:s9] =	ssyncadd.s32 $0xFFFFF800;
	s13 =	smov.u32 s14;
	s16 =	sadd.s32 $0x200, s14  }
0x95: {  	[tilespmem:s11], [sflag:$0x1] =	stream.indirect.gather [hbm4b:s1+s10], $0x10, s15, s10, $0xb8;
	[tilespmem:$0x19780] =	vst v63  }
0x96: {  	p0 =	sne.s32 s14, $0x18600;
	_ =	swait.ge [sflag:s12], $0x800  }
.Ltmp1:
0x97: {  	[sflag:s12] =	ssyncset.done $0x0;
	(pc) =	sbr.rel @p0 .LBB2_4-.Ltmp1, $4  }
0x98: {  	s14 =	sadd.s32 $0x6200, s15;
	[sflag:s12] =	ssyncadd.s32 $0xFFFFF800  }
0x99: {  	[spmem:s3] =	stream.indirect.scatter.add.f32 [tilespmem:s11], [sflag:$0x2], $0x10, s14, s10, $0xb8;
	[tilespmem:$0x19780] =	vst v63  }
0x9a: {  	_ =	swait.ge [sflag:s9], $0x800  }
0x9b: {  	s14 =	smov.u32 s16;
	[sflag:s9] =	ssyncset.done $0x0  }
0x9c: {  	s13 =	sshra.s32 s13, $0x2;
	[sflag:s9] =	ssyncadd.s32 $0xFFFFF800  }
0x9d: {  	[tilespmem:s11], [sflag:$0x1] =	stream.indirect.gather [hbm4b:s1+s10], $0x10, s13, s10, $0xb8;
	[tilespmem:$0x19780] =	vst v63  }
0x9e: {  	_ =	swait.ge [sflag:s12], $0x800  }
0x9f: {  	[sflag:s12] =	ssyncset.done $0x0  }
0xa0: {  	s13 =	sadd.s32 $0x6200, s13;
	[sflag:s12] =	ssyncadd.s32 $0xFFFFF800  }
0xa1: {  	[spmem:s3] =	stream.indirect.scatter.add.f32 [tilespmem:s11], [sflag:$0x2], $0x10, s13, s10, $0xb8;
	[tilespmem:$0x19780] =	vst v63  }
0xa2: {  	_ =	swait.ge [sflag:s9], $0x800  }
0xa3: {  	[sflag:s9] =	ssyncset.done $0x0  }
0xa4: {  	s15 =	stileid.u32;
	[sflag:s9] =	ssyncadd.s32 $0xFFFFF800  }
0xa5: {  	s13 =	sshll.u32 s15, $0x6;
	[bflag:$0x0] =	sbarrier.arrive $0xFFFF  }
0xa6: {  	s13 =	sor.u32 $0x1C02, s13;
	s14 =	rddreg [dreg:$0x7]  }
0xa7: {  	[hbm:s14], [sflag:s13] =	dma.local [spmem:s25], $0x1870  }
0xa8: {  	_ =	swait.ge [sflag:s9], $0x1870  }
0xa9: {  	s4 =	sadd.s32 $0x1, s4;
	s16 =	rddreg [dreg:$0x8]  }
0xaa: {  	p0 =	sne.s32 s4, s16  }
.Ltmp2:
0xab: {  	_ = 	snop;
	(pc) =	sbr.rel @p0 .LBB2_1-.Ltmp2, $3  }
0xac: {  	_ =	sdelay $0x1  }
0xad: {  	[sflag:s9] =	ssyncset.done $0x0  }
0xae: {  	[sflag:s9] =	ssyncadd.s32 $0xFFFFE790  }
0xaf: {  	_ =	sfence.sel $0x180000  }
0xb0: {  	[bflag:$0x0] =	sbarrier.arrive $0xFFFF  }
0xb1: {  	_ =	strace $0x90000053  }
0xb2: {  	s0 =	stileid.u32;
	[bflag:$0x2] =	sbarrier.arrive $0xFFFF  }
0xb3: {  	p0 =	sne.s32 s0, $0x0;
	s0 =	rddreg [dreg:$0x3]  }
0xb4: {  	s0 =	sadd.s32 @!p0 $0x100000, s0  }
0xb5: {  	[sflag:s0] =	ssyncadd.tile.s32 @!p0 $0x1;
	_ =	shalt  }
.Lfunc_end2:
_tile_overlayer_lowered:
.L_overlay_start_2:
0xb6: {  	(tag) =	ssettag $0x2  }
0xb7: {  	s0 =	rddreg [dreg:$0x0];
	s2 =	stileid.u32  }
0xb8: {  	s1 =	rddreg [dreg:$0x1];
	p0 =	sne.s32 s2, $0x0  }
0xb9: {  	s3 =	rddreg [dreg:$0x2];
	[bflag:$0x3] =	sbarrier.arrive $0xFFFF;
	s2 =	simm.s32 @!p0 $0x1C02  }
0xba: {  	[timem:s3], [sflag:s2] =	dma.local @!p0 [hbm:s0], s1  }
0xbb: {  	s0 =	simm.s32 @!p0 $0x2  }
0xbc: {  	_ =	swait.ge @!p0 [sflag:s0], s1  }
0xbd: {  	s1 =	ssub.s32 @!p0 $0x0, s1;
	[sflag:s0] =	ssyncset.done @!p0 $0x0  }
0xbe: {  	[sflag:s0] =	ssyncadd.s32 @!p0 s1  }
0xbf: {  	[bflag:$0x3] =	sbarrier.arrive $0xFFFF  }
0xc0: {  	_ =	shalt  }

// kernel: kernel.40.cloned.1.call-start
scs
__scs_entry_jumppad:
0x0: {  	(pc) =	sbr.rel $0x88, $3  }
0x1: {  	(tag) =	ssettag $0x0;
	lr =	simm.s32 $0x1  }
0x2: {  	[smem:$0x3F9B] =	sst lr;
	_ =	strace $0xD0000000  }
0x3: {  	_ = 	snop  }
0x4: {  	_ = 	snop  }
0x5: {  	_ = 	snop  }
0x6: {  	_ = 	snop  }
0x7: {  	_ = 	snop  }
__scs_overlays_trampoline_lowered:
0x8: {  	[smem:$0x3FAA] =	sst s0  }
0x9: {  	[smem:$0x3FAB] =	sst s1  }
0xa: {  	[smem:$0x3FAC] =	sst s2  }
0xb: {  	[smem:$0x3FAD] =	sst s3  }
0xc: {  	[smem:$0x3FAE] =	sst s4  }
0xd: {  	[smem:$0x3FAF] =	sst s5  }
0xe: {  	[smem:$0x3FB0] =	sst s6  }
0xf: {  	[smem:$0x3FB1] =	sst s7  }
0x10: {  	[smem:$0x3FB2] =	sst s8  }
0x11: {  	[smem:$0x3FB3] =	sst s9;
	s0 =	simm.s32 @!p0 $0x0  }
0x12: {  	s1 =	sld [smem:$0x3F99];
	s0 =	simm.s32 @p0 $0x1  }
0x13: {  	[smem:$0x3FB4] =	sst s0;
	s0 =	simm.s32 @!p1 $0x0  }
0x14: {  	s2 =	sld [smem:$0x3F98];
	s0 =	simm.s32 @p1 $0x1  }
0x15: {  	[smem:$0x3FB5] =	sst s0;
	s0 =	simm.s32 @!p2 $0x0  }
0x16: {  	s3 =	sld [smem:$0x3FDB];
	s0 =	simm.s32 @p2 $0x1  }
0x17: {  	s4 =	simm.s32 $0x1BF5;
	[smem:$0x3FB7] =	sst s0  }
0x18: {  	s0 =	sld [smem:$0x3F9A];
	_ =	swait.ge [sflag:s4], $0x0  }
0x19: {  	s7 =	sld [smem:$0x3F9B]  }
0x1a: {  	s8 =	sadd.s32 $0xFFFFE003, lr  }
0x1b: {  	s9 =	sadd.s32 $0xFFFFFEF7, lr;
	s5 =	simm.s32 $0xFFFFFFFF;
	p2 =	slt.u32 s8, $0xFFFFF086  }
0x1c: {  	p1 =	slt.u32 s9, $0xF7A;
	s5 =	simm.s32 @!p2 $0x0  }
0x1d: {  	s5 =	simm.s32 @p1 $0x1;
	p0 =	seq.s32 s7, s2  }
0x1e: {  	s7 =	smul.u32 @!p0 $0xF7A, s2;
	p2 =	seq.s32 @!p0 s5, $0x0  }
0x1f: {  	s9 =	smul.u32 $0xF7A, s1;
	s8 =	simm.s32 @!p0 $0x1BF5;
	p2 =	por !p2, p0  }
0x20: {  	[sflag:s8] =	ssyncset.s32 @!p0 $0xFFFFF086;
	s6 =	sadd.s32 @!p0 s3, s7;
	s7 =	simm.s32 @!p0 $0x108  }
0x21: {  	s3 =	sadd.s32 s3, s9;
	s6 =	sadd.s32 @!p0 $0x88, s6;
	s7 =	simm.s32 @p2 $0x1082  }
0x22: {  	[simem:s7], [sflag:s8] =	dma.local @!p0 [hbm:s6], $0xF7A  }
0x23: {  	s9 =	sor.u32 $0xD0000000, s2;
	s6 =	simm.s32 $0x108;
	_ =	swait.ge @!p0 [sflag:s8], $0x0  }
0x24: {  	s3 =	sadd.s32 $0x88, s3;
	s6 =	simm.s32 @!p1 $0x1082;
	[sflag:s4] =	ssyncset.s32 $0xFFFFF086  }
0x25: {  	[simem:s6], [sflag:s4] =	dma.local [hbm:s3], $0xF7A  }
0x26: {  	[smem:$0x3F9B] =	sst s1;
	(tag) =	ssettag s2;
	_ =	strace s9  }
0x27: {  	s1 =	sld [smem:$0x3FAB]  }
0x28: {  	s2 =	sld [smem:$0x3FAC]  }
0x29: {  	s4 =	sld [smem:$0x3FAE]  }
0x2a: {  	p0 =	seq.s32 s5, $0x0;
	s5 =	sld [smem:$0x3FAF]  }
0x2b: {  	s6 =	sld [smem:$0x3FB0]  }
0x2c: {  	s7 =	sld [smem:$0x3FB1]  }
0x2d: {  	s3 =	simm.s32 $0x108;
	s8 =	sld [smem:$0x3FB2]  }
0x2e: {  	s3 =	simm.s32 @!p0 $0x1082;
	s9 =	sld [smem:$0x3FB3]  }
0x2f: {  	lr =	sadd.s32 s0, s3;
	s0 =	sld [smem:$0x3FAA]  }
0x30: {  	s3 =	sld [smem:$0x3FAD]  }
0x31: {  	[smem:$0x3FB6] =	sst s10  }
0x32: {  	s10 =	sld [smem:$0x3FB4];
	_ =	sdelay $0x3  }
0x33: {  	p0 =	seq.s32 s10, $0x1;
	s10 =	sld [smem:$0x3FB6];
	_ =	sdelay $0x3  }
0x34: {  	[smem:$0x3FB6] =	sst s10  }
0x35: {  	s10 =	sld [smem:$0x3FB5];
	_ =	sdelay $0x3  }
0x36: {  	p1 =	seq.s32 s10, $0x1;
	s10 =	sld [smem:$0x3FB6];
	_ =	sdelay $0x3  }
0x37: {  	[smem:$0x3FB6] =	sst s10  }
0x38: {  	s10 =	sld [smem:$0x3FB7]  }
0x39: {  	_ = 	snop;
	(pc) =	sbr.ind lr, $3  }
0x3a: {  	_ = 	snop  }
0x3b: {  	_ = 	snop  }
0x3c: {  	p2 =	seq.s32 s10, $0x1;
	s10 =	sld [smem:$0x3FB6]  }
0x3d: {  	_ =	shalt  }
0x3e: {  	_ =	shalt  }
0x3f: {  	_ =	shalt  }
0x40: {  	_ =	shalt  }
0x41: {  	_ =	shalt  }
0x42: {  	_ =	shalt  }
0x43: {  	_ =	shalt  }
0x44: {  	_ =	shalt  }
0x45: {  	_ =	shalt  }
0x46: {  	_ =	shalt  }
0x47: {  	_ =	shalt  }
0x48: {  	_ =	shalt  }
0x49: {  	_ =	shalt  }
0x4a: {  	_ =	shalt  }
0x4b: {  	_ =	shalt  }
0x4c: {  	_ =	shalt  }
0x4d: {  	_ =	shalt  }
0x4e: {  	_ =	shalt  }
0x4f: {  	_ =	shalt  }
0x50: {  	_ =	shalt  }
0x51: {  	_ =	shalt  }
0x52: {  	_ =	shalt  }
0x53: {  	_ =	shalt  }
0x54: {  	_ =	shalt  }
0x55: {  	_ =	shalt  }
0x56: {  	_ =	shalt  }
0x57: {  	_ =	shalt  }
0x58: {  	_ =	shalt  }
0x59: {  	_ =	shalt  }
0x5a: {  	_ =	shalt  }
0x5b: {  	_ =	shalt  }
0x5c: {  	_ =	shalt  }
0x5d: {  	_ =	shalt  }
0x5e: {  	_ =	shalt  }
0x5f: {  	_ =	shalt  }
0x60: {  	_ =	shalt  }
0x61: {  	_ =	shalt  }
0x62: {  	_ =	shalt  }
0x63: {  	_ =	shalt  }
0x64: {  	_ =	shalt  }
0x65: {  	_ =	shalt  }
0x66: {  	_ =	shalt  }
0x67: {  	_ =	shalt  }
0x68: {  	_ =	shalt  }
0x69: {  	_ =	shalt  }
0x6a: {  	_ =	shalt  }
0x6b: {  	_ =	shalt  }
0x6c: {  	_ =	shalt  }
0x6d: {  	_ =	shalt  }
0x6e: {  	_ =	shalt  }
0x6f: {  	_ =	shalt  }
0x70: {  	_ =	shalt  }
0x71: {  	_ =	shalt  }
0x72: {  	_ =	shalt  }
0x73: {  	_ =	shalt  }
0x74: {  	_ =	shalt  }
0x75: {  	_ =	shalt  }
0x76: {  	_ =	shalt  }
0x77: {  	_ =	shalt  }
0x78: {  	_ =	shalt  }
0x79: {  	_ =	shalt  }
0x7a: {  	_ =	shalt  }
0x7b: {  	_ =	shalt  }
0x7c: {  	_ =	shalt  }
0x7d: {  	_ =	shalt  }
0x7e: {  	_ =	shalt  }
0x7f: {  	_ =	shalt  }
0x80: {  	_ =	shalt  }
0x81: {  	_ =	shalt  }
0x82: {  	_ =	shalt  }
0x83: {  	_ =	shalt  }
0x84: {  	_ =	shalt  }
0x85: {  	_ =	shalt  }
0x86: {  	_ =	shalt  }
0x87: {  	_ =	shalt  }
.Lfunc_end0:
.L_simem_size_0:
called_computation.5_lowered:
.L_overlay_start_0:
0x88: {  	s2 =	sld [smem:$0x3FD9]  }
0x89: {  	s3 =	sld [smem:$0x3FFE];
	_ =	sdelay $0x1  }
0x8a: {  	s1 =	srdreg.scid  }
0x8b: {  	s0 =	sand.u32 $0x1, s1  }
0x8c: {  	s17 =	sshll.u32 s0, $0xA;
	s2 =	sadd.s32 s3, s2  }
0x8d: {  	s2 =	sadd.s32 s2, s17  }
0x8e: {  	[smem:$0x3FC2] =	sst s2  }
0x8f: {  	_ = 	snop  }
0x90: {  	s2 =	sld [smem:$0x3FD0];
	(tm) =	ssettm $0x1  }
0x91: {  	s18 =	sld [smem:$0x3FFB];
	_ =	sdelay $0x3  }
0x92: {  	_ =	strace s18  }
0x93: {  	s3 =	sld [smem:$0x3FFC];
	_ =	sdelay $0x3  }
0x94: {  	_ =	strace s3  }
0x95: {  	s3 =	sld [smem:$0x3FFD];
	_ =	sdelay $0x3  }
0x96: {  	_ =	strace s3  }
0x97: {  	_ =	strace $0x8FFFFFFF  }
0x98: {  	s19 =	sld [smem:$0x3FDB];
	_ =	sdelay $0x1  }
0x99: {  	s4 =	simm.s32 $_scs_section_size  }
0x9a: {  	s5 =	simm.s32 $_size__tile_overlayer_lowered;
	s6 =	simm.s32 $_tile_overlayer_lowered  }
0x9b: {  	s22 =	simm.s32 $0x1BFF;
	s21 =	sshll.u32 s6, $0x1;
	s3 =	sadd.s32 s4, s19  }
0x9c: {  	s7 =	simm.s32 $0x0;
	s20 =	sshll.u32 s5, $0x1;
	s5 =	sadd.s32 s21, s3  }
0x9d: {  	[timem:s7], [sflag:s22] =	dma.local [hbm:s5], s20  }
0x9e: {  	_ =	swait.ge [sflag:s22], s20  }
0x9f: {  	s4 =	ssub.s32 $0x0, s20;
	[sflag:s22] =	ssyncset.done $0x0  }
0xa0: {  	[sflag:s22] =	ssyncadd.s32 s4;
	_ =	sdelay $0x1  }
0xa1: {  	s23 =	simm.s32 $0x1B8B  }
0xa2: {  	_ =	swait.ge [sflag:s23], $0x1  }
0xa3: {  	[sflag:s23] =	ssyncset.done $0x0  }
0xa4: {  	s25 =	simm.s32 $0x1B8E;
	s24 =	sld [smem:$0x3FFE];
	[sflag:s23] =	ssyncadd.s32 $0xFFFFFFFF  }
0xa5: {  	s26 =	simm.s32 $execute0_lowered;
	[smem:$0x3FD2] =	sst s25  }
0xa6: {  	s5 =	sshll.u32 s26, $0x1;
	_ =	strace $0x80000055;
	[dreg:$0x1] =	wrdreg $0xFFFFFFFF  }
0xa7: {  	s28 =	simm.s32 $_size_execute0_lowered;
	s3 =	sadd.s32 s3, s5;
	[dreg:$0x0] =	wrdreg $0x0  }
0xa8: {  	s5 =	sshll.u32 s28, $0x1;
	[dreg:$0x2] =	wrdreg s3  }
0xa9: {  	[dreg:$0x3] =	wrdreg s5  }
0xaa: {  	[dreg:$0x4] =	wrdreg $0xC0  }
0xab: {  	_ =	task [dreg:s7], $0x5FFFF  }
0xac: {  	[dreg:$0x1] =	wrdreg $0xFFFFFFFF  }
0xad: {  	[dreg:$0x0] =	wrdreg $0x60  }
0xae: {  	[dreg:$0x2] =	wrdreg s2  }
0xaf: {  	[dreg:$0x3] =	wrdreg s24  }
0xb0: {  	[dreg:$0x4] =	wrdreg $0xD4000  }
0xb1: {  	[dreg:$0x5] =	wrdreg $0x9  }
0xb2: {  	_ =	task.clear_ibuf [dreg:s7], $0x6FFFF;
	_ =	strace $0x90000055  }
0xb3: {  	s29 =	simm.s32 $0x9;
	_ =	strace $0x80000057  }
0xb4: {  	_ =	swait.ge [sflag:s29], $0x1  }
0xb5: {  	[sflag:s29] =	ssyncadd.s32 $0xFFFFFFFF  }
0xb6: {  	_ =	strace $0x90000057  }
0xb7: {  	_ =	sfence  }
0xb8: {  	s30 =	sld [smem:$0x0];
	_ =	sdelay $0x2  }
0xb9: {  	s31 =	sshll.u32 s1, $0xD;
	s1 =	sshrl.u32 s1, $0x2  }
0xba: {  	s3 =	sand.u32 $0x4000, s31;
	s1 =	sadd.s32 s1, s30  }
0xbb: {  	s0 =	sor.u32 s3, s0;
	s1 =	sshll.u32 s1, $0x11  }
0xbc: {  	s0 =	sor.u32 s1, s0  }
0xbd: {  	s0 =	sadd.s32 $0x8F2B, s0  }
0xbe: {  	[sflag:s0] =	ssyncadd.remote.s32 $0x1  }
0xbf: {  	_ =	sfence.sel $0xFFFF  }
0xc0: {  	[dreg:$0x0] =	wrdreg $0xFFFFFFFF;
	(pc) =	sbr.abs _section_cstart, $3  }
0xc1: {  	[dreg:$0x1] =	wrdreg $0xFFFFFFFF  }
0xc2: {  	_ =	task.clear_ibuf [dreg:s7], $0x2FFFF;
	_ =	strace $0x9FFFFFFF  }
0xc3: {  	(tm) =	ssettm $0x7FFFFFFF  }
tec
execute0_lowered:
.L_overlay_start_1:
0x0: {  	(tag) =	ssettag $0x1  }
0x1: {  	s0 =	srdreg.scid;
	s1 =	rddreg [dreg:$0x0]  }
0x2: {  	s8 =	stileid.u32;
	s5 =	rddreg [dreg:$0x1]  }
0x3: {  	s3 =	rddreg [dreg:$0x2];
	s4 =	simm.s32 $0x0;
	s10 =	simm.s32 $0x80  }
0x4: {  	s11 =	simm.s32 $0xC400;
	s12 =	simm.s32 $0x1;
	s7 =	smul.u32 $0xC380, s8  }
0x5: {  	s0 =	sand.u32 $0x1, s0;
	s2 =	sshll.u32 s8, $0x1;
	s8 =	smul.u32 $0x30E00, s8  }
0x6: {  	[smem:$0x7FF] =	sst s4;
	s2 =	sor.u32 s0, s2;
	s6 =	smul.u32 $0xC3800, s0  }
0x7: {  	_ =	strace $0x80000056;
	s0 =	ssub.s32 $0x2, s0;
	s2 =	smul.u32 $0xC40, s2  }
0x8: {  	s9 =	sshrl.u32 s0, $0x1;
	s8 =	sshrl.u32 s8, $0x2;
	s16 =	sadd.s32 s7, s3  }
0x9: {  	s6 =	sadd.s32 s7, s6;
	s0 =	ssub.s32 s0, s9;
	s9 =	simm.s32 $0x2  }
0xa: {  	s2 =	sadd.s32 s2, s5;
	s6 =	sshrl.u32 s6, $0x3;
	s0 =	smax.u32 s0, $0x1  }
0xb: {  	s6 =	sadd.s32 s6, s5;
	s14 =	sadd.s32 $0x4D800, s2;
	[dreg:$0x8] =	wrdreg s0  }
0xc: {  	s5 =	sadd.s32 s8, s3;
	s2 =	sadd.s32 $0x4200, s2;
	[dreg:$0x5] =	wrdreg s14  }
0xd: {  	s8 =	sadd.s32 $0xC000, s5;
	[dreg:$0x6] =	wrdreg s2;
	s15 =	sadd.s32 $0x1CA00, s6  }
0xe: {  	s21 =	sadd.s32 $0x800, s5;
	s22 =	sadd.s32 $0x1000, s5;
	s23 =	sadd.s32 $0x1800, s5  }
0xf: {  	s24 =	sadd.s32 $0x2000, s5;
	s25 =	sadd.s32 $0x2800, s5;
	[dreg:$0x4] =	wrdreg s8  }
0x10: {  	s26 =	sadd.s32 $0x3000, s5;
	s17 =	sadd.s32 $0x3800, s5;
	[dreg:$0x7] =	wrdreg s15  }
0x11: {  	s18 =	sadd.s32 $0x4000, s5;
	s19 =	sadd.s32 $0x4800, s5;
	[dreg:$0x9] =	wrdreg s21  }
0x12: {  	s20 =	sadd.s32 $0x5000, s5;
	s28 =	sadd.s32 $0x8000, s5;
	[dreg:$0xa] =	wrdreg s22  }
0x13: {  	s29 =	sadd.s32 $0x8800, s5;
	s30 =	sadd.s32 $0x9000, s5;
	[dreg:$0xb] =	wrdreg s23  }
0x14: {  	s31 =	sadd.s32 $0x9800, s5;
	s2 =	sadd.s32 $0xA000, s5;
	[dreg:$0xc] =	wrdreg s24  }
0x15: {  	s0 =	sadd.s32 $0xA800, s5;
	s6 =	sadd.s32 $0xB000, s5;
	[dreg:$0xd] =	wrdreg s25  }
0x16: {  	s7 =	sadd.s32 $0xB800, s5;
	[dreg:$0xe] =	wrdreg s26;
	s21 =	sadd.s32 $0x5800, s5  }
0x17: {  	s22 =	sadd.s32 $0x6000, s5;
	s23 =	sadd.s32 $0x6800, s5;
	s24 =	sadd.s32 $0x7000, s5  }
0x18: {  	v0 =	vimm.f32 $0.0e+00;
	s25 =	sshrl.u32 s16, $0x3;
	s26 =	sadd.s32 $0x7800, s5;
	s8 =	simm.s32 $0xCC00  }
.LBB2_1:
0x19: {  	s13 =	simm.s32 $0x40;
	s14 =	simm.s32 $0x0  }
.LBB2_2:
0x1a: {  	p0 =	sne.s32 s13, $0x1FC0;
	[tilespmem:s14+$0xCC00] =	vst v0;
	s14 =	smov.u32 s13;
	s13 =	sadd.s32 $0x40, s13  }
.Ltmp0:
0x1b: {  	(pc) =	sbr.rel @p0 .LBB2_2-.Ltmp0, $2  }
0x1c: {  	_ =	sdelay $0x2  }
0x1d: {  	s14 =	sshra.s32 s14, $0x2  }
0x1e: {  	[tilespmem:s14+$0xCC00] =	vst v0  }
0x1f: {  	[spmem:s5] =	stream.linear.scatter [tilespmem:s8], [sflag:$0x2], $0x800, $0x38;
	[tilespmem:$0x19780] =	vst v63  }
0x20: {  	_ =	swait.ge [sflag:s9], $0x800  }
0x21: {  	[sflag:s9] =	ssyncset.done $0x0  }
0x22: {  	s13 =	rddreg [dreg:$0x9];
	[sflag:s9] =	ssyncadd.s32 $0xFFFFF800  }
0x23: {  	[spmem:s13] =	stream.linear.scatter [tilespmem:s8], [sflag:$0x2], $0x800, $0x38;
	[tilespmem:$0x19780] =	vst v63  }
0x24: {  	_ =	swait.ge [sflag:s9], $0x800  }
0x25: {  	[sflag:s9] =	ssyncset.done $0x0  }
0x26: {  	s15 =	rddreg [dreg:$0xa];
	[sflag:s9] =	ssyncadd.s32 $0xFFFFF800  }
0x27: {  	[spmem:s15] =	stream.linear.scatter [tilespmem:s8], [sflag:$0x2], $0x800, $0x38;
	[tilespmem:$0x19780] =	vst v63  }
0x28: {  	_ =	swait.ge [sflag:s9], $0x800  }
0x29: {  	[sflag:s9] =	ssyncset.done $0x0  }
0x2a: {  	s16 =	rddreg [dreg:$0xb];
	[sflag:s9] =	ssyncadd.s32 $0xFFFFF800  }
0x2b: {  	[spmem:s16] =	stream.linear.scatter [tilespmem:s8], [sflag:$0x2], $0x800, $0x38;
	[tilespmem:$0x19780] =	vst v63  }
0x2c: {  	_ =	swait.ge [sflag:s9], $0x800  }
0x2d: {  	[sflag:s9] =	ssyncset.done $0x0  }
0x2e: {  	s14 =	rddreg [dreg:$0xc];
	[sflag:s9] =	ssyncadd.s32 $0xFFFFF800  }
0x2f: {  	[spmem:s14] =	stream.linear.scatter [tilespmem:s8], [sflag:$0x2], $0x800, $0x38;
	[tilespmem:$0x19780] =	vst v63  }
0x30: {  	_ =	swait.ge [sflag:s9], $0x800  }
0x31: {  	[sflag:s9] =	ssyncset.done $0x0  }
0x32: {  	s15 =	rddreg [dreg:$0xd];
	[sflag:s9] =	ssyncadd.s32 $0xFFFFF800  }
0x33: {  	[spmem:s15] =	stream.linear.scatter [tilespmem:s8], [sflag:$0x2], $0x800, $0x38;
	[tilespmem:$0x19780] =	vst v63  }
0x34: {  	_ =	swait.ge [sflag:s9], $0x800  }
0x35: {  	[sflag:s9] =	ssyncset.done $0x0  }
0x36: {  	s16 =	rddreg [dreg:$0xe];
	[sflag:s9] =	ssyncadd.s32 $0xFFFFF800  }
0x37: {  	[spmem:s16] =	stream.linear.scatter [tilespmem:s8], [sflag:$0x2], $0x800, $0x38;
	[tilespmem:$0x19780] =	vst v63  }
0x38: {  	_ =	swait.ge [sflag:s9], $0x800  }
0x39: {  	[sflag:s9] =	ssyncset.done $0x0  }
0x3a: {  	[sflag:s9] =	ssyncadd.s32 $0xFFFFF800  }
0x3b: {  	[spmem:s17] =	stream.linear.scatter [tilespmem:s8], [sflag:$0x2], $0x800, $0x38;
	[tilespmem:$0x19780] =	vst v63  }
0x3c: {  	_ =	swait.ge [sflag:s9], $0x800  }
0x3d: {  	[sflag:s9] =	ssyncset.done $0x0  }
0x3e: {  	[sflag:s9] =	ssyncadd.s32 $0xFFFFF800  }
0x3f: {  	[spmem:s18] =	stream.linear.scatter [tilespmem:s8], [sflag:$0x2], $0x800, $0x38;
	[tilespmem:$0x19780] =	vst v63  }
0x40: {  	_ =	swait.ge [sflag:s9], $0x800  }
0x41: {  	[sflag:s9] =	ssyncset.done $0x0  }
0x42: {  	[sflag:s9] =	ssyncadd.s32 $0xFFFFF800  }
0x43: {  	[spmem:s19] =	stream.linear.scatter [tilespmem:s8], [sflag:$0x2], $0x800, $0x38;
	[tilespmem:$0x19780] =	vst v63  }
0x44: {  	_ =	swait.ge [sflag:s9], $0x800  }
0x45: {  	[sflag:s9] =	ssyncset.done $0x0  }
0x46: {  	[sflag:s9] =	ssyncadd.s32 $0xFFFFF800  }
0x47: {  	[spmem:s20] =	stream.linear.scatter [tilespmem:s8], [sflag:$0x2], $0x800, $0x38;
	[tilespmem:$0x19780] =	vst v63  }
0x48: {  	_ =	swait.ge [sflag:s9], $0x800  }
0x49: {  	[sflag:s9] =	ssyncset.done $0x0  }
0x4a: {  	[sflag:s9] =	ssyncadd.s32 $0xFFFFF800  }
0x4b: {  	[spmem:s21] =	stream.linear.scatter [tilespmem:s8], [sflag:$0x2], $0x800, $0x38;
	[tilespmem:$0x19780] =	vst v63  }
0x4c: {  	_ =	swait.ge [sflag:s9], $0x800  }
0x4d: {  	[sflag:s9] =	ssyncset.done $0x0  }
0x4e: {  	[sflag:s9] =	ssyncadd.s32 $0xFFFFF800  }
0x4f: {  	[spmem:s22] =	stream.linear.scatter [tilespmem:s8], [sflag:$0x2], $0x800, $0x38;
	[tilespmem:$0x19780] =	vst v63  }
0x50: {  	_ =	swait.ge [sflag:s9], $0x800  }
0x51: {  	[sflag:s9] =	ssyncset.done $0x0  }
0x52: {  	[sflag:s9] =	ssyncadd.s32 $0xFFFFF800  }
0x53: {  	[spmem:s23] =	stream.linear.scatter [tilespmem:s8], [sflag:$0x2], $0x800, $0x38;
	[tilespmem:$0x19780] =	vst v63  }
0x54: {  	_ =	swait.ge [sflag:s9], $0x800  }
0x55: {  	[sflag:s9] =	ssyncset.done $0x0  }
0x56: {  	[sflag:s9] =	ssyncadd.s32 $0xFFFFF800  }
0x57: {  	[spmem:s24] =	stream.linear.scatter [tilespmem:s8], [sflag:$0x2], $0x800, $0x38;
	[tilespmem:$0x19780] =	vst v63  }
0x58: {  	_ =	swait.ge [sflag:s9], $0x800  }
0x59: {  	[sflag:s9] =	ssyncset.done $0x0  }
0x5a: {  	[sflag:s9] =	ssyncadd.s32 $0xFFFFF800  }
0x5b: {  	[spmem:s26] =	stream.linear.scatter [tilespmem:s8], [sflag:$0x2], $0x800, $0x38;
	[tilespmem:$0x19780] =	vst v63  }
0x5c: {  	_ =	swait.ge [sflag:s9], $0x800  }
0x5d: {  	[sflag:s9] =	ssyncset.done $0x0  }
0x5e: {  	[sflag:s9] =	ssyncadd.s32 $0xFFFFF800  }
0x5f: {  	[spmem:s28] =	stream.linear.scatter [tilespmem:s8], [sflag:$0x2], $0x800, $0x38;
	[tilespmem:$0x19780] =	vst v63  }
0x60: {  	_ =	swait.ge [sflag:s9], $0x800  }
0x61: {  	[sflag:s9] =	ssyncset.done $0x0  }
0x62: {  	[sflag:s9] =	ssyncadd.s32 $0xFFFFF800  }
0x63: {  	[spmem:s29] =	stream.linear.scatter [tilespmem:s8], [sflag:$0x2], $0x800, $0x38;
	[tilespmem:$0x19780] =	vst v63  }
0x64: {  	_ =	swait.ge [sflag:s9], $0x800  }
0x65: {  	[sflag:s9] =	ssyncset.done $0x0  }
0x66: {  	[sflag:s9] =	ssyncadd.s32 $0xFFFFF800  }
0x67: {  	[spmem:s30] =	stream.linear.scatter [tilespmem:s8], [sflag:$0x2], $0x800, $0x38;
	[tilespmem:$0x19780] =	vst v63  }
0x68: {  	_ =	swait.ge [sflag:s9], $0x800  }
0x69: {  	[sflag:s9] =	ssyncset.done $0x0  }
0x6a: {  	[sflag:s9] =	ssyncadd.s32 $0xFFFFF800  }
0x6b: {  	[spmem:s31] =	stream.linear.scatter [tilespmem:s8], [sflag:$0x2], $0x800, $0x38;
	[tilespmem:$0x19780] =	vst v63  }
0x6c: {  	_ =	swait.ge [sflag:s9], $0x800  }
0x6d: {  	[sflag:s9] =	ssyncset.done $0x0  }
0x6e: {  	[sflag:s9] =	ssyncadd.s32 $0xFFFFF800  }
0x6f: {  	[spmem:s2] =	stream.linear.scatter [tilespmem:s8], [sflag:$0x2], $0x800, $0x38;
	[tilespmem:$0x19780] =	vst v63  }
0x70: {  	_ =	swait.ge [sflag:s9], $0x800  }
0x71: {  	[sflag:s9] =	ssyncset.done $0x0  }
0x72: {  	[sflag:s9] =	ssyncadd.s32 $0xFFFFF800  }
0x73: {  	[spmem:s0] =	stream.linear.scatter [tilespmem:s8], [sflag:$0x2], $0x800, $0x38;
	[tilespmem:$0x19780] =	vst v63  }
0x74: {  	_ =	swait.ge [sflag:s9], $0x800  }
0x75: {  	[sflag:s9] =	ssyncset.done $0x0  }
0x76: {  	[sflag:s9] =	ssyncadd.s32 $0xFFFFF800  }
0x77: {  	[spmem:s6] =	stream.linear.scatter [tilespmem:s8], [sflag:$0x2], $0x800, $0x38;
	[tilespmem:$0x19780] =	vst v63  }
0x78: {  	_ =	swait.ge [sflag:s9], $0x800  }
0x79: {  	[sflag:s9] =	ssyncset.done $0x0  }
0x7a: {  	[sflag:s9] =	ssyncadd.s32 $0xFFFFF800  }
0x7b: {  	[spmem:s7] =	stream.linear.scatter [tilespmem:s8], [sflag:$0x2], $0x800, $0x38;
	[tilespmem:$0x19780] =	vst v63  }
0x7c: {  	_ =	swait.ge [sflag:s9], $0x800  }
0x7d: {  	[sflag:s9] =	ssyncset.done $0x0  }
0x7e: {  	s14 =	rddreg [dreg:$0x4];
	[sflag:s9] =	ssyncadd.s32 $0xFFFFF800  }
0x7f: {  	[spmem:s14] =	stream.linear.scatter [tilespmem:s8], [sflag:$0x2], $0x380, $0x38;
	[tilespmem:$0x19780] =	vst v63  }
0x80: {  	_ =	swait.ge [sflag:s9], $0x380  }
0x81: {  	[sflag:s9] =	ssyncset.done $0x0  }
0x82: {  	s13 =	simm.s32 $0x0;
	s15 =	rddreg [dreg:$0x5];
	[sflag:s9] =	ssyncadd.s32 $0xFFFFFC80  }
0x83: {  	[tilespmem:s13], [sflag:$0x2] =	stream.linear.gather [hbm4b:s15+s13], $0x6200, $0x38;
	[tilespmem:$0x19780] =	vst v63  }
0x84: {  	_ =	swait.ge [sflag:s9], $0x6200  }
0x85: {  	[sflag:s9] =	ssyncset.done $0x0  }
0x86: {  	s15 =	simm.s32 $0x6200;
	s16 =	rddreg [dreg:$0x6];
	[sflag:s9] =	ssyncadd.s32 $0xFFFF9E00  }
0x87: {  	[tilespmem:s15], [sflag:$0x2] =	stream.linear.gather [hbm4b:s16+s13], $0x6200, $0x38;
	[tilespmem:$0x19780] =	vst v63  }
0x88: {  	_ =	swait.ge [sflag:s9], $0x6200  }
0x89: {  	[sflag:s9] =	ssyncset.done $0x0  }
0x8a: {  	[sflag:s9] =	ssyncadd.s32 $0xFFFF9E00  }
0x8b: {  	s15 =	simm.s32 $0x0;
	[bflag:$0x0] =	sbarrier.arrive $0xFFFF  }
0x8c: {  	[tilespmem:s11], [sflag:$0x1] =	stream.indirect.gather [hbm4b:s1+s10], $0x10, s15, s10, $0xb8;
	[tilespmem:$0x19780] =	vst v63  }
0x8d: {  	_ =	swait.ge [sflag:s12], $0x800  }
0x8e: {  	[sflag:s12] =	ssyncset.done $0x0  }
0x8f: {  	s16 =	simm.s32 $0x6200;
	[sflag:s12] =	ssyncadd.s32 $0xFFFFF800  }
0x90: {  	[spmem:s3] =	stream.indirect.scatter.add.f32 [tilespmem:s11], [sflag:$0x2], $0x10, s16, s10, $0xb8;
	[tilespmem:$0x19780] =	vst v63  }
0x91: {  	_ =	swait.ge [sflag:s9], $0x800  }
0x92: {  	s14 =	simm.s32 $0x400;
	s13 =	simm.s32 $0x200;
	[sflag:s9] =	ssyncset.done $0x0  }
.LBB2_4:
0x93: {  	s15 =	sshra.s32 s13, $0x2  }
0x94: {  	[sflag:s9] =	ssyncadd.s32 $0xFFFFF800;
	s13 =	smov.u32 s14;
	s16 =	sadd.s32 $0x200, s14  }
0x95: {  	[tilespmem:s11], [sflag:$0x1] =	stream.indirect.gather [hbm4b:s1+s10], $0x10, s15, s10, $0xb8;
	[tilespmem:$0x19780] =	vst v63  }
0x96: {  	p0 =	sne.s32 s14, $0x18600;
	_ =	swait.ge [sflag:s12], $0x800  }
.Ltmp1:
0x97: {  	[sflag:s12] =	ssyncset.done $0x0;
	(pc) =	sbr.rel @p0 .LBB2_4-.Ltmp1, $4  }
0x98: {  	s14 =	sadd.s32 $0x6200, s15;
	[sflag:s12] =	ssyncadd.s32 $0xFFFFF800  }
0x99: {  	[spmem:s3] =	stream.indirect.scatter.add.f32 [tilespmem:s11], [sflag:$0x2], $0x10, s14, s10, $0xb8;
	[tilespmem:$0x19780] =	vst v63  }
0x9a: {  	_ =	swait.ge [sflag:s9], $0x800  }
0x9b: {  	s14 =	smov.u32 s16;
	[sflag:s9] =	ssyncset.done $0x0  }
0x9c: {  	s13 =	sshra.s32 s13, $0x2;
	[sflag:s9] =	ssyncadd.s32 $0xFFFFF800  }
0x9d: {  	[tilespmem:s11], [sflag:$0x1] =	stream.indirect.gather [hbm4b:s1+s10], $0x10, s13, s10, $0xb8;
	[tilespmem:$0x19780] =	vst v63  }
0x9e: {  	_ =	swait.ge [sflag:s12], $0x800  }
0x9f: {  	[sflag:s12] =	ssyncset.done $0x0  }
0xa0: {  	s13 =	sadd.s32 $0x6200, s13;
	[sflag:s12] =	ssyncadd.s32 $0xFFFFF800  }
0xa1: {  	[spmem:s3] =	stream.indirect.scatter.add.f32 [tilespmem:s11], [sflag:$0x2], $0x10, s13, s10, $0xb8;
	[tilespmem:$0x19780] =	vst v63  }
0xa2: {  	_ =	swait.ge [sflag:s9], $0x800  }
0xa3: {  	[sflag:s9] =	ssyncset.done $0x0  }
0xa4: {  	s15 =	stileid.u32;
	[sflag:s9] =	ssyncadd.s32 $0xFFFFF800  }
0xa5: {  	s13 =	sshll.u32 s15, $0x6;
	[bflag:$0x0] =	sbarrier.arrive $0xFFFF  }
0xa6: {  	s13 =	sor.u32 $0x1C02, s13;
	s14 =	rddreg [dreg:$0x7]  }
0xa7: {  	[hbm:s14], [sflag:s13] =	dma.local [spmem:s25], $0x1870  }
0xa8: {  	_ =	swait.ge [sflag:s9], $0x1870  }
0xa9: {  	s4 =	sadd.s32 $0x1, s4;
	s16 =	rddreg [dreg:$0x8]  }
0xaa: {  	p0 =	sne.s32 s4, s16  }
.Ltmp2:
0xab: {  	_ = 	snop;
	(pc) =	sbr.rel @p0 .LBB2_1-.Ltmp2, $3  }
0xac: {  	_ =	sdelay $0x1  }
0xad: {  	[sflag:s9] =	ssyncset.done $0x0  }
0xae: {  	[sflag:s9] =	ssyncadd.s32 $0xFFFFE790  }
0xaf: {  	_ =	sfence.sel $0x180000  }
0xb0: {  	[bflag:$0x0] =	sbarrier.arrive $0xFFFF  }
0xb1: {  	_ =	strace $0x90000056  }
0xb2: {  	s0 =	stileid.u32;
	[bflag:$0x2] =	sbarrier.arrive $0xFFFF  }
0xb3: {  	p0 =	sne.s32 s0, $0x0;
	s0 =	rddreg [dreg:$0x3]  }
0xb4: {  	s0 =	sadd.s32 @!p0 $0x100000, s0  }
0xb5: {  	[sflag:s0] =	ssyncadd.tile.s32 @!p0 $0x1;
	_ =	shalt  }
.Lfunc_end2:
_tile_overlayer_lowered:
.L_overlay_start_2:
0xb6: {  	(tag) =	ssettag $0x2  }
0xb7: {  	s0 =	rddreg [dreg:$0x0];
	s2 =	stileid.u32  }
0xb8: {  	s1 =	rddreg [dreg:$0x1];
	p0 =	sne.s32 s2, $0x0  }
0xb9: {  	s3 =	rddreg [dreg:$0x2];
	[bflag:$0x3] =	sbarrier.arrive $0xFFFF;
	s2 =	simm.s32 @!p0 $0x1C02  }
0xba: {  	[timem:s3], [sflag:s2] =	dma.local @!p0 [hbm:s0], s1  }
0xbb: {  	s0 =	simm.s32 @!p0 $0x2  }
0xbc: {  	_ =	swait.ge @!p0 [sflag:s0], s1  }
0xbd: {  	s1 =	ssub.s32 @!p0 $0x0, s1;
	[sflag:s0] =	ssyncset.done @!p0 $0x0  }
0xbe: {  	[sflag:s0] =	ssyncadd.s32 @!p0 s1  }
0xbf: {  	[bflag:$0x3] =	sbarrier.arrive $0xFFFF  }
0xc0: {  	_ =	shalt  }

// kernel: kernel.43.cloned.1.call-start
scs
__scs_entry_jumppad:
0x0: {  	(pc) =	sbr.rel $0x88, $3  }
0x1: {  	(tag) =	ssettag $0x0;
	lr =	simm.s32 $0x1  }
0x2: {  	[smem:$0x3F9B] =	sst lr;
	_ =	strace $0xD0000000  }
0x3: {  	_ = 	snop  }
0x4: {  	_ = 	snop  }
0x5: {  	_ = 	snop  }
0x6: {  	_ = 	snop  }
0x7: {  	_ = 	snop  }
__scs_overlays_trampoline_lowered:
0x8: {  	[smem:$0x3FAA] =	sst s0  }
0x9: {  	[smem:$0x3FAB] =	sst s1  }
0xa: {  	[smem:$0x3FAC] =	sst s2  }
0xb: {  	[smem:$0x3FAD] =	sst s3  }
0xc: {  	[smem:$0x3FAE] =	sst s4  }
0xd: {  	[smem:$0x3FAF] =	sst s5  }
0xe: {  	[smem:$0x3FB0] =	sst s6  }
0xf: {  	[smem:$0x3FB1] =	sst s7  }
0x10: {  	[smem:$0x3FB2] =	sst s8  }
0x11: {  	[smem:$0x3FB3] =	sst s9;
	s0 =	simm.s32 @!p0 $0x0  }
0x12: {  	s1 =	sld [smem:$0x3F99];
	s0 =	simm.s32 @p0 $0x1  }
0x13: {  	[smem:$0x3FB4] =	sst s0;
	s0 =	simm.s32 @!p1 $0x0  }
0x14: {  	s2 =	sld [smem:$0x3F98];
	s0 =	simm.s32 @p1 $0x1  }
0x15: {  	[smem:$0x3FB5] =	sst s0;
	s0 =	simm.s32 @!p2 $0x0  }
0x16: {  	s3 =	sld [smem:$0x3FDB];
	s0 =	simm.s32 @p2 $0x1  }
0x17: {  	s4 =	simm.s32 $0x1BF5;
	[smem:$0x3FB7] =	sst s0  }
0x18: {  	s0 =	sld [smem:$0x3F9A];
	_ =	swait.ge [sflag:s4], $0x0  }
0x19: {  	s7 =	sld [smem:$0x3F9B]  }
0x1a: {  	s8 =	sadd.s32 $0xFFFFE003, lr  }
0x1b: {  	s9 =	sadd.s32 $0xFFFFFEF7, lr;
	s5 =	simm.s32 $0xFFFFFFFF;
	p2 =	slt.u32 s8, $0xFFFFF086  }
0x1c: {  	p1 =	slt.u32 s9, $0xF7A;
	s5 =	simm.s32 @!p2 $0x0  }
0x1d: {  	s5 =	simm.s32 @p1 $0x1;
	p0 =	seq.s32 s7, s2  }
0x1e: {  	s7 =	smul.u32 @!p0 $0xF7A, s2;
	p2 =	seq.s32 @!p0 s5, $0x0  }
0x1f: {  	s9 =	smul.u32 $0xF7A, s1;
	s8 =	simm.s32 @!p0 $0x1BF5;
	p2 =	por !p2, p0  }
0x20: {  	[sflag:s8] =	ssyncset.s32 @!p0 $0xFFFFF086;
	s6 =	sadd.s32 @!p0 s3, s7;
	s7 =	simm.s32 @!p0 $0x108  }
0x21: {  	s3 =	sadd.s32 s3, s9;
	s6 =	sadd.s32 @!p0 $0x88, s6;
	s7 =	simm.s32 @p2 $0x1082  }
0x22: {  	[simem:s7], [sflag:s8] =	dma.local @!p0 [hbm:s6], $0xF7A  }
0x23: {  	s9 =	sor.u32 $0xD0000000, s2;
	s6 =	simm.s32 $0x108;
	_ =	swait.ge @!p0 [sflag:s8], $0x0  }
0x24: {  	s3 =	sadd.s32 $0x88, s3;
	s6 =	simm.s32 @!p1 $0x1082;
	[sflag:s4] =	ssyncset.s32 $0xFFFFF086  }
0x25: {  	[simem:s6], [sflag:s4] =	dma.local [hbm:s3], $0xF7A  }
0x26: {  	[smem:$0x3F9B] =	sst s1;
	(tag) =	ssettag s2;
	_ =	strace s9  }
0x27: {  	s1 =	sld [smem:$0x3FAB]  }
0x28: {  	s2 =	sld [smem:$0x3FAC]  }
0x29: {  	s4 =	sld [smem:$0x3FAE]  }
0x2a: {  	p0 =	seq.s32 s5, $0x0;
	s5 =	sld [smem:$0x3FAF]  }
0x2b: {  	s6 =	sld [smem:$0x3FB0]  }
0x2c: {  	s7 =	sld [smem:$0x3FB1]  }
0x2d: {  	s3 =	simm.s32 $0x108;
	s8 =	sld [smem:$0x3FB2]  }
0x2e: {  	s3 =	simm.s32 @!p0 $0x1082;
	s9 =	sld [smem:$0x3FB3]  }
0x2f: {  	lr =	sadd.s32 s0, s3;
	s0 =	sld [smem:$0x3FAA]  }
0x30: {  	s3 =	sld [smem:$0x3FAD]  }
0x31: {  	[smem:$0x3FB6] =	sst s10  }
0x32: {  	s10 =	sld [smem:$0x3FB4];
	_ =	sdelay $0x3  }
0x33: {  	p0 =	seq.s32 s10, $0x1;
	s10 =	sld [smem:$0x3FB6];
	_ =	sdelay $0x3  }
0x34: {  	[smem:$0x3FB6] =	sst s10  }
0x35: {  	s10 =	sld [smem:$0x3FB5];
	_ =	sdelay $0x3  }
0x36: {  	p1 =	seq.s32 s10, $0x1;
	s10 =	sld [smem:$0x3FB6];
	_ =	sdelay $0x3  }
0x37: {  	[smem:$0x3FB6] =	sst s10  }
0x38: {  	s10 =	sld [smem:$0x3FB7]  }
0x39: {  	_ = 	snop;
	(pc) =	sbr.ind lr, $3  }
0x3a: {  	_ = 	snop  }
0x3b: {  	_ = 	snop  }
0x3c: {  	p2 =	seq.s32 s10, $0x1;
	s10 =	sld [smem:$0x3FB6]  }
0x3d: {  	_ =	shalt  }
0x3e: {  	_ =	shalt  }
0x3f: {  	_ =	shalt  }
0x40: {  	_ =	shalt  }
0x41: {  	_ =	shalt  }
0x42: {  	_ =	shalt  }
0x43: {  	_ =	shalt  }
0x44: {  	_ =	shalt  }
0x45: {  	_ =	shalt  }
0x46: {  	_ =	shalt  }
0x47: {  	_ =	shalt  }
0x48: {  	_ =	shalt  }
0x49: {  	_ =	shalt  }
0x4a: {  	_ =	shalt  }
0x4b: {  	_ =	shalt  }
0x4c: {  	_ =	shalt  }
0x4d: {  	_ =	shalt  }
0x4e: {  	_ =	shalt  }
0x4f: {  	_ =	shalt  }
0x50: {  	_ =	shalt  }
0x51: {  	_ =	shalt  }
0x52: {  	_ =	shalt  }
0x53: {  	_ =	shalt  }
0x54: {  	_ =	shalt  }
0x55: {  	_ =	shalt  }
0x56: {  	_ =	shalt  }
0x57: {  	_ =	shalt  }
0x58: {  	_ =	shalt  }
0x59: {  	_ =	shalt  }
0x5a: {  	_ =	shalt  }
0x5b: {  	_ =	shalt  }
0x5c: {  	_ =	shalt  }
0x5d: {  	_ =	shalt  }
0x5e: {  	_ =	shalt  }
0x5f: {  	_ =	shalt  }
0x60: {  	_ =	shalt  }
0x61: {  	_ =	shalt  }
0x62: {  	_ =	shalt  }
0x63: {  	_ =	shalt  }
0x64: {  	_ =	shalt  }
0x65: {  	_ =	shalt  }
0x66: {  	_ =	shalt  }
0x67: {  	_ =	shalt  }
0x68: {  	_ =	shalt  }
0x69: {  	_ =	shalt  }
0x6a: {  	_ =	shalt  }
0x6b: {  	_ =	shalt  }
0x6c: {  	_ =	shalt  }
0x6d: {  	_ =	shalt  }
0x6e: {  	_ =	shalt  }
0x6f: {  	_ =	shalt  }
0x70: {  	_ =	shalt  }
0x71: {  	_ =	shalt  }
0x72: {  	_ =	shalt  }
0x73: {  	_ =	shalt  }
0x74: {  	_ =	shalt  }
0x75: {  	_ =	shalt  }
0x76: {  	_ =	shalt  }
0x77: {  	_ =	shalt  }
0x78: {  	_ =	shalt  }
0x79: {  	_ =	shalt  }
0x7a: {  	_ =	shalt  }
0x7b: {  	_ =	shalt  }
0x7c: {  	_ =	shalt  }
0x7d: {  	_ =	shalt  }
0x7e: {  	_ =	shalt  }
0x7f: {  	_ =	shalt  }
0x80: {  	_ =	shalt  }
0x81: {  	_ =	shalt  }
0x82: {  	_ =	shalt  }
0x83: {  	_ =	shalt  }
0x84: {  	_ =	shalt  }
0x85: {  	_ =	shalt  }
0x86: {  	_ =	shalt  }
0x87: {  	_ =	shalt  }
.Lfunc_end0:
.L_simem_size_0:
called_computation.6_lowered:
.L_overlay_start_0:
0x88: {  	s2 =	sld [smem:$0x3FD9]  }
0x89: {  	s3 =	sld [smem:$0x3FFE];
	_ =	sdelay $0x1  }
0x8a: {  	s1 =	srdreg.scid  }
0x8b: {  	s0 =	sand.u32 $0x1, s1  }
0x8c: {  	s17 =	sshll.u32 s0, $0xA;
	s2 =	sadd.s32 s3, s2  }
0x8d: {  	s2 =	sadd.s32 s2, s17  }
0x8e: {  	[smem:$0x3FC2] =	sst s2  }
0x8f: {  	_ = 	snop  }
0x90: {  	s2 =	sld [smem:$0x3FD0];
	(tm) =	ssettm $0x1  }
0x91: {  	s18 =	sld [smem:$0x3FFB];
	_ =	sdelay $0x3  }
0x92: {  	_ =	strace s18  }
0x93: {  	s3 =	sld [smem:$0x3FFC];
	_ =	sdelay $0x3  }
0x94: {  	_ =	strace s3  }
0x95: {  	s3 =	sld [smem:$0x3FFD];
	_ =	sdelay $0x3  }
0x96: {  	_ =	strace s3  }
0x97: {  	_ =	strace $0x8FFFFFFF  }
0x98: {  	s19 =	sld [smem:$0x3FDB];
	_ =	sdelay $0x1  }
0x99: {  	s4 =	simm.s32 $_scs_section_size  }
0x9a: {  	s5 =	simm.s32 $_size__tile_overlayer_lowered;
	s6 =	simm.s32 $_tile_overlayer_lowered  }
0x9b: {  	s22 =	simm.s32 $0x1BFF;
	s21 =	sshll.u32 s6, $0x1;
	s3 =	sadd.s32 s4, s19  }
0x9c: {  	s7 =	simm.s32 $0x0;
	s20 =	sshll.u32 s5, $0x1;
	s5 =	sadd.s32 s21, s3  }
0x9d: {  	[timem:s7], [sflag:s22] =	dma.local [hbm:s5], s20  }
0x9e: {  	_ =	swait.ge [sflag:s22], s20  }
0x9f: {  	s4 =	ssub.s32 $0x0, s20;
	[sflag:s22] =	ssyncset.done $0x0  }
0xa0: {  	[sflag:s22] =	ssyncadd.s32 s4;
	_ =	sdelay $0x1  }
0xa1: {  	s23 =	simm.s32 $0x1B8B  }
0xa2: {  	_ =	swait.ge [sflag:s23], $0x1  }
0xa3: {  	[sflag:s23] =	ssyncset.done $0x0  }
0xa4: {  	s25 =	simm.s32 $0x1B8E;
	s24 =	sld [smem:$0x3FFE];
	[sflag:s23] =	ssyncadd.s32 $0xFFFFFFFF  }
0xa5: {  	s26 =	simm.s32 $execute0_lowered;
	[smem:$0x3FD2] =	sst s25  }
0xa6: {  	s5 =	sshll.u32 s26, $0x1;
	_ =	strace $0x80000058;
	[dreg:$0x1] =	wrdreg $0xFFFFFFFF  }
0xa7: {  	s28 =	simm.s32 $_size_execute0_lowered;
	s3 =	sadd.s32 s3, s5;
	[dreg:$0x0] =	wrdreg $0x0  }
0xa8: {  	s5 =	sshll.u32 s28, $0x1;
	[dreg:$0x2] =	wrdreg s3  }
0xa9: {  	[dreg:$0x3] =	wrdreg s5  }
0xaa: {  	[dreg:$0x4] =	wrdreg $0xC0  }
0xab: {  	_ =	task [dreg:s7], $0x5FFFF  }
0xac: {  	[dreg:$0x1] =	wrdreg $0xFFFFFFFF  }
0xad: {  	[dreg:$0x0] =	wrdreg $0x60  }
0xae: {  	[dreg:$0x2] =	wrdreg s2  }
0xaf: {  	[dreg:$0x3] =	wrdreg s24  }
0xb0: {  	[dreg:$0x4] =	wrdreg $0xD4000  }
0xb1: {  	[dreg:$0x5] =	wrdreg $0x9  }
0xb2: {  	_ =	task.clear_ibuf [dreg:s7], $0x6FFFF;
	_ =	strace $0x90000058  }
0xb3: {  	s29 =	simm.s32 $0x9;
	_ =	strace $0x8000005A  }
0xb4: {  	_ =	swait.ge [sflag:s29], $0x1  }
0xb5: {  	[sflag:s29] =	ssyncadd.s32 $0xFFFFFFFF  }
0xb6: {  	_ =	strace $0x9000005A  }
0xb7: {  	_ =	sfence  }
0xb8: {  	s30 =	sld [smem:$0x0];
	_ =	sdelay $0x2  }
0xb9: {  	s31 =	sshll.u32 s1, $0xD;
	s1 =	sshrl.u32 s1, $0x2  }
0xba: {  	s3 =	sand.u32 $0x4000, s31;
	s1 =	sadd.s32 s1, s30  }
0xbb: {  	s0 =	sor.u32 s3, s0;
	s1 =	sshll.u32 s1, $0x11  }
0xbc: {  	s0 =	sor.u32 s1, s0  }
0xbd: {  	s0 =	sadd.s32 $0x8F2B, s0  }
0xbe: {  	[sflag:s0] =	ssyncadd.remote.s32 $0x1  }
0xbf: {  	_ =	sfence.sel $0xFFFF  }
0xc0: {  	[dreg:$0x0] =	wrdreg $0xFFFFFFFF;
	(pc) =	sbr.abs _section_cstart, $3  }
0xc1: {  	[dreg:$0x1] =	wrdreg $0xFFFFFFFF  }
0xc2: {  	_ =	task.clear_ibuf [dreg:s7], $0x2FFFF;
	_ =	strace $0x9FFFFFFF  }
0xc3: {  	(tm) =	ssettm $0x7FFFFFFF  }
tec
execute0_lowered:
.L_overlay_start_1:
0x0: {  	(tag) =	ssettag $0x1  }
0x1: {  	s0 =	srdreg.scid;
	s1 =	rddreg [dreg:$0x0]  }
0x2: {  	s8 =	stileid.u32;
	s5 =	rddreg [dreg:$0x1]  }
0x3: {  	s3 =	rddreg [dreg:$0x2];
	s4 =	simm.s32 $0x0;
	s10 =	simm.s32 $0x80  }
0x4: {  	s11 =	simm.s32 $0xC400;
	s12 =	simm.s32 $0x1;
	s7 =	smul.u32 $0xC380, s8  }
0x5: {  	s0 =	sand.u32 $0x1, s0;
	s2 =	sshll.u32 s8, $0x1;
	s8 =	smul.u32 $0x30E00, s8  }
0x6: {  	[smem:$0x7FF] =	sst s4;
	s2 =	sor.u32 s0, s2;
	s6 =	smul.u32 $0xC3800, s0  }
0x7: {  	_ =	strace $0x80000059;
	s0 =	ssub.s32 $0x2, s0;
	s2 =	smul.u32 $0xC40, s2  }
0x8: {  	s9 =	sshrl.u32 s0, $0x1;
	s8 =	sshrl.u32 s8, $0x2;
	s16 =	sadd.s32 s7, s3  }
0x9: {  	s6 =	sadd.s32 s7, s6;
	s0 =	ssub.s32 s0, s9;
	s9 =	simm.s32 $0x2  }
0xa: {  	s2 =	sadd.s32 s2, s5;
	s6 =	sshrl.u32 s6, $0x3;
	s0 =	smax.u32 s0, $0x1  }
0xb: {  	s6 =	sadd.s32 s6, s5;
	s14 =	sadd.s32 $0x4D800, s2;
	[dreg:$0x8] =	wrdreg s0  }
0xc: {  	s5 =	sadd.s32 s8, s3;
	s2 =	sadd.s32 $0x4200, s2;
	[dreg:$0x5] =	wrdreg s14  }
0xd: {  	s8 =	sadd.s32 $0xC000, s5;
	[dreg:$0x6] =	wrdreg s2;
	s15 =	sadd.s32 $0x1CA00, s6  }
0xe: {  	s21 =	sadd.s32 $0x800, s5;
	s22 =	sadd.s32 $0x1000, s5;
	s23 =	sadd.s32 $0x1800, s5  }
0xf: {  	s24 =	sadd.s32 $0x2000, s5;
	s25 =	sadd.s32 $0x2800, s5;
	[dreg:$0x4] =	wrdreg s8  }
0x10: {  	s26 =	sadd.s32 $0x3000, s5;
	s17 =	sadd.s32 $0x3800, s5;
	[dreg:$0x7] =	wrdreg s15  }
0x11: {  	s18 =	sadd.s32 $0x4000, s5;
	s19 =	sadd.s32 $0x4800, s5;
	[dreg:$0x9] =	wrdreg s21  }
0x12: {  	s20 =	sadd.s32 $0x5000, s5;
	s28 =	sadd.s32 $0x8000, s5;
	[dreg:$0xa] =	wrdreg s22  }
0x13: {  	s29 =	sadd.s32 $0x8800, s5;
	s30 =	sadd.s32 $0x9000, s5;
	[dreg:$0xb] =	wrdreg s23  }
0x14: {  	s31 =	sadd.s32 $0x9800, s5;
	s2 =	sadd.s32 $0xA000, s5;
	[dreg:$0xc] =	wrdreg s24  }
0x15: {  	s0 =	sadd.s32 $0xA800, s5;
	s6 =	sadd.s32 $0xB000, s5;
	[dreg:$0xd] =	wrdreg s25  }
0x16: {  	s7 =	sadd.s32 $0xB800, s5;
	[dreg:$0xe] =	wrdreg s26;
	s21 =	sadd.s32 $0x5800, s5  }
0x17: {  	s22 =	sadd.s32 $0x6000, s5;
	s23 =	sadd.s32 $0x6800, s5;
	s24 =	sadd.s32 $0x7000, s5  }
0x18: {  	v0 =	vimm.f32 $0.0e+00;
	s25 =	sshrl.u32 s16, $0x3;
	s26 =	sadd.s32 $0x7800, s5;
	s8 =	simm.s32 $0xCC00  }
.LBB2_1:
0x19: {  	s13 =	simm.s32 $0x40;
	s14 =	simm.s32 $0x0  }
.LBB2_2:
0x1a: {  	p0 =	sne.s32 s13, $0x1FC0;
	[tilespmem:s14+$0xCC00] =	vst v0;
	s14 =	smov.u32 s13;
	s13 =	sadd.s32 $0x40, s13  }
.Ltmp0:
0x1b: {  	(pc) =	sbr.rel @p0 .LBB2_2-.Ltmp0, $2  }
0x1c: {  	_ =	sdelay $0x2  }
0x1d: {  	s14 =	sshra.s32 s14, $0x2  }
0x1e: {  	[tilespmem:s14+$0xCC00] =	vst v0  }
0x1f: {  	[spmem:s5] =	stream.linear.scatter [tilespmem:s8], [sflag:$0x2], $0x800, $0x38;
	[tilespmem:$0x19780] =	vst v63  }
0x20: {  	_ =	swait.ge [sflag:s9], $0x800  }
0x21: {  	[sflag:s9] =	ssyncset.done $0x0  }
0x22: {  	s13 =	rddreg [dreg:$0x9];
	[sflag:s9] =	ssyncadd.s32 $0xFFFFF800  }
0x23: {  	[spmem:s13] =	stream.linear.scatter [tilespmem:s8], [sflag:$0x2], $0x800, $0x38;
	[tilespmem:$0x19780] =	vst v63  }
0x24: {  	_ =	swait.ge [sflag:s9], $0x800  }
0x25: {  	[sflag:s9] =	ssyncset.done $0x0  }
0x26: {  	s15 =	rddreg [dreg:$0xa];
	[sflag:s9] =	ssyncadd.s32 $0xFFFFF800  }
0x27: {  	[spmem:s15] =	stream.linear.scatter [tilespmem:s8], [sflag:$0x2], $0x800, $0x38;
	[tilespmem:$0x19780] =	vst v63  }
0x28: {  	_ =	swait.ge [sflag:s9], $0x800  }
0x29: {  	[sflag:s9] =	ssyncset.done $0x0  }
0x2a: {  	s16 =	rddreg [dreg:$0xb];
	[sflag:s9] =	ssyncadd.s32 $0xFFFFF800  }
0x2b: {  	[spmem:s16] =	stream.linear.scatter [tilespmem:s8], [sflag:$0x2], $0x800, $0x38;
	[tilespmem:$0x19780] =	vst v63  }
0x2c: {  	_ =	swait.ge [sflag:s9], $0x800  }
0x2d: {  	[sflag:s9] =	ssyncset.done $0x0  }
0x2e: {  	s14 =	rddreg [dreg:$0xc];
	[sflag:s9] =	ssyncadd.s32 $0xFFFFF800  }
0x2f: {  	[spmem:s14] =	stream.linear.scatter [tilespmem:s8], [sflag:$0x2], $0x800, $0x38;
	[tilespmem:$0x19780] =	vst v63  }
0x30: {  	_ =	swait.ge [sflag:s9], $0x800  }
0x31: {  	[sflag:s9] =	ssyncset.done $0x0  }
0x32: {  	s15 =	rddreg [dreg:$0xd];
	[sflag:s9] =	ssyncadd.s32 $0xFFFFF800  }
0x33: {  	[spmem:s15] =	stream.linear.scatter [tilespmem:s8], [sflag:$0x2], $0x800, $0x38;
	[tilespmem:$0x19780] =	vst v63  }
0x34: {  	_ =	swait.ge [sflag:s9], $0x800  }
0x35: {  	[sflag:s9] =	ssyncset.done $0x0  }
0x36: {  	s16 =	rddreg [dreg:$0xe];
	[sflag:s9] =	ssyncadd.s32 $0xFFFFF800  }
0x37: {  	[spmem:s16] =	stream.linear.scatter [tilespmem:s8], [sflag:$0x2], $0x800, $0x38;
	[tilespmem:$0x19780] =	vst v63  }
0x38: {  	_ =	swait.ge [sflag:s9], $0x800  }
0x39: {  	[sflag:s9] =	ssyncset.done $0x0  }
0x3a: {  	[sflag:s9] =	ssyncadd.s32 $0xFFFFF800  }
0x3b: {  	[spmem:s17] =	stream.linear.scatter [tilespmem:s8], [sflag:$0x2], $0x800, $0x38;
	[tilespmem:$0x19780] =	vst v63  }
0x3c: {  	_ =	swait.ge [sflag:s9], $0x800  }
0x3d: {  	[sflag:s9] =	ssyncset.done $0x0  }
0x3e: {  	[sflag:s9] =	ssyncadd.s32 $0xFFFFF800  }
0x3f: {  	[spmem:s18] =	stream.linear.scatter [tilespmem:s8], [sflag:$0x2], $0x800, $0x38;
	[tilespmem:$0x19780] =	vst v63  }
0x40: {  	_ =	swait.ge [sflag:s9], $0x800  }
0x41: {  	[sflag:s9] =	ssyncset.done $0x0  }
0x42: {  	[sflag:s9] =	ssyncadd.s32 $0xFFFFF800  }
0x43: {  	[spmem:s19] =	stream.linear.scatter [tilespmem:s8], [sflag:$0x2], $0x800, $0x38;
	[tilespmem:$0x19780] =	vst v63  }
0x44: {  	_ =	swait.ge [sflag:s9], $0x800  }
0x45: {  	[sflag:s9] =	ssyncset.done $0x0  }
0x46: {  	[sflag:s9] =	ssyncadd.s32 $0xFFFFF800  }
0x47: {  	[spmem:s20] =	stream.linear.scatter [tilespmem:s8], [sflag:$0x2], $0x800, $0x38;
	[tilespmem:$0x19780] =	vst v63  }
0x48: {  	_ =	swait.ge [sflag:s9], $0x800  }
0x49: {  	[sflag:s9] =	ssyncset.done $0x0  }
0x4a: {  	[sflag:s9] =	ssyncadd.s32 $0xFFFFF800  }
0x4b: {  	[spmem:s21] =	stream.linear.scatter [tilespmem:s8], [sflag:$0x2], $0x800, $0x38;
	[tilespmem:$0x19780] =	vst v63  }
0x4c: {  	_ =	swait.ge [sflag:s9], $0x800  }
0x4d: {  	[sflag:s9] =	ssyncset.done $0x0  }
0x4e: {  	[sflag:s9] =	ssyncadd.s32 $0xFFFFF800  }
0x4f: {  	[spmem:s22] =	stream.linear.scatter [tilespmem:s8], [sflag:$0x2], $0x800, $0x38;
	[tilespmem:$0x19780] =	vst v63  }
0x50: {  	_ =	swait.ge [sflag:s9], $0x800  }
0x51: {  	[sflag:s9] =	ssyncset.done $0x0  }
0x52: {  	[sflag:s9] =	ssyncadd.s32 $0xFFFFF800  }
0x53: {  	[spmem:s23] =	stream.linear.scatter [tilespmem:s8], [sflag:$0x2], $0x800, $0x38;
	[tilespmem:$0x19780] =	vst v63  }
0x54: {  	_ =	swait.ge [sflag:s9], $0x800  }
0x55: {  	[sflag:s9] =	ssyncset.done $0x0  }
0x56: {  	[sflag:s9] =	ssyncadd.s32 $0xFFFFF800  }
0x57: {  	[spmem:s24] =	stream.linear.scatter [tilespmem:s8], [sflag:$0x2], $0x800, $0x38;
	[tilespmem:$0x19780] =	vst v63  }
0x58: {  	_ =	swait.ge [sflag:s9], $0x800  }
0x59: {  	[sflag:s9] =	ssyncset.done $0x0  }
0x5a: {  	[sflag:s9] =	ssyncadd.s32 $0xFFFFF800  }
0x5b: {  	[spmem:s26] =	stream.linear.scatter [tilespmem:s8], [sflag:$0x2], $0x800, $0x38;
	[tilespmem:$0x19780] =	vst v63  }
0x5c: {  	_ =	swait.ge [sflag:s9], $0x800  }
0x5d: {  	[sflag:s9] =	ssyncset.done $0x0  }
0x5e: {  	[sflag:s9] =	ssyncadd.s32 $0xFFFFF800  }
0x5f: {  	[spmem:s28] =	stream.linear.scatter [tilespmem:s8], [sflag:$0x2], $0x800, $0x38;
	[tilespmem:$0x19780] =	vst v63  }
0x60: {  	_ =	swait.ge [sflag:s9], $0x800  }
0x61: {  	[sflag:s9] =	ssyncset.done $0x0  }
0x62: {  	[sflag:s9] =	ssyncadd.s32 $0xFFFFF800  }
0x63: {  	[spmem:s29] =	stream.linear.scatter [tilespmem:s8], [sflag:$0x2], $0x800, $0x38;
	[tilespmem:$0x19780] =	vst v63  }
0x64: {  	_ =	swait.ge [sflag:s9], $0x800  }
0x65: {  	[sflag:s9] =	ssyncset.done $0x0  }
0x66: {  	[sflag:s9] =	ssyncadd.s32 $0xFFFFF800  }
0x67: {  	[spmem:s30] =	stream.linear.scatter [tilespmem:s8], [sflag:$0x2], $0x800, $0x38;
	[tilespmem:$0x19780] =	vst v63  }
0x68: {  	_ =	swait.ge [sflag:s9], $0x800  }
0x69: {  	[sflag:s9] =	ssyncset.done $0x0  }
0x6a: {  	[sflag:s9] =	ssyncadd.s32 $0xFFFFF800  }
0x6b: {  	[spmem:s31] =	stream.linear.scatter [tilespmem:s8], [sflag:$0x2], $0x800, $0x38;
	[tilespmem:$0x19780] =	vst v63  }
0x6c: {  	_ =	swait.ge [sflag:s9], $0x800  }
0x6d: {  	[sflag:s9] =	ssyncset.done $0x0  }
0x6e: {  	[sflag:s9] =	ssyncadd.s32 $0xFFFFF800  }
0x6f: {  	[spmem:s2] =	stream.linear.scatter [tilespmem:s8], [sflag:$0x2], $0x800, $0x38;
	[tilespmem:$0x19780] =	vst v63  }
0x70: {  	_ =	swait.ge [sflag:s9], $0x800  }
0x71: {  	[sflag:s9] =	ssyncset.done $0x0  }
0x72: {  	[sflag:s9] =	ssyncadd.s32 $0xFFFFF800  }
0x73: {  	[spmem:s0] =	stream.linear.scatter [tilespmem:s8], [sflag:$0x2], $0x800, $0x38;
	[tilespmem:$0x19780] =	vst v63  }
0x74: {  	_ =	swait.ge [sflag:s9], $0x800  }
0x75: {  	[sflag:s9] =	ssyncset.done $0x0  }
0x76: {  	[sflag:s9] =	ssyncadd.s32 $0xFFFFF800  }
0x77: {  	[spmem:s6] =	stream.linear.scatter [tilespmem:s8], [sflag:$0x2], $0x800, $0x38;
	[tilespmem:$0x19780] =	vst v63  }
0x78: {  	_ =	swait.ge [sflag:s9], $0x800  }
0x79: {  	[sflag:s9] =	ssyncset.done $0x0  }
0x7a: {  	[sflag:s9] =	ssyncadd.s32 $0xFFFFF800  }
0x7b: {  	[spmem:s7] =	stream.linear.scatter [tilespmem:s8], [sflag:$0x2], $0x800, $0x38;
	[tilespmem:$0x19780] =	vst v63  }
0x7c: {  	_ =	swait.ge [sflag:s9], $0x800  }
0x7d: {  	[sflag:s9] =	ssyncset.done $0x0  }
0x7e: {  	s14 =	rddreg [dreg:$0x4];
	[sflag:s9] =	ssyncadd.s32 $0xFFFFF800  }
0x7f: {  	[spmem:s14] =	stream.linear.scatter [tilespmem:s8], [sflag:$0x2], $0x380, $0x38;
	[tilespmem:$0x19780] =	vst v63  }
0x80: {  	_ =	swait.ge [sflag:s9], $0x380  }
0x81: {  	[sflag:s9] =	ssyncset.done $0x0  }
0x82: {  	s13 =	simm.s32 $0x0;
	s15 =	rddreg [dreg:$0x5];
	[sflag:s9] =	ssyncadd.s32 $0xFFFFFC80  }
0x83: {  	[tilespmem:s13], [sflag:$0x2] =	stream.linear.gather [hbm4b:s15+s13], $0x6200, $0x38;
	[tilespmem:$0x19780] =	vst v63  }
0x84: {  	_ =	swait.ge [sflag:s9], $0x6200  }
0x85: {  	[sflag:s9] =	ssyncset.done $0x0  }
0x86: {  	s15 =	simm.s32 $0x6200;
	s16 =	rddreg [dreg:$0x6];
	[sflag:s9] =	ssyncadd.s32 $0xFFFF9E00  }
0x87: {  	[tilespmem:s15], [sflag:$0x2] =	stream.linear.gather [hbm4b:s16+s13], $0x6200, $0x38;
	[tilespmem:$0x19780] =	vst v63  }
0x88: {  	_ =	swait.ge [sflag:s9], $0x6200  }
0x89: {  	[sflag:s9] =	ssyncset.done $0x0  }
0x8a: {  	[sflag:s9] =	ssyncadd.s32 $0xFFFF9E00  }
0x8b: {  	s15 =	simm.s32 $0x0;
	[bflag:$0x0] =	sbarrier.arrive $0xFFFF  }
0x8c: {  	[tilespmem:s11], [sflag:$0x1] =	stream.indirect.gather [hbm4b:s1+s10], $0x10, s15, s10, $0xb8;
	[tilespmem:$0x19780] =	vst v63  }
0x8d: {  	_ =	swait.ge [sflag:s12], $0x800  }
0x8e: {  	[sflag:s12] =	ssyncset.done $0x0  }
0x8f: {  	s16 =	simm.s32 $0x6200;
	[sflag:s12] =	ssyncadd.s32 $0xFFFFF800  }
0x90: {  	[spmem:s3] =	stream.indirect.scatter.add.f32 [tilespmem:s11], [sflag:$0x2], $0x10, s16, s10, $0xb8;
	[tilespmem:$0x19780] =	vst v63  }
0x91: {  	_ =	swait.ge [sflag:s9], $0x800  }
0x92: {  	s14 =	simm.s32 $0x400;
	s13 =	simm.s32 $0x200;
	[sflag:s9] =	ssyncset.done $0x0  }
.LBB2_4:
0x93: {  	s15 =	sshra.s32 s13, $0x2  }
0x94: {  	[sflag:s9] =	ssyncadd.s32 $0xFFFFF800;
	s13 =	smov.u32 s14;
	s16 =	sadd.s32 $0x200, s14  }
0x95: {  	[tilespmem:s11], [sflag:$0x1] =	stream.indirect.gather [hbm4b:s1+s10], $0x10, s15, s10, $0xb8;
	[tilespmem:$0x19780] =	vst v63  }
0x96: {  	p0 =	sne.s32 s14, $0x18600;
	_ =	swait.ge [sflag:s12], $0x800  }
.Ltmp1:
0x97: {  	[sflag:s12] =	ssyncset.done $0x0;
	(pc) =	sbr.rel @p0 .LBB2_4-.Ltmp1, $4  }
0x98: {  	s14 =	sadd.s32 $0x6200, s15;
	[sflag:s12] =	ssyncadd.s32 $0xFFFFF800  }
0x99: {  	[spmem:s3] =	stream.indirect.scatter.add.f32 [tilespmem:s11], [sflag:$0x2], $0x10, s14, s10, $0xb8;
	[tilespmem:$0x19780] =	vst v63  }
0x9a: {  	_ =	swait.ge [sflag:s9], $0x800  }
0x9b: {  	s14 =	smov.u32 s16;
	[sflag:s9] =	ssyncset.done $0x0  }
0x9c: {  	s13 =	sshra.s32 s13, $0x2;
	[sflag:s9] =	ssyncadd.s32 $0xFFFFF800  }
0x9d: {  	[tilespmem:s11], [sflag:$0x1] =	stream.indirect.gather [hbm4b:s1+s10], $0x10, s13, s10, $0xb8;
	[tilespmem:$0x19780] =	vst v63  }
0x9e: {  	_ =	swait.ge [sflag:s12], $0x800  }
0x9f: {  	[sflag:s12] =	ssyncset.done $0x0  }
0xa0: {  	s13 =	sadd.s32 $0x6200, s13;
	[sflag:s12] =	ssyncadd.s32 $0xFFFFF800  }
0xa1: {  	[spmem:s3] =	stream.indirect.scatter.add.f32 [tilespmem:s11], [sflag:$0x2], $0x10, s13, s10, $0xb8;
	[tilespmem:$0x19780] =	vst v63  }
0xa2: {  	_ =	swait.ge [sflag:s9], $0x800  }
0xa3: {  	[sflag:s9] =	ssyncset.done $0x0  }
0xa4: {  	s15 =	stileid.u32;
	[sflag:s9] =	ssyncadd.s32 $0xFFFFF800  }
0xa5: {  	s13 =	sshll.u32 s15, $0x6;
	[bflag:$0x0] =	sbarrier.arrive $0xFFFF  }
0xa6: {  	s13 =	sor.u32 $0x1C02, s13;
	s14 =	rddreg [dreg:$0x7]  }
0xa7: {  	[hbm:s14], [sflag:s13] =	dma.local [spmem:s25], $0x1870  }
0xa8: {  	_ =	swait.ge [sflag:s9], $0x1870  }
0xa9: {  	s4 =	sadd.s32 $0x1, s4;
	s16 =	rddreg [dreg:$0x8]  }
0xaa: {  	p0 =	sne.s32 s4, s16  }
.Ltmp2:
0xab: {  	_ = 	snop;
	(pc) =	sbr.rel @p0 .LBB2_1-.Ltmp2, $3  }
0xac: {  	_ =	sdelay $0x1  }
0xad: {  	[sflag:s9] =	ssyncset.done $0x0  }
0xae: {  	[sflag:s9] =	ssyncadd.s32 $0xFFFFE790  }
0xaf: {  	_ =	sfence.sel $0x180000  }
0xb0: {  	[bflag:$0x0] =	sbarrier.arrive $0xFFFF  }
0xb1: {  	_ =	strace $0x90000059  }
0xb2: {  	s0 =	stileid.u32;
	[bflag:$0x2] =	sbarrier.arrive $0xFFFF  }
0xb3: {  	p0 =	sne.s32 s0, $0x0;
	s0 =	rddreg [dreg:$0x3]  }
0xb4: {  	s0 =	sadd.s32 @!p0 $0x100000, s0  }
0xb5: {  	[sflag:s0] =	ssyncadd.tile.s32 @!p0 $0x1;
	_ =	shalt  }
.Lfunc_end2:
_tile_overlayer_lowered:
.L_overlay_start_2:
0xb6: {  	(tag) =	ssettag $0x2  }
0xb7: {  	s0 =	rddreg [dreg:$0x0];
	s2 =	stileid.u32  }
0xb8: {  	s1 =	rddreg [dreg:$0x1];
	p0 =	sne.s32 s2, $0x0  }
0xb9: {  	s3 =	rddreg [dreg:$0x2];
	[bflag:$0x3] =	sbarrier.arrive $0xFFFF;
	s2 =	simm.s32 @!p0 $0x1C02  }
0xba: {  	[timem:s3], [sflag:s2] =	dma.local @!p0 [hbm:s0], s1  }
0xbb: {  	s0 =	simm.s32 @!p0 $0x2  }
0xbc: {  	_ =	swait.ge @!p0 [sflag:s0], s1  }
0xbd: {  	s1 =	ssub.s32 @!p0 $0x0, s1;
	[sflag:s0] =	ssyncset.done @!p0 $0x0  }
0xbe: {  	[sflag:s0] =	ssyncadd.s32 @!p0 s1  }
0xbf: {  	[bflag:$0x3] =	sbarrier.arrive $0xFFFF  }
0xc0: {  	_ =	shalt  }

// kernel: kernel.46.cloned.1.call-start
scs
__scs_entry_jumppad:
0x0: {  	(pc) =	sbr.rel $0x88, $3  }
0x1: {  	(tag) =	ssettag $0x0;
	lr =	simm.s32 $0x1  }
0x2: {  	[smem:$0x3F9B] =	sst lr;
	_ =	strace $0xD0000000  }
0x3: {  	_ = 	snop  }
0x4: {  	_ = 	snop  }
0x5: {  	_ = 	snop  }
0x6: {  	_ = 	snop  }
0x7: {  	_ = 	snop  }
__scs_overlays_trampoline_lowered:
0x8: {  	[smem:$0x3FAA] =	sst s0  }
0x9: {  	[smem:$0x3FAB] =	sst s1  }
0xa: {  	[smem:$0x3FAC] =	sst s2  }
0xb: {  	[smem:$0x3FAD] =	sst s3  }
0xc: {  	[smem:$0x3FAE] =	sst s4  }
0xd: {  	[smem:$0x3FAF] =	sst s5  }
0xe: {  	[smem:$0x3FB0] =	sst s6  }
0xf: {  	[smem:$0x3FB1] =	sst s7  }
0x10: {  	[smem:$0x3FB2] =	sst s8  }
0x11: {  	[smem:$0x3FB3] =	sst s9;
	s0 =	simm.s32 @!p0 $0x0  }
0x12: {  	s1 =	sld [smem:$0x3F99];
	s0 =	simm.s32 @p0 $0x1  }
0x13: {  	[smem:$0x3FB4] =	sst s0;
	s0 =	simm.s32 @!p1 $0x0  }
0x14: {  	s2 =	sld [smem:$0x3F98];
	s0 =	simm.s32 @p1 $0x1  }
0x15: {  	[smem:$0x3FB5] =	sst s0;
	s0 =	simm.s32 @!p2 $0x0  }
0x16: {  	s3 =	sld [smem:$0x3FDB];
	s0 =	simm.s32 @p2 $0x1  }
0x17: {  	s4 =	simm.s32 $0x1BF5;
	[smem:$0x3FB7] =	sst s0  }
0x18: {  	s0 =	sld [smem:$0x3F9A];
	_ =	swait.ge [sflag:s4], $0x0  }
0x19: {  	s7 =	sld [smem:$0x3F9B]  }
0x1a: {  	s8 =	sadd.s32 $0xFFFFE003, lr  }
0x1b: {  	s9 =	sadd.s32 $0xFFFFFEF7, lr;
	s5 =	simm.s32 $0xFFFFFFFF;
	p2 =	slt.u32 s8, $0xFFFFF086  }
0x1c: {  	p1 =	slt.u32 s9, $0xF7A;
	s5 =	simm.s32 @!p2 $0x0  }
0x1d: {  	s5 =	simm.s32 @p1 $0x1;
	p0 =	seq.s32 s7, s2  }
0x1e: {  	s7 =	smul.u32 @!p0 $0xF7A, s2;
	p2 =	seq.s32 @!p0 s5, $0x0  }
0x1f: {  	s9 =	smul.u32 $0xF7A, s1;
	s8 =	simm.s32 @!p0 $0x1BF5;
	p2 =	por !p2, p0  }
0x20: {  	[sflag:s8] =	ssyncset.s32 @!p0 $0xFFFFF086;
	s6 =	sadd.s32 @!p0 s3, s7;
	s7 =	simm.s32 @!p0 $0x108  }
0x21: {  	s3 =	sadd.s32 s3, s9;
	s6 =	sadd.s32 @!p0 $0x88, s6;
	s7 =	simm.s32 @p2 $0x1082  }
0x22: {  	[simem:s7], [sflag:s8] =	dma.local @!p0 [hbm:s6], $0xF7A  }
0x23: {  	s9 =	sor.u32 $0xD0000000, s2;
	s6 =	simm.s32 $0x108;
	_ =	swait.ge @!p0 [sflag:s8], $0x0  }
0x24: {  	s3 =	sadd.s32 $0x88, s3;
	s6 =	simm.s32 @!p1 $0x1082;
	[sflag:s4] =	ssyncset.s32 $0xFFFFF086  }
0x25: {  	[simem:s6], [sflag:s4] =	dma.local [hbm:s3], $0xF7A  }
0x26: {  	[smem:$0x3F9B] =	sst s1;
	(tag) =	ssettag s2;
	_ =	strace s9  }
0x27: {  	s1 =	sld [smem:$0x3FAB]  }
0x28: {  	s2 =	sld [smem:$0x3FAC]  }
0x29: {  	s4 =	sld [smem:$0x3FAE]  }
0x2a: {  	p0 =	seq.s32 s5, $0x0;
	s5 =	sld [smem:$0x3FAF]  }
0x2b: {  	s6 =	sld [smem:$0x3FB0]  }
0x2c: {  	s7 =	sld [smem:$0x3FB1]  }
0x2d: {  	s3 =	simm.s32 $0x108;
	s8 =	sld [smem:$0x3FB2]  }
0x2e: {  	s3 =	simm.s32 @!p0 $0x1082;
	s9 =	sld [smem:$0x3FB3]  }
0x2f: {  	lr =	sadd.s32 s0, s3;
	s0 =	sld [smem:$0x3FAA]  }
0x30: {  	s3 =	sld [smem:$0x3FAD]  }
0x31: {  	[smem:$0x3FB6] =	sst s10  }
0x32: {  	s10 =	sld [smem:$0x3FB4];
	_ =	sdelay $0x3  }
0x33: {  	p0 =	seq.s32 s10, $0x1;
	s10 =	sld [smem:$0x3FB6];
	_ =	sdelay $0x3  }
0x34: {  	[smem:$0x3FB6] =	sst s10  }
0x35: {  	s10 =	sld [smem:$0x3FB5];
	_ =	sdelay $0x3  }
0x36: {  	p1 =	seq.s32 s10, $0x1;
	s10 =	sld [smem:$0x3FB6];
	_ =	sdelay $0x3  }
0x37: {  	[smem:$0x3FB6] =	sst s10  }
0x38: {  	s10 =	sld [smem:$0x3FB7]  }
0x39: {  	_ = 	snop;
	(pc) =	sbr.ind lr, $3  }
0x3a: {  	_ = 	snop  }
0x3b: {  	_ = 	snop  }
0x3c: {  	p2 =	seq.s32 s10, $0x1;
	s10 =	sld [smem:$0x3FB6]  }
0x3d: {  	_ =	shalt  }
0x3e: {  	_ =	shalt  }
0x3f: {  	_ =	shalt  }
0x40: {  	_ =	shalt  }
0x41: {  	_ =	shalt  }
0x42: {  	_ =	shalt  }
0x43: {  	_ =	shalt  }
0x44: {  	_ =	shalt  }
0x45: {  	_ =	shalt  }
0x46: {  	_ =	shalt  }
0x47: {  	_ =	shalt  }
0x48: {  	_ =	shalt  }
0x49: {  	_ =	shalt  }
0x4a: {  	_ =	shalt  }
0x4b: {  	_ =	shalt  }
0x4c: {  	_ =	shalt  }
0x4d: {  	_ =	shalt  }
0x4e: {  	_ =	shalt  }
0x4f: {  	_ =	shalt  }
0x50: {  	_ =	shalt  }
0x51: {  	_ =	shalt  }
0x52: {  	_ =	shalt  }
0x53: {  	_ =	shalt  }
0x54: {  	_ =	shalt  }
0x55: {  	_ =	shalt  }
0x56: {  	_ =	shalt  }
0x57: {  	_ =	shalt  }
0x58: {  	_ =	shalt  }
0x59: {  	_ =	shalt  }
0x5a: {  	_ =	shalt  }
0x5b: {  	_ =	shalt  }
0x5c: {  	_ =	shalt  }
0x5d: {  	_ =	shalt  }
0x5e: {  	_ =	shalt  }
0x5f: {  	_ =	shalt  }
0x60: {  	_ =	shalt  }
0x61: {  	_ =	shalt  }
0x62: {  	_ =	shalt  }
0x63: {  	_ =	shalt  }
0x64: {  	_ =	shalt  }
0x65: {  	_ =	shalt  }
0x66: {  	_ =	shalt  }
0x67: {  	_ =	shalt  }
0x68: {  	_ =	shalt  }
0x69: {  	_ =	shalt  }
0x6a: {  	_ =	shalt  }
0x6b: {  	_ =	shalt  }
0x6c: {  	_ =	shalt  }
0x6d: {  	_ =	shalt  }
0x6e: {  	_ =	shalt  }
0x6f: {  	_ =	shalt  }
0x70: {  	_ =	shalt  }
0x71: {  	_ =	shalt  }
0x72: {  	_ =	shalt  }
0x73: {  	_ =	shalt  }
0x74: {  	_ =	shalt  }
0x75: {  	_ =	shalt  }
0x76: {  	_ =	shalt  }
0x77: {  	_ =	shalt  }
0x78: {  	_ =	shalt  }
0x79: {  	_ =	shalt  }
0x7a: {  	_ =	shalt  }
0x7b: {  	_ =	shalt  }
0x7c: {  	_ =	shalt  }
0x7d: {  	_ =	shalt  }
0x7e: {  	_ =	shalt  }
0x7f: {  	_ =	shalt  }
0x80: {  	_ =	shalt  }
0x81: {  	_ =	shalt  }
0x82: {  	_ =	shalt  }
0x83: {  	_ =	shalt  }
0x84: {  	_ =	shalt  }
0x85: {  	_ =	shalt  }
0x86: {  	_ =	shalt  }
0x87: {  	_ =	shalt  }
.Lfunc_end0:
.L_simem_size_0:
called_computation.7_lowered:
.L_overlay_start_0:
0x88: {  	s2 =	sld [smem:$0x3FD9]  }
0x89: {  	s3 =	sld [smem:$0x3FFE];
	_ =	sdelay $0x1  }
0x8a: {  	s1 =	srdreg.scid  }
0x8b: {  	s0 =	sand.u32 $0x1, s1  }
0x8c: {  	s17 =	sshll.u32 s0, $0xA;
	s2 =	sadd.s32 s3, s2  }
0x8d: {  	s2 =	sadd.s32 s2, s17  }
0x8e: {  	[smem:$0x3FC2] =	sst s2  }
0x8f: {  	_ = 	snop  }
0x90: {  	s2 =	sld [smem:$0x3FD0];
	(tm) =	ssettm $0x1  }
0x91: {  	s18 =	sld [smem:$0x3FFB];
	_ =	sdelay $0x3  }
0x92: {  	_ =	strace s18  }
0x93: {  	s3 =	sld [smem:$0x3FFC];
	_ =	sdelay $0x3  }
0x94: {  	_ =	strace s3  }
0x95: {  	s3 =	sld [smem:$0x3FFD];
	_ =	sdelay $0x3  }
0x96: {  	_ =	strace s3  }
0x97: {  	_ =	strace $0x8FFFFFFF  }
0x98: {  	s19 =	sld [smem:$0x3FDB];
	_ =	sdelay $0x1  }
0x99: {  	s4 =	simm.s32 $_scs_section_size  }
0x9a: {  	s5 =	simm.s32 $_size__tile_overlayer_lowered;
	s6 =	simm.s32 $_tile_overlayer_lowered  }
0x9b: {  	s22 =	simm.s32 $0x1BFF;
	s21 =	sshll.u32 s6, $0x1;
	s3 =	sadd.s32 s4, s19  }
0x9c: {  	s7 =	simm.s32 $0x0;
	s20 =	sshll.u32 s5, $0x1;
	s5 =	sadd.s32 s21, s3  }
0x9d: {  	[timem:s7], [sflag:s22] =	dma.local [hbm:s5], s20  }
0x9e: {  	_ =	swait.ge [sflag:s22], s20  }
0x9f: {  	s4 =	ssub.s32 $0x0, s20;
	[sflag:s22] =	ssyncset.done $0x0  }
0xa0: {  	[sflag:s22] =	ssyncadd.s32 s4;
	_ =	sdelay $0x1  }
0xa1: {  	s23 =	simm.s32 $0x1B8B  }
0xa2: {  	_ =	swait.ge [sflag:s23], $0x1  }
0xa3: {  	[sflag:s23] =	ssyncset.done $0x0  }
0xa4: {  	s25 =	simm.s32 $0x1B8E;
	s24 =	sld [smem:$0x3FFE];
	[sflag:s23] =	ssyncadd.s32 $0xFFFFFFFF  }
0xa5: {  	s26 =	simm.s32 $execute0_lowered;
	[smem:$0x3FD2] =	sst s25  }
0xa6: {  	s5 =	sshll.u32 s26, $0x1;
	_ =	strace $0x8000005B;
	[dreg:$0x1] =	wrdreg $0xFFFFFFFF  }
0xa7: {  	s28 =	simm.s32 $_size_execute0_lowered;
	s3 =	sadd.s32 s3, s5;
	[dreg:$0x0] =	wrdreg $0x0  }
0xa8: {  	s5 =	sshll.u32 s28, $0x1;
	[dreg:$0x2] =	wrdreg s3  }
0xa9: {  	[dreg:$0x3] =	wrdreg s5  }
0xaa: {  	[dreg:$0x4] =	wrdreg $0xC0  }
0xab: {  	_ =	task [dreg:s7], $0x5FFFF  }
0xac: {  	[dreg:$0x1] =	wrdreg $0xFFFFFFFF  }
0xad: {  	[dreg:$0x0] =	wrdreg $0x60  }
0xae: {  	[dreg:$0x2] =	wrdreg s2  }
0xaf: {  	[dreg:$0x3] =	wrdreg s24  }
0xb0: {  	[dreg:$0x4] =	wrdreg $0xD4000  }
0xb1: {  	[dreg:$0x5] =	wrdreg $0x9  }
0xb2: {  	_ =	task.clear_ibuf [dreg:s7], $0x6FFFF;
	_ =	strace $0x9000005B  }
0xb3: {  	s29 =	simm.s32 $0x9;
	_ =	strace $0x8000005D  }
0xb4: {  	_ =	swait.ge [sflag:s29], $0x1  }
0xb5: {  	[sflag:s29] =	ssyncadd.s32 $0xFFFFFFFF  }
0xb6: {  	_ =	strace $0x9000005D  }
0xb7: {  	_ =	sfence  }
0xb8: {  	s30 =	sld [smem:$0x0];
	_ =	sdelay $0x2  }
0xb9: {  	s31 =	sshll.u32 s1, $0xD;
	s1 =	sshrl.u32 s1, $0x2  }
0xba: {  	s3 =	sand.u32 $0x4000, s31;
	s1 =	sadd.s32 s1, s30  }
0xbb: {  	s0 =	sor.u32 s3, s0;
	s1 =	sshll.u32 s1, $0x11  }
0xbc: {  	s0 =	sor.u32 s1, s0  }
0xbd: {  	s0 =	sadd.s32 $0x8F2B, s0  }
0xbe: {  	[sflag:s0] =	ssyncadd.remote.s32 $0x1  }
0xbf: {  	_ =	sfence.sel $0xFFFF  }
0xc0: {  	[dreg:$0x0] =	wrdreg $0xFFFFFFFF;
	(pc) =	sbr.abs _section_cstart, $3  }
0xc1: {  	[dreg:$0x1] =	wrdreg $0xFFFFFFFF  }
0xc2: {  	_ =	task.clear_ibuf [dreg:s7], $0x2FFFF;
	_ =	strace $0x9FFFFFFF  }
0xc3: {  	(tm) =	ssettm $0x7FFFFFFF  }
tec
execute0_lowered:
.L_overlay_start_1:
0x0: {  	(tag) =	ssettag $0x1  }
0x1: {  	s0 =	srdreg.scid;
	s1 =	rddreg [dreg:$0x0]  }
0x2: {  	s8 =	stileid.u32;
	s5 =	rddreg [dreg:$0x1]  }
0x3: {  	s3 =	rddreg [dreg:$0x2];
	s4 =	simm.s32 $0x0;
	s10 =	simm.s32 $0x80  }
0x4: {  	s11 =	simm.s32 $0xC400;
	s12 =	simm.s32 $0x1;
	s7 =	smul.u32 $0xC380, s8  }
0x5: {  	s0 =	sand.u32 $0x1, s0;
	s2 =	sshll.u32 s8, $0x1;
	s8 =	smul.u32 $0x30E00, s8  }
0x6: {  	[smem:$0x7FF] =	sst s4;
	s2 =	sor.u32 s0, s2;
	s6 =	smul.u32 $0xC3800, s0  }
0x7: {  	_ =	strace $0x8000005C;
	s0 =	ssub.s32 $0x2, s0;
	s2 =	smul.u32 $0xC40, s2  }
0x8: {  	s9 =	sshrl.u32 s0, $0x1;
	s8 =	sshrl.u32 s8, $0x2;
	s16 =	sadd.s32 s7, s3  }
0x9: {  	s6 =	sadd.s32 s7, s6;
	s0 =	ssub.s32 s0, s9;
	s9 =	simm.s32 $0x2  }
0xa: {  	s2 =	sadd.s32 s2, s5;
	s6 =	sshrl.u32 s6, $0x3;
	s0 =	smax.u32 s0, $0x1  }
0xb: {  	s6 =	sadd.s32 s6, s5;
	s14 =	sadd.s32 $0x4D800, s2;
	[dreg:$0x8] =	wrdreg s0  }
0xc: {  	s5 =	sadd.s32 s8, s3;
	s2 =	sadd.s32 $0x4200, s2;
	[dreg:$0x5] =	wrdreg s14  }
0xd: {  	s8 =	sadd.s32 $0xC000, s5;
	[dreg:$0x6] =	wrdreg s2;
	s15 =	sadd.s32 $0x1CA00, s6  }
0xe: {  	s21 =	sadd.s32 $0x800, s5;
	s22 =	sadd.s32 $0x1000, s5;
	s23 =	sadd.s32 $0x1800, s5  }
0xf: {  	s24 =	sadd.s32 $0x2000, s5;
	s25 =	sadd.s32 $0x2800, s5;
	[dreg:$0x4] =	wrdreg s8  }
0x10: {  	s26 =	sadd.s32 $0x3000, s5;
	s17 =	sadd.s32 $0x3800, s5;
	[dreg:$0x7] =	wrdreg s15  }
0x11: {  	s18 =	sadd.s32 $0x4000, s5;
	s19 =	sadd.s32 $0x4800, s5;
	[dreg:$0x9] =	wrdreg s21  }
0x12: {  	s20 =	sadd.s32 $0x5000, s5;
	s28 =	sadd.s32 $0x8000, s5;
	[dreg:$0xa] =	wrdreg s22  }
0x13: {  	s29 =	sadd.s32 $0x8800, s5;
	s30 =	sadd.s32 $0x9000, s5;
	[dreg:$0xb] =	wrdreg s23  }
0x14: {  	s31 =	sadd.s32 $0x9800, s5;
	s2 =	sadd.s32 $0xA000, s5;
	[dreg:$0xc] =	wrdreg s24  }
0x15: {  	s0 =	sadd.s32 $0xA800, s5;
	s6 =	sadd.s32 $0xB000, s5;
	[dreg:$0xd] =	wrdreg s25  }
0x16: {  	s7 =	sadd.s32 $0xB800, s5;
	[dreg:$0xe] =	wrdreg s26;
	s21 =	sadd.s32 $0x5800, s5  }
0x17: {  	s22 =	sadd.s32 $0x6000, s5;
	s23 =	sadd.s32 $0x6800, s5;
	s24 =	sadd.s32 $0x7000, s5  }
0x18: {  	v0 =	vimm.f32 $0.0e+00;
	s25 =	sshrl.u32 s16, $0x3;
	s26 =	sadd.s32 $0x7800, s5;
	s8 =	simm.s32 $0xCC00  }
.LBB2_1:
0x19: {  	s13 =	simm.s32 $0x40;
	s14 =	simm.s32 $0x0  }
.LBB2_2:
0x1a: {  	p0 =	sne.s32 s13, $0x1FC0;
	[tilespmem:s14+$0xCC00] =	vst v0;
	s14 =	smov.u32 s13;
	s13 =	sadd.s32 $0x40, s13  }
.Ltmp0:
0x1b: {  	(pc) =	sbr.rel @p0 .LBB2_2-.Ltmp0, $2  }
0x1c: {  	_ =	sdelay $0x2  }
0x1d: {  	s14 =	sshra.s32 s14, $0x2  }
0x1e: {  	[tilespmem:s14+$0xCC00] =	vst v0  }
0x1f: {  	[spmem:s5] =	stream.linear.scatter [tilespmem:s8], [sflag:$0x2], $0x800, $0x38;
	[tilespmem:$0x19780] =	vst v63  }
0x20: {  	_ =	swait.ge [sflag:s9], $0x800  }
0x21: {  	[sflag:s9] =	ssyncset.done $0x0  }
0x22: {  	s13 =	rddreg [dreg:$0x9];
	[sflag:s9] =	ssyncadd.s32 $0xFFFFF800  }
0x23: {  	[spmem:s13] =	stream.linear.scatter [tilespmem:s8], [sflag:$0x2], $0x800, $0x38;
	[tilespmem:$0x19780] =	vst v63  }
0x24: {  	_ =	swait.ge [sflag:s9], $0x800  }
0x25: {  	[sflag:s9] =	ssyncset.done $0x0  }
0x26: {  	s15 =	rddreg [dreg:$0xa];
	[sflag:s9] =	ssyncadd.s32 $0xFFFFF800  }
0x27: {  	[spmem:s15] =	stream.linear.scatter [tilespmem:s8], [sflag:$0x2], $0x800, $0x38;
	[tilespmem:$0x19780] =	vst v63  }
0x28: {  	_ =	swait.ge [sflag:s9], $0x800  }
0x29: {  	[sflag:s9] =	ssyncset.done $0x0  }
0x2a: {  	s16 =	rddreg [dreg:$0xb];
	[sflag:s9] =	ssyncadd.s32 $0xFFFFF800  }
0x2b: {  	[spmem:s16] =	stream.linear.scatter [tilespmem:s8], [sflag:$0x2], $0x800, $0x38;
	[tilespmem:$0x19780] =	vst v63  }
0x2c: {  	_ =	swait.ge [sflag:s9], $0x800  }
0x2d: {  	[sflag:s9] =	ssyncset.done $0x0  }
0x2e: {  	s14 =	rddreg [dreg:$0xc];
	[sflag:s9] =	ssyncadd.s32 $0xFFFFF800  }
0x2f: {  	[spmem:s14] =	stream.linear.scatter [tilespmem:s8], [sflag:$0x2], $0x800, $0x38;
	[tilespmem:$0x19780] =	vst v63  }
0x30: {  	_ =	swait.ge [sflag:s9], $0x800  }
0x31: {  	[sflag:s9] =	ssyncset.done $0x0  }
0x32: {  	s15 =	rddreg [dreg:$0xd];
	[sflag:s9] =	ssyncadd.s32 $0xFFFFF800  }
0x33: {  	[spmem:s15] =	stream.linear.scatter [tilespmem:s8], [sflag:$0x2], $0x800, $0x38;
	[tilespmem:$0x19780] =	vst v63  }
0x34: {  	_ =	swait.ge [sflag:s9], $0x800  }
0x35: {  	[sflag:s9] =	ssyncset.done $0x0  }
0x36: {  	s16 =	rddreg [dreg:$0xe];
	[sflag:s9] =	ssyncadd.s32 $0xFFFFF800  }
0x37: {  	[spmem:s16] =	stream.linear.scatter [tilespmem:s8], [sflag:$0x2], $0x800, $0x38;
	[tilespmem:$0x19780] =	vst v63  }
0x38: {  	_ =	swait.ge [sflag:s9], $0x800  }
0x39: {  	[sflag:s9] =	ssyncset.done $0x0  }
0x3a: {  	[sflag:s9] =	ssyncadd.s32 $0xFFFFF800  }
0x3b: {  	[spmem:s17] =	stream.linear.scatter [tilespmem:s8], [sflag:$0x2], $0x800, $0x38;
	[tilespmem:$0x19780] =	vst v63  }
0x3c: {  	_ =	swait.ge [sflag:s9], $0x800  }
0x3d: {  	[sflag:s9] =	ssyncset.done $0x0  }
0x3e: {  	[sflag:s9] =	ssyncadd.s32 $0xFFFFF800  }
0x3f: {  	[spmem:s18] =	stream.linear.scatter [tilespmem:s8], [sflag:$0x2], $0x800, $0x38;
	[tilespmem:$0x19780] =	vst v63  }
0x40: {  	_ =	swait.ge [sflag:s9], $0x800  }
0x41: {  	[sflag:s9] =	ssyncset.done $0x0  }
0x42: {  	[sflag:s9] =	ssyncadd.s32 $0xFFFFF800  }
0x43: {  	[spmem:s19] =	stream.linear.scatter [tilespmem:s8], [sflag:$0x2], $0x800, $0x38;
	[tilespmem:$0x19780] =	vst v63  }
0x44: {  	_ =	swait.ge [sflag:s9], $0x800  }
0x45: {  	[sflag:s9] =	ssyncset.done $0x0  }
0x46: {  	[sflag:s9] =	ssyncadd.s32 $0xFFFFF800  }
0x47: {  	[spmem:s20] =	stream.linear.scatter [tilespmem:s8], [sflag:$0x2], $0x800, $0x38;
	[tilespmem:$0x19780] =	vst v63  }
0x48: {  	_ =	swait.ge [sflag:s9], $0x800  }
0x49: {  	[sflag:s9] =	ssyncset.done $0x0  }
0x4a: {  	[sflag:s9] =	ssyncadd.s32 $0xFFFFF800  }
0x4b: {  	[spmem:s21] =	stream.linear.scatter [tilespmem:s8], [sflag:$0x2], $0x800, $0x38;
	[tilespmem:$0x19780] =	vst v63  }
0x4c: {  	_ =	swait.ge [sflag:s9], $0x800  }
0x4d: {  	[sflag:s9] =	ssyncset.done $0x0  }
0x4e: {  	[sflag:s9] =	ssyncadd.s32 $0xFFFFF800  }
0x4f: {  	[spmem:s22] =	stream.linear.scatter [tilespmem:s8], [sflag:$0x2], $0x800, $0x38;
	[tilespmem:$0x19780] =	vst v63  }
0x50: {  	_ =	swait.ge [sflag:s9], $0x800  }
0x51: {  	[sflag:s9] =	ssyncset.done $0x0  }
0x52: {  	[sflag:s9] =	ssyncadd.s32 $0xFFFFF800  }
0x53: {  	[spmem:s23] =	stream.linear.scatter [tilespmem:s8], [sflag:$0x2], $0x800, $0x38;
	[tilespmem:$0x19780] =	vst v63  }
0x54: {  	_ =	swait.ge [sflag:s9], $0x800  }
0x55: {  	[sflag:s9] =	ssyncset.done $0x0  }
0x56: {  	[sflag:s9] =	ssyncadd.s32 $0xFFFFF800  }
0x57: {  	[spmem:s24] =	stream.linear.scatter [tilespmem:s8], [sflag:$0x2], $0x800, $0x38;
	[tilespmem:$0x19780] =	vst v63  }
0x58: {  	_ =	swait.ge [sflag:s9], $0x800  }
0x59: {  	[sflag:s9] =	ssyncset.done $0x0  }
0x5a: {  	[sflag:s9] =	ssyncadd.s32 $0xFFFFF800  }
0x5b: {  	[spmem:s26] =	stream.linear.scatter [tilespmem:s8], [sflag:$0x2], $0x800, $0x38;
	[tilespmem:$0x19780] =	vst v63  }
0x5c: {  	_ =	swait.ge [sflag:s9], $0x800  }
0x5d: {  	[sflag:s9] =	ssyncset.done $0x0  }
0x5e: {  	[sflag:s9] =	ssyncadd.s32 $0xFFFFF800  }
0x5f: {  	[spmem:s28] =	stream.linear.scatter [tilespmem:s8], [sflag:$0x2], $0x800, $0x38;
	[tilespmem:$0x19780] =	vst v63  }
0x60: {  	_ =	swait.ge [sflag:s9], $0x800  }
0x61: {  	[sflag:s9] =	ssyncset.done $0x0  }
0x62: {  	[sflag:s9] =	ssyncadd.s32 $0xFFFFF800  }
0x63: {  	[spmem:s29] =	stream.linear.scatter [tilespmem:s8], [sflag:$0x2], $0x800, $0x38;
	[tilespmem:$0x19780] =	vst v63  }
0x64: {  	_ =	swait.ge [sflag:s9], $0x800  }
0x65: {  	[sflag:s9] =	ssyncset.done $0x0  }
0x66: {  	[sflag:s9] =	ssyncadd.s32 $0xFFFFF800  }
0x67: {  	[spmem:s30] =	stream.linear.scatter [tilespmem:s8], [sflag:$0x2], $0x800, $0x38;
	[tilespmem:$0x19780] =	vst v63  }
0x68: {  	_ =	swait.ge [sflag:s9], $0x800  }
0x69: {  	[sflag:s9] =	ssyncset.done $0x0  }
0x6a: {  	[sflag:s9] =	ssyncadd.s32 $0xFFFFF800  }
0x6b: {  	[spmem:s31] =	stream.linear.scatter [tilespmem:s8], [sflag:$0x2], $0x800, $0x38;
	[tilespmem:$0x19780] =	vst v63  }
0x6c: {  	_ =	swait.ge [sflag:s9], $0x800  }
0x6d: {  	[sflag:s9] =	ssyncset.done $0x0  }
0x6e: {  	[sflag:s9] =	ssyncadd.s32 $0xFFFFF800  }
0x6f: {  	[spmem:s2] =	stream.linear.scatter [tilespmem:s8], [sflag:$0x2], $0x800, $0x38;
	[tilespmem:$0x19780] =	vst v63  }
0x70: {  	_ =	swait.ge [sflag:s9], $0x800  }
0x71: {  	[sflag:s9] =	ssyncset.done $0x0  }
0x72: {  	[sflag:s9] =	ssyncadd.s32 $0xFFFFF800  }
0x73: {  	[spmem:s0] =	stream.linear.scatter [tilespmem:s8], [sflag:$0x2], $0x800, $0x38;
	[tilespmem:$0x19780] =	vst v63  }
0x74: {  	_ =	swait.ge [sflag:s9], $0x800  }
0x75: {  	[sflag:s9] =	ssyncset.done $0x0  }
0x76: {  	[sflag:s9] =	ssyncadd.s32 $0xFFFFF800  }
0x77: {  	[spmem:s6] =	stream.linear.scatter [tilespmem:s8], [sflag:$0x2], $0x800, $0x38;
	[tilespmem:$0x19780] =	vst v63  }
0x78: {  	_ =	swait.ge [sflag:s9], $0x800  }
0x79: {  	[sflag:s9] =	ssyncset.done $0x0  }
0x7a: {  	[sflag:s9] =	ssyncadd.s32 $0xFFFFF800  }
0x7b: {  	[spmem:s7] =	stream.linear.scatter [tilespmem:s8], [sflag:$0x2], $0x800, $0x38;
	[tilespmem:$0x19780] =	vst v63  }
0x7c: {  	_ =	swait.ge [sflag:s9], $0x800  }
0x7d: {  	[sflag:s9] =	ssyncset.done $0x0  }
0x7e: {  	s14 =	rddreg [dreg:$0x4];
	[sflag:s9] =	ssyncadd.s32 $0xFFFFF800  }
0x7f: {  	[spmem:s14] =	stream.linear.scatter [tilespmem:s8], [sflag:$0x2], $0x380, $0x38;
	[tilespmem:$0x19780] =	vst v63  }
0x80: {  	_ =	swait.ge [sflag:s9], $0x380  }
0x81: {  	[sflag:s9] =	ssyncset.done $0x0  }
0x82: {  	s13 =	simm.s32 $0x0;
	s15 =	rddreg [dreg:$0x5];
	[sflag:s9] =	ssyncadd.s32 $0xFFFFFC80  }
0x83: {  	[tilespmem:s13], [sflag:$0x2] =	stream.linear.gather [hbm4b:s15+s13], $0x6200, $0x38;
	[tilespmem:$0x19780] =	vst v63  }
0x84: {  	_ =	swait.ge [sflag:s9], $0x6200  }
0x85: {  	[sflag:s9] =	ssyncset.done $0x0  }
0x86: {  	s15 =	simm.s32 $0x6200;
	s16 =	rddreg [dreg:$0x6];
	[sflag:s9] =	ssyncadd.s32 $0xFFFF9E00  }
0x87: {  	[tilespmem:s15], [sflag:$0x2] =	stream.linear.gather [hbm4b:s16+s13], $0x6200, $0x38;
	[tilespmem:$0x19780] =	vst v63  }
0x88: {  	_ =	swait.ge [sflag:s9], $0x6200  }
0x89: {  	[sflag:s9] =	ssyncset.done $0x0  }
0x8a: {  	[sflag:s9] =	ssyncadd.s32 $0xFFFF9E00  }
0x8b: {  	s15 =	simm.s32 $0x0;
	[bflag:$0x0] =	sbarrier.arrive $0xFFFF  }
0x8c: {  	[tilespmem:s11], [sflag:$0x1] =	stream.indirect.gather [hbm4b:s1+s10], $0x10, s15, s10, $0xb8;
	[tilespmem:$0x19780] =	vst v63  }
0x8d: {  	_ =	swait.ge [sflag:s12], $0x800  }
0x8e: {  	[sflag:s12] =	ssyncset.done $0x0  }
0x8f: {  	s16 =	simm.s32 $0x6200;
	[sflag:s12] =	ssyncadd.s32 $0xFFFFF800  }
0x90: {  	[spmem:s3] =	stream.indirect.scatter.add.f32 [tilespmem:s11], [sflag:$0x2], $0x10, s16, s10, $0xb8;
	[tilespmem:$0x19780] =	vst v63  }
0x91: {  	_ =	swait.ge [sflag:s9], $0x800  }
0x92: {  	s14 =	simm.s32 $0x400;
	s13 =	simm.s32 $0x200;
	[sflag:s9] =	ssyncset.done $0x0  }
.LBB2_4:
0x93: {  	s15 =	sshra.s32 s13, $0x2  }
0x94: {  	[sflag:s9] =	ssyncadd.s32 $0xFFFFF800;
	s13 =	smov.u32 s14;
	s16 =	sadd.s32 $0x200, s14  }
0x95: {  	[tilespmem:s11], [sflag:$0x1] =	stream.indirect.gather [hbm4b:s1+s10], $0x10, s15, s10, $0xb8;
	[tilespmem:$0x19780] =	vst v63  }
0x96: {  	p0 =	sne.s32 s14, $0x18600;
	_ =	swait.ge [sflag:s12], $0x800  }
.Ltmp1:
0x97: {  	[sflag:s12] =	ssyncset.done $0x0;
	(pc) =	sbr.rel @p0 .LBB2_4-.Ltmp1, $4  }
0x98: {  	s14 =	sadd.s32 $0x6200, s15;
	[sflag:s12] =	ssyncadd.s32 $0xFFFFF800  }
0x99: {  	[spmem:s3] =	stream.indirect.scatter.add.f32 [tilespmem:s11], [sflag:$0x2], $0x10, s14, s10, $0xb8;
	[tilespmem:$0x19780] =	vst v63  }
0x9a: {  	_ =	swait.ge [sflag:s9], $0x800  }
0x9b: {  	s14 =	smov.u32 s16;
	[sflag:s9] =	ssyncset.done $0x0  }
0x9c: {  	s13 =	sshra.s32 s13, $0x2;
	[sflag:s9] =	ssyncadd.s32 $0xFFFFF800  }
0x9d: {  	[tilespmem:s11], [sflag:$0x1] =	stream.indirect.gather [hbm4b:s1+s10], $0x10, s13, s10, $0xb8;
	[tilespmem:$0x19780] =	vst v63  }
0x9e: {  	_ =	swait.ge [sflag:s12], $0x800  }
0x9f: {  	[sflag:s12] =	ssyncset.done $0x0  }
0xa0: {  	s13 =	sadd.s32 $0x6200, s13;
	[sflag:s12] =	ssyncadd.s32 $0xFFFFF800  }
0xa1: {  	[spmem:s3] =	stream.indirect.scatter.add.f32 [tilespmem:s11], [sflag:$0x2], $0x10, s13, s10, $0xb8;
	[tilespmem:$0x19780] =	vst v63  }
0xa2: {  	_ =	swait.ge [sflag:s9], $0x800  }
0xa3: {  	[sflag:s9] =	ssyncset.done $0x0  }
0xa4: {  	s15 =	stileid.u32;
	[sflag:s9] =	ssyncadd.s32 $0xFFFFF800  }
0xa5: {  	s13 =	sshll.u32 s15, $0x6;
	[bflag:$0x0] =	sbarrier.arrive $0xFFFF  }
0xa6: {  	s13 =	sor.u32 $0x1C02, s13;
	s14 =	rddreg [dreg:$0x7]  }
0xa7: {  	[hbm:s14], [sflag:s13] =	dma.local [spmem:s25], $0x1870  }
0xa8: {  	_ =	swait.ge [sflag:s9], $0x1870  }
0xa9: {  	s4 =	sadd.s32 $0x1, s4;
	s16 =	rddreg [dreg:$0x8]  }
0xaa: {  	p0 =	sne.s32 s4, s16  }
.Ltmp2:
0xab: {  	_ = 	snop;
	(pc) =	sbr.rel @p0 .LBB2_1-.Ltmp2, $3  }
0xac: {  	_ =	sdelay $0x1  }
0xad: {  	[sflag:s9] =	ssyncset.done $0x0  }
0xae: {  	[sflag:s9] =	ssyncadd.s32 $0xFFFFE790  }
0xaf: {  	_ =	sfence.sel $0x180000  }
0xb0: {  	[bflag:$0x0] =	sbarrier.arrive $0xFFFF  }
0xb1: {  	_ =	strace $0x9000005C  }
0xb2: {  	s0 =	stileid.u32;
	[bflag:$0x2] =	sbarrier.arrive $0xFFFF  }
0xb3: {  	p0 =	sne.s32 s0, $0x0;
	s0 =	rddreg [dreg:$0x3]  }
0xb4: {  	s0 =	sadd.s32 @!p0 $0x100000, s0  }
0xb5: {  	[sflag:s0] =	ssyncadd.tile.s32 @!p0 $0x1;
	_ =	shalt  }
.Lfunc_end2:
_tile_overlayer_lowered:
.L_overlay_start_2:
0xb6: {  	(tag) =	ssettag $0x2  }
0xb7: {  	s0 =	rddreg [dreg:$0x0];
	s2 =	stileid.u32  }
0xb8: {  	s1 =	rddreg [dreg:$0x1];
	p0 =	sne.s32 s2, $0x0  }
0xb9: {  	s3 =	rddreg [dreg:$0x2];
	[bflag:$0x3] =	sbarrier.arrive $0xFFFF;
	s2 =	simm.s32 @!p0 $0x1C02  }
0xba: {  	[timem:s3], [sflag:s2] =	dma.local @!p0 [hbm:s0], s1  }
0xbb: {  	s0 =	simm.s32 @!p0 $0x2  }
0xbc: {  	_ =	swait.ge @!p0 [sflag:s0], s1  }
0xbd: {  	s1 =	ssub.s32 @!p0 $0x0, s1;
	[sflag:s0] =	ssyncset.done @!p0 $0x0  }
0xbe: {  	[sflag:s0] =	ssyncadd.s32 @!p0 s1  }
0xbf: {  	[bflag:$0x3] =	sbarrier.arrive $0xFFFF  }
0xc0: {  	_ =	shalt  }

// kernel: kernel.49.cloned.1.call-start
scs
__scs_entry_jumppad:
0x0: {  	(pc) =	sbr.rel $0x88, $3  }
0x1: {  	(tag) =	ssettag $0x0;
	lr =	simm.s32 $0x1  }
0x2: {  	[smem:$0x3F9B] =	sst lr;
	_ =	strace $0xD0000000  }
0x3: {  	_ = 	snop  }
0x4: {  	_ = 	snop  }
0x5: {  	_ = 	snop  }
0x6: {  	_ = 	snop  }
0x7: {  	_ = 	snop  }
__scs_overlays_trampoline_lowered:
0x8: {  	[smem:$0x3FAA] =	sst s0  }
0x9: {  	[smem:$0x3FAB] =	sst s1  }
0xa: {  	[smem:$0x3FAC] =	sst s2  }
0xb: {  	[smem:$0x3FAD] =	sst s3  }
0xc: {  	[smem:$0x3FAE] =	sst s4  }
0xd: {  	[smem:$0x3FAF] =	sst s5  }
0xe: {  	[smem:$0x3FB0] =	sst s6  }
0xf: {  	[smem:$0x3FB1] =	sst s7  }
0x10: {  	[smem:$0x3FB2] =	sst s8  }
0x11: {  	[smem:$0x3FB3] =	sst s9;
	s0 =	simm.s32 @!p0 $0x0  }
0x12: {  	s1 =	sld [smem:$0x3F99];
	s0 =	simm.s32 @p0 $0x1  }
0x13: {  	[smem:$0x3FB4] =	sst s0;
	s0 =	simm.s32 @!p1 $0x0  }
0x14: {  	s2 =	sld [smem:$0x3F98];
	s0 =	simm.s32 @p1 $0x1  }
0x15: {  	[smem:$0x3FB5] =	sst s0;
	s0 =	simm.s32 @!p2 $0x0  }
0x16: {  	s3 =	sld [smem:$0x3FDB];
	s0 =	simm.s32 @p2 $0x1  }
0x17: {  	s4 =	simm.s32 $0x1BF5;
	[smem:$0x3FB7] =	sst s0  }
0x18: {  	s0 =	sld [smem:$0x3F9A];
	_ =	swait.ge [sflag:s4], $0x0  }
0x19: {  	s7 =	sld [smem:$0x3F9B]  }
0x1a: {  	s8 =	sadd.s32 $0xFFFFE003, lr  }
0x1b: {  	s9 =	sadd.s32 $0xFFFFFEF7, lr;
	s5 =	simm.s32 $0xFFFFFFFF;
	p2 =	slt.u32 s8, $0xFFFFF086  }
0x1c: {  	p1 =	slt.u32 s9, $0xF7A;
	s5 =	simm.s32 @!p2 $0x0  }
0x1d: {  	s5 =	simm.s32 @p1 $0x1;
	p0 =	seq.s32 s7, s2  }
0x1e: {  	s7 =	smul.u32 @!p0 $0xF7A, s2;
	p2 =	seq.s32 @!p0 s5, $0x0  }
0x1f: {  	s9 =	smul.u32 $0xF7A, s1;
	s8 =	simm.s32 @!p0 $0x1BF5;
	p2 =	por !p2, p0  }
0x20: {  	[sflag:s8] =	ssyncset.s32 @!p0 $0xFFFFF086;
	s6 =	sadd.s32 @!p0 s3, s7;
	s7 =	simm.s32 @!p0 $0x108  }
0x21: {  	s3 =	sadd.s32 s3, s9;
	s6 =	sadd.s32 @!p0 $0x88, s6;
	s7 =	simm.s32 @p2 $0x1082  }
0x22: {  	[simem:s7], [sflag:s8] =	dma.local @!p0 [hbm:s6], $0xF7A  }
0x23: {  	s9 =	sor.u32 $0xD0000000, s2;
	s6 =	simm.s32 $0x108;
	_ =	swait.ge @!p0 [sflag:s8], $0x0  }
0x24: {  	s3 =	sadd.s32 $0x88, s3;
	s6 =	simm.s32 @!p1 $0x1082;
	[sflag:s4] =	ssyncset.s32 $0xFFFFF086  }
0x25: {  	[simem:s6], [sflag:s4] =	dma.local [hbm:s3], $0xF7A  }
0x26: {  	[smem:$0x3F9B] =	sst s1;
	(tag) =	ssettag s2;
	_ =	strace s9  }
0x27: {  	s1 =	sld [smem:$0x3FAB]  }
0x28: {  	s2 =	sld [smem:$0x3FAC]  }
0x29: {  	s4 =	sld [smem:$0x3FAE]  }
0x2a: {  	p0 =	seq.s32 s5, $0x0;
	s5 =	sld [smem:$0x3FAF]  }
0x2b: {  	s6 =	sld [smem:$0x3FB0]  }
0x2c: {  	s7 =	sld [smem:$0x3FB1]  }
0x2d: {  	s3 =	simm.s32 $0x108;
	s8 =	sld [smem:$0x3FB2]  }
0x2e: {  	s3 =	simm.s32 @!p0 $0x1082;
	s9 =	sld [smem:$0x3FB3]  }
0x2f: {  	lr =	sadd.s32 s0, s3;
	s0 =	sld [smem:$0x3FAA]  }
0x30: {  	s3 =	sld [smem:$0x3FAD]  }
0x31: {  	[smem:$0x3FB6] =	sst s10  }
0x32: {  	s10 =	sld [smem:$0x3FB4];
	_ =	sdelay $0x3  }
0x33: {  	p0 =	seq.s32 s10, $0x1;
	s10 =	sld [smem:$0x3FB6];
	_ =	sdelay $0x3  }
0x34: {  	[smem:$0x3FB6] =	sst s10  }
0x35: {  	s10 =	sld [smem:$0x3FB5];
	_ =	sdelay $0x3  }
0x36: {  	p1 =	seq.s32 s10, $0x1;
	s10 =	sld [smem:$0x3FB6];
	_ =	sdelay $0x3  }
0x37: {  	[smem:$0x3FB6] =	sst s10  }
0x38: {  	s10 =	sld [smem:$0x3FB7]  }
0x39: {  	_ = 	snop;
	(pc) =	sbr.ind lr, $3  }
0x3a: {  	_ = 	snop  }
0x3b: {  	_ = 	snop  }
0x3c: {  	p2 =	seq.s32 s10, $0x1;
	s10 =	sld [smem:$0x3FB6]  }
0x3d: {  	_ =	shalt  }
0x3e: {  	_ =	shalt  }
0x3f: {  	_ =	shalt  }
0x40: {  	_ =	shalt  }
0x41: {  	_ =	shalt  }
0x42: {  	_ =	shalt  }
0x43: {  	_ =	shalt  }
0x44: {  	_ =	shalt  }
0x45: {  	_ =	shalt  }
0x46: {  	_ =	shalt  }
0x47: {  	_ =	shalt  }
0x48: {  	_ =	shalt  }
0x49: {  	_ =	shalt  }
0x4a: {  	_ =	shalt  }
0x4b: {  	_ =	shalt  }
0x4c: {  	_ =	shalt  }
0x4d: {  	_ =	shalt  }
0x4e: {  	_ =	shalt  }
0x4f: {  	_ =	shalt  }
0x50: {  	_ =	shalt  }
0x51: {  	_ =	shalt  }
0x52: {  	_ =	shalt  }
0x53: {  	_ =	shalt  }
0x54: {  	_ =	shalt  }
0x55: {  	_ =	shalt  }
0x56: {  	_ =	shalt  }
0x57: {  	_ =	shalt  }
0x58: {  	_ =	shalt  }
0x59: {  	_ =	shalt  }
0x5a: {  	_ =	shalt  }
0x5b: {  	_ =	shalt  }
0x5c: {  	_ =	shalt  }
0x5d: {  	_ =	shalt  }
0x5e: {  	_ =	shalt  }
0x5f: {  	_ =	shalt  }
0x60: {  	_ =	shalt  }
0x61: {  	_ =	shalt  }
0x62: {  	_ =	shalt  }
0x63: {  	_ =	shalt  }
0x64: {  	_ =	shalt  }
0x65: {  	_ =	shalt  }
0x66: {  	_ =	shalt  }
0x67: {  	_ =	shalt  }
0x68: {  	_ =	shalt  }
0x69: {  	_ =	shalt  }
0x6a: {  	_ =	shalt  }
0x6b: {  	_ =	shalt  }
0x6c: {  	_ =	shalt  }
0x6d: {  	_ =	shalt  }
0x6e: {  	_ =	shalt  }
0x6f: {  	_ =	shalt  }
0x70: {  	_ =	shalt  }
0x71: {  	_ =	shalt  }
0x72: {  	_ =	shalt  }
0x73: {  	_ =	shalt  }
0x74: {  	_ =	shalt  }
0x75: {  	_ =	shalt  }
0x76: {  	_ =	shalt  }
0x77: {  	_ =	shalt  }
0x78: {  	_ =	shalt  }
0x79: {  	_ =	shalt  }
0x7a: {  	_ =	shalt  }
0x7b: {  	_ =	shalt  }
0x7c: {  	_ =	shalt  }
0x7d: {  	_ =	shalt  }
0x7e: {  	_ =	shalt  }
0x7f: {  	_ =	shalt  }
0x80: {  	_ =	shalt  }
0x81: {  	_ =	shalt  }
0x82: {  	_ =	shalt  }
0x83: {  	_ =	shalt  }
0x84: {  	_ =	shalt  }
0x85: {  	_ =	shalt  }
0x86: {  	_ =	shalt  }
0x87: {  	_ =	shalt  }
.Lfunc_end0:
.L_simem_size_0:
called_computation.8_lowered:
.L_overlay_start_0:
0x88: {  	s2 =	sld [smem:$0x3FD9]  }
0x89: {  	s3 =	sld [smem:$0x3FFE];
	_ =	sdelay $0x1  }
0x8a: {  	s1 =	srdreg.scid  }
0x8b: {  	s0 =	sand.u32 $0x1, s1  }
0x8c: {  	s17 =	sshll.u32 s0, $0xA;
	s2 =	sadd.s32 s3, s2  }
0x8d: {  	s2 =	sadd.s32 s2, s17  }
0x8e: {  	[smem:$0x3FC2] =	sst s2  }
0x8f: {  	_ = 	snop  }
0x90: {  	s2 =	sld [smem:$0x3FD0];
	(tm) =	ssettm $0x1  }
0x91: {  	s18 =	sld [smem:$0x3FFB];
	_ =	sdelay $0x3  }
0x92: {  	_ =	strace s18  }
0x93: {  	s3 =	sld [smem:$0x3FFC];
	_ =	sdelay $0x3  }
0x94: {  	_ =	strace s3  }
0x95: {  	s3 =	sld [smem:$0x3FFD];
	_ =	sdelay $0x3  }
0x96: {  	_ =	strace s3  }
0x97: {  	_ =	strace $0x8FFFFFFF  }
0x98: {  	s19 =	sld [smem:$0x3FDB];
	_ =	sdelay $0x1  }
0x99: {  	s4 =	simm.s32 $_scs_section_size  }
0x9a: {  	s5 =	simm.s32 $_size__tile_overlayer_lowered;
	s6 =	simm.s32 $_tile_overlayer_lowered  }
0x9b: {  	s22 =	simm.s32 $0x1BFF;
	s21 =	sshll.u32 s6, $0x1;
	s3 =	sadd.s32 s4, s19  }
0x9c: {  	s7 =	simm.s32 $0x0;
	s20 =	sshll.u32 s5, $0x1;
	s5 =	sadd.s32 s21, s3  }
0x9d: {  	[timem:s7], [sflag:s22] =	dma.local [hbm:s5], s20  }
0x9e: {  	_ =	swait.ge [sflag:s22], s20  }
0x9f: {  	s4 =	ssub.s32 $0x0, s20;
	[sflag:s22] =	ssyncset.done $0x0  }
0xa0: {  	[sflag:s22] =	ssyncadd.s32 s4;
	_ =	sdelay $0x1  }
0xa1: {  	s23 =	simm.s32 $0x1B8B  }
0xa2: {  	_ =	swait.ge [sflag:s23], $0x1  }
0xa3: {  	[sflag:s23] =	ssyncset.done $0x0  }
0xa4: {  	s25 =	simm.s32 $0x1B8E;
	s24 =	sld [smem:$0x3FFE];
	[sflag:s23] =	ssyncadd.s32 $0xFFFFFFFF  }
0xa5: {  	s26 =	simm.s32 $execute0_lowered;
	[smem:$0x3FD2] =	sst s25  }
0xa6: {  	s5 =	sshll.u32 s26, $0x1;
	_ =	strace $0x8000005E;
	[dreg:$0x1] =	wrdreg $0xFFFFFFFF  }
0xa7: {  	s28 =	simm.s32 $_size_execute0_lowered;
	s3 =	sadd.s32 s3, s5;
	[dreg:$0x0] =	wrdreg $0x0  }
0xa8: {  	s5 =	sshll.u32 s28, $0x1;
	[dreg:$0x2] =	wrdreg s3  }
0xa9: {  	[dreg:$0x3] =	wrdreg s5  }
0xaa: {  	[dreg:$0x4] =	wrdreg $0xC0  }
0xab: {  	_ =	task [dreg:s7], $0x5FFFF  }
0xac: {  	[dreg:$0x1] =	wrdreg $0xFFFFFFFF  }
0xad: {  	[dreg:$0x0] =	wrdreg $0x60  }
0xae: {  	[dreg:$0x2] =	wrdreg s2  }
0xaf: {  	[dreg:$0x3] =	wrdreg s24  }
0xb0: {  	[dreg:$0x4] =	wrdreg $0xD4000  }
0xb1: {  	[dreg:$0x5] =	wrdreg $0x9  }
0xb2: {  	_ =	task.clear_ibuf [dreg:s7], $0x6FFFF;
	_ =	strace $0x9000005E  }
0xb3: {  	s29 =	simm.s32 $0x9;
	_ =	strace $0x80000060  }
0xb4: {  	_ =	swait.ge [sflag:s29], $0x1  }
0xb5: {  	[sflag:s29] =	ssyncadd.s32 $0xFFFFFFFF  }
0xb6: {  	_ =	strace $0x90000060  }
0xb7: {  	_ =	sfence  }
0xb8: {  	s30 =	sld [smem:$0x0];
	_ =	sdelay $0x2  }
0xb9: {  	s31 =	sshll.u32 s1, $0xD;
	s1 =	sshrl.u32 s1, $0x2  }
0xba: {  	s3 =	sand.u32 $0x4000, s31;
	s1 =	sadd.s32 s1, s30  }
0xbb: {  	s0 =	sor.u32 s3, s0;
	s1 =	sshll.u32 s1, $0x11  }
0xbc: {  	s0 =	sor.u32 s1, s0  }
0xbd: {  	s0 =	sadd.s32 $0x8F2B, s0  }
0xbe: {  	[sflag:s0] =	ssyncadd.remote.s32 $0x1  }
0xbf: {  	_ =	sfence.sel $0xFFFF  }
0xc0: {  	[dreg:$0x0] =	wrdreg $0xFFFFFFFF;
	(pc) =	sbr.abs _section_cstart, $3  }
0xc1: {  	[dreg:$0x1] =	wrdreg $0xFFFFFFFF  }
0xc2: {  	_ =	task.clear_ibuf [dreg:s7], $0x2FFFF;
	_ =	strace $0x9FFFFFFF  }
0xc3: {  	(tm) =	ssettm $0x7FFFFFFF  }
tec
execute0_lowered:
.L_overlay_start_1:
0x0: {  	(tag) =	ssettag $0x1  }
0x1: {  	s0 =	srdreg.scid;
	s1 =	rddreg [dreg:$0x0]  }
0x2: {  	s8 =	stileid.u32;
	s5 =	rddreg [dreg:$0x1]  }
0x3: {  	s3 =	rddreg [dreg:$0x2];
	s4 =	simm.s32 $0x0;
	s10 =	simm.s32 $0x80  }
0x4: {  	s11 =	simm.s32 $0xC400;
	s12 =	simm.s32 $0x1;
	s7 =	smul.u32 $0xC380, s8  }
0x5: {  	s0 =	sand.u32 $0x1, s0;
	s2 =	sshll.u32 s8, $0x1;
	s8 =	smul.u32 $0x30E00, s8  }
0x6: {  	[smem:$0x7FF] =	sst s4;
	s2 =	sor.u32 s0, s2;
	s6 =	smul.u32 $0xC3800, s0  }
0x7: {  	_ =	strace $0x8000005F;
	s0 =	ssub.s32 $0x2, s0;
	s2 =	smul.u32 $0xC40, s2  }
0x8: {  	s9 =	sshrl.u32 s0, $0x1;
	s8 =	sshrl.u32 s8, $0x2;
	s16 =	sadd.s32 s7, s3  }
0x9: {  	s6 =	sadd.s32 s7, s6;
	s0 =	ssub.s32 s0, s9;
	s9 =	simm.s32 $0x2  }
0xa: {  	s2 =	sadd.s32 s2, s5;
	s6 =	sshrl.u32 s6, $0x3;
	s0 =	smax.u32 s0, $0x1  }
0xb: {  	s6 =	sadd.s32 s6, s5;
	s14 =	sadd.s32 $0x4D800, s2;
	[dreg:$0x8] =	wrdreg s0  }
0xc: {  	s5 =	sadd.s32 s8, s3;
	s2 =	sadd.s32 $0x4200, s2;
	[dreg:$0x5] =	wrdreg s14  }
0xd: {  	s8 =	sadd.s32 $0xC000, s5;
	[dreg:$0x6] =	wrdreg s2;
	s15 =	sadd.s32 $0x1CA00, s6  }
0xe: {  	s21 =	sadd.s32 $0x800, s5;
	s22 =	sadd.s32 $0x1000, s5;
	s23 =	sadd.s32 $0x1800, s5  }
0xf: {  	s24 =	sadd.s32 $0x2000, s5;
	s25 =	sadd.s32 $0x2800, s5;
	[dreg:$0x4] =	wrdreg s8  }
0x10: {  	s26 =	sadd.s32 $0x3000, s5;
	s17 =	sadd.s32 $0x3800, s5;
	[dreg:$0x7] =	wrdreg s15  }
0x11: {  	s18 =	sadd.s32 $0x4000, s5;
	s19 =	sadd.s32 $0x4800, s5;
	[dreg:$0x9] =	wrdreg s21  }
0x12: {  	s20 =	sadd.s32 $0x5000, s5;
	s28 =	sadd.s32 $0x8000, s5;
	[dreg:$0xa] =	wrdreg s22  }
0x13: {  	s29 =	sadd.s32 $0x8800, s5;
	s30 =	sadd.s32 $0x9000, s5;
	[dreg:$0xb] =	wrdreg s23  }
0x14: {  	s31 =	sadd.s32 $0x9800, s5;
	s2 =	sadd.s32 $0xA000, s5;
	[dreg:$0xc] =	wrdreg s24  }
0x15: {  	s0 =	sadd.s32 $0xA800, s5;
	s6 =	sadd.s32 $0xB000, s5;
	[dreg:$0xd] =	wrdreg s25  }
0x16: {  	s7 =	sadd.s32 $0xB800, s5;
	[dreg:$0xe] =	wrdreg s26;
	s21 =	sadd.s32 $0x5800, s5  }
0x17: {  	s22 =	sadd.s32 $0x6000, s5;
	s23 =	sadd.s32 $0x6800, s5;
	s24 =	sadd.s32 $0x7000, s5  }
0x18: {  	v0 =	vimm.f32 $0.0e+00;
	s25 =	sshrl.u32 s16, $0x3;
	s26 =	sadd.s32 $0x7800, s5;
	s8 =	simm.s32 $0xCC00  }
.LBB2_1:
0x19: {  	s13 =	simm.s32 $0x40;
	s14 =	simm.s32 $0x0  }
.LBB2_2:
0x1a: {  	p0 =	sne.s32 s13, $0x1FC0;
	[tilespmem:s14+$0xCC00] =	vst v0;
	s14 =	smov.u32 s13;
	s13 =	sadd.s32 $0x40, s13  }
.Ltmp0:
0x1b: {  	(pc) =	sbr.rel @p0 .LBB2_2-.Ltmp0, $2  }
0x1c: {  	_ =	sdelay $0x2  }
0x1d: {  	s14 =	sshra.s32 s14, $0x2  }
0x1e: {  	[tilespmem:s14+$0xCC00] =	vst v0  }
0x1f: {  	[spmem:s5] =	stream.linear.scatter [tilespmem:s8], [sflag:$0x2], $0x800, $0x38;
	[tilespmem:$0x19780] =	vst v63  }
0x20: {  	_ =	swait.ge [sflag:s9], $0x800  }
0x21: {  	[sflag:s9] =	ssyncset.done $0x0  }
0x22: {  	s13 =	rddreg [dreg:$0x9];
	[sflag:s9] =	ssyncadd.s32 $0xFFFFF800  }
0x23: {  	[spmem:s13] =	stream.linear.scatter [tilespmem:s8], [sflag:$0x2], $0x800, $0x38;
	[tilespmem:$0x19780] =	vst v63  }
0x24: {  	_ =	swait.ge [sflag:s9], $0x800  }
0x25: {  	[sflag:s9] =	ssyncset.done $0x0  }
0x26: {  	s15 =	rddreg [dreg:$0xa];
	[sflag:s9] =	ssyncadd.s32 $0xFFFFF800  }
0x27: {  	[spmem:s15] =	stream.linear.scatter [tilespmem:s8], [sflag:$0x2], $0x800, $0x38;
	[tilespmem:$0x19780] =	vst v63  }
0x28: {  	_ =	swait.ge [sflag:s9], $0x800  }
0x29: {  	[sflag:s9] =	ssyncset.done $0x0  }
0x2a: {  	s16 =	rddreg [dreg:$0xb];
	[sflag:s9] =	ssyncadd.s32 $0xFFFFF800  }
0x2b: {  	[spmem:s16] =	stream.linear.scatter [tilespmem:s8], [sflag:$0x2], $0x800, $0x38;
	[tilespmem:$0x19780] =	vst v63  }
0x2c: {  	_ =	swait.ge [sflag:s9], $0x800  }
0x2d: {  	[sflag:s9] =	ssyncset.done $0x0  }
0x2e: {  	s14 =	rddreg [dreg:$0xc];
	[sflag:s9] =	ssyncadd.s32 $0xFFFFF800  }
0x2f: {  	[spmem:s14] =	stream.linear.scatter [tilespmem:s8], [sflag:$0x2], $0x800, $0x38;
	[tilespmem:$0x19780] =	vst v63  }
0x30: {  	_ =	swait.ge [sflag:s9], $0x800  }
0x31: {  	[sflag:s9] =	ssyncset.done $0x0  }
0x32: {  	s15 =	rddreg [dreg:$0xd];
	[sflag:s9] =	ssyncadd.s32 $0xFFFFF800  }
0x33: {  	[spmem:s15] =	stream.linear.scatter [tilespmem:s8], [sflag:$0x2], $0x800, $0x38;
	[tilespmem:$0x19780] =	vst v63  }
0x34: {  	_ =	swait.ge [sflag:s9], $0x800  }
0x35: {  	[sflag:s9] =	ssyncset.done $0x0  }
0x36: {  	s16 =	rddreg [dreg:$0xe];
	[sflag:s9] =	ssyncadd.s32 $0xFFFFF800  }
0x37: {  	[spmem:s16] =	stream.linear.scatter [tilespmem:s8], [sflag:$0x2], $0x800, $0x38;
	[tilespmem:$0x19780] =	vst v63  }
0x38: {  	_ =	swait.ge [sflag:s9], $0x800  }
0x39: {  	[sflag:s9] =	ssyncset.done $0x0  }
0x3a: {  	[sflag:s9] =	ssyncadd.s32 $0xFFFFF800  }
0x3b: {  	[spmem:s17] =	stream.linear.scatter [tilespmem:s8], [sflag:$0x2], $0x800, $0x38;
	[tilespmem:$0x19780] =	vst v63  }
0x3c: {  	_ =	swait.ge [sflag:s9], $0x800  }
0x3d: {  	[sflag:s9] =	ssyncset.done $0x0  }
0x3e: {  	[sflag:s9] =	ssyncadd.s32 $0xFFFFF800  }
0x3f: {  	[spmem:s18] =	stream.linear.scatter [tilespmem:s8], [sflag:$0x2], $0x800, $0x38;
	[tilespmem:$0x19780] =	vst v63  }
0x40: {  	_ =	swait.ge [sflag:s9], $0x800  }
0x41: {  	[sflag:s9] =	ssyncset.done $0x0  }
0x42: {  	[sflag:s9] =	ssyncadd.s32 $0xFFFFF800  }
0x43: {  	[spmem:s19] =	stream.linear.scatter [tilespmem:s8], [sflag:$0x2], $0x800, $0x38;
	[tilespmem:$0x19780] =	vst v63  }
0x44: {  	_ =	swait.ge [sflag:s9], $0x800  }
0x45: {  	[sflag:s9] =	ssyncset.done $0x0  }
0x46: {  	[sflag:s9] =	ssyncadd.s32 $0xFFFFF800  }
0x47: {  	[spmem:s20] =	stream.linear.scatter [tilespmem:s8], [sflag:$0x2], $0x800, $0x38;
	[tilespmem:$0x19780] =	vst v63  }
0x48: {  	_ =	swait.ge [sflag:s9], $0x800  }
0x49: {  	[sflag:s9] =	ssyncset.done $0x0  }
0x4a: {  	[sflag:s9] =	ssyncadd.s32 $0xFFFFF800  }
0x4b: {  	[spmem:s21] =	stream.linear.scatter [tilespmem:s8], [sflag:$0x2], $0x800, $0x38;
	[tilespmem:$0x19780] =	vst v63  }
0x4c: {  	_ =	swait.ge [sflag:s9], $0x800  }
0x4d: {  	[sflag:s9] =	ssyncset.done $0x0  }
0x4e: {  	[sflag:s9] =	ssyncadd.s32 $0xFFFFF800  }
0x4f: {  	[spmem:s22] =	stream.linear.scatter [tilespmem:s8], [sflag:$0x2], $0x800, $0x38;
	[tilespmem:$0x19780] =	vst v63  }
0x50: {  	_ =	swait.ge [sflag:s9], $0x800  }
0x51: {  	[sflag:s9] =	ssyncset.done $0x0  }
0x52: {  	[sflag:s9] =	ssyncadd.s32 $0xFFFFF800  }
0x53: {  	[spmem:s23] =	stream.linear.scatter [tilespmem:s8], [sflag:$0x2], $0x800, $0x38;
	[tilespmem:$0x19780] =	vst v63  }
0x54: {  	_ =	swait.ge [sflag:s9], $0x800  }
0x55: {  	[sflag:s9] =	ssyncset.done $0x0  }
0x56: {  	[sflag:s9] =	ssyncadd.s32 $0xFFFFF800  }
0x57: {  	[spmem:s24] =	stream.linear.scatter [tilespmem:s8], [sflag:$0x2], $0x800, $0x38;
	[tilespmem:$0x19780] =	vst v63  }
0x58: {  	_ =	swait.ge [sflag:s9], $0x800  }
0x59: {  	[sflag:s9] =	ssyncset.done $0x0  }
0x5a: {  	[sflag:s9] =	ssyncadd.s32 $0xFFFFF800  }
0x5b: {  	[spmem:s26] =	stream.linear.scatter [tilespmem:s8], [sflag:$0x2], $0x800, $0x38;
	[tilespmem:$0x19780] =	vst v63  }
0x5c: {  	_ =	swait.ge [sflag:s9], $0x800  }
0x5d: {  	[sflag:s9] =	ssyncset.done $0x0  }
0x5e: {  	[sflag:s9] =	ssyncadd.s32 $0xFFFFF800  }
0x5f: {  	[spmem:s28] =	stream.linear.scatter [tilespmem:s8], [sflag:$0x2], $0x800, $0x38;
	[tilespmem:$0x19780] =	vst v63  }
0x60: {  	_ =	swait.ge [sflag:s9], $0x800  }
0x61: {  	[sflag:s9] =	ssyncset.done $0x0  }
0x62: {  	[sflag:s9] =	ssyncadd.s32 $0xFFFFF800  }
0x63: {  	[spmem:s29] =	stream.linear.scatter [tilespmem:s8], [sflag:$0x2], $0x800, $0x38;
	[tilespmem:$0x19780] =	vst v63  }
0x64: {  	_ =	swait.ge [sflag:s9], $0x800  }
0x65: {  	[sflag:s9] =	ssyncset.done $0x0  }
0x66: {  	[sflag:s9] =	ssyncadd.s32 $0xFFFFF800  }
0x67: {  	[spmem:s30] =	stream.linear.scatter [tilespmem:s8], [sflag:$0x2], $0x800, $0x38;
	[tilespmem:$0x19780] =	vst v63  }
0x68: {  	_ =	swait.ge [sflag:s9], $0x800  }
0x69: {  	[sflag:s9] =	ssyncset.done $0x0  }
0x6a: {  	[sflag:s9] =	ssyncadd.s32 $0xFFFFF800  }
0x6b: {  	[spmem:s31] =	stream.linear.scatter [tilespmem:s8], [sflag:$0x2], $0x800, $0x38;
	[tilespmem:$0x19780] =	vst v63  }
0x6c: {  	_ =	swait.ge [sflag:s9], $0x800  }
0x6d: {  	[sflag:s9] =	ssyncset.done $0x0  }
0x6e: {  	[sflag:s9] =	ssyncadd.s32 $0xFFFFF800  }
0x6f: {  	[spmem:s2] =	stream.linear.scatter [tilespmem:s8], [sflag:$0x2], $0x800, $0x38;
	[tilespmem:$0x19780] =	vst v63  }
0x70: {  	_ =	swait.ge [sflag:s9], $0x800  }
0x71: {  	[sflag:s9] =	ssyncset.done $0x0  }
0x72: {  	[sflag:s9] =	ssyncadd.s32 $0xFFFFF800  }
0x73: {  	[spmem:s0] =	stream.linear.scatter [tilespmem:s8], [sflag:$0x2], $0x800, $0x38;
	[tilespmem:$0x19780] =	vst v63  }
0x74: {  	_ =	swait.ge [sflag:s9], $0x800  }
0x75: {  	[sflag:s9] =	ssyncset.done $0x0  }
0x76: {  	[sflag:s9] =	ssyncadd.s32 $0xFFFFF800  }
0x77: {  	[spmem:s6] =	stream.linear.scatter [tilespmem:s8], [sflag:$0x2], $0x800, $0x38;
	[tilespmem:$0x19780] =	vst v63  }
0x78: {  	_ =	swait.ge [sflag:s9], $0x800  }
0x79: {  	[sflag:s9] =	ssyncset.done $0x0  }
0x7a: {  	[sflag:s9] =	ssyncadd.s32 $0xFFFFF800  }
0x7b: {  	[spmem:s7] =	stream.linear.scatter [tilespmem:s8], [sflag:$0x2], $0x800, $0x38;
	[tilespmem:$0x19780] =	vst v63  }
0x7c: {  	_ =	swait.ge [sflag:s9], $0x800  }
0x7d: {  	[sflag:s9] =	ssyncset.done $0x0  }
0x7e: {  	s14 =	rddreg [dreg:$0x4];
	[sflag:s9] =	ssyncadd.s32 $0xFFFFF800  }
0x7f: {  	[spmem:s14] =	stream.linear.scatter [tilespmem:s8], [sflag:$0x2], $0x380, $0x38;
	[tilespmem:$0x19780] =	vst v63  }
0x80: {  	_ =	swait.ge [sflag:s9], $0x380  }
0x81: {  	[sflag:s9] =	ssyncset.done $0x0  }
0x82: {  	s13 =	simm.s32 $0x0;
	s15 =	rddreg [dreg:$0x5];
	[sflag:s9] =	ssyncadd.s32 $0xFFFFFC80  }
0x83: {  	[tilespmem:s13], [sflag:$0x2] =	stream.linear.gather [hbm4b:s15+s13], $0x6200, $0x38;
	[tilespmem:$0x19780] =	vst v63  }
0x84: {  	_ =	swait.ge [sflag:s9], $0x6200  }
0x85: {  	[sflag:s9] =	ssyncset.done $0x0  }
0x86: {  	s15 =	simm.s32 $0x6200;
	s16 =	rddreg [dreg:$0x6];
	[sflag:s9] =	ssyncadd.s32 $0xFFFF9E00  }
0x87: {  	[tilespmem:s15], [sflag:$0x2] =	stream.linear.gather [hbm4b:s16+s13], $0x6200, $0x38;
	[tilespmem:$0x19780] =	vst v63  }
0x88: {  	_ =	swait.ge [sflag:s9], $0x6200  }
0x89: {  	[sflag:s9] =	ssyncset.done $0x0  }
0x8a: {  	[sflag:s9] =	ssyncadd.s32 $0xFFFF9E00  }
0x8b: {  	s15 =	simm.s32 $0x0;
	[bflag:$0x0] =	sbarrier.arrive $0xFFFF  }
0x8c: {  	[tilespmem:s11], [sflag:$0x1] =	stream.indirect.gather [hbm4b:s1+s10], $0x10, s15, s10, $0xb8;
	[tilespmem:$0x19780] =	vst v63  }
0x8d: {  	_ =	swait.ge [sflag:s12], $0x800  }
0x8e: {  	[sflag:s12] =	ssyncset.done $0x0  }
0x8f: {  	s16 =	simm.s32 $0x6200;
	[sflag:s12] =	ssyncadd.s32 $0xFFFFF800  }
0x90: {  	[spmem:s3] =	stream.indirect.scatter.add.f32 [tilespmem:s11], [sflag:$0x2], $0x10, s16, s10, $0xb8;
	[tilespmem:$0x19780] =	vst v63  }
0x91: {  	_ =	swait.ge [sflag:s9], $0x800  }
0x92: {  	s14 =	simm.s32 $0x400;
	s13 =	simm.s32 $0x200;
	[sflag:s9] =	ssyncset.done $0x0  }
.LBB2_4:
0x93: {  	s15 =	sshra.s32 s13, $0x2  }
0x94: {  	[sflag:s9] =	ssyncadd.s32 $0xFFFFF800;
	s13 =	smov.u32 s14;
	s16 =	sadd.s32 $0x200, s14  }
0x95: {  	[tilespmem:s11], [sflag:$0x1] =	stream.indirect.gather [hbm4b:s1+s10], $0x10, s15, s10, $0xb8;
	[tilespmem:$0x19780] =	vst v63  }
0x96: {  	p0 =	sne.s32 s14, $0x18600;
	_ =	swait.ge [sflag:s12], $0x800  }
.Ltmp1:
0x97: {  	[sflag:s12] =	ssyncset.done $0x0;
	(pc) =	sbr.rel @p0 .LBB2_4-.Ltmp1, $4  }
0x98: {  	s14 =	sadd.s32 $0x6200, s15;
	[sflag:s12] =	ssyncadd.s32 $0xFFFFF800  }
0x99: {  	[spmem:s3] =	stream.indirect.scatter.add.f32 [tilespmem:s11], [sflag:$0x2], $0x10, s14, s10, $0xb8;
	[tilespmem:$0x19780] =	vst v63  }
0x9a: {  	_ =	swait.ge [sflag:s9], $0x800  }
0x9b: {  	s14 =	smov.u32 s16;
	[sflag:s9] =	ssyncset.done $0x0  }
0x9c: {  	s13 =	sshra.s32 s13, $0x2;
	[sflag:s9] =	ssyncadd.s32 $0xFFFFF800  }
0x9d: {  	[tilespmem:s11], [sflag:$0x1] =	stream.indirect.gather [hbm4b:s1+s10], $0x10, s13, s10, $0xb8;
	[tilespmem:$0x19780] =	vst v63  }
0x9e: {  	_ =	swait.ge [sflag:s12], $0x800  }
0x9f: {  	[sflag:s12] =	ssyncset.done $0x0  }
0xa0: {  	s13 =	sadd.s32 $0x6200, s13;
	[sflag:s12] =	ssyncadd.s32 $0xFFFFF800  }
0xa1: {  	[spmem:s3] =	stream.indirect.scatter.add.f32 [tilespmem:s11], [sflag:$0x2], $0x10, s13, s10, $0xb8;
	[tilespmem:$0x19780] =	vst v63  }
0xa2: {  	_ =	swait.ge [sflag:s9], $0x800  }
0xa3: {  	[sflag:s9] =	ssyncset.done $0x0  }
0xa4: {  	s15 =	stileid.u32;
	[sflag:s9] =	ssyncadd.s32 $0xFFFFF800  }
0xa5: {  	s13 =	sshll.u32 s15, $0x6;
	[bflag:$0x0] =	sbarrier.arrive $0xFFFF  }
0xa6: {  	s13 =	sor.u32 $0x1C02, s13;
	s14 =	rddreg [dreg:$0x7]  }
0xa7: {  	[hbm:s14], [sflag:s13] =	dma.local [spmem:s25], $0x1870  }
0xa8: {  	_ =	swait.ge [sflag:s9], $0x1870  }
0xa9: {  	s4 =	sadd.s32 $0x1, s4;
	s16 =	rddreg [dreg:$0x8]  }
0xaa: {  	p0 =	sne.s32 s4, s16  }
.Ltmp2:
0xab: {  	_ = 	snop;
	(pc) =	sbr.rel @p0 .LBB2_1-.Ltmp2, $3  }
0xac: {  	_ =	sdelay $0x1  }
0xad: {  	[sflag:s9] =	ssyncset.done $0x0  }
0xae: {  	[sflag:s9] =	ssyncadd.s32 $0xFFFFE790  }
0xaf: {  	_ =	sfence.sel $0x180000  }
0xb0: {  	[bflag:$0x0] =	sbarrier.arrive $0xFFFF  }
0xb1: {  	_ =	strace $0x9000005F  }
0xb2: {  	s0 =	stileid.u32;
	[bflag:$0x2] =	sbarrier.arrive $0xFFFF  }
0xb3: {  	p0 =	sne.s32 s0, $0x0;
	s0 =	rddreg [dreg:$0x3]  }
0xb4: {  	s0 =	sadd.s32 @!p0 $0x100000, s0  }
0xb5: {  	[sflag:s0] =	ssyncadd.tile.s32 @!p0 $0x1;
	_ =	shalt  }
.Lfunc_end2:
_tile_overlayer_lowered:
.L_overlay_start_2:
0xb6: {  	(tag) =	ssettag $0x2  }
0xb7: {  	s0 =	rddreg [dreg:$0x0];
	s2 =	stileid.u32  }
0xb8: {  	s1 =	rddreg [dreg:$0x1];
	p0 =	sne.s32 s2, $0x0  }
0xb9: {  	s3 =	rddreg [dreg:$0x2];
	[bflag:$0x3] =	sbarrier.arrive $0xFFFF;
	s2 =	simm.s32 @!p0 $0x1C02  }
0xba: {  	[timem:s3], [sflag:s2] =	dma.local @!p0 [hbm:s0], s1  }
0xbb: {  	s0 =	simm.s32 @!p0 $0x2  }
0xbc: {  	_ =	swait.ge @!p0 [sflag:s0], s1  }
0xbd: {  	s1 =	ssub.s32 @!p0 $0x0, s1;
	[sflag:s0] =	ssyncset.done @!p0 $0x0  }
0xbe: {  	[sflag:s0] =	ssyncadd.s32 @!p0 s1  }
0xbf: {  	[bflag:$0x3] =	sbarrier.arrive $0xFFFF  }
0xc0: {  	_ =	shalt  }

// kernel: kernel.52.cloned.1.call-start
scs
__scs_entry_jumppad:
0x0: {  	(pc) =	sbr.rel $0x88, $3  }
0x1: {  	(tag) =	ssettag $0x0;
	lr =	simm.s32 $0x1  }
0x2: {  	[smem:$0x3F9B] =	sst lr;
	_ =	strace $0xD0000000  }
0x3: {  	_ = 	snop  }
0x4: {  	_ = 	snop  }
0x5: {  	_ = 	snop  }
0x6: {  	_ = 	snop  }
0x7: {  	_ = 	snop  }
__scs_overlays_trampoline_lowered:
0x8: {  	[smem:$0x3FAA] =	sst s0  }
0x9: {  	[smem:$0x3FAB] =	sst s1  }
0xa: {  	[smem:$0x3FAC] =	sst s2  }
0xb: {  	[smem:$0x3FAD] =	sst s3  }
0xc: {  	[smem:$0x3FAE] =	sst s4  }
0xd: {  	[smem:$0x3FAF] =	sst s5  }
0xe: {  	[smem:$0x3FB0] =	sst s6  }
0xf: {  	[smem:$0x3FB1] =	sst s7  }
0x10: {  	[smem:$0x3FB2] =	sst s8  }
0x11: {  	[smem:$0x3FB3] =	sst s9;
	s0 =	simm.s32 @!p0 $0x0  }
0x12: {  	s1 =	sld [smem:$0x3F99];
	s0 =	simm.s32 @p0 $0x1  }
0x13: {  	[smem:$0x3FB4] =	sst s0;
	s0 =	simm.s32 @!p1 $0x0  }
0x14: {  	s2 =	sld [smem:$0x3F98];
	s0 =	simm.s32 @p1 $0x1  }
0x15: {  	[smem:$0x3FB5] =	sst s0;
	s0 =	simm.s32 @!p2 $0x0  }
0x16: {  	s3 =	sld [smem:$0x3FDB];
	s0 =	simm.s32 @p2 $0x1  }
0x17: {  	s4 =	simm.s32 $0x1BF5;
	[smem:$0x3FB7] =	sst s0  }
0x18: {  	s0 =	sld [smem:$0x3F9A];
	_ =	swait.ge [sflag:s4], $0x0  }
0x19: {  	s7 =	sld [smem:$0x3F9B]  }
0x1a: {  	s8 =	sadd.s32 $0xFFFFE003, lr  }
0x1b: {  	s9 =	sadd.s32 $0xFFFFFEF7, lr;
	s5 =	simm.s32 $0xFFFFFFFF;
	p2 =	slt.u32 s8, $0xFFFFF086  }
0x1c: {  	p1 =	slt.u32 s9, $0xF7A;
	s5 =	simm.s32 @!p2 $0x0  }
0x1d: {  	s5 =	simm.s32 @p1 $0x1;
	p0 =	seq.s32 s7, s2  }
0x1e: {  	s7 =	smul.u32 @!p0 $0xF7A, s2;
	p2 =	seq.s32 @!p0 s5, $0x0  }
0x1f: {  	s9 =	smul.u32 $0xF7A, s1;
	s8 =	simm.s32 @!p0 $0x1BF5;
	p2 =	por !p2, p0  }
0x20: {  	[sflag:s8] =	ssyncset.s32 @!p0 $0xFFFFF086;
	s6 =	sadd.s32 @!p0 s3, s7;
	s7 =	simm.s32 @!p0 $0x108  }
0x21: {  	s3 =	sadd.s32 s3, s9;
	s6 =	sadd.s32 @!p0 $0x88, s6;
	s7 =	simm.s32 @p2 $0x1082  }
0x22: {  	[simem:s7], [sflag:s8] =	dma.local @!p0 [hbm:s6], $0xF7A  }
0x23: {  	s9 =	sor.u32 $0xD0000000, s2;
	s6 =	simm.s32 $0x108;
	_ =	swait.ge @!p0 [sflag:s8], $0x0  }
0x24: {  	s3 =	sadd.s32 $0x88, s3;
	s6 =	simm.s32 @!p1 $0x1082;
	[sflag:s4] =	ssyncset.s32 $0xFFFFF086  }
0x25: {  	[simem:s6], [sflag:s4] =	dma.local [hbm:s3], $0xF7A  }
0x26: {  	[smem:$0x3F9B] =	sst s1;
	(tag) =	ssettag s2;
	_ =	strace s9  }
0x27: {  	s1 =	sld [smem:$0x3FAB]  }
0x28: {  	s2 =	sld [smem:$0x3FAC]  }
0x29: {  	s4 =	sld [smem:$0x3FAE]  }
0x2a: {  	p0 =	seq.s32 s5, $0x0;
	s5 =	sld [smem:$0x3FAF]  }
0x2b: {  	s6 =	sld [smem:$0x3FB0]  }
0x2c: {  	s7 =	sld [smem:$0x3FB1]  }
0x2d: {  	s3 =	simm.s32 $0x108;
	s8 =	sld [smem:$0x3FB2]  }
0x2e: {  	s3 =	simm.s32 @!p0 $0x1082;
	s9 =	sld [smem:$0x3FB3]  }
0x2f: {  	lr =	sadd.s32 s0, s3;
	s0 =	sld [smem:$0x3FAA]  }
0x30: {  	s3 =	sld [smem:$0x3FAD]  }
0x31: {  	[smem:$0x3FB6] =	sst s10  }
0x32: {  	s10 =	sld [smem:$0x3FB4];
	_ =	sdelay $0x3  }
0x33: {  	p0 =	seq.s32 s10, $0x1;
	s10 =	sld [smem:$0x3FB6];
	_ =	sdelay $0x3  }
0x34: {  	[smem:$0x3FB6] =	sst s10  }
0x35: {  	s10 =	sld [smem:$0x3FB5];
	_ =	sdelay $0x3  }
0x36: {  	p1 =	seq.s32 s10, $0x1;
	s10 =	sld [smem:$0x3FB6];
	_ =	sdelay $0x3  }
0x37: {  	[smem:$0x3FB6] =	sst s10  }
0x38: {  	s10 =	sld [smem:$0x3FB7]  }
0x39: {  	_ = 	snop;
	(pc) =	sbr.ind lr, $3  }
0x3a: {  	_ = 	snop  }
0x3b: {  	_ = 	snop  }
0x3c: {  	p2 =	seq.s32 s10, $0x1;
	s10 =	sld [smem:$0x3FB6]  }
0x3d: {  	_ =	shalt  }
0x3e: {  	_ =	shalt  }
0x3f: {  	_ =	shalt  }
0x40: {  	_ =	shalt  }
0x41: {  	_ =	shalt  }
0x42: {  	_ =	shalt  }
0x43: {  	_ =	shalt  }
0x44: {  	_ =	shalt  }
0x45: {  	_ =	shalt  }
0x46: {  	_ =	shalt  }
0x47: {  	_ =	shalt  }
0x48: {  	_ =	shalt  }
0x49: {  	_ =	shalt  }
0x4a: {  	_ =	shalt  }
0x4b: {  	_ =	shalt  }
0x4c: {  	_ =	shalt  }
0x4d: {  	_ =	shalt  }
0x4e: {  	_ =	shalt  }
0x4f: {  	_ =	shalt  }
0x50: {  	_ =	shalt  }
0x51: {  	_ =	shalt  }
0x52: {  	_ =	shalt  }
0x53: {  	_ =	shalt  }
0x54: {  	_ =	shalt  }
0x55: {  	_ =	shalt  }
0x56: {  	_ =	shalt  }
0x57: {  	_ =	shalt  }
0x58: {  	_ =	shalt  }
0x59: {  	_ =	shalt  }
0x5a: {  	_ =	shalt  }
0x5b: {  	_ =	shalt  }
0x5c: {  	_ =	shalt  }
0x5d: {  	_ =	shalt  }
0x5e: {  	_ =	shalt  }
0x5f: {  	_ =	shalt  }
0x60: {  	_ =	shalt  }
0x61: {  	_ =	shalt  }
0x62: {  	_ =	shalt  }
0x63: {  	_ =	shalt  }
0x64: {  	_ =	shalt  }
0x65: {  	_ =	shalt  }
0x66: {  	_ =	shalt  }
0x67: {  	_ =	shalt  }
0x68: {  	_ =	shalt  }
0x69: {  	_ =	shalt  }
0x6a: {  	_ =	shalt  }
0x6b: {  	_ =	shalt  }
0x6c: {  	_ =	shalt  }
0x6d: {  	_ =	shalt  }
0x6e: {  	_ =	shalt  }
0x6f: {  	_ =	shalt  }
0x70: {  	_ =	shalt  }
0x71: {  	_ =	shalt  }
0x72: {  	_ =	shalt  }
0x73: {  	_ =	shalt  }
0x74: {  	_ =	shalt  }
0x75: {  	_ =	shalt  }
0x76: {  	_ =	shalt  }
0x77: {  	_ =	shalt  }
0x78: {  	_ =	shalt  }
0x79: {  	_ =	shalt  }
0x7a: {  	_ =	shalt  }
0x7b: {  	_ =	shalt  }
0x7c: {  	_ =	shalt  }
0x7d: {  	_ =	shalt  }
0x7e: {  	_ =	shalt  }
0x7f: {  	_ =	shalt  }
0x80: {  	_ =	shalt  }
0x81: {  	_ =	shalt  }
0x82: {  	_ =	shalt  }
0x83: {  	_ =	shalt  }
0x84: {  	_ =	shalt  }
0x85: {  	_ =	shalt  }
0x86: {  	_ =	shalt  }
0x87: {  	_ =	shalt  }
.Lfunc_end0:
.L_simem_size_0:
called_computation.9_lowered:
.L_overlay_start_0:
0x88: {  	s2 =	sld [smem:$0x3FD9]  }
0x89: {  	s3 =	sld [smem:$0x3FFE];
	_ =	sdelay $0x1  }
0x8a: {  	s1 =	srdreg.scid  }
0x8b: {  	s0 =	sand.u32 $0x1, s1  }
0x8c: {  	s17 =	sshll.u32 s0, $0xA;
	s2 =	sadd.s32 s3, s2  }
0x8d: {  	s2 =	sadd.s32 s2, s17  }
0x8e: {  	[smem:$0x3FC2] =	sst s2  }
0x8f: {  	_ = 	snop  }
0x90: {  	s2 =	sld [smem:$0x3FD0];
	(tm) =	ssettm $0x1  }
0x91: {  	s18 =	sld [smem:$0x3FFB];
	_ =	sdelay $0x3  }
0x92: {  	_ =	strace s18  }
0x93: {  	s3 =	sld [smem:$0x3FFC];
	_ =	sdelay $0x3  }
0x94: {  	_ =	strace s3  }
0x95: {  	s3 =	sld [smem:$0x3FFD];
	_ =	sdelay $0x3  }
0x96: {  	_ =	strace s3  }
0x97: {  	_ =	strace $0x8FFFFFFF  }
0x98: {  	s19 =	sld [smem:$0x3FDB];
	_ =	sdelay $0x1  }
0x99: {  	s4 =	simm.s32 $_scs_section_size  }
0x9a: {  	s5 =	simm.s32 $_size__tile_overlayer_lowered;
	s6 =	simm.s32 $_tile_overlayer_lowered  }
0x9b: {  	s22 =	simm.s32 $0x1BFF;
	s21 =	sshll.u32 s6, $0x1;
	s3 =	sadd.s32 s4, s19  }
0x9c: {  	s7 =	simm.s32 $0x0;
	s20 =	sshll.u32 s5, $0x1;
	s5 =	sadd.s32 s21, s3  }
0x9d: {  	[timem:s7], [sflag:s22] =	dma.local [hbm:s5], s20  }
0x9e: {  	_ =	swait.ge [sflag:s22], s20  }
0x9f: {  	s4 =	ssub.s32 $0x0, s20;
	[sflag:s22] =	ssyncset.done $0x0  }
0xa0: {  	[sflag:s22] =	ssyncadd.s32 s4;
	_ =	sdelay $0x1  }
0xa1: {  	s23 =	simm.s32 $0x1B8B  }
0xa2: {  	_ =	swait.ge [sflag:s23], $0x1  }
0xa3: {  	[sflag:s23] =	ssyncset.done $0x0  }
0xa4: {  	s25 =	simm.s32 $0x1B8E;
	s24 =	sld [smem:$0x3FFE];
	[sflag:s23] =	ssyncadd.s32 $0xFFFFFFFF  }
0xa5: {  	s26 =	simm.s32 $execute0_lowered;
	[smem:$0x3FD2] =	sst s25  }
0xa6: {  	s5 =	sshll.u32 s26, $0x1;
	_ =	strace $0x80000061;
	[dreg:$0x1] =	wrdreg $0xFFFFFFFF  }
0xa7: {  	s28 =	simm.s32 $_size_execute0_lowered;
	s3 =	sadd.s32 s3, s5;
	[dreg:$0x0] =	wrdreg $0x0  }
0xa8: {  	s5 =	sshll.u32 s28, $0x1;
	[dreg:$0x2] =	wrdreg s3  }
0xa9: {  	[dreg:$0x3] =	wrdreg s5  }
0xaa: {  	[dreg:$0x4] =	wrdreg $0xC0  }
0xab: {  	_ =	task [dreg:s7], $0x5FFFF  }
0xac: {  	[dreg:$0x1] =	wrdreg $0xFFFFFFFF  }
0xad: {  	[dreg:$0x0] =	wrdreg $0x60  }
0xae: {  	[dreg:$0x2] =	wrdreg s2  }
0xaf: {  	[dreg:$0x3] =	wrdreg s24  }
0xb0: {  	[dreg:$0x4] =	wrdreg $0xD4000  }
0xb1: {  	[dreg:$0x5] =	wrdreg $0x9  }
0xb2: {  	_ =	task.clear_ibuf [dreg:s7], $0x6FFFF;
	_ =	strace $0x90000061  }
0xb3: {  	s29 =	simm.s32 $0x9;
	_ =	strace $0x80000063  }
0xb4: {  	_ =	swait.ge [sflag:s29], $0x1  }
0xb5: {  	[sflag:s29] =	ssyncadd.s32 $0xFFFFFFFF  }
0xb6: {  	_ =	strace $0x90000063  }
0xb7: {  	_ =	sfence  }
0xb8: {  	s30 =	sld [smem:$0x0];
	_ =	sdelay $0x2  }
0xb9: {  	s31 =	sshll.u32 s1, $0xD;
	s1 =	sshrl.u32 s1, $0x2  }
0xba: {  	s3 =	sand.u32 $0x4000, s31;
	s1 =	sadd.s32 s1, s30  }
0xbb: {  	s0 =	sor.u32 s3, s0;
	s1 =	sshll.u32 s1, $0x11  }
0xbc: {  	s0 =	sor.u32 s1, s0  }
0xbd: {  	s0 =	sadd.s32 $0x8F2B, s0  }
0xbe: {  	[sflag:s0] =	ssyncadd.remote.s32 $0x1  }
0xbf: {  	_ =	sfence.sel $0xFFFF  }
0xc0: {  	[dreg:$0x0] =	wrdreg $0xFFFFFFFF;
	(pc) =	sbr.abs _section_cstart, $3  }
0xc1: {  	[dreg:$0x1] =	wrdreg $0xFFFFFFFF  }
0xc2: {  	_ =	task.clear_ibuf [dreg:s7], $0x2FFFF;
	_ =	strace $0x9FFFFFFF  }
0xc3: {  	(tm) =	ssettm $0x7FFFFFFF  }
tec
execute0_lowered:
.L_overlay_start_1:
0x0: {  	(tag) =	ssettag $0x1  }
0x1: {  	s0 =	srdreg.scid;
	s1 =	rddreg [dreg:$0x0]  }
0x2: {  	s8 =	stileid.u32;
	s5 =	rddreg [dreg:$0x1]  }
0x3: {  	s3 =	rddreg [dreg:$0x2];
	s4 =	simm.s32 $0x0;
	s10 =	simm.s32 $0x80  }
0x4: {  	s11 =	simm.s32 $0xC400;
	s12 =	simm.s32 $0x1;
	s7 =	smul.u32 $0xC380, s8  }
0x5: {  	s0 =	sand.u32 $0x1, s0;
	s2 =	sshll.u32 s8, $0x1;
	s8 =	smul.u32 $0x30E00, s8  }
0x6: {  	[smem:$0x7FF] =	sst s4;
	s2 =	sor.u32 s0, s2;
	s6 =	smul.u32 $0xC3800, s0  }
0x7: {  	_ =	strace $0x80000062;
	s0 =	ssub.s32 $0x2, s0;
	s2 =	smul.u32 $0xC40, s2  }
0x8: {  	s9 =	sshrl.u32 s0, $0x1;
	s8 =	sshrl.u32 s8, $0x2;
	s16 =	sadd.s32 s7, s3  }
0x9: {  	s6 =	sadd.s32 s7, s6;
	s0 =	ssub.s32 s0, s9;
	s9 =	simm.s32 $0x2  }
0xa: {  	s2 =	sadd.s32 s2, s5;
	s6 =	sshrl.u32 s6, $0x3;
	s0 =	smax.u32 s0, $0x1  }
0xb: {  	s6 =	sadd.s32 s6, s5;
	s14 =	sadd.s32 $0x4D800, s2;
	[dreg:$0x8] =	wrdreg s0  }
0xc: {  	s5 =	sadd.s32 s8, s3;
	s2 =	sadd.s32 $0x4200, s2;
	[dreg:$0x5] =	wrdreg s14  }
0xd: {  	s8 =	sadd.s32 $0xC000, s5;
	[dreg:$0x6] =	wrdreg s2;
	s15 =	sadd.s32 $0x1CA00, s6  }
0xe: {  	s21 =	sadd.s32 $0x800, s5;
	s22 =	sadd.s32 $0x1000, s5;
	s23 =	sadd.s32 $0x1800, s5  }
0xf: {  	s24 =	sadd.s32 $0x2000, s5;
	s25 =	sadd.s32 $0x2800, s5;
	[dreg:$0x4] =	wrdreg s8  }
0x10: {  	s26 =	sadd.s32 $0x3000, s5;
	s17 =	sadd.s32 $0x3800, s5;
	[dreg:$0x7] =	wrdreg s15  }
0x11: {  	s18 =	sadd.s32 $0x4000, s5;
	s19 =	sadd.s32 $0x4800, s5;
	[dreg:$0x9] =	wrdreg s21  }
0x12: {  	s20 =	sadd.s32 $0x5000, s5;
	s28 =	sadd.s32 $0x8000, s5;
	[dreg:$0xa] =	wrdreg s22  }
0x13: {  	s29 =	sadd.s32 $0x8800, s5;
	s30 =	sadd.s32 $0x9000, s5;
	[dreg:$0xb] =	wrdreg s23  }
0x14: {  	s31 =	sadd.s32 $0x9800, s5;
	s2 =	sadd.s32 $0xA000, s5;
	[dreg:$0xc] =	wrdreg s24  }
0x15: {  	s0 =	sadd.s32 $0xA800, s5;
	s6 =	sadd.s32 $0xB000, s5;
	[dreg:$0xd] =	wrdreg s25  }
0x16: {  	s7 =	sadd.s32 $0xB800, s5;
	[dreg:$0xe] =	wrdreg s26;
	s21 =	sadd.s32 $0x5800, s5  }
0x17: {  	s22 =	sadd.s32 $0x6000, s5;
	s23 =	sadd.s32 $0x6800, s5;
	s24 =	sadd.s32 $0x7000, s5  }
0x18: {  	v0 =	vimm.f32 $0.0e+00;
	s25 =	sshrl.u32 s16, $0x3;
	s26 =	sadd.s32 $0x7800, s5;
	s8 =	simm.s32 $0xCC00  }
.LBB2_1:
0x19: {  	s13 =	simm.s32 $0x40;
	s14 =	simm.s32 $0x0  }
.LBB2_2:
0x1a: {  	p0 =	sne.s32 s13, $0x1FC0;
	[tilespmem:s14+$0xCC00] =	vst v0;
	s14 =	smov.u32 s13;
	s13 =	sadd.s32 $0x40, s13  }
.Ltmp0:
0x1b: {  	(pc) =	sbr.rel @p0 .LBB2_2-.Ltmp0, $2  }
0x1c: {  	_ =	sdelay $0x2  }
0x1d: {  	s14 =	sshra.s32 s14, $0x2  }
0x1e: {  	[tilespmem:s14+$0xCC00] =	vst v0  }
0x1f: {  	[spmem:s5] =	stream.linear.scatter [tilespmem:s8], [sflag:$0x2], $0x800, $0x38;
	[tilespmem:$0x19780] =	vst v63  }
0x20: {  	_ =	swait.ge [sflag:s9], $0x800  }
0x21: {  	[sflag:s9] =	ssyncset.done $0x0  }
0x22: {  	s13 =	rddreg [dreg:$0x9];
	[sflag:s9] =	ssyncadd.s32 $0xFFFFF800  }
0x23: {  	[spmem:s13] =	stream.linear.scatter [tilespmem:s8], [sflag:$0x2], $0x800, $0x38;
	[tilespmem:$0x19780] =	vst v63  }
0x24: {  	_ =	swait.ge [sflag:s9], $0x800  }
0x25: {  	[sflag:s9] =	ssyncset.done $0x0  }
0x26: {  	s15 =	rddreg [dreg:$0xa];
	[sflag:s9] =	ssyncadd.s32 $0xFFFFF800  }
0x27: {  	[spmem:s15] =	stream.linear.scatter [tilespmem:s8], [sflag:$0x2], $0x800, $0x38;
	[tilespmem:$0x19780] =	vst v63  }
0x28: {  	_ =	swait.ge [sflag:s9], $0x800  }
0x29: {  	[sflag:s9] =	ssyncset.done $0x0  }
0x2a: {  	s16 =	rddreg [dreg:$0xb];
	[sflag:s9] =	ssyncadd.s32 $0xFFFFF800  }
0x2b: {  	[spmem:s16] =	stream.linear.scatter [tilespmem:s8], [sflag:$0x2], $0x800, $0x38;
	[tilespmem:$0x19780] =	vst v63  }
0x2c: {  	_ =	swait.ge [sflag:s9], $0x800  }
0x2d: {  	[sflag:s9] =	ssyncset.done $0x0  }
0x2e: {  	s14 =	rddreg [dreg:$0xc];
	[sflag:s9] =	ssyncadd.s32 $0xFFFFF800  }
0x2f: {  	[spmem:s14] =	stream.linear.scatter [tilespmem:s8], [sflag:$0x2], $0x800, $0x38;
	[tilespmem:$0x19780] =	vst v63  }
0x30: {  	_ =	swait.ge [sflag:s9], $0x800  }
0x31: {  	[sflag:s9] =	ssyncset.done $0x0  }
0x32: {  	s15 =	rddreg [dreg:$0xd];
	[sflag:s9] =	ssyncadd.s32 $0xFFFFF800  }
0x33: {  	[spmem:s15] =	stream.linear.scatter [tilespmem:s8], [sflag:$0x2], $0x800, $0x38;
	[tilespmem:$0x19780] =	vst v63  }
0x34: {  	_ =	swait.ge [sflag:s9], $0x800  }
0x35: {  	[sflag:s9] =	ssyncset.done $0x0  }
0x36: {  	s16 =	rddreg [dreg:$0xe];
	[sflag:s9] =	ssyncadd.s32 $0xFFFFF800  }
0x37: {  	[spmem:s16] =	stream.linear.scatter [tilespmem:s8], [sflag:$0x2], $0x800, $0x38;
	[tilespmem:$0x19780] =	vst v63  }
0x38: {  	_ =	swait.ge [sflag:s9], $0x800  }
0x39: {  	[sflag:s9] =	ssyncset.done $0x0  }
0x3a: {  	[sflag:s9] =	ssyncadd.s32 $0xFFFFF800  }
0x3b: {  	[spmem:s17] =	stream.linear.scatter [tilespmem:s8], [sflag:$0x2], $0x800, $0x38;
	[tilespmem:$0x19780] =	vst v63  }
0x3c: {  	_ =	swait.ge [sflag:s9], $0x800  }
0x3d: {  	[sflag:s9] =	ssyncset.done $0x0  }
0x3e: {  	[sflag:s9] =	ssyncadd.s32 $0xFFFFF800  }
0x3f: {  	[spmem:s18] =	stream.linear.scatter [tilespmem:s8], [sflag:$0x2], $0x800, $0x38;
	[tilespmem:$0x19780] =	vst v63  }
0x40: {  	_ =	swait.ge [sflag:s9], $0x800  }
0x41: {  	[sflag:s9] =	ssyncset.done $0x0  }
0x42: {  	[sflag:s9] =	ssyncadd.s32 $0xFFFFF800  }
0x43: {  	[spmem:s19] =	stream.linear.scatter [tilespmem:s8], [sflag:$0x2], $0x800, $0x38;
	[tilespmem:$0x19780] =	vst v63  }
0x44: {  	_ =	swait.ge [sflag:s9], $0x800  }
0x45: {  	[sflag:s9] =	ssyncset.done $0x0  }
0x46: {  	[sflag:s9] =	ssyncadd.s32 $0xFFFFF800  }
0x47: {  	[spmem:s20] =	stream.linear.scatter [tilespmem:s8], [sflag:$0x2], $0x800, $0x38;
	[tilespmem:$0x19780] =	vst v63  }
0x48: {  	_ =	swait.ge [sflag:s9], $0x800  }
0x49: {  	[sflag:s9] =	ssyncset.done $0x0  }
0x4a: {  	[sflag:s9] =	ssyncadd.s32 $0xFFFFF800  }
0x4b: {  	[spmem:s21] =	stream.linear.scatter [tilespmem:s8], [sflag:$0x2], $0x800, $0x38;
	[tilespmem:$0x19780] =	vst v63  }
0x4c: {  	_ =	swait.ge [sflag:s9], $0x800  }
0x4d: {  	[sflag:s9] =	ssyncset.done $0x0  }
0x4e: {  	[sflag:s9] =	ssyncadd.s32 $0xFFFFF800  }
0x4f: {  	[spmem:s22] =	stream.linear.scatter [tilespmem:s8], [sflag:$0x2], $0x800, $0x38;
	[tilespmem:$0x19780] =	vst v63  }
0x50: {  	_ =	swait.ge [sflag:s9], $0x800  }
0x51: {  	[sflag:s9] =	ssyncset.done $0x0  }
0x52: {  	[sflag:s9] =	ssyncadd.s32 $0xFFFFF800  }
0x53: {  	[spmem:s23] =	stream.linear.scatter [tilespmem:s8], [sflag:$0x2], $0x800, $0x38;
	[tilespmem:$0x19780] =	vst v63  }
0x54: {  	_ =	swait.ge [sflag:s9], $0x800  }
0x55: {  	[sflag:s9] =	ssyncset.done $0x0  }
0x56: {  	[sflag:s9] =	ssyncadd.s32 $0xFFFFF800  }
0x57: {  	[spmem:s24] =	stream.linear.scatter [tilespmem:s8], [sflag:$0x2], $0x800, $0x38;
	[tilespmem:$0x19780] =	vst v63  }
0x58: {  	_ =	swait.ge [sflag:s9], $0x800  }
0x59: {  	[sflag:s9] =	ssyncset.done $0x0  }
0x5a: {  	[sflag:s9] =	ssyncadd.s32 $0xFFFFF800  }
0x5b: {  	[spmem:s26] =	stream.linear.scatter [tilespmem:s8], [sflag:$0x2], $0x800, $0x38;
	[tilespmem:$0x19780] =	vst v63  }
0x5c: {  	_ =	swait.ge [sflag:s9], $0x800  }
0x5d: {  	[sflag:s9] =	ssyncset.done $0x0  }
0x5e: {  	[sflag:s9] =	ssyncadd.s32 $0xFFFFF800  }
0x5f: {  	[spmem:s28] =	stream.linear.scatter [tilespmem:s8], [sflag:$0x2], $0x800, $0x38;
	[tilespmem:$0x19780] =	vst v63  }
0x60: {  	_ =	swait.ge [sflag:s9], $0x800  }
0x61: {  	[sflag:s9] =	ssyncset.done $0x0  }
0x62: {  	[sflag:s9] =	ssyncadd.s32 $0xFFFFF800  }
0x63: {  	[spmem:s29] =	stream.linear.scatter [tilespmem:s8], [sflag:$0x2], $0x800, $0x38;
	[tilespmem:$0x19780] =	vst v63  }
0x64: {  	_ =	swait.ge [sflag:s9], $0x800  }
0x65: {  	[sflag:s9] =	ssyncset.done $0x0  }
0x66: {  	[sflag:s9] =	ssyncadd.s32 $0xFFFFF800  }
0x67: {  	[spmem:s30] =	stream.linear.scatter [tilespmem:s8], [sflag:$0x2], $0x800, $0x38;
	[tilespmem:$0x19780] =	vst v63  }
0x68: {  	_ =	swait.ge [sflag:s9], $0x800  }
0x69: {  	[sflag:s9] =	ssyncset.done $0x0  }
0x6a: {  	[sflag:s9] =	ssyncadd.s32 $0xFFFFF800  }
0x6b: {  	[spmem:s31] =	stream.linear.scatter [tilespmem:s8], [sflag:$0x2], $0x800, $0x38;
	[tilespmem:$0x19780] =	vst v63  }
0x6c: {  	_ =	swait.ge [sflag:s9], $0x800  }
0x6d: {  	[sflag:s9] =	ssyncset.done $0x0  }
0x6e: {  	[sflag:s9] =	ssyncadd.s32 $0xFFFFF800  }
0x6f: {  	[spmem:s2] =	stream.linear.scatter [tilespmem:s8], [sflag:$0x2], $0x800, $0x38;
	[tilespmem:$0x19780] =	vst v63  }
0x70: {  	_ =	swait.ge [sflag:s9], $0x800  }
0x71: {  	[sflag:s9] =	ssyncset.done $0x0  }
0x72: {  	[sflag:s9] =	ssyncadd.s32 $0xFFFFF800  }
0x73: {  	[spmem:s0] =	stream.linear.scatter [tilespmem:s8], [sflag:$0x2], $0x800, $0x38;
	[tilespmem:$0x19780] =	vst v63  }
0x74: {  	_ =	swait.ge [sflag:s9], $0x800  }
0x75: {  	[sflag:s9] =	ssyncset.done $0x0  }
0x76: {  	[sflag:s9] =	ssyncadd.s32 $0xFFFFF800  }
0x77: {  	[spmem:s6] =	stream.linear.scatter [tilespmem:s8], [sflag:$0x2], $0x800, $0x38;
	[tilespmem:$0x19780] =	vst v63  }
0x78: {  	_ =	swait.ge [sflag:s9], $0x800  }
0x79: {  	[sflag:s9] =	ssyncset.done $0x0  }
0x7a: {  	[sflag:s9] =	ssyncadd.s32 $0xFFFFF800  }
0x7b: {  	[spmem:s7] =	stream.linear.scatter [tilespmem:s8], [sflag:$0x2], $0x800, $0x38;
	[tilespmem:$0x19780] =	vst v63  }
0x7c: {  	_ =	swait.ge [sflag:s9], $0x800  }
0x7d: {  	[sflag:s9] =	ssyncset.done $0x0  }
0x7e: {  	s14 =	rddreg [dreg:$0x4];
	[sflag:s9] =	ssyncadd.s32 $0xFFFFF800  }
0x7f: {  	[spmem:s14] =	stream.linear.scatter [tilespmem:s8], [sflag:$0x2], $0x380, $0x38;
	[tilespmem:$0x19780] =	vst v63  }
0x80: {  	_ =	swait.ge [sflag:s9], $0x380  }
0x81: {  	[sflag:s9] =	ssyncset.done $0x0  }
0x82: {  	s13 =	simm.s32 $0x0;
	s15 =	rddreg [dreg:$0x5];
	[sflag:s9] =	ssyncadd.s32 $0xFFFFFC80  }
0x83: {  	[tilespmem:s13], [sflag:$0x2] =	stream.linear.gather [hbm4b:s15+s13], $0x6200, $0x38;
	[tilespmem:$0x19780] =	vst v63  }
0x84: {  	_ =	swait.ge [sflag:s9], $0x6200  }
0x85: {  	[sflag:s9] =	ssyncset.done $0x0  }
0x86: {  	s15 =	simm.s32 $0x6200;
	s16 =	rddreg [dreg:$0x6];
	[sflag:s9] =	ssyncadd.s32 $0xFFFF9E00  }
0x87: {  	[tilespmem:s15], [sflag:$0x2] =	stream.linear.gather [hbm4b:s16+s13], $0x6200, $0x38;
	[tilespmem:$0x19780] =	vst v63  }
0x88: {  	_ =	swait.ge [sflag:s9], $0x6200  }
0x89: {  	[sflag:s9] =	ssyncset.done $0x0  }
0x8a: {  	[sflag:s9] =	ssyncadd.s32 $0xFFFF9E00  }
0x8b: {  	s15 =	simm.s32 $0x0;
	[bflag:$0x0] =	sbarrier.arrive $0xFFFF  }
0x8c: {  	[tilespmem:s11], [sflag:$0x1] =	stream.indirect.gather [hbm4b:s1+s10], $0x10, s15, s10, $0xb8;
	[tilespmem:$0x19780] =	vst v63  }
0x8d: {  	_ =	swait.ge [sflag:s12], $0x800  }
0x8e: {  	[sflag:s12] =	ssyncset.done $0x0  }
0x8f: {  	s16 =	simm.s32 $0x6200;
	[sflag:s12] =	ssyncadd.s32 $0xFFFFF800  }
0x90: {  	[spmem:s3] =	stream.indirect.scatter.add.f32 [tilespmem:s11], [sflag:$0x2], $0x10, s16, s10, $0xb8;
	[tilespmem:$0x19780] =	vst v63  }
0x91: {  	_ =	swait.ge [sflag:s9], $0x800  }
0x92: {  	s14 =	simm.s32 $0x400;
	s13 =	simm.s32 $0x200;
	[sflag:s9] =	ssyncset.done $0x0  }
.LBB2_4:
0x93: {  	s15 =	sshra.s32 s13, $0x2  }
0x94: {  	[sflag:s9] =	ssyncadd.s32 $0xFFFFF800;
	s13 =	smov.u32 s14;
	s16 =	sadd.s32 $0x200, s14  }
0x95: {  	[tilespmem:s11], [sflag:$0x1] =	stream.indirect.gather [hbm4b:s1+s10], $0x10, s15, s10, $0xb8;
	[tilespmem:$0x19780] =	vst v63  }
0x96: {  	p0 =	sne.s32 s14, $0x18600;
	_ =	swait.ge [sflag:s12], $0x800  }
.Ltmp1:
0x97: {  	[sflag:s12] =	ssyncset.done $0x0;
	(pc) =	sbr.rel @p0 .LBB2_4-.Ltmp1, $4  }
0x98: {  	s14 =	sadd.s32 $0x6200, s15;
	[sflag:s12] =	ssyncadd.s32 $0xFFFFF800  }
0x99: {  	[spmem:s3] =	stream.indirect.scatter.add.f32 [tilespmem:s11], [sflag:$0x2], $0x10, s14, s10, $0xb8;
	[tilespmem:$0x19780] =	vst v63  }
0x9a: {  	_ =	swait.ge [sflag:s9], $0x800  }
0x9b: {  	s14 =	smov.u32 s16;
	[sflag:s9] =	ssyncset.done $0x0  }
0x9c: {  	s13 =	sshra.s32 s13, $0x2;
	[sflag:s9] =	ssyncadd.s32 $0xFFFFF800  }
0x9d: {  	[tilespmem:s11], [sflag:$0x1] =	stream.indirect.gather [hbm4b:s1+s10], $0x10, s13, s10, $0xb8;
	[tilespmem:$0x19780] =	vst v63  }
0x9e: {  	_ =	swait.ge [sflag:s12], $0x800  }
0x9f: {  	[sflag:s12] =	ssyncset.done $0x0  }
0xa0: {  	s13 =	sadd.s32 $0x6200, s13;
	[sflag:s12] =	ssyncadd.s32 $0xFFFFF800  }
0xa1: {  	[spmem:s3] =	stream.indirect.scatter.add.f32 [tilespmem:s11], [sflag:$0x2], $0x10, s13, s10, $0xb8;
	[tilespmem:$0x19780] =	vst v63  }
0xa2: {  	_ =	swait.ge [sflag:s9], $0x800  }
0xa3: {  	[sflag:s9] =	ssyncset.done $0x0  }
0xa4: {  	s15 =	stileid.u32;
	[sflag:s9] =	ssyncadd.s32 $0xFFFFF800  }
0xa5: {  	s13 =	sshll.u32 s15, $0x6;
	[bflag:$0x0] =	sbarrier.arrive $0xFFFF  }
0xa6: {  	s13 =	sor.u32 $0x1C02, s13;
	s14 =	rddreg [dreg:$0x7]  }
0xa7: {  	[hbm:s14], [sflag:s13] =	dma.local [spmem:s25], $0x1870  }
0xa8: {  	_ =	swait.ge [sflag:s9], $0x1870  }
0xa9: {  	s4 =	sadd.s32 $0x1, s4;
	s16 =	rddreg [dreg:$0x8]  }
0xaa: {  	p0 =	sne.s32 s4, s16  }
.Ltmp2:
0xab: {  	_ = 	snop;
	(pc) =	sbr.rel @p0 .LBB2_1-.Ltmp2, $3  }
0xac: {  	_ =	sdelay $0x1  }
0xad: {  	[sflag:s9] =	ssyncset.done $0x0  }
0xae: {  	[sflag:s9] =	ssyncadd.s32 $0xFFFFE790  }
0xaf: {  	_ =	sfence.sel $0x180000  }
0xb0: {  	[bflag:$0x0] =	sbarrier.arrive $0xFFFF  }
0xb1: {  	_ =	strace $0x90000062  }
0xb2: {  	s0 =	stileid.u32;
	[bflag:$0x2] =	sbarrier.arrive $0xFFFF  }
0xb3: {  	p0 =	sne.s32 s0, $0x0;
	s0 =	rddreg [dreg:$0x3]  }
0xb4: {  	s0 =	sadd.s32 @!p0 $0x100000, s0  }
0xb5: {  	[sflag:s0] =	ssyncadd.tile.s32 @!p0 $0x1;
	_ =	shalt  }
.Lfunc_end2:
_tile_overlayer_lowered:
.L_overlay_start_2:
0xb6: {  	(tag) =	ssettag $0x2  }
0xb7: {  	s0 =	rddreg [dreg:$0x0];
	s2 =	stileid.u32  }
0xb8: {  	s1 =	rddreg [dreg:$0x1];
	p0 =	sne.s32 s2, $0x0  }
0xb9: {  	s3 =	rddreg [dreg:$0x2];
	[bflag:$0x3] =	sbarrier.arrive $0xFFFF;
	s2 =	simm.s32 @!p0 $0x1C02  }
0xba: {  	[timem:s3], [sflag:s2] =	dma.local @!p0 [hbm:s0], s1  }
0xbb: {  	s0 =	simm.s32 @!p0 $0x2  }
0xbc: {  	_ =	swait.ge @!p0 [sflag:s0], s1  }
0xbd: {  	s1 =	ssub.s32 @!p0 $0x0, s1;
	[sflag:s0] =	ssyncset.done @!p0 $0x0  }
0xbe: {  	[sflag:s0] =	ssyncadd.s32 @!p0 s1  }
0xbf: {  	[bflag:$0x3] =	sbarrier.arrive $0xFFFF  }
0xc0: {  	_ =	shalt  }

// kernel: kernel.55.cloned.1.call-start
scs
__scs_entry_jumppad:
0x0: {  	(pc) =	sbr.rel $0x88, $3  }
0x1: {  	(tag) =	ssettag $0x0;
	lr =	simm.s32 $0x1  }
0x2: {  	[smem:$0x3F9B] =	sst lr;
	_ =	strace $0xD0000000  }
0x3: {  	_ = 	snop  }
0x4: {  	_ = 	snop  }
0x5: {  	_ = 	snop  }
0x6: {  	_ = 	snop  }
0x7: {  	_ = 	snop  }
__scs_overlays_trampoline_lowered:
0x8: {  	[smem:$0x3FAA] =	sst s0  }
0x9: {  	[smem:$0x3FAB] =	sst s1  }
0xa: {  	[smem:$0x3FAC] =	sst s2  }
0xb: {  	[smem:$0x3FAD] =	sst s3  }
0xc: {  	[smem:$0x3FAE] =	sst s4  }
0xd: {  	[smem:$0x3FAF] =	sst s5  }
0xe: {  	[smem:$0x3FB0] =	sst s6  }
0xf: {  	[smem:$0x3FB1] =	sst s7  }
0x10: {  	[smem:$0x3FB2] =	sst s8  }
0x11: {  	[smem:$0x3FB3] =	sst s9;
	s0 =	simm.s32 @!p0 $0x0  }
0x12: {  	s1 =	sld [smem:$0x3F99];
	s0 =	simm.s32 @p0 $0x1  }
0x13: {  	[smem:$0x3FB4] =	sst s0;
	s0 =	simm.s32 @!p1 $0x0  }
0x14: {  	s2 =	sld [smem:$0x3F98];
	s0 =	simm.s32 @p1 $0x1  }
0x15: {  	[smem:$0x3FB5] =	sst s0;
	s0 =	simm.s32 @!p2 $0x0  }
0x16: {  	s3 =	sld [smem:$0x3FDB];
	s0 =	simm.s32 @p2 $0x1  }
0x17: {  	s4 =	simm.s32 $0x1BF5;
	[smem:$0x3FB7] =	sst s0  }
0x18: {  	s0 =	sld [smem:$0x3F9A];
	_ =	swait.ge [sflag:s4], $0x0  }
0x19: {  	s7 =	sld [smem:$0x3F9B]  }
0x1a: {  	s8 =	sadd.s32 $0xFFFFE003, lr  }
0x1b: {  	s9 =	sadd.s32 $0xFFFFFEF7, lr;
	s5 =	simm.s32 $0xFFFFFFFF;
	p2 =	slt.u32 s8, $0xFFFFF086  }
0x1c: {  	p1 =	slt.u32 s9, $0xF7A;
	s5 =	simm.s32 @!p2 $0x0  }
0x1d: {  	s5 =	simm.s32 @p1 $0x1;
	p0 =	seq.s32 s7, s2  }
0x1e: {  	s7 =	smul.u32 @!p0 $0xF7A, s2;
	p2 =	seq.s32 @!p0 s5, $0x0  }
0x1f: {  	s9 =	smul.u32 $0xF7A, s1;
	s8 =	simm.s32 @!p0 $0x1BF5;
	p2 =	por !p2, p0  }
0x20: {  	[sflag:s8] =	ssyncset.s32 @!p0 $0xFFFFF086;
	s6 =	sadd.s32 @!p0 s3, s7;
	s7 =	simm.s32 @!p0 $0x108  }
0x21: {  	s3 =	sadd.s32 s3, s9;
	s6 =	sadd.s32 @!p0 $0x88, s6;
	s7 =	simm.s32 @p2 $0x1082  }
0x22: {  	[simem:s7], [sflag:s8] =	dma.local @!p0 [hbm:s6], $0xF7A  }
0x23: {  	s9 =	sor.u32 $0xD0000000, s2;
	s6 =	simm.s32 $0x108;
	_ =	swait.ge @!p0 [sflag:s8], $0x0  }
0x24: {  	s3 =	sadd.s32 $0x88, s3;
	s6 =	simm.s32 @!p1 $0x1082;
	[sflag:s4] =	ssyncset.s32 $0xFFFFF086  }
0x25: {  	[simem:s6], [sflag:s4] =	dma.local [hbm:s3], $0xF7A  }
0x26: {  	[smem:$0x3F9B] =	sst s1;
	(tag) =	ssettag s2;
	_ =	strace s9  }
0x27: {  	s1 =	sld [smem:$0x3FAB]  }
0x28: {  	s2 =	sld [smem:$0x3FAC]  }
0x29: {  	s4 =	sld [smem:$0x3FAE]  }
0x2a: {  	p0 =	seq.s32 s5, $0x0;
	s5 =	sld [smem:$0x3FAF]  }
0x2b: {  	s6 =	sld [smem:$0x3FB0]  }
0x2c: {  	s7 =	sld [smem:$0x3FB1]  }
0x2d: {  	s3 =	simm.s32 $0x108;
	s8 =	sld [smem:$0x3FB2]  }
0x2e: {  	s3 =	simm.s32 @!p0 $0x1082;
	s9 =	sld [smem:$0x3FB3]  }
0x2f: {  	lr =	sadd.s32 s0, s3;
	s0 =	sld [smem:$0x3FAA]  }
0x30: {  	s3 =	sld [smem:$0x3FAD]  }
0x31: {  	[smem:$0x3FB6] =	sst s10  }
0x32: {  	s10 =	sld [smem:$0x3FB4];
	_ =	sdelay $0x3  }
0x33: {  	p0 =	seq.s32 s10, $0x1;
	s10 =	sld [smem:$0x3FB6];
	_ =	sdelay $0x3  }
0x34: {  	[smem:$0x3FB6] =	sst s10  }
0x35: {  	s10 =	sld [smem:$0x3FB5];
	_ =	sdelay $0x3  }
0x36: {  	p1 =	seq.s32 s10, $0x1;
	s10 =	sld [smem:$0x3FB6];
	_ =	sdelay $0x3  }
0x37: {  	[smem:$0x3FB6] =	sst s10  }
0x38: {  	s10 =	sld [smem:$0x3FB7]  }
0x39: {  	_ = 	snop;
	(pc) =	sbr.ind lr, $3  }
0x3a: {  	_ = 	snop  }
0x3b: {  	_ = 	snop  }
0x3c: {  	p2 =	seq.s32 s10, $0x1;
	s10 =	sld [smem:$0x3FB6]  }
0x3d: {  	_ =	shalt  }
0x3e: {  	_ =	shalt  }
0x3f: {  	_ =	shalt  }
0x40: {  	_ =	shalt  }
0x41: {  	_ =	shalt  }
0x42: {  	_ =	shalt  }
0x43: {  	_ =	shalt  }
0x44: {  	_ =	shalt  }
0x45: {  	_ =	shalt  }
0x46: {  	_ =	shalt  }
0x47: {  	_ =	shalt  }
0x48: {  	_ =	shalt  }
0x49: {  	_ =	shalt  }
0x4a: {  	_ =	shalt  }
0x4b: {  	_ =	shalt  }
0x4c: {  	_ =	shalt  }
0x4d: {  	_ =	shalt  }
0x4e: {  	_ =	shalt  }
0x4f: {  	_ =	shalt  }
0x50: {  	_ =	shalt  }
0x51: {  	_ =	shalt  }
0x52: {  	_ =	shalt  }
0x53: {  	_ =	shalt  }
0x54: {  	_ =	shalt  }
0x55: {  	_ =	shalt  }
0x56: {  	_ =	shalt  }
0x57: {  	_ =	shalt  }
0x58: {  	_ =	shalt  }
0x59: {  	_ =	shalt  }
0x5a: {  	_ =	shalt  }
0x5b: {  	_ =	shalt  }
0x5c: {  	_ =	shalt  }
0x5d: {  	_ =	shalt  }
0x5e: {  	_ =	shalt  }
0x5f: {  	_ =	shalt  }
0x60: {  	_ =	shalt  }
0x61: {  	_ =	shalt  }
0x62: {  	_ =	shalt  }
0x63: {  	_ =	shalt  }
0x64: {  	_ =	shalt  }
0x65: {  	_ =	shalt  }
0x66: {  	_ =	shalt  }
0x67: {  	_ =	shalt  }
0x68: {  	_ =	shalt  }
0x69: {  	_ =	shalt  }
0x6a: {  	_ =	shalt  }
0x6b: {  	_ =	shalt  }
0x6c: {  	_ =	shalt  }
0x6d: {  	_ =	shalt  }
0x6e: {  	_ =	shalt  }
0x6f: {  	_ =	shalt  }
0x70: {  	_ =	shalt  }
0x71: {  	_ =	shalt  }
0x72: {  	_ =	shalt  }
0x73: {  	_ =	shalt  }
0x74: {  	_ =	shalt  }
0x75: {  	_ =	shalt  }
0x76: {  	_ =	shalt  }
0x77: {  	_ =	shalt  }
0x78: {  	_ =	shalt  }
0x79: {  	_ =	shalt  }
0x7a: {  	_ =	shalt  }
0x7b: {  	_ =	shalt  }
0x7c: {  	_ =	shalt  }
0x7d: {  	_ =	shalt  }
0x7e: {  	_ =	shalt  }
0x7f: {  	_ =	shalt  }
0x80: {  	_ =	shalt  }
0x81: {  	_ =	shalt  }
0x82: {  	_ =	shalt  }
0x83: {  	_ =	shalt  }
0x84: {  	_ =	shalt  }
0x85: {  	_ =	shalt  }
0x86: {  	_ =	shalt  }
0x87: {  	_ =	shalt  }
.Lfunc_end0:
.L_simem_size_0:
called_computation.10_lowered:
.L_overlay_start_0:
0x88: {  	s2 =	sld [smem:$0x3FD9]  }
0x89: {  	s3 =	sld [smem:$0x3FFE];
	_ =	sdelay $0x1  }
0x8a: {  	s1 =	srdreg.scid  }
0x8b: {  	s0 =	sand.u32 $0x1, s1  }
0x8c: {  	s17 =	sshll.u32 s0, $0xA;
	s2 =	sadd.s32 s3, s2  }
0x8d: {  	s2 =	sadd.s32 s2, s17  }
0x8e: {  	[smem:$0x3FC2] =	sst s2  }
0x8f: {  	_ = 	snop  }
0x90: {  	s2 =	sld [smem:$0x3FD0];
	(tm) =	ssettm $0x1  }
0x91: {  	s18 =	sld [smem:$0x3FFB];
	_ =	sdelay $0x3  }
0x92: {  	_ =	strace s18  }
0x93: {  	s3 =	sld [smem:$0x3FFC];
	_ =	sdelay $0x3  }
0x94: {  	_ =	strace s3  }
0x95: {  	s3 =	sld [smem:$0x3FFD];
	_ =	sdelay $0x3  }
0x96: {  	_ =	strace s3  }
0x97: {  	_ =	strace $0x8FFFFFFF  }
0x98: {  	s19 =	sld [smem:$0x3FDB];
	_ =	sdelay $0x1  }
0x99: {  	s4 =	simm.s32 $_scs_section_size  }
0x9a: {  	s5 =	simm.s32 $_size__tile_overlayer_lowered;
	s6 =	simm.s32 $_tile_overlayer_lowered  }
0x9b: {  	s22 =	simm.s32 $0x1BFF;
	s21 =	sshll.u32 s6, $0x1;
	s3 =	sadd.s32 s4, s19  }
0x9c: {  	s7 =	simm.s32 $0x0;
	s20 =	sshll.u32 s5, $0x1;
	s5 =	sadd.s32 s21, s3  }
0x9d: {  	[timem:s7], [sflag:s22] =	dma.local [hbm:s5], s20  }
0x9e: {  	_ =	swait.ge [sflag:s22], s20  }
0x9f: {  	s4 =	ssub.s32 $0x0, s20;
	[sflag:s22] =	ssyncset.done $0x0  }
0xa0: {  	[sflag:s22] =	ssyncadd.s32 s4;
	_ =	sdelay $0x1  }
0xa1: {  	s23 =	simm.s32 $0x1B8B  }
0xa2: {  	_ =	swait.ge [sflag:s23], $0x1  }
0xa3: {  	[sflag:s23] =	ssyncset.done $0x0  }
0xa4: {  	s25 =	simm.s32 $0x1B8E;
	s24 =	sld [smem:$0x3FFE];
	[sflag:s23] =	ssyncadd.s32 $0xFFFFFFFF  }
0xa5: {  	s26 =	simm.s32 $execute0_lowered;
	[smem:$0x3FD2] =	sst s25  }
0xa6: {  	s5 =	sshll.u32 s26, $0x1;
	_ =	strace $0x80000064;
	[dreg:$0x1] =	wrdreg $0xFFFFFFFF  }
0xa7: {  	s28 =	simm.s32 $_size_execute0_lowered;
	s3 =	sadd.s32 s3, s5;
	[dreg:$0x0] =	wrdreg $0x0  }
0xa8: {  	s5 =	sshll.u32 s28, $0x1;
	[dreg:$0x2] =	wrdreg s3  }
0xa9: {  	[dreg:$0x3] =	wrdreg s5  }
0xaa: {  	[dreg:$0x4] =	wrdreg $0xC0  }
0xab: {  	_ =	task [dreg:s7], $0x5FFFF  }
0xac: {  	[dreg:$0x1] =	wrdreg $0xFFFFFFFF  }
0xad: {  	[dreg:$0x0] =	wrdreg $0x60  }
0xae: {  	[dreg:$0x2] =	wrdreg s2  }
0xaf: {  	[dreg:$0x3] =	wrdreg s24  }
0xb0: {  	[dreg:$0x4] =	wrdreg $0xD4000  }
0xb1: {  	[dreg:$0x5] =	wrdreg $0x9  }
0xb2: {  	_ =	task.clear_ibuf [dreg:s7], $0x6FFFF;
	_ =	strace $0x90000064  }
0xb3: {  	s29 =	simm.s32 $0x9;
	_ =	strace $0x80000066  }
0xb4: {  	_ =	swait.ge [sflag:s29], $0x1  }
0xb5: {  	[sflag:s29] =	ssyncadd.s32 $0xFFFFFFFF  }
0xb6: {  	_ =	strace $0x90000066  }
0xb7: {  	_ =	sfence  }
0xb8: {  	s30 =	sld [smem:$0x0];
	_ =	sdelay $0x2  }
0xb9: {  	s31 =	sshll.u32 s1, $0xD;
	s1 =	sshrl.u32 s1, $0x2  }
0xba: {  	s3 =	sand.u32 $0x4000, s31;
	s1 =	sadd.s32 s1, s30  }
0xbb: {  	s0 =	sor.u32 s3, s0;
	s1 =	sshll.u32 s1, $0x11  }
0xbc: {  	s0 =	sor.u32 s1, s0  }
0xbd: {  	s0 =	sadd.s32 $0x8F2B, s0  }
0xbe: {  	[sflag:s0] =	ssyncadd.remote.s32 $0x1  }
0xbf: {  	_ =	sfence.sel $0xFFFF  }
0xc0: {  	[dreg:$0x0] =	wrdreg $0xFFFFFFFF;
	(pc) =	sbr.abs _section_cstart, $3  }
0xc1: {  	[dreg:$0x1] =	wrdreg $0xFFFFFFFF  }
0xc2: {  	_ =	task.clear_ibuf [dreg:s7], $0x2FFFF;
	_ =	strace $0x9FFFFFFF  }
0xc3: {  	(tm) =	ssettm $0x7FFFFFFF  }
tec
execute0_lowered:
.L_overlay_start_1:
0x0: {  	(tag) =	ssettag $0x1  }
0x1: {  	s0 =	srdreg.scid;
	s1 =	rddreg [dreg:$0x0]  }
0x2: {  	s8 =	stileid.u32;
	s5 =	rddreg [dreg:$0x1]  }
0x3: {  	s3 =	rddreg [dreg:$0x2];
	s4 =	simm.s32 $0x0;
	s10 =	simm.s32 $0x80  }
0x4: {  	s11 =	simm.s32 $0xC400;
	s12 =	simm.s32 $0x1;
	s7 =	smul.u32 $0xC380, s8  }
0x5: {  	s0 =	sand.u32 $0x1, s0;
	s2 =	sshll.u32 s8, $0x1;
	s8 =	smul.u32 $0x30E00, s8  }
0x6: {  	[smem:$0x7FF] =	sst s4;
	s2 =	sor.u32 s0, s2;
	s6 =	smul.u32 $0xC3800, s0  }
0x7: {  	_ =	strace $0x80000065;
	s0 =	ssub.s32 $0x2, s0;
	s2 =	smul.u32 $0xC40, s2  }
0x8: {  	s9 =	sshrl.u32 s0, $0x1;
	s8 =	sshrl.u32 s8, $0x2;
	s16 =	sadd.s32 s7, s3  }
0x9: {  	s6 =	sadd.s32 s7, s6;
	s0 =	ssub.s32 s0, s9;
	s9 =	simm.s32 $0x2  }
0xa: {  	s2 =	sadd.s32 s2, s5;
	s6 =	sshrl.u32 s6, $0x3;
	s0 =	smax.u32 s0, $0x1  }
0xb: {  	s6 =	sadd.s32 s6, s5;
	s14 =	sadd.s32 $0x4D800, s2;
	[dreg:$0x8] =	wrdreg s0  }
0xc: {  	s5 =	sadd.s32 s8, s3;
	s2 =	sadd.s32 $0x4200, s2;
	[dreg:$0x5] =	wrdreg s14  }
0xd: {  	s8 =	sadd.s32 $0xC000, s5;
	[dreg:$0x6] =	wrdreg s2;
	s15 =	sadd.s32 $0x1CA00, s6  }
0xe: {  	s21 =	sadd.s32 $0x800, s5;
	s22 =	sadd.s32 $0x1000, s5;
	s23 =	sadd.s32 $0x1800, s5  }
0xf: {  	s24 =	sadd.s32 $0x2000, s5;
	s25 =	sadd.s32 $0x2800, s5;
	[dreg:$0x4] =	wrdreg s8  }
0x10: {  	s26 =	sadd.s32 $0x3000, s5;
	s17 =	sadd.s32 $0x3800, s5;
	[dreg:$0x7] =	wrdreg s15  }
0x11: {  	s18 =	sadd.s32 $0x4000, s5;
	s19 =	sadd.s32 $0x4800, s5;
	[dreg:$0x9] =	wrdreg s21  }
0x12: {  	s20 =	sadd.s32 $0x5000, s5;
	s28 =	sadd.s32 $0x8000, s5;
	[dreg:$0xa] =	wrdreg s22  }
0x13: {  	s29 =	sadd.s32 $0x8800, s5;
	s30 =	sadd.s32 $0x9000, s5;
	[dreg:$0xb] =	wrdreg s23  }
0x14: {  	s31 =	sadd.s32 $0x9800, s5;
	s2 =	sadd.s32 $0xA000, s5;
	[dreg:$0xc] =	wrdreg s24  }
0x15: {  	s0 =	sadd.s32 $0xA800, s5;
	s6 =	sadd.s32 $0xB000, s5;
	[dreg:$0xd] =	wrdreg s25  }
0x16: {  	s7 =	sadd.s32 $0xB800, s5;
	[dreg:$0xe] =	wrdreg s26;
	s21 =	sadd.s32 $0x5800, s5  }
0x17: {  	s22 =	sadd.s32 $0x6000, s5;
	s23 =	sadd.s32 $0x6800, s5;
	s24 =	sadd.s32 $0x7000, s5  }
0x18: {  	v0 =	vimm.f32 $0.0e+00;
	s25 =	sshrl.u32 s16, $0x3;
	s26 =	sadd.s32 $0x7800, s5;
	s8 =	simm.s32 $0xCC00  }
.LBB2_1:
0x19: {  	s13 =	simm.s32 $0x40;
	s14 =	simm.s32 $0x0  }
.LBB2_2:
0x1a: {  	p0 =	sne.s32 s13, $0x1FC0;
	[tilespmem:s14+$0xCC00] =	vst v0;
	s14 =	smov.u32 s13;
	s13 =	sadd.s32 $0x40, s13  }
.Ltmp0:
0x1b: {  	(pc) =	sbr.rel @p0 .LBB2_2-.Ltmp0, $2  }
0x1c: {  	_ =	sdelay $0x2  }
0x1d: {  	s14 =	sshra.s32 s14, $0x2  }
0x1e: {  	[tilespmem:s14+$0xCC00] =	vst v0  }
0x1f: {  	[spmem:s5] =	stream.linear.scatter [tilespmem:s8], [sflag:$0x2], $0x800, $0x38;
	[tilespmem:$0x19780] =	vst v63  }
0x20: {  	_ =	swait.ge [sflag:s9], $0x800  }
0x21: {  	[sflag:s9] =	ssyncset.done $0x0  }
0x22: {  	s13 =	rddreg [dreg:$0x9];
	[sflag:s9] =	ssyncadd.s32 $0xFFFFF800  }
0x23: {  	[spmem:s13] =	stream.linear.scatter [tilespmem:s8], [sflag:$0x2], $0x800, $0x38;
	[tilespmem:$0x19780] =	vst v63  }
0x24: {  	_ =	swait.ge [sflag:s9], $0x800  }
0x25: {  	[sflag:s9] =	ssyncset.done $0x0  }
0x26: {  	s15 =	rddreg [dreg:$0xa];
	[sflag:s9] =	ssyncadd.s32 $0xFFFFF800  }
0x27: {  	[spmem:s15] =	stream.linear.scatter [tilespmem:s8], [sflag:$0x2], $0x800, $0x38;
	[tilespmem:$0x19780] =	vst v63  }
0x28: {  	_ =	swait.ge [sflag:s9], $0x800  }
0x29: {  	[sflag:s9] =	ssyncset.done $0x0  }
0x2a: {  	s16 =	rddreg [dreg:$0xb];
	[sflag:s9] =	ssyncadd.s32 $0xFFFFF800  }
0x2b: {  	[spmem:s16] =	stream.linear.scatter [tilespmem:s8], [sflag:$0x2], $0x800, $0x38;
	[tilespmem:$0x19780] =	vst v63  }
0x2c: {  	_ =	swait.ge [sflag:s9], $0x800  }
0x2d: {  	[sflag:s9] =	ssyncset.done $0x0  }
0x2e: {  	s14 =	rddreg [dreg:$0xc];
	[sflag:s9] =	ssyncadd.s32 $0xFFFFF800  }
0x2f: {  	[spmem:s14] =	stream.linear.scatter [tilespmem:s8], [sflag:$0x2], $0x800, $0x38;
	[tilespmem:$0x19780] =	vst v63  }
0x30: {  	_ =	swait.ge [sflag:s9], $0x800  }
0x31: {  	[sflag:s9] =	ssyncset.done $0x0  }
0x32: {  	s15 =	rddreg [dreg:$0xd];
	[sflag:s9] =	ssyncadd.s32 $0xFFFFF800  }
0x33: {  	[spmem:s15] =	stream.linear.scatter [tilespmem:s8], [sflag:$0x2], $0x800, $0x38;
	[tilespmem:$0x19780] =	vst v63  }
0x34: {  	_ =	swait.ge [sflag:s9], $0x800  }
0x35: {  	[sflag:s9] =	ssyncset.done $0x0  }
0x36: {  	s16 =	rddreg [dreg:$0xe];
	[sflag:s9] =	ssyncadd.s32 $0xFFFFF800  }
0x37: {  	[spmem:s16] =	stream.linear.scatter [tilespmem:s8], [sflag:$0x2], $0x800, $0x38;
	[tilespmem:$0x19780] =	vst v63  }
0x38: {  	_ =	swait.ge [sflag:s9], $0x800  }
0x39: {  	[sflag:s9] =	ssyncset.done $0x0  }
0x3a: {  	[sflag:s9] =	ssyncadd.s32 $0xFFFFF800  }
0x3b: {  	[spmem:s17] =	stream.linear.scatter [tilespmem:s8], [sflag:$0x2], $0x800, $0x38;
	[tilespmem:$0x19780] =	vst v63  }
0x3c: {  	_ =	swait.ge [sflag:s9], $0x800  }
0x3d: {  	[sflag:s9] =	ssyncset.done $0x0  }
0x3e: {  	[sflag:s9] =	ssyncadd.s32 $0xFFFFF800  }
0x3f: {  	[spmem:s18] =	stream.linear.scatter [tilespmem:s8], [sflag:$0x2], $0x800, $0x38;
	[tilespmem:$0x19780] =	vst v63  }
0x40: {  	_ =	swait.ge [sflag:s9], $0x800  }
0x41: {  	[sflag:s9] =	ssyncset.done $0x0  }
0x42: {  	[sflag:s9] =	ssyncadd.s32 $0xFFFFF800  }
0x43: {  	[spmem:s19] =	stream.linear.scatter [tilespmem:s8], [sflag:$0x2], $0x800, $0x38;
	[tilespmem:$0x19780] =	vst v63  }
0x44: {  	_ =	swait.ge [sflag:s9], $0x800  }
0x45: {  	[sflag:s9] =	ssyncset.done $0x0  }
0x46: {  	[sflag:s9] =	ssyncadd.s32 $0xFFFFF800  }
0x47: {  	[spmem:s20] =	stream.linear.scatter [tilespmem:s8], [sflag:$0x2], $0x800, $0x38;
	[tilespmem:$0x19780] =	vst v63  }
0x48: {  	_ =	swait.ge [sflag:s9], $0x800  }
0x49: {  	[sflag:s9] =	ssyncset.done $0x0  }
0x4a: {  	[sflag:s9] =	ssyncadd.s32 $0xFFFFF800  }
0x4b: {  	[spmem:s21] =	stream.linear.scatter [tilespmem:s8], [sflag:$0x2], $0x800, $0x38;
	[tilespmem:$0x19780] =	vst v63  }
0x4c: {  	_ =	swait.ge [sflag:s9], $0x800  }
0x4d: {  	[sflag:s9] =	ssyncset.done $0x0  }
0x4e: {  	[sflag:s9] =	ssyncadd.s32 $0xFFFFF800  }
0x4f: {  	[spmem:s22] =	stream.linear.scatter [tilespmem:s8], [sflag:$0x2], $0x800, $0x38;
	[tilespmem:$0x19780] =	vst v63  }
0x50: {  	_ =	swait.ge [sflag:s9], $0x800  }
0x51: {  	[sflag:s9] =	ssyncset.done $0x0  }
0x52: {  	[sflag:s9] =	ssyncadd.s32 $0xFFFFF800  }
0x53: {  	[spmem:s23] =	stream.linear.scatter [tilespmem:s8], [sflag:$0x2], $0x800, $0x38;
	[tilespmem:$0x19780] =	vst v63  }
0x54: {  	_ =	swait.ge [sflag:s9], $0x800  }
0x55: {  	[sflag:s9] =	ssyncset.done $0x0  }
0x56: {  	[sflag:s9] =	ssyncadd.s32 $0xFFFFF800  }
0x57: {  	[spmem:s24] =	stream.linear.scatter [tilespmem:s8], [sflag:$0x2], $0x800, $0x38;
	[tilespmem:$0x19780] =	vst v63  }
0x58: {  	_ =	swait.ge [sflag:s9], $0x800  }
0x59: {  	[sflag:s9] =	ssyncset.done $0x0  }
0x5a: {  	[sflag:s9] =	ssyncadd.s32 $0xFFFFF800  }
0x5b: {  	[spmem:s26] =	stream.linear.scatter [tilespmem:s8], [sflag:$0x2], $0x800, $0x38;
	[tilespmem:$0x19780] =	vst v63  }
0x5c: {  	_ =	swait.ge [sflag:s9], $0x800  }
0x5d: {  	[sflag:s9] =	ssyncset.done $0x0  }
0x5e: {  	[sflag:s9] =	ssyncadd.s32 $0xFFFFF800  }
0x5f: {  	[spmem:s28] =	stream.linear.scatter [tilespmem:s8], [sflag:$0x2], $0x800, $0x38;
	[tilespmem:$0x19780] =	vst v63  }
0x60: {  	_ =	swait.ge [sflag:s9], $0x800  }
0x61: {  	[sflag:s9] =	ssyncset.done $0x0  }
0x62: {  	[sflag:s9] =	ssyncadd.s32 $0xFFFFF800  }
0x63: {  	[spmem:s29] =	stream.linear.scatter [tilespmem:s8], [sflag:$0x2], $0x800, $0x38;
	[tilespmem:$0x19780] =	vst v63  }
0x64: {  	_ =	swait.ge [sflag:s9], $0x800  }
0x65: {  	[sflag:s9] =	ssyncset.done $0x0  }
0x66: {  	[sflag:s9] =	ssyncadd.s32 $0xFFFFF800  }
0x67: {  	[spmem:s30] =	stream.linear.scatter [tilespmem:s8], [sflag:$0x2], $0x800, $0x38;
	[tilespmem:$0x19780] =	vst v63  }
0x68: {  	_ =	swait.ge [sflag:s9], $0x800  }
0x69: {  	[sflag:s9] =	ssyncset.done $0x0  }
0x6a: {  	[sflag:s9] =	ssyncadd.s32 $0xFFFFF800  }
0x6b: {  	[spmem:s31] =	stream.linear.scatter [tilespmem:s8], [sflag:$0x2], $0x800, $0x38;
	[tilespmem:$0x19780] =	vst v63  }
0x6c: {  	_ =	swait.ge [sflag:s9], $0x800  }
0x6d: {  	[sflag:s9] =	ssyncset.done $0x0  }
0x6e: {  	[sflag:s9] =	ssyncadd.s32 $0xFFFFF800  }
0x6f: {  	[spmem:s2] =	stream.linear.scatter [tilespmem:s8], [sflag:$0x2], $0x800, $0x38;
	[tilespmem:$0x19780] =	vst v63  }
0x70: {  	_ =	swait.ge [sflag:s9], $0x800  }
0x71: {  	[sflag:s9] =	ssyncset.done $0x0  }
0x72: {  	[sflag:s9] =	ssyncadd.s32 $0xFFFFF800  }
0x73: {  	[spmem:s0] =	stream.linear.scatter [tilespmem:s8], [sflag:$0x2], $0x800, $0x38;
	[tilespmem:$0x19780] =	vst v63  }
0x74: {  	_ =	swait.ge [sflag:s9], $0x800  }
0x75: {  	[sflag:s9] =	ssyncset.done $0x0  }
0x76: {  	[sflag:s9] =	ssyncadd.s32 $0xFFFFF800  }
0x77: {  	[spmem:s6] =	stream.linear.scatter [tilespmem:s8], [sflag:$0x2], $0x800, $0x38;
	[tilespmem:$0x19780] =	vst v63  }
0x78: {  	_ =	swait.ge [sflag:s9], $0x800  }
0x79: {  	[sflag:s9] =	ssyncset.done $0x0  }
0x7a: {  	[sflag:s9] =	ssyncadd.s32 $0xFFFFF800  }
0x7b: {  	[spmem:s7] =	stream.linear.scatter [tilespmem:s8], [sflag:$0x2], $0x800, $0x38;
	[tilespmem:$0x19780] =	vst v63  }
0x7c: {  	_ =	swait.ge [sflag:s9], $0x800  }
0x7d: {  	[sflag:s9] =	ssyncset.done $0x0  }
0x7e: {  	s14 =	rddreg [dreg:$0x4];
	[sflag:s9] =	ssyncadd.s32 $0xFFFFF800  }
0x7f: {  	[spmem:s14] =	stream.linear.scatter [tilespmem:s8], [sflag:$0x2], $0x380, $0x38;
	[tilespmem:$0x19780] =	vst v63  }
0x80: {  	_ =	swait.ge [sflag:s9], $0x380  }
0x81: {  	[sflag:s9] =	ssyncset.done $0x0  }
0x82: {  	s13 =	simm.s32 $0x0;
	s15 =	rddreg [dreg:$0x5];
	[sflag:s9] =	ssyncadd.s32 $0xFFFFFC80  }
0x83: {  	[tilespmem:s13], [sflag:$0x2] =	stream.linear.gather [hbm4b:s15+s13], $0x6200, $0x38;
	[tilespmem:$0x19780] =	vst v63  }
0x84: {  	_ =	swait.ge [sflag:s9], $0x6200  }
0x85: {  	[sflag:s9] =	ssyncset.done $0x0  }
0x86: {  	s15 =	simm.s32 $0x6200;
	s16 =	rddreg [dreg:$0x6];
	[sflag:s9] =	ssyncadd.s32 $0xFFFF9E00  }
0x87: {  	[tilespmem:s15], [sflag:$0x2] =	stream.linear.gather [hbm4b:s16+s13], $0x6200, $0x38;
	[tilespmem:$0x19780] =	vst v63  }
0x88: {  	_ =	swait.ge [sflag:s9], $0x6200  }
0x89: {  	[sflag:s9] =	ssyncset.done $0x0  }
0x8a: {  	[sflag:s9] =	ssyncadd.s32 $0xFFFF9E00  }
0x8b: {  	s15 =	simm.s32 $0x0;
	[bflag:$0x0] =	sbarrier.arrive $0xFFFF  }
0x8c: {  	[tilespmem:s11], [sflag:$0x1] =	stream.indirect.gather [hbm4b:s1+s10], $0x10, s15, s10, $0xb8;
	[tilespmem:$0x19780] =	vst v63  }
0x8d: {  	_ =	swait.ge [sflag:s12], $0x800  }
0x8e: {  	[sflag:s12] =	ssyncset.done $0x0  }
0x8f: {  	s16 =	simm.s32 $0x6200;
	[sflag:s12] =	ssyncadd.s32 $0xFFFFF800  }
0x90: {  	[spmem:s3] =	stream.indirect.scatter.add.f32 [tilespmem:s11], [sflag:$0x2], $0x10, s16, s10, $0xb8;
	[tilespmem:$0x19780] =	vst v63  }
0x91: {  	_ =	swait.ge [sflag:s9], $0x800  }
0x92: {  	s14 =	simm.s32 $0x400;
	s13 =	simm.s32 $0x200;
	[sflag:s9] =	ssyncset.done $0x0  }
.LBB2_4:
0x93: {  	s15 =	sshra.s32 s13, $0x2  }
0x94: {  	[sflag:s9] =	ssyncadd.s32 $0xFFFFF800;
	s13 =	smov.u32 s14;
	s16 =	sadd.s32 $0x200, s14  }
0x95: {  	[tilespmem:s11], [sflag:$0x1] =	stream.indirect.gather [hbm4b:s1+s10], $0x10, s15, s10, $0xb8;
	[tilespmem:$0x19780] =	vst v63  }
0x96: {  	p0 =	sne.s32 s14, $0x18600;
	_ =	swait.ge [sflag:s12], $0x800  }
.Ltmp1:
0x97: {  	[sflag:s12] =	ssyncset.done $0x0;
	(pc) =	sbr.rel @p0 .LBB2_4-.Ltmp1, $4  }
0x98: {  	s14 =	sadd.s32 $0x6200, s15;
	[sflag:s12] =	ssyncadd.s32 $0xFFFFF800  }
0x99: {  	[spmem:s3] =	stream.indirect.scatter.add.f32 [tilespmem:s11], [sflag:$0x2], $0x10, s14, s10, $0xb8;
	[tilespmem:$0x19780] =	vst v63  }
0x9a: {  	_ =	swait.ge [sflag:s9], $0x800  }
0x9b: {  	s14 =	smov.u32 s16;
	[sflag:s9] =	ssyncset.done $0x0  }
0x9c: {  	s13 =	sshra.s32 s13, $0x2;
	[sflag:s9] =	ssyncadd.s32 $0xFFFFF800  }
0x9d: {  	[tilespmem:s11], [sflag:$0x1] =	stream.indirect.gather [hbm4b:s1+s10], $0x10, s13, s10, $0xb8;
	[tilespmem:$0x19780] =	vst v63  }
0x9e: {  	_ =	swait.ge [sflag:s12], $0x800  }
0x9f: {  	[sflag:s12] =	ssyncset.done $0x0  }
0xa0: {  	s13 =	sadd.s32 $0x6200, s13;
	[sflag:s12] =	ssyncadd.s32 $0xFFFFF800  }
0xa1: {  	[spmem:s3] =	stream.indirect.scatter.add.f32 [tilespmem:s11], [sflag:$0x2], $0x10, s13, s10, $0xb8;
	[tilespmem:$0x19780] =	vst v63  }
0xa2: {  	_ =	swait.ge [sflag:s9], $0x800  }
0xa3: {  	[sflag:s9] =	ssyncset.done $0x0  }
0xa4: {  	s15 =	stileid.u32;
	[sflag:s9] =	ssyncadd.s32 $0xFFFFF800  }
0xa5: {  	s13 =	sshll.u32 s15, $0x6;
	[bflag:$0x0] =	sbarrier.arrive $0xFFFF  }
0xa6: {  	s13 =	sor.u32 $0x1C02, s13;
	s14 =	rddreg [dreg:$0x7]  }
0xa7: {  	[hbm:s14], [sflag:s13] =	dma.local [spmem:s25], $0x1870  }
0xa8: {  	_ =	swait.ge [sflag:s9], $0x1870  }
0xa9: {  	s4 =	sadd.s32 $0x1, s4;
	s16 =	rddreg [dreg:$0x8]  }
0xaa: {  	p0 =	sne.s32 s4, s16  }
.Ltmp2:
0xab: {  	_ = 	snop;
	(pc) =	sbr.rel @p0 .LBB2_1-.Ltmp2, $3  }
0xac: {  	_ =	sdelay $0x1  }
0xad: {  	[sflag:s9] =	ssyncset.done $0x0  }
0xae: {  	[sflag:s9] =	ssyncadd.s32 $0xFFFFE790  }
0xaf: {  	_ =	sfence.sel $0x180000  }
0xb0: {  	[bflag:$0x0] =	sbarrier.arrive $0xFFFF  }
0xb1: {  	_ =	strace $0x90000065  }
0xb2: {  	s0 =	stileid.u32;
	[bflag:$0x2] =	sbarrier.arrive $0xFFFF  }
0xb3: {  	p0 =	sne.s32 s0, $0x0;
	s0 =	rddreg [dreg:$0x3]  }
0xb4: {  	s0 =	sadd.s32 @!p0 $0x100000, s0  }
0xb5: {  	[sflag:s0] =	ssyncadd.tile.s32 @!p0 $0x1;
	_ =	shalt  }
.Lfunc_end2:
_tile_overlayer_lowered:
.L_overlay_start_2:
0xb6: {  	(tag) =	ssettag $0x2  }
0xb7: {  	s0 =	rddreg [dreg:$0x0];
	s2 =	stileid.u32  }
0xb8: {  	s1 =	rddreg [dreg:$0x1];
	p0 =	sne.s32 s2, $0x0  }
0xb9: {  	s3 =	rddreg [dreg:$0x2];
	[bflag:$0x3] =	sbarrier.arrive $0xFFFF;
	s2 =	simm.s32 @!p0 $0x1C02  }
0xba: {  	[timem:s3], [sflag:s2] =	dma.local @!p0 [hbm:s0], s1  }
0xbb: {  	s0 =	simm.s32 @!p0 $0x2  }
0xbc: {  	_ =	swait.ge @!p0 [sflag:s0], s1  }
0xbd: {  	s1 =	ssub.s32 @!p0 $0x0, s1;
	[sflag:s0] =	ssyncset.done @!p0 $0x0  }
0xbe: {  	[sflag:s0] =	ssyncadd.s32 @!p0 s1  }
0xbf: {  	[bflag:$0x3] =	sbarrier.arrive $0xFFFF  }
0xc0: {  	_ =	shalt  }

</sc_bundles>
